<compile_context>
chip_gen: v7x
topology: tpu7x:2x2x1
jax: 0.10.2.dev20260603
libtpu: 0.0.44.dev20260713+nightly
codegen_flags: <defaults>
</compile_context>

<pallas_src>
import functools

import jax
import jax.numpy as jnp
from jax import lax
from jax.experimental import pallas as pl
from jax.experimental.pallas import tpu as pltpu
from jax.experimental.pallas import tpu_sc as plsc

N = 100000
E = 6400000
G = 64
NC = 2
NS = 16
N_PAD = 100096
RPT = N_PAD // NS
K = 4000
KS = 4000
KW = 800
BN = 5000
NB = N // BN

f32 = jnp.float32


def _chunks(total, cap):
    out, off = [], 0
    while off < total:
        ln = min(cap, total - off)
        assert ln % 8 == 0 and off % 8 == 0
        out.append((off, ln))
        off += ln
    return out


def _zero_accum(zz, accum, bounce, s, cap):
    for boff, blen in _chunks(RPT, cap):
        off = s * RPT + boff
        pltpu.sync_copy(zz.at[pl.ds(off, blen)], bounce.at[pl.ds(0, blen)])
        pltpu.sync_copy(bounce.at[pl.ds(0, blen)], accum.at[pl.ds(off, blen)])


def _copy_out(accum, bounce, out_a, out_b, c, s, cap):
    def emit(o):
        for boff, blen in _chunks(RPT, cap):
            off = s * RPT + boff
            pltpu.sync_copy(accum.at[pl.ds(off, blen)],
                            bounce.at[pl.ds(0, blen)])
            pltpu.sync_copy(bounce.at[pl.ds(0, blen)], o.at[pl.ds(off, blen)])

    @pl.when(c == 0)
    def _():
        emit(out_a)

    @pl.when(c == 1)
    def _():
        emit(out_b)


@functools.cache
def _get_sc_deg():
    mesh = plsc.VectorSubcoreMesh(core_axis_name="c", subcore_axis_name="s")
    sds = jax.ShapeDtypeStruct((N_PAD, 8), f32)

    @functools.partial(
        pl.kernel,
        out_type=(sds, sds),
        mesh=mesh,
        compiler_params=pltpu.CompilerParams(use_tc_tiling_on_sc=False),
        scratch_types=[
            pltpu.VMEM_SHARED((N_PAD, 8), f32),
            pltpu.VMEM((K,), jnp.int32),
            pltpu.VMEM((K,), jnp.int32),
            pltpu.VMEM((K, 8), f32),
            pltpu.SemaphoreType.DMA,
            pltpu.SemaphoreType.DMA,
        ],
    )
    def _sc_deg(dst, ones_hbm, zz, out_a, out_b, accum, dstb0, dstb1, onesb,
                semi0, semi1):
        c = lax.axis_index("c")
        s = lax.axis_index("s")
        _zero_accum(zz, accum, onesb, s, K)
        pltpu.sync_copy(ones_hbm, onesb)
        plsc.subcore_barrier()
        epw = E // (NC * NS)
        nit = epw // K
        base0 = c * (E // 2) + s * epw
        bufs = ((dstb0, semi0), (dstb1, semi1))
        pltpu.async_copy(dst.at[pl.ds(base0, K)], dstb0, semi0)
        pltpu.async_copy(dst.at[pl.ds(base0 + K, K)], dstb1, semi1)

        def it(jj, carry):
            for b in range(2):
                j = 2 * jj + b
                dstb, semi = bufs[b]
                pltpu.make_async_copy(dst.at[pl.ds(0, K)], dstb, semi).wait()
                pltpu.sync_copy(onesb, accum.at[dstb], add=True)

                @pl.when(j + 2 < nit)
                def _():
                    pltpu.async_copy(dst.at[pl.ds(base0 + (j + 2) * K, K)],
                                     dstb, semi)
            return carry

        lax.fori_loop(0, nit // 2, it, 0)
        plsc.subcore_barrier()
        _copy_out(accum, onesb, out_a, out_b, c, s, K)

    return _sc_deg


@functools.cache
def _make_sc_scatter(F, Kc, split):
    mesh = plsc.VectorSubcoreMesh(core_axis_name="c", subcore_axis_name="s")
    sds = jax.ShapeDtypeStruct((N_PAD, F), f32)

    @functools.partial(
        pl.kernel,
        out_type=(sds, sds),
        mesh=mesh,
        compiler_params=pltpu.CompilerParams(use_tc_tiling_on_sc=False),
        scratch_types=[
            pltpu.VMEM_SHARED((N_PAD, F), f32),
            pltpu.VMEM((Kc,), jnp.int32),
            pltpu.VMEM((Kc,), jnp.int32),
            pltpu.VMEM((Kc, F), f32),
            pltpu.VMEM((Kc,), jnp.int32),
            pltpu.VMEM((Kc,), jnp.int32),
            pltpu.VMEM((Kc, F), f32),
            pltpu.SemaphoreType.DMA,
            pltpu.SemaphoreType.DMA,
            pltpu.SemaphoreType.DMA,
            pltpu.SemaphoreType.DMA,
        ],
    )
    def body(g, src, dst, zz, out_a, out_b, accum, srcb0, dstb0, rows0,
             srcb1, dstb1, rows1, semi0, semg0, semi1, semg1):
        c = lax.axis_index("c")
        s = lax.axis_index("s")
        _zero_accum(zz, accum, rows0, s, Kc)
        plsc.subcore_barrier()
        if split:
            epw = E // (NC * NS)
            base0 = c * (E // 2) + s * epw
        else:
            epw = E // NS
            base0 = s * epw
        if not split:
            sbase = c * E + base0
        else:
            sbase = base0
        nit = epw // Kc
        bufs = ((srcb0, dstb0, rows0, semi0, semg0),
                (srcb1, dstb1, rows1, semi1, semg1))
        pltpu.async_copy(src.at[pl.ds(sbase, Kc)], srcb0, semi0)
        pltpu.async_copy(dst.at[pl.ds(base0, Kc)], dstb0, semi0)
        pltpu.make_async_copy(src.at[pl.ds(0, Kc)], srcb0, semi0).wait()
        pltpu.async_copy(g.at[srcb0], rows0, semg0)
        pltpu.async_copy(src.at[pl.ds(sbase + Kc, Kc)], srcb1, semi1)
        pltpu.async_copy(dst.at[pl.ds(base0 + Kc, Kc)], dstb1, semi1)

        def it(jj, carry):
            for b in range(2):
                j = 2 * jj + b
                srcb, dstb, rows, semi, semg = bufs[b]
                srcb_n, dstb_n, rows_n, semi_n, semg_n = bufs[1 - b]
                pltpu.make_async_copy(g.at[srcb], rows, semg).wait()

                @pl.when(j + 1 < nit)
                def _():
                    pltpu.make_async_copy(src.at[pl.ds(0, Kc)], srcb_n,
                                          semi_n).wait()
                    pltpu.async_copy(g.at[srcb_n], rows_n, semg_n)

                pltpu.make_async_copy(dst.at[pl.ds(0, Kc)], dstb, semi).wait()
                pltpu.sync_copy(rows, accum.at[dstb], add=True)

                @pl.when(j + 2 < nit)
                def _():
                    o2 = (j + 2) * Kc
                    pltpu.async_copy(src.at[pl.ds(sbase + o2, Kc)], srcb, semi)
                    pltpu.async_copy(dst.at[pl.ds(base0 + o2, Kc)], dstb, semi)
            return carry

        lax.fori_loop(0, nit // 2, it, 0)
        plsc.subcore_barrier()
        _copy_out(accum, rows0, out_a, out_b, c, s, Kc)

    return body


def _row(F):
    return pl.BlockSpec((BN, F), lambda i: (i, 0))


def _tc1(x, dega, degb):
    def body(xr, dar, dbr, dinvr, g1r):
        dinv = lax.rsqrt(1.0 + dar[...][:, :1] + dbr[...][:, :1])
        dinvr[...] = dinv
        g1r[...] = jnp.concatenate(
            [xr[...], jnp.zeros((BN, 5), f32)], axis=1) * dinv

    return pl.pallas_call(
        body,
        grid=(NB,),
        in_specs=[_row(3), _row(8), _row(8)],
        out_specs=[_row(1), _row(8)],
        out_shape=[jax.ShapeDtypeStruct((N, 1), f32),
                   jax.ShapeDtypeStruct((N, 8), f32)],
    )(x, dega, degb)


def _tc2(s1a, s1b, g1, dinv, W1p, b1):
    def body(s1ar, s1br, g1r, dr, wr, br, g2r):
        h = pl.program_id(0)
        d = dr[...]
        p1 = d * (s1ar[...] + s1br[...] + g1r[...])
        h1 = jnp.maximum(
            jnp.dot(p1, wr[...], preferred_element_type=f32) + br[...], 0.0)
        g2 = h1 * d
        g2r[...] = jnp.where(h == 0, g2[:, :16], g2[:, 16:])

    return pl.pallas_call(
        body,
        grid=(2, NB),
        in_specs=[pl.BlockSpec((BN, 8), lambda h, i: (i, 0)),
                  pl.BlockSpec((BN, 8), lambda h, i: (i, 0)),
                  pl.BlockSpec((BN, 8), lambda h, i: (i, 0)),
                  pl.BlockSpec((BN, 1), lambda h, i: (i, 0)),
                  pl.BlockSpec((8, 32), lambda h, i: (0, 0)),
                  pl.BlockSpec((1, 32), lambda h, i: (0, 0))],
        out_specs=pl.BlockSpec((BN, 16), lambda h, i: (h * NB + i, 0)),
        out_shape=jax.ShapeDtypeStruct((2 * N, 16), f32),
    )(s1a, s1b, g1, dinv, W1p, b1)


def _tc3(s2a, s2b, g2, dinv, W2, b2, W3):
    def body(s2ar, s2br, g2ar, g2br, dr, w2r, b2r, w3r, g3r):
        d = dr[...]
        p2 = jnp.concatenate(
            [d * (s2ar[...] + g2ar[...]), d * (s2br[...] + g2br[...])], axis=1)
        h2 = jnp.maximum(
            jnp.dot(p2, w2r[...], preferred_element_type=f32) + b2r[...], 0.0)
        t3 = jnp.dot(h2, w3r[...], preferred_element_type=f32) * d
        g3r[...] = jnp.concatenate([t3, jnp.zeros((BN, 6), f32)], axis=1)

    return pl.pallas_call(
        body,
        grid=(NB,),
        in_specs=[_row(16), _row(16),
                  pl.BlockSpec((BN, 16), lambda i: (i, 0)),
                  pl.BlockSpec((BN, 16), lambda i: (NB + i, 0)),
                  _row(1),
                  pl.BlockSpec((32, 64), lambda i: (0, 0)),
                  pl.BlockSpec((1, 64), lambda i: (0, 0)),
                  pl.BlockSpec((64, 2), lambda i: (0, 0))],
        out_specs=_row(8),
        out_shape=jax.ShapeDtypeStruct((N, 8), f32),
    )(s2a, s2b, g2, g2, dinv, W2, b2, W3)


def _tc4(s3a, s3b, g3, dinv, batT, b3):
    def body(s3ar, s3br, g3r, dr, batr, b3r, outr, sums, cnt):
        i = pl.program_id(0)
        q = dr[...] * (s3ar[...][:, :2] + s3br[...][:, :2]
                       + g3r[...][:, :2])
        gid = lax.broadcasted_iota(jnp.int32, (G, BN), 0)
        maskT = (batr[0] == gid).astype(f32)

        @pl.when(i == 0)
        def _():
            sums[...] = jnp.zeros_like(sums)
            cnt[...] = jnp.zeros_like(cnt)

        sums[...] += jnp.dot(maskT, q, preferred_element_type=f32)
        cnt[...] += jnp.dot(maskT, jnp.ones((BN, 2), f32),
                            preferred_element_type=f32)

        @pl.when(i == NB - 1)
        def _():
            c = cnt[...]
            outr[...] = (sums[...] / jnp.maximum(c, 1.0)
                         + jnp.where(c > 0, b3r[...], 0.0))

    return pl.pallas_call(
        body,
        grid=(NB,),
        in_specs=[_row(8), _row(8), _row(8), _row(1),
                  pl.BlockSpec((1, 1, BN), lambda i: (i, 0, 0)),
                  pl.BlockSpec((1, 2), lambda i: (0, 0))],
        out_specs=pl.BlockSpec((G, 2), lambda i: (0, 0)),
        out_shape=jax.ShapeDtypeStruct((G, 2), f32),
        scratch_shapes=[pltpu.VMEM((G, 2), f32), pltpu.VMEM((G, 2), f32)],
    )(s3a, s3b, g3, dinv, batT, b3)


def kernel(x, edge_index, batch, W1, b1, W2, b2, W3, b3):
    src = edge_index[0]
    dst = edge_index[1]
    W1p = jnp.pad(W1, ((0, 5), (0, 0)))

    dega, degb = _get_sc_deg()(dst, jnp.ones((K, 8), f32),
                               jnp.zeros((N_PAD, 8), f32))
    dinv, g1 = _tc1(x, dega, degb)

    s1a, s1b = _make_sc_scatter(8, KS, True)(
        g1, src, dst, jnp.zeros((N_PAD, 8), f32))
    g2 = _tc2(s1a, s1b, g1, dinv, W1p, b1.reshape(1, 32))

    srcs = jnp.concatenate([src, src + N])
    s2a, s2b = _make_sc_scatter(16, KW, False)(
        g2, srcs, dst, jnp.zeros((N_PAD, 16), f32))
    g3 = _tc3(s2a, s2b, g2, dinv, W2, b2.reshape(1, 64), W3)

    s3a, s3b = _make_sc_scatter(8, KS, True)(
        g3, src, dst, jnp.zeros((N_PAD, 8), f32))
    return _tc4(s3a, s3b, g3, dinv,
                batch.reshape(NB, 1, BN), b3.reshape(1, 2))

# --- scband reference (transcript-rebuilt; emitter-appended) ---
"""Pipeline reference for scband-gcnencoder-49907519979654 (READ-ONLY COPY).

The authoritative reference and input builder live on the scoring server;
editing this copy changes nothing except your own understanding.
"""

import jax, jax.numpy as jnp
import numpy as np

N_NODES = 100000
N_EDGES = 6400000
N_GRAPHS = 64


def setup_inputs(seed: int = 0) -> dict:
    key = jax.random.key(seed)
    ks = jax.random.split(key, 10)
    x = jax.random.normal(ks[0], (N_NODES, 3), dtype=jnp.float32)
    edge_index = jax.random.randint(ks[1], (2, N_EDGES), 0, N_NODES, dtype=jnp.int64 if jax.config.jax_enable_x64 else jnp.int32).astype(jnp.int32)
    batch = jnp.sort(jax.random.randint(ks[2], (N_NODES,), 0, N_GRAPHS).astype(jnp.int32))
    W1 = jax.random.normal(ks[3], (3, 32), dtype=jnp.float32) * (1.0 / np.sqrt(3.0))
    b1 = jnp.zeros((32,), dtype=jnp.float32)
    W2 = jax.random.normal(ks[4], (32, 64), dtype=jnp.float32) * (1.0 / np.sqrt(32.0))
    b2 = jnp.zeros((64,), dtype=jnp.float32)
    W3 = jax.random.normal(ks[5], (64, 2), dtype=jnp.float32) * (1.0 / np.sqrt(64.0))
    b3 = jnp.zeros((2,), dtype=jnp.float32)
    return {"x": x, "edge_index": edge_index, "batch": batch,
            "W1": W1, "b1": b1, "W2": W2, "b2": b2, "W3": W3, "b3": b3}


def _gcn_conv(x, edge_index, W, b, num_nodes):
    # PyG GCNConv: add self-loops, symmetric deg^{-1/2} normalization,
    # linear transform, gather from src, scatter-add to dst, add bias.
    loop = jnp.arange(num_nodes, dtype=edge_index.dtype)
    src = jnp.concatenate([edge_index[0], loop])
    dst = jnp.concatenate([edge_index[1], loop])
    deg = jnp.zeros((num_nodes,), dtype=x.dtype).at[dst].add(1.0)
    dinv = jnp.where(deg > 0, jax.lax.rsqrt(jnp.maximum(deg, 1e-12)), 0.0)
    norm = dinv[src] * dinv[dst]
    h = x @ W
    msg = h[src] * norm[:, None]
    out = jax.ops.segment_sum(msg, dst, num_segments=num_nodes)
    return out + b


def _global_mean_pool(x, batch, num_graphs):
    sums = jax.ops.segment_sum(x, batch, num_segments=num_graphs)
    counts = jax.ops.segment_sum(jnp.ones((x.shape[0],), dtype=x.dtype), batch, num_segments=num_graphs)
    return sums / jnp.maximum(counts, 1.0)[:, None]


def reference(x, edge_index, batch, W1, b1, W2, b2, W3, b3):
    h = jax.nn.relu(_gcn_conv(x, edge_index, W1, b1, N_NODES))
    h = jax.nn.relu(_gcn_conv(h, edge_index, W2, b2, N_NODES))
    h = _gcn_conv(h, edge_index, W3, b3, N_NODES)
    return _global_mean_pool(h, batch, N_GRAPHS)

if __name__ == "__main__":
    import jax
    _d = setup_inputs()
    print(jax.jit(kernel)(*tuple(_d.values())))

</pallas_src>

<mosaic_0001>
#map = affine_map<(d0, d1) -> (0, 0)>
#map1 = affine_map<(d0, d1) -> (0)>
module attributes {stable_mosaic.version = 14 : i64} {
  func.func @body(%arg0: i32, %arg1: i32, %arg2: memref<200000x16xf32, #tpu.memory_space<hbm>>, %arg3: memref<12800000xi32, #tpu.memory_space<hbm>>, %arg4: memref<6400000xi32, #tpu.memory_space<hbm>>, %arg5: memref<100096x16xf32, #tpu.memory_space<hbm>>, %arg6: memref<100096x16xf32, #tpu.memory_space<hbm>>, %arg7: memref<100096x16xf32, #tpu.memory_space<hbm>>, %arg8: memref<100096x16xf32, #tpu.memory_space<vmem_shared>>, %arg9: memref<800xi32, #tpu.memory_space<vmem>>, %arg10: memref<800xi32, #tpu.memory_space<vmem>>, %arg11: memref<800x16xf32, #tpu.memory_space<vmem>>, %arg12: memref<800xi32, #tpu.memory_space<vmem>>, %arg13: memref<800xi32, #tpu.memory_space<vmem>>, %arg14: memref<800x16xf32, #tpu.memory_space<vmem>>, %arg15: memref<!tpu.dma_semaphore, #tpu.memory_space<semaphore_mem>>, %arg16: memref<!tpu.dma_semaphore, #tpu.memory_space<semaphore_mem>>, %arg17: memref<!tpu.dma_semaphore, #tpu.memory_space<semaphore_mem>>, %arg18: memref<!tpu.dma_semaphore, #tpu.memory_space<semaphore_mem>>) attributes {dimension_semantics = [#tpu.dimension_semantics<core_parallel>, #tpu.dimension_semantics<subcore_parallel>], iteration_bounds = array<i64: 2, 16>, scalar_prefetch = 0 : i64, scratch_operands = 11 : i64, tpu.core_type = #tpu.core_type<sc_vector_subcore>, window_params = [{transform_indices = #map}, {transform_indices = #map1}, {transform_indices = #map1}, {transform_indices = #map}, {transform_indices = #map}, {transform_indices = #map}]} {
    %mul3A = arith.constant 6256 : i32
    %mul3A_0 = arith.muli %arg1, %mul3A : i32
    %add3A = arith.constant 0 : i32
    %add3A_1 = arith.addi %mul3A_0, %add3A : i32
    "tpu.region"() ({
      %run_scoped3A = tpu.sem_alloc : memref<!tpu.dma_semaphore, #tpu.memory_space<semaphore_mem>>
      %dma_start3A_65 = arith.constant 0 : i32
      %dma_start3A_66 = arith.constant 0 : i32
      %dma_start3A_67 = tpu.memref_slice %arg11[%dma_start3A_65, %dma_start3A_66] : memref<800x16xf32, #tpu.memory_space<vmem>> -> memref<800x16xf32, #tpu.memory_space<vmem>>
      %dma_start3A_68 = arith.constant 0 : i32
      %dma_start3A_69 = tpu.memref_slice %arg5[%add3A_1, %dma_start3A_68] : memref<100096x16xf32, #tpu.memory_space<hbm>> -> memref<800x16xf32, #tpu.memory_space<hbm>>
      %dma_start3A_70 = arith.constant 0 : i32
      %dma_start3A_71 = arith.constant 0 : i32
      %dma_start3A_72 = tpu.memref_slice %arg11[%dma_start3A_70, %dma_start3A_71] : memref<800x16xf32, #tpu.memory_space<vmem>> -> memref<800x16xf32, #tpu.memory_space<vmem>>
      %dma_start3A_73 = arith.constant 0 : i32
      %dma_start3A_74 = tpu.memref_slice %arg5[%add3A_1, %dma_start3A_73] : memref<100096x16xf32, #tpu.memory_space<hbm>> -> memref<800x16xf32, #tpu.memory_space<hbm>>
      tpu.enqueue_dma source(%dma_start3A_74 : memref<800x16xf32, #tpu.memory_space<hbm>>) target(%dma_start3A_72 : memref<800x16xf32, #tpu.memory_space<vmem>>) target_semaphore(%run_scoped3A : memref<!tpu.dma_semaphore, #tpu.memory_space<semaphore_mem>>)
      %dma_wait3A_75 = arith.constant 0 : i32
      %dma_wait3A_76 = arith.constant 0 : i32
      %dma_wait3A_77 = tpu.memref_slice %arg11[%dma_wait3A_75, %dma_wait3A_76] : memref<800x16xf32, #tpu.memory_space<vmem>> -> memref<800x16xf32, #tpu.memory_space<vmem>>
      %dma_wait3A_78 = arith.constant 0 : i32
      %dma_wait3A_79 = tpu.memref_slice %arg5[%add3A_1, %dma_wait3A_78] : memref<100096x16xf32, #tpu.memory_space<hbm>> -> memref<800x16xf32, #tpu.memory_space<hbm>>
      %dma_wait3A_80 = arith.constant 0 : i32
      %dma_wait3A_81 = arith.constant 0 : i32
      %dma_wait3A_82 = tpu.memref_slice %arg11[%dma_wait3A_80, %dma_wait3A_81] : memref<800x16xf32, #tpu.memory_space<vmem>> -> memref<800x16xf32, #tpu.memory_space<vmem>>
      %dma_wait3A_83 = arith.constant 0 : i32
      %dma_wait3A_84 = tpu.memref_slice %arg5[%add3A_1, %dma_wait3A_83] : memref<100096x16xf32, #tpu.memory_space<hbm>> -> memref<800x16xf32, #tpu.memory_space<hbm>>
      tpu.wait_dma2 semaphore(%run_scoped3A : memref<!tpu.dma_semaphore, #tpu.memory_space<semaphore_mem>>) src(%dma_wait3A_84 : memref<800x16xf32, #tpu.memory_space<hbm>>) dst(%dma_wait3A_82 : memref<800x16xf32, #tpu.memory_space<vmem>>)
      tpu.yield
    }) : () -> ()
    "tpu.region"() ({
      %run_scoped3A = tpu.sem_alloc : memref<!tpu.dma_semaphore, #tpu.memory_space<semaphore_mem>>
      %dma_start3A_65 = arith.constant 0 : i32
      %dma_start3A_66 = arith.constant 0 : i32
      %dma_start3A_67 = tpu.memref_slice %arg11[%dma_start3A_65, %dma_start3A_66] : memref<800x16xf32, #tpu.memory_space<vmem>> -> memref<800x16xf32, #tpu.memory_space<vmem>>
      %dma_start3A_68 = arith.constant 0 : i32
      %dma_start3A_69 = tpu.memref_slice %arg8[%add3A_1, %dma_start3A_68] : memref<100096x16xf32, #tpu.memory_space<vmem_shared>> -> memref<800x16xf32, #tpu.memory_space<vmem_shared>>
      %dma_start3A_70 = arith.constant 0 : i32
      %dma_start3A_71 = tpu.memref_slice %arg8[%add3A_1, %dma_start3A_70] : memref<100096x16xf32, #tpu.memory_space<vmem_shared>> -> memref<800x16xf32, #tpu.memory_space<vmem_shared>>
      %dma_start3A_72 = arith.constant 0 : i32
      %dma_start3A_73 = arith.constant 0 : i32
      %dma_start3A_74 = tpu.memref_slice %arg11[%dma_start3A_72, %dma_start3A_73] : memref<800x16xf32, #tpu.memory_space<vmem>> -> memref<800x16xf32, #tpu.memory_space<vmem>>
      tpu.enqueue_dma source(%dma_start3A_74 : memref<800x16xf32, #tpu.memory_space<vmem>>) target(%dma_start3A_71 : memref<800x16xf32, #tpu.memory_space<vmem_shared>>) target_semaphore(%run_scoped3A : memref<!tpu.dma_semaphore, #tpu.memory_space<semaphore_mem>>)
      %dma_wait3A_75 = arith.constant 0 : i32
      %dma_wait3A_76 = arith.constant 0 : i32
      %dma_wait3A_77 = tpu.memref_slice %arg11[%dma_wait3A_75, %dma_wait3A_76] : memref<800x16xf32, #tpu.memory_space<vmem>> -> memref<800x16xf32, #tpu.memory_space<vmem>>
      %dma_wait3A_78 = arith.constant 0 : i32
      %dma_wait3A_79 = tpu.memref_slice %arg8[%add3A_1, %dma_wait3A_78] : memref<100096x16xf32, #tpu.memory_space<vmem_shared>> -> memref<800x16xf32, #tpu.memory_space<vmem_shared>>
      %dma_wait3A_80 = arith.constant 0 : i32
      %dma_wait3A_81 = tpu.memref_slice %arg8[%add3A_1, %dma_wait3A_80] : memref<100096x16xf32, #tpu.memory_space<vmem_shared>> -> memref<800x16xf32, #tpu.memory_space<vmem_shared>>
      %dma_wait3A_82 = arith.constant 0 : i32
      %dma_wait3A_83 = arith.constant 0 : i32
      %dma_wait3A_84 = tpu.memref_slice %arg11[%dma_wait3A_82, %dma_wait3A_83] : memref<800x16xf32, #tpu.memory_space<vmem>> -> memref<800x16xf32, #tpu.memory_space<vmem>>
      tpu.wait_dma2 semaphore(%run_scoped3A : memref<!tpu.dma_semaphore, #tpu.memory_space<semaphore_mem>>) src(%dma_wait3A_84 : memref<800x16xf32, #tpu.memory_space<vmem>>) dst(%dma_wait3A_81 : memref<800x16xf32, #tpu.memory_space<vmem_shared>>)
      tpu.yield
    }) : () -> ()
    %mul3A_2 = arith.constant 6256 : i32
    %mul3A_3 = arith.muli %arg1, %mul3A_2 : i32
    %add3A_4 = arith.constant 800 : i32
    %add3A_5 = arith.addi %mul3A_3, %add3A_4 : i32
    "tpu.region"() ({
      %run_scoped3A = tpu.sem_alloc : memref<!tpu.dma_semaphore, #tpu.memory_space<semaphore_mem>>
      %dma_start3A_65 = arith.constant 0 : i32
      %dma_start3A_66 = arith.constant 0 : i32
      %dma_start3A_67 = tpu.memref_slice %arg11[%dma_start3A_65, %dma_start3A_66] : memref<800x16xf32, #tpu.memory_space<vmem>> -> memref<800x16xf32, #tpu.memory_space<vmem>>
      %dma_start3A_68 = arith.constant 0 : i32
      %dma_start3A_69 = tpu.memref_slice %arg5[%add3A_5, %dma_start3A_68] : memref<100096x16xf32, #tpu.memory_space<hbm>> -> memref<800x16xf32, #tpu.memory_space<hbm>>
      %dma_start3A_70 = arith.constant 0 : i32
      %dma_start3A_71 = arith.constant 0 : i32
      %dma_start3A_72 = tpu.memref_slice %arg11[%dma_start3A_70, %dma_start3A_71] : memref<800x16xf32, #tpu.memory_space<vmem>> -> memref<800x16xf32, #tpu.memory_space<vmem>>
      %dma_start3A_73 = arith.constant 0 : i32
      %dma_start3A_74 = tpu.memref_slice %arg5[%add3A_5, %dma_start3A_73] : memref<100096x16xf32, #tpu.memory_space<hbm>> -> memref<800x16xf32, #tpu.memory_space<hbm>>
      tpu.enqueue_dma source(%dma_start3A_74 : memref<800x16xf32, #tpu.memory_space<hbm>>) target(%dma_start3A_72 : memref<800x16xf32, #tpu.memory_space<vmem>>) target_semaphore(%run_scoped3A : memref<!tpu.dma_semaphore, #tpu.memory_space<semaphore_mem>>)
      %dma_wait3A_75 = arith.constant 0 : i32
      %dma_wait3A_76 = arith.constant 0 : i32
      %dma_wait3A_77 = tpu.memref_slice %arg11[%dma_wait3A_75, %dma_wait3A_76] : memref<800x16xf32, #tpu.memory_space<vmem>> -> memref<800x16xf32, #tpu.memory_space<vmem>>
      %dma_wait3A_78 = arith.constant 0 : i32
      %dma_wait3A_79 = tpu.memref_slice %arg5[%add3A_5, %dma_wait3A_78] : memref<100096x16xf32, #tpu.memory_space<hbm>> -> memref<800x16xf32, #tpu.memory_space<hbm>>
      %dma_wait3A_80 = arith.constant 0 : i32
      %dma_wait3A_81 = arith.constant 0 : i32
      %dma_wait3A_82 = tpu.memref_slice %arg11[%dma_wait3A_80, %dma_wait3A_81] : memref<800x16xf32, #tpu.memory_space<vmem>> -> memref<800x16xf32, #tpu.memory_space<vmem>>
      %dma_wait3A_83 = arith.constant 0 : i32
      %dma_wait3A_84 = tpu.memref_slice %arg5[%add3A_5, %dma_wait3A_83] : memref<100096x16xf32, #tpu.memory_space<hbm>> -> memref<800x16xf32, #tpu.memory_space<hbm>>
      tpu.wait_dma2 semaphore(%run_scoped3A : memref<!tpu.dma_semaphore, #tpu.memory_space<semaphore_mem>>) src(%dma_wait3A_84 : memref<800x16xf32, #tpu.memory_space<hbm>>) dst(%dma_wait3A_82 : memref<800x16xf32, #tpu.memory_space<vmem>>)
      tpu.yield
    }) : () -> ()
    "tpu.region"() ({
      %run_scoped3A = tpu.sem_alloc : memref<!tpu.dma_semaphore, #tpu.memory_space<semaphore_mem>>
      %dma_start3A_65 = arith.constant 0 : i32
      %dma_start3A_66 = arith.constant 0 : i32
      %dma_start3A_67 = tpu.memref_slice %arg11[%dma_start3A_65, %dma_start3A_66] : memref<800x16xf32, #tpu.memory_space<vmem>> -> memref<800x16xf32, #tpu.memory_space<vmem>>
      %dma_start3A_68 = arith.constant 0 : i32
      %dma_start3A_69 = tpu.memref_slice %arg8[%add3A_5, %dma_start3A_68] : memref<100096x16xf32, #tpu.memory_space<vmem_shared>> -> memref<800x16xf32, #tpu.memory_space<vmem_shared>>
      %dma_start3A_70 = arith.constant 0 : i32
      %dma_start3A_71 = tpu.memref_slice %arg8[%add3A_5, %dma_start3A_70] : memref<100096x16xf32, #tpu.memory_space<vmem_shared>> -> memref<800x16xf32, #tpu.memory_space<vmem_shared>>
      %dma_start3A_72 = arith.constant 0 : i32
      %dma_start3A_73 = arith.constant 0 : i32
      %dma_start3A_74 = tpu.memref_slice %arg11[%dma_start3A_72, %dma_start3A_73] : memref<800x16xf32, #tpu.memory_space<vmem>> -> memref<800x16xf32, #tpu.memory_space<vmem>>
      tpu.enqueue_dma source(%dma_start3A_74 : memref<800x16xf32, #tpu.memory_space<vmem>>) target(%dma_start3A_71 : memref<800x16xf32, #tpu.memory_space<vmem_shared>>) target_semaphore(%run_scoped3A : memref<!tpu.dma_semaphore, #tpu.memory_space<semaphore_mem>>)
      %dma_wait3A_75 = arith.constant 0 : i32
      %dma_wait3A_76 = arith.constant 0 : i32
      %dma_wait3A_77 = tpu.memref_slice %arg11[%dma_wait3A_75, %dma_wait3A_76] : memref<800x16xf32, #tpu.memory_space<vmem>> -> memref<800x16xf32, #tpu.memory_space<vmem>>
      %dma_wait3A_78 = arith.constant 0 : i32
      %dma_wait3A_79 = tpu.memref_slice %arg8[%add3A_5, %dma_wait3A_78] : memref<100096x16xf32, #tpu.memory_space<vmem_shared>> -> memref<800x16xf32, #tpu.memory_space<vmem_shared>>
      %dma_wait3A_80 = arith.constant 0 : i32
      %dma_wait3A_81 = tpu.memref_slice %arg8[%add3A_5, %dma_wait3A_80] : memref<100096x16xf32, #tpu.memory_space<vmem_shared>> -> memref<800x16xf32, #tpu.memory_space<vmem_shared>>
      %dma_wait3A_82 = arith.constant 0 : i32
      %dma_wait3A_83 = arith.constant 0 : i32
      %dma_wait3A_84 = tpu.memref_slice %arg11[%dma_wait3A_82, %dma_wait3A_83] : memref<800x16xf32, #tpu.memory_space<vmem>> -> memref<800x16xf32, #tpu.memory_space<vmem>>
      tpu.wait_dma2 semaphore(%run_scoped3A : memref<!tpu.dma_semaphore, #tpu.memory_space<semaphore_mem>>) src(%dma_wait3A_84 : memref<800x16xf32, #tpu.memory_space<vmem>>) dst(%dma_wait3A_81 : memref<800x16xf32, #tpu.memory_space<vmem_shared>>)
      tpu.yield
    }) : () -> ()
    %mul3A_6 = arith.constant 6256 : i32
    %mul3A_7 = arith.muli %arg1, %mul3A_6 : i32
    %add3A_8 = arith.constant 1600 : i32
    %add3A_9 = arith.addi %mul3A_7, %add3A_8 : i32
    "tpu.region"() ({
      %run_scoped3A = tpu.sem_alloc : memref<!tpu.dma_semaphore, #tpu.memory_space<semaphore_mem>>
      %dma_start3A_65 = arith.constant 0 : i32
      %dma_start3A_66 = arith.constant 0 : i32
      %dma_start3A_67 = tpu.memref_slice %arg11[%dma_start3A_65, %dma_start3A_66] : memref<800x16xf32, #tpu.memory_space<vmem>> -> memref<800x16xf32, #tpu.memory_space<vmem>>
      %dma_start3A_68 = arith.constant 0 : i32
      %dma_start3A_69 = tpu.memref_slice %arg5[%add3A_9, %dma_start3A_68] : memref<100096x16xf32, #tpu.memory_space<hbm>> -> memref<800x16xf32, #tpu.memory_space<hbm>>
      %dma_start3A_70 = arith.constant 0 : i32
      %dma_start3A_71 = arith.constant 0 : i32
      %dma_start3A_72 = tpu.memref_slice %arg11[%dma_start3A_70, %dma_start3A_71] : memref<800x16xf32, #tpu.memory_space<vmem>> -> memref<800x16xf32, #tpu.memory_space<vmem>>
      %dma_start3A_73 = arith.constant 0 : i32
      %dma_start3A_74 = tpu.memref_slice %arg5[%add3A_9, %dma_start3A_73] : memref<100096x16xf32, #tpu.memory_space<hbm>> -> memref<800x16xf32, #tpu.memory_space<hbm>>
      tpu.enqueue_dma source(%dma_start3A_74 : memref<800x16xf32, #tpu.memory_space<hbm>>) target(%dma_start3A_72 : memref<800x16xf32, #tpu.memory_space<vmem>>) target_semaphore(%run_scoped3A : memref<!tpu.dma_semaphore, #tpu.memory_space<semaphore_mem>>)
      %dma_wait3A_75 = arith.constant 0 : i32
      %dma_wait3A_76 = arith.constant 0 : i32
      %dma_wait3A_77 = tpu.memref_slice %arg11[%dma_wait3A_75, %dma_wait3A_76] : memref<800x16xf32, #tpu.memory_space<vmem>> -> memref<800x16xf32, #tpu.memory_space<vmem>>
      %dma_wait3A_78 = arith.constant 0 : i32
      %dma_wait3A_79 = tpu.memref_slice %arg5[%add3A_9, %dma_wait3A_78] : memref<100096x16xf32, #tpu.memory_space<hbm>> -> memref<800x16xf32, #tpu.memory_space<hbm>>
      %dma_wait3A_80 = arith.constant 0 : i32
      %dma_wait3A_81 = arith.constant 0 : i32
      %dma_wait3A_82 = tpu.memref_slice %arg11[%dma_wait3A_80, %dma_wait3A_81] : memref<800x16xf32, #tpu.memory_space<vmem>> -> memref<800x16xf32, #tpu.memory_space<vmem>>
      %dma_wait3A_83 = arith.constant 0 : i32
      %dma_wait3A_84 = tpu.memref_slice %arg5[%add3A_9, %dma_wait3A_83] : memref<100096x16xf32, #tpu.memory_space<hbm>> -> memref<800x16xf32, #tpu.memory_space<hbm>>
      tpu.wait_dma2 semaphore(%run_scoped3A : memref<!tpu.dma_semaphore, #tpu.memory_space<semaphore_mem>>) src(%dma_wait3A_84 : memref<800x16xf32, #tpu.memory_space<hbm>>) dst(%dma_wait3A_82 : memref<800x16xf32, #tpu.memory_space<vmem>>)
      tpu.yield
    }) : () -> ()
    "tpu.region"() ({
      %run_scoped3A = tpu.sem_alloc : memref<!tpu.dma_semaphore, #tpu.memory_space<semaphore_mem>>
      %dma_start3A_65 = arith.constant 0 : i32
      %dma_start3A_66 = arith.constant 0 : i32
      %dma_start3A_67 = tpu.memref_slice %arg11[%dma_start3A_65, %dma_start3A_66] : memref<800x16xf32, #tpu.memory_space<vmem>> -> memref<800x16xf32, #tpu.memory_space<vmem>>
      %dma_start3A_68 = arith.constant 0 : i32
      %dma_start3A_69 = tpu.memref_slice %arg8[%add3A_9, %dma_start3A_68] : memref<100096x16xf32, #tpu.memory_space<vmem_shared>> -> memref<800x16xf32, #tpu.memory_space<vmem_shared>>
      %dma_start3A_70 = arith.constant 0 : i32
      %dma_start3A_71 = tpu.memref_slice %arg8[%add3A_9, %dma_start3A_70] : memref<100096x16xf32, #tpu.memory_space<vmem_shared>> -> memref<800x16xf32, #tpu.memory_space<vmem_shared>>
      %dma_start3A_72 = arith.constant 0 : i32
      %dma_start3A_73 = arith.constant 0 : i32
      %dma_start3A_74 = tpu.memref_slice %arg11[%dma_start3A_72, %dma_start3A_73] : memref<800x16xf32, #tpu.memory_space<vmem>> -> memref<800x16xf32, #tpu.memory_space<vmem>>
      tpu.enqueue_dma source(%dma_start3A_74 : memref<800x16xf32, #tpu.memory_space<vmem>>) target(%dma_start3A_71 : memref<800x16xf32, #tpu.memory_space<vmem_shared>>) target_semaphore(%run_scoped3A : memref<!tpu.dma_semaphore, #tpu.memory_space<semaphore_mem>>)
      %dma_wait3A_75 = arith.constant 0 : i32
      %dma_wait3A_76 = arith.constant 0 : i32
      %dma_wait3A_77 = tpu.memref_slice %arg11[%dma_wait3A_75, %dma_wait3A_76] : memref<800x16xf32, #tpu.memory_space<vmem>> -> memref<800x16xf32, #tpu.memory_space<vmem>>
      %dma_wait3A_78 = arith.constant 0 : i32
      %dma_wait3A_79 = tpu.memref_slice %arg8[%add3A_9, %dma_wait3A_78] : memref<100096x16xf32, #tpu.memory_space<vmem_shared>> -> memref<800x16xf32, #tpu.memory_space<vmem_shared>>
      %dma_wait3A_80 = arith.constant 0 : i32
      %dma_wait3A_81 = tpu.memref_slice %arg8[%add3A_9, %dma_wait3A_80] : memref<100096x16xf32, #tpu.memory_space<vmem_shared>> -> memref<800x16xf32, #tpu.memory_space<vmem_shared>>
      %dma_wait3A_82 = arith.constant 0 : i32
      %dma_wait3A_83 = arith.constant 0 : i32
      %dma_wait3A_84 = tpu.memref_slice %arg11[%dma_wait3A_82, %dma_wait3A_83] : memref<800x16xf32, #tpu.memory_space<vmem>> -> memref<800x16xf32, #tpu.memory_space<vmem>>
      tpu.wait_dma2 semaphore(%run_scoped3A : memref<!tpu.dma_semaphore, #tpu.memory_space<semaphore_mem>>) src(%dma_wait3A_84 : memref<800x16xf32, #tpu.memory_space<vmem>>) dst(%dma_wait3A_81 : memref<800x16xf32, #tpu.memory_space<vmem_shared>>)
      tpu.yield
    }) : () -> ()
    %mul3A_10 = arith.constant 6256 : i32
    %mul3A_11 = arith.muli %arg1, %mul3A_10 : i32
    %add3A_12 = arith.constant 2400 : i32
    %add3A_13 = arith.addi %mul3A_11, %add3A_12 : i32
    "tpu.region"() ({
      %run_scoped3A = tpu.sem_alloc : memref<!tpu.dma_semaphore, #tpu.memory_space<semaphore_mem>>
      %dma_start3A_65 = arith.constant 0 : i32
      %dma_start3A_66 = arith.constant 0 : i32
      %dma_start3A_67 = tpu.memref_slice %arg11[%dma_start3A_65, %dma_start3A_66] : memref<800x16xf32, #tpu.memory_space<vmem>> -> memref<800x16xf32, #tpu.memory_space<vmem>>
      %dma_start3A_68 = arith.constant 0 : i32
      %dma_start3A_69 = tpu.memref_slice %arg5[%add3A_13, %dma_start3A_68] : memref<100096x16xf32, #tpu.memory_space<hbm>> -> memref<800x16xf32, #tpu.memory_space<hbm>>
      %dma_start3A_70 = arith.constant 0 : i32
      %dma_start3A_71 = arith.constant 0 : i32
      %dma_start3A_72 = tpu.memref_slice %arg11[%dma_start3A_70, %dma_start3A_71] : memref<800x16xf32, #tpu.memory_space<vmem>> -> memref<800x16xf32, #tpu.memory_space<vmem>>
      %dma_start3A_73 = arith.constant 0 : i32
      %dma_start3A_74 = tpu.memref_slice %arg5[%add3A_13, %dma_start3A_73] : memref<100096x16xf32, #tpu.memory_space<hbm>> -> memref<800x16xf32, #tpu.memory_space<hbm>>
      tpu.enqueue_dma source(%dma_start3A_74 : memref<800x16xf32, #tpu.memory_space<hbm>>) target(%dma_start3A_72 : memref<800x16xf32, #tpu.memory_space<vmem>>) target_semaphore(%run_scoped3A : memref<!tpu.dma_semaphore, #tpu.memory_space<semaphore_mem>>)
      %dma_wait3A_75 = arith.constant 0 : i32
      %dma_wait3A_76 = arith.constant 0 : i32
      %dma_wait3A_77 = tpu.memref_slice %arg11[%dma_wait3A_75, %dma_wait3A_76] : memref<800x16xf32, #tpu.memory_space<vmem>> -> memref<800x16xf32, #tpu.memory_space<vmem>>
      %dma_wait3A_78 = arith.constant 0 : i32
      %dma_wait3A_79 = tpu.memref_slice %arg5[%add3A_13, %dma_wait3A_78] : memref<100096x16xf32, #tpu.memory_space<hbm>> -> memref<800x16xf32, #tpu.memory_space<hbm>>
      %dma_wait3A_80 = arith.constant 0 : i32
      %dma_wait3A_81 = arith.constant 0 : i32
      %dma_wait3A_82 = tpu.memref_slice %arg11[%dma_wait3A_80, %dma_wait3A_81] : memref<800x16xf32, #tpu.memory_space<vmem>> -> memref<800x16xf32, #tpu.memory_space<vmem>>
      %dma_wait3A_83 = arith.constant 0 : i32
      %dma_wait3A_84 = tpu.memref_slice %arg5[%add3A_13, %dma_wait3A_83] : memref<100096x16xf32, #tpu.memory_space<hbm>> -> memref<800x16xf32, #tpu.memory_space<hbm>>
      tpu.wait_dma2 semaphore(%run_scoped3A : memref<!tpu.dma_semaphore, #tpu.memory_space<semaphore_mem>>) src(%dma_wait3A_84 : memref<800x16xf32, #tpu.memory_space<hbm>>) dst(%dma_wait3A_82 : memref<800x16xf32, #tpu.memory_space<vmem>>)
      tpu.yield
    }) : () -> ()
    "tpu.region"() ({
      %run_scoped3A = tpu.sem_alloc : memref<!tpu.dma_semaphore, #tpu.memory_space<semaphore_mem>>
      %dma_start3A_65 = arith.constant 0 : i32
      %dma_start3A_66 = arith.constant 0 : i32
      %dma_start3A_67 = tpu.memref_slice %arg11[%dma_start3A_65, %dma_start3A_66] : memref<800x16xf32, #tpu.memory_space<vmem>> -> memref<800x16xf32, #tpu.memory_space<vmem>>
      %dma_start3A_68 = arith.constant 0 : i32
      %dma_start3A_69 = tpu.memref_slice %arg8[%add3A_13, %dma_start3A_68] : memref<100096x16xf32, #tpu.memory_space<vmem_shared>> -> memref<800x16xf32, #tpu.memory_space<vmem_shared>>
      %dma_start3A_70 = arith.constant 0 : i32
      %dma_start3A_71 = tpu.memref_slice %arg8[%add3A_13, %dma_start3A_70] : memref<100096x16xf32, #tpu.memory_space<vmem_shared>> -> memref<800x16xf32, #tpu.memory_space<vmem_shared>>
      %dma_start3A_72 = arith.constant 0 : i32
      %dma_start3A_73 = arith.constant 0 : i32
      %dma_start3A_74 = tpu.memref_slice %arg11[%dma_start3A_72, %dma_start3A_73] : memref<800x16xf32, #tpu.memory_space<vmem>> -> memref<800x16xf32, #tpu.memory_space<vmem>>
      tpu.enqueue_dma source(%dma_start3A_74 : memref<800x16xf32, #tpu.memory_space<vmem>>) target(%dma_start3A_71 : memref<800x16xf32, #tpu.memory_space<vmem_shared>>) target_semaphore(%run_scoped3A : memref<!tpu.dma_semaphore, #tpu.memory_space<semaphore_mem>>)
      %dma_wait3A_75 = arith.constant 0 : i32
      %dma_wait3A_76 = arith.constant 0 : i32
      %dma_wait3A_77 = tpu.memref_slice %arg11[%dma_wait3A_75, %dma_wait3A_76] : memref<800x16xf32, #tpu.memory_space<vmem>> -> memref<800x16xf32, #tpu.memory_space<vmem>>
      %dma_wait3A_78 = arith.constant 0 : i32
      %dma_wait3A_79 = tpu.memref_slice %arg8[%add3A_13, %dma_wait3A_78] : memref<100096x16xf32, #tpu.memory_space<vmem_shared>> -> memref<800x16xf32, #tpu.memory_space<vmem_shared>>
      %dma_wait3A_80 = arith.constant 0 : i32
      %dma_wait3A_81 = tpu.memref_slice %arg8[%add3A_13, %dma_wait3A_80] : memref<100096x16xf32, #tpu.memory_space<vmem_shared>> -> memref<800x16xf32, #tpu.memory_space<vmem_shared>>
      %dma_wait3A_82 = arith.constant 0 : i32
      %dma_wait3A_83 = arith.constant 0 : i32
      %dma_wait3A_84 = tpu.memref_slice %arg11[%dma_wait3A_82, %dma_wait3A_83] : memref<800x16xf32, #tpu.memory_space<vmem>> -> memref<800x16xf32, #tpu.memory_space<vmem>>
      tpu.wait_dma2 semaphore(%run_scoped3A : memref<!tpu.dma_semaphore, #tpu.memory_space<semaphore_mem>>) src(%dma_wait3A_84 : memref<800x16xf32, #tpu.memory_space<vmem>>) dst(%dma_wait3A_81 : memref<800x16xf32, #tpu.memory_space<vmem_shared>>)
      tpu.yield
    }) : () -> ()
    %mul3A_14 = arith.constant 6256 : i32
    %mul3A_15 = arith.muli %arg1, %mul3A_14 : i32
    %add3A_16 = arith.constant 3200 : i32
    %add3A_17 = arith.addi %mul3A_15, %add3A_16 : i32
    "tpu.region"() ({
      %run_scoped3A = tpu.sem_alloc : memref<!tpu.dma_semaphore, #tpu.memory_space<semaphore_mem>>
      %dma_start3A_65 = arith.constant 0 : i32
      %dma_start3A_66 = arith.constant 0 : i32
      %dma_start3A_67 = tpu.memref_slice %arg11[%dma_start3A_65, %dma_start3A_66] : memref<800x16xf32, #tpu.memory_space<vmem>> -> memref<800x16xf32, #tpu.memory_space<vmem>>
      %dma_start3A_68 = arith.constant 0 : i32
      %dma_start3A_69 = tpu.memref_slice %arg5[%add3A_17, %dma_start3A_68] : memref<100096x16xf32, #tpu.memory_space<hbm>> -> memref<800x16xf32, #tpu.memory_space<hbm>>
      %dma_start3A_70 = arith.constant 0 : i32
      %dma_start3A_71 = arith.constant 0 : i32
      %dma_start3A_72 = tpu.memref_slice %arg11[%dma_start3A_70, %dma_start3A_71] : memref<800x16xf32, #tpu.memory_space<vmem>> -> memref<800x16xf32, #tpu.memory_space<vmem>>
      %dma_start3A_73 = arith.constant 0 : i32
      %dma_start3A_74 = tpu.memref_slice %arg5[%add3A_17, %dma_start3A_73] : memref<100096x16xf32, #tpu.memory_space<hbm>> -> memref<800x16xf32, #tpu.memory_space<hbm>>
      tpu.enqueue_dma source(%dma_start3A_74 : memref<800x16xf32, #tpu.memory_space<hbm>>) target(%dma_start3A_72 : memref<800x16xf32, #tpu.memory_space<vmem>>) target_semaphore(%run_scoped3A : memref<!tpu.dma_semaphore, #tpu.memory_space<semaphore_mem>>)
      %dma_wait3A_75 = arith.constant 0 : i32
      %dma_wait3A_76 = arith.constant 0 : i32
      %dma_wait3A_77 = tpu.memref_slice %arg11[%dma_wait3A_75, %dma_wait3A_76] : memref<800x16xf32, #tpu.memory_space<vmem>> -> memref<800x16xf32, #tpu.memory_space<vmem>>
      %dma_wait3A_78 = arith.constant 0 : i32
      %dma_wait3A_79 = tpu.memref_slice %arg5[%add3A_17, %dma_wait3A_78] : memref<100096x16xf32, #tpu.memory_space<hbm>> -> memref<800x16xf32, #tpu.memory_space<hbm>>
      %dma_wait3A_80 = arith.constant 0 : i32
      %dma_wait3A_81 = arith.constant 0 : i32
      %dma_wait3A_82 = tpu.memref_slice %arg11[%dma_wait3A_80, %dma_wait3A_81] : memref<800x16xf32, #tpu.memory_space<vmem>> -> memref<800x16xf32, #tpu.memory_space<vmem>>
      %dma_wait3A_83 = arith.constant 0 : i32
      %dma_wait3A_84 = tpu.memref_slice %arg5[%add3A_17, %dma_wait3A_83] : memref<100096x16xf32, #tpu.memory_space<hbm>> -> memref<800x16xf32, #tpu.memory_space<hbm>>
      tpu.wait_dma2 semaphore(%run_scoped3A : memref<!tpu.dma_semaphore, #tpu.memory_space<semaphore_mem>>) src(%dma_wait3A_84 : memref<800x16xf32, #tpu.memory_space<hbm>>) dst(%dma_wait3A_82 : memref<800x16xf32, #tpu.memory_space<vmem>>)
      tpu.yield
    }) : () -> ()
    "tpu.region"() ({
      %run_scoped3A = tpu.sem_alloc : memref<!tpu.dma_semaphore, #tpu.memory_space<semaphore_mem>>
      %dma_start3A_65 = arith.constant 0 : i32
      %dma_start3A_66 = arith.constant 0 : i32
      %dma_start3A_67 = tpu.memref_slice %arg11[%dma_start3A_65, %dma_start3A_66] : memref<800x16xf32, #tpu.memory_space<vmem>> -> memref<800x16xf32, #tpu.memory_space<vmem>>
      %dma_start3A_68 = arith.constant 0 : i32
      %dma_start3A_69 = tpu.memref_slice %arg8[%add3A_17, %dma_start3A_68] : memref<100096x16xf32, #tpu.memory_space<vmem_shared>> -> memref<800x16xf32, #tpu.memory_space<vmem_shared>>
      %dma_start3A_70 = arith.constant 0 : i32
      %dma_start3A_71 = tpu.memref_slice %arg8[%add3A_17, %dma_start3A_70] : memref<100096x16xf32, #tpu.memory_space<vmem_shared>> -> memref<800x16xf32, #tpu.memory_space<vmem_shared>>
      %dma_start3A_72 = arith.constant 0 : i32
      %dma_start3A_73 = arith.constant 0 : i32
      %dma_start3A_74 = tpu.memref_slice %arg11[%dma_start3A_72, %dma_start3A_73] : memref<800x16xf32, #tpu.memory_space<vmem>> -> memref<800x16xf32, #tpu.memory_space<vmem>>
      tpu.enqueue_dma source(%dma_start3A_74 : memref<800x16xf32, #tpu.memory_space<vmem>>) target(%dma_start3A_71 : memref<800x16xf32, #tpu.memory_space<vmem_shared>>) target_semaphore(%run_scoped3A : memref<!tpu.dma_semaphore, #tpu.memory_space<semaphore_mem>>)
      %dma_wait3A_75 = arith.constant 0 : i32
      %dma_wait3A_76 = arith.constant 0 : i32
      %dma_wait3A_77 = tpu.memref_slice %arg11[%dma_wait3A_75, %dma_wait3A_76] : memref<800x16xf32, #tpu.memory_space<vmem>> -> memref<800x16xf32, #tpu.memory_space<vmem>>
      %dma_wait3A_78 = arith.constant 0 : i32
      %dma_wait3A_79 = tpu.memref_slice %arg8[%add3A_17, %dma_wait3A_78] : memref<100096x16xf32, #tpu.memory_space<vmem_shared>> -> memref<800x16xf32, #tpu.memory_space<vmem_shared>>
      %dma_wait3A_80 = arith.constant 0 : i32
      %dma_wait3A_81 = tpu.memref_slice %arg8[%add3A_17, %dma_wait3A_80] : memref<100096x16xf32, #tpu.memory_space<vmem_shared>> -> memref<800x16xf32, #tpu.memory_space<vmem_shared>>
      %dma_wait3A_82 = arith.constant 0 : i32
      %dma_wait3A_83 = arith.constant 0 : i32
      %dma_wait3A_84 = tpu.memref_slice %arg11[%dma_wait3A_82, %dma_wait3A_83] : memref<800x16xf32, #tpu.memory_space<vmem>> -> memref<800x16xf32, #tpu.memory_space<vmem>>
      tpu.wait_dma2 semaphore(%run_scoped3A : memref<!tpu.dma_semaphore, #tpu.memory_space<semaphore_mem>>) src(%dma_wait3A_84 : memref<800x16xf32, #tpu.memory_space<vmem>>) dst(%dma_wait3A_81 : memref<800x16xf32, #tpu.memory_space<vmem_shared>>)
      tpu.yield
    }) : () -> ()
    %mul3A_18 = arith.constant 6256 : i32
    %mul3A_19 = arith.muli %arg1, %mul3A_18 : i32
    %add3A_20 = arith.constant 4000 : i32
    %add3A_21 = arith.addi %mul3A_19, %add3A_20 : i32
    "tpu.region"() ({
      %run_scoped3A = tpu.sem_alloc : memref<!tpu.dma_semaphore, #tpu.memory_space<semaphore_mem>>
      %dma_start3A_65 = arith.constant 0 : i32
      %dma_start3A_66 = arith.constant 0 : i32
      %dma_start3A_67 = tpu.memref_slice %arg11[%dma_start3A_65, %dma_start3A_66] : memref<800x16xf32, #tpu.memory_space<vmem>> -> memref<800x16xf32, #tpu.memory_space<vmem>>
      %dma_start3A_68 = arith.constant 0 : i32
      %dma_start3A_69 = tpu.memref_slice %arg5[%add3A_21, %dma_start3A_68] : memref<100096x16xf32, #tpu.memory_space<hbm>> -> memref<800x16xf32, #tpu.memory_space<hbm>>
      %dma_start3A_70 = arith.constant 0 : i32
      %dma_start3A_71 = arith.constant 0 : i32
      %dma_start3A_72 = tpu.memref_slice %arg11[%dma_start3A_70, %dma_start3A_71] : memref<800x16xf32, #tpu.memory_space<vmem>> -> memref<800x16xf32, #tpu.memory_space<vmem>>
      %dma_start3A_73 = arith.constant 0 : i32
      %dma_start3A_74 = tpu.memref_slice %arg5[%add3A_21, %dma_start3A_73] : memref<100096x16xf32, #tpu.memory_space<hbm>> -> memref<800x16xf32, #tpu.memory_space<hbm>>
      tpu.enqueue_dma source(%dma_start3A_74 : memref<800x16xf32, #tpu.memory_space<hbm>>) target(%dma_start3A_72 : memref<800x16xf32, #tpu.memory_space<vmem>>) target_semaphore(%run_scoped3A : memref<!tpu.dma_semaphore, #tpu.memory_space<semaphore_mem>>)
      %dma_wait3A_75 = arith.constant 0 : i32
      %dma_wait3A_76 = arith.constant 0 : i32
      %dma_wait3A_77 = tpu.memref_slice %arg11[%dma_wait3A_75, %dma_wait3A_76] : memref<800x16xf32, #tpu.memory_space<vmem>> -> memref<800x16xf32, #tpu.memory_space<vmem>>
      %dma_wait3A_78 = arith.constant 0 : i32
      %dma_wait3A_79 = tpu.memref_slice %arg5[%add3A_21, %dma_wait3A_78] : memref<100096x16xf32, #tpu.memory_space<hbm>> -> memref<800x16xf32, #tpu.memory_space<hbm>>
      %dma_wait3A_80 = arith.constant 0 : i32
      %dma_wait3A_81 = arith.constant 0 : i32
      %dma_wait3A_82 = tpu.memref_slice %arg11[%dma_wait3A_80, %dma_wait3A_81] : memref<800x16xf32, #tpu.memory_space<vmem>> -> memref<800x16xf32, #tpu.memory_space<vmem>>
      %dma_wait3A_83 = arith.constant 0 : i32
      %dma_wait3A_84 = tpu.memref_slice %arg5[%add3A_21, %dma_wait3A_83] : memref<100096x16xf32, #tpu.memory_space<hbm>> -> memref<800x16xf32, #tpu.memory_space<hbm>>
      tpu.wait_dma2 semaphore(%run_scoped3A : memref<!tpu.dma_semaphore, #tpu.memory_space<semaphore_mem>>) src(%dma_wait3A_84 : memref<800x16xf32, #tpu.memory_space<hbm>>) dst(%dma_wait3A_82 : memref<800x16xf32, #tpu.memory_space<vmem>>)
      tpu.yield
    }) : () -> ()
    "tpu.region"() ({
      %run_scoped3A = tpu.sem_alloc : memref<!tpu.dma_semaphore, #tpu.memory_space<semaphore_mem>>
      %dma_start3A_65 = arith.constant 0 : i32
      %dma_start3A_66 = arith.constant 0 : i32
      %dma_start3A_67 = tpu.memref_slice %arg11[%dma_start3A_65, %dma_start3A_66] : memref<800x16xf32, #tpu.memory_space<vmem>> -> memref<800x16xf32, #tpu.memory_space<vmem>>
      %dma_start3A_68 = arith.constant 0 : i32
      %dma_start3A_69 = tpu.memref_slice %arg8[%add3A_21, %dma_start3A_68] : memref<100096x16xf32, #tpu.memory_space<vmem_shared>> -> memref<800x16xf32, #tpu.memory_space<vmem_shared>>
      %dma_start3A_70 = arith.constant 0 : i32
      %dma_start3A_71 = tpu.memref_slice %arg8[%add3A_21, %dma_start3A_70] : memref<100096x16xf32, #tpu.memory_space<vmem_shared>> -> memref<800x16xf32, #tpu.memory_space<vmem_shared>>
      %dma_start3A_72 = arith.constant 0 : i32
      %dma_start3A_73 = arith.constant 0 : i32
      %dma_start3A_74 = tpu.memref_slice %arg11[%dma_start3A_72, %dma_start3A_73] : memref<800x16xf32, #tpu.memory_space<vmem>> -> memref<800x16xf32, #tpu.memory_space<vmem>>
      tpu.enqueue_dma source(%dma_start3A_74 : memref<800x16xf32, #tpu.memory_space<vmem>>) target(%dma_start3A_71 : memref<800x16xf32, #tpu.memory_space<vmem_shared>>) target_semaphore(%run_scoped3A : memref<!tpu.dma_semaphore, #tpu.memory_space<semaphore_mem>>)
      %dma_wait3A_75 = arith.constant 0 : i32
      %dma_wait3A_76 = arith.constant 0 : i32
      %dma_wait3A_77 = tpu.memref_slice %arg11[%dma_wait3A_75, %dma_wait3A_76] : memref<800x16xf32, #tpu.memory_space<vmem>> -> memref<800x16xf32, #tpu.memory_space<vmem>>
      %dma_wait3A_78 = arith.constant 0 : i32
      %dma_wait3A_79 = tpu.memref_slice %arg8[%add3A_21, %dma_wait3A_78] : memref<100096x16xf32, #tpu.memory_space<vmem_shared>> -> memref<800x16xf32, #tpu.memory_space<vmem_shared>>
      %dma_wait3A_80 = arith.constant 0 : i32
      %dma_wait3A_81 = tpu.memref_slice %arg8[%add3A_21, %dma_wait3A_80] : memref<100096x16xf32, #tpu.memory_space<vmem_shared>> -> memref<800x16xf32, #tpu.memory_space<vmem_shared>>
      %dma_wait3A_82 = arith.constant 0 : i32
      %dma_wait3A_83 = arith.constant 0 : i32
      %dma_wait3A_84 = tpu.memref_slice %arg11[%dma_wait3A_82, %dma_wait3A_83] : memref<800x16xf32, #tpu.memory_space<vmem>> -> memref<800x16xf32, #tpu.memory_space<vmem>>
      tpu.wait_dma2 semaphore(%run_scoped3A : memref<!tpu.dma_semaphore, #tpu.memory_space<semaphore_mem>>) src(%dma_wait3A_84 : memref<800x16xf32, #tpu.memory_space<vmem>>) dst(%dma_wait3A_81 : memref<800x16xf32, #tpu.memory_space<vmem_shared>>)
      tpu.yield
    }) : () -> ()
    %mul3A_22 = arith.constant 6256 : i32
    %mul3A_23 = arith.muli %arg1, %mul3A_22 : i32
    %add3A_24 = arith.constant 4800 : i32
    %add3A_25 = arith.addi %mul3A_23, %add3A_24 : i32
    "tpu.region"() ({
      %run_scoped3A = tpu.sem_alloc : memref<!tpu.dma_semaphore, #tpu.memory_space<semaphore_mem>>
      %dma_start3A_65 = arith.constant 0 : i32
      %dma_start3A_66 = arith.constant 0 : i32
      %dma_start3A_67 = tpu.memref_slice %arg11[%dma_start3A_65, %dma_start3A_66] : memref<800x16xf32, #tpu.memory_space<vmem>> -> memref<800x16xf32, #tpu.memory_space<vmem>>
      %dma_start3A_68 = arith.constant 0 : i32
      %dma_start3A_69 = tpu.memref_slice %arg5[%add3A_25, %dma_start3A_68] : memref<100096x16xf32, #tpu.memory_space<hbm>> -> memref<800x16xf32, #tpu.memory_space<hbm>>
      %dma_start3A_70 = arith.constant 0 : i32
      %dma_start3A_71 = arith.constant 0 : i32
      %dma_start3A_72 = tpu.memref_slice %arg11[%dma_start3A_70, %dma_start3A_71] : memref<800x16xf32, #tpu.memory_space<vmem>> -> memref<800x16xf32, #tpu.memory_space<vmem>>
      %dma_start3A_73 = arith.constant 0 : i32
      %dma_start3A_74 = tpu.memref_slice %arg5[%add3A_25, %dma_start3A_73] : memref<100096x16xf32, #tpu.memory_space<hbm>> -> memref<800x16xf32, #tpu.memory_space<hbm>>
      tpu.enqueue_dma source(%dma_start3A_74 : memref<800x16xf32, #tpu.memory_space<hbm>>) target(%dma_start3A_72 : memref<800x16xf32, #tpu.memory_space<vmem>>) target_semaphore(%run_scoped3A : memref<!tpu.dma_semaphore, #tpu.memory_space<semaphore_mem>>)
      %dma_wait3A_75 = arith.constant 0 : i32
      %dma_wait3A_76 = arith.constant 0 : i32
      %dma_wait3A_77 = tpu.memref_slice %arg11[%dma_wait3A_75, %dma_wait3A_76] : memref<800x16xf32, #tpu.memory_space<vmem>> -> memref<800x16xf32, #tpu.memory_space<vmem>>
      %dma_wait3A_78 = arith.constant 0 : i32
      %dma_wait3A_79 = tpu.memref_slice %arg5[%add3A_25, %dma_wait3A_78] : memref<100096x16xf32, #tpu.memory_space<hbm>> -> memref<800x16xf32, #tpu.memory_space<hbm>>
      %dma_wait3A_80 = arith.constant 0 : i32
      %dma_wait3A_81 = arith.constant 0 : i32
      %dma_wait3A_82 = tpu.memref_slice %arg11[%dma_wait3A_80, %dma_wait3A_81] : memref<800x16xf32, #tpu.memory_space<vmem>> -> memref<800x16xf32, #tpu.memory_space<vmem>>
      %dma_wait3A_83 = arith.constant 0 : i32
      %dma_wait3A_84 = tpu.memref_slice %arg5[%add3A_25, %dma_wait3A_83] : memref<100096x16xf32, #tpu.memory_space<hbm>> -> memref<800x16xf32, #tpu.memory_space<hbm>>
      tpu.wait_dma2 semaphore(%run_scoped3A : memref<!tpu.dma_semaphore, #tpu.memory_space<semaphore_mem>>) src(%dma_wait3A_84 : memref<800x16xf32, #tpu.memory_space<hbm>>) dst(%dma_wait3A_82 : memref<800x16xf32, #tpu.memory_space<vmem>>)
      tpu.yield
    }) : () -> ()
    "tpu.region"() ({
      %run_scoped3A = tpu.sem_alloc : memref<!tpu.dma_semaphore, #tpu.memory_space<semaphore_mem>>
      %dma_start3A_65 = arith.constant 0 : i32
      %dma_start3A_66 = arith.constant 0 : i32
      %dma_start3A_67 = tpu.memref_slice %arg11[%dma_start3A_65, %dma_start3A_66] : memref<800x16xf32, #tpu.memory_space<vmem>> -> memref<800x16xf32, #tpu.memory_space<vmem>>
      %dma_start3A_68 = arith.constant 0 : i32
      %dma_start3A_69 = tpu.memref_slice %arg8[%add3A_25, %dma_start3A_68] : memref<100096x16xf32, #tpu.memory_space<vmem_shared>> -> memref<800x16xf32, #tpu.memory_space<vmem_shared>>
      %dma_start3A_70 = arith.constant 0 : i32
      %dma_start3A_71 = tpu.memref_slice %arg8[%add3A_25, %dma_start3A_70] : memref<100096x16xf32, #tpu.memory_space<vmem_shared>> -> memref<800x16xf32, #tpu.memory_space<vmem_shared>>
      %dma_start3A_72 = arith.constant 0 : i32
      %dma_start3A_73 = arith.constant 0 : i32
      %dma_start3A_74 = tpu.memref_slice %arg11[%dma_start3A_72, %dma_start3A_73] : memref<800x16xf32, #tpu.memory_space<vmem>> -> memref<800x16xf32, #tpu.memory_space<vmem>>
      tpu.enqueue_dma source(%dma_start3A_74 : memref<800x16xf32, #tpu.memory_space<vmem>>) target(%dma_start3A_71 : memref<800x16xf32, #tpu.memory_space<vmem_shared>>) target_semaphore(%run_scoped3A : memref<!tpu.dma_semaphore, #tpu.memory_space<semaphore_mem>>)
      %dma_wait3A_75 = arith.constant 0 : i32
      %dma_wait3A_76 = arith.constant 0 : i32
      %dma_wait3A_77 = tpu.memref_slice %arg11[%dma_wait3A_75, %dma_wait3A_76] : memref<800x16xf32, #tpu.memory_space<vmem>> -> memref<800x16xf32, #tpu.memory_space<vmem>>
      %dma_wait3A_78 = arith.constant 0 : i32
      %dma_wait3A_79 = tpu.memref_slice %arg8[%add3A_25, %dma_wait3A_78] : memref<100096x16xf32, #tpu.memory_space<vmem_shared>> -> memref<800x16xf32, #tpu.memory_space<vmem_shared>>
      %dma_wait3A_80 = arith.constant 0 : i32
      %dma_wait3A_81 = tpu.memref_slice %arg8[%add3A_25, %dma_wait3A_80] : memref<100096x16xf32, #tpu.memory_space<vmem_shared>> -> memref<800x16xf32, #tpu.memory_space<vmem_shared>>
      %dma_wait3A_82 = arith.constant 0 : i32
      %dma_wait3A_83 = arith.constant 0 : i32
      %dma_wait3A_84 = tpu.memref_slice %arg11[%dma_wait3A_82, %dma_wait3A_83] : memref<800x16xf32, #tpu.memory_space<vmem>> -> memref<800x16xf32, #tpu.memory_space<vmem>>
      tpu.wait_dma2 semaphore(%run_scoped3A : memref<!tpu.dma_semaphore, #tpu.memory_space<semaphore_mem>>) src(%dma_wait3A_84 : memref<800x16xf32, #tpu.memory_space<vmem>>) dst(%dma_wait3A_81 : memref<800x16xf32, #tpu.memory_space<vmem_shared>>)
      tpu.yield
    }) : () -> ()
    %mul3A_26 = arith.constant 6256 : i32
    %mul3A_27 = arith.muli %arg1, %mul3A_26 : i32
    %add3A_28 = arith.constant 5600 : i32
    %add3A_29 = arith.addi %mul3A_27, %add3A_28 : i32
    "tpu.region"() ({
      %run_scoped3A = tpu.sem_alloc : memref<!tpu.dma_semaphore, #tpu.memory_space<semaphore_mem>>
      %dma_start3A_65 = arith.constant 0 : i32
      %dma_start3A_66 = arith.constant 0 : i32
      %dma_start3A_67 = tpu.memref_slice %arg11[%dma_start3A_65, %dma_start3A_66] : memref<800x16xf32, #tpu.memory_space<vmem>> -> memref<656x16xf32, #tpu.memory_space<vmem>>
      %dma_start3A_68 = arith.constant 0 : i32
      %dma_start3A_69 = tpu.memref_slice %arg5[%add3A_29, %dma_start3A_68] : memref<100096x16xf32, #tpu.memory_space<hbm>> -> memref<656x16xf32, #tpu.memory_space<hbm>>
      %dma_start3A_70 = arith.constant 0 : i32
      %dma_start3A_71 = arith.constant 0 : i32
      %dma_start3A_72 = tpu.memref_slice %arg11[%dma_start3A_70, %dma_start3A_71] : memref<800x16xf32, #tpu.memory_space<vmem>> -> memref<656x16xf32, #tpu.memory_space<vmem>>
      %dma_start3A_73 = arith.constant 0 : i32
      %dma_start3A_74 = tpu.memref_slice %arg5[%add3A_29, %dma_start3A_73] : memref<100096x16xf32, #tpu.memory_space<hbm>> -> memref<656x16xf32, #tpu.memory_space<hbm>>
      tpu.enqueue_dma source(%dma_start3A_74 : memref<656x16xf32, #tpu.memory_space<hbm>>) target(%dma_start3A_72 : memref<656x16xf32, #tpu.memory_space<vmem>>) target_semaphore(%run_scoped3A : memref<!tpu.dma_semaphore, #tpu.memory_space<semaphore_mem>>)
      %dma_wait3A_75 = arith.constant 0 : i32
      %dma_wait3A_76 = arith.constant 0 : i32
      %dma_wait3A_77 = tpu.memref_slice %arg11[%dma_wait3A_75, %dma_wait3A_76] : memref<800x16xf32, #tpu.memory_space<vmem>> -> memref<656x16xf32, #tpu.memory_space<vmem>>
      %dma_wait3A_78 = arith.constant 0 : i32
      %dma_wait3A_79 = tpu.memref_slice %arg5[%add3A_29, %dma_wait3A_78] : memref<100096x16xf32, #tpu.memory_space<hbm>> -> memref<656x16xf32, #tpu.memory_space<hbm>>
      %dma_wait3A_80 = arith.constant 0 : i32
      %dma_wait3A_81 = arith.constant 0 : i32
      %dma_wait3A_82 = tpu.memref_slice %arg11[%dma_wait3A_80, %dma_wait3A_81] : memref<800x16xf32, #tpu.memory_space<vmem>> -> memref<656x16xf32, #tpu.memory_space<vmem>>
      %dma_wait3A_83 = arith.constant 0 : i32
      %dma_wait3A_84 = tpu.memref_slice %arg5[%add3A_29, %dma_wait3A_83] : memref<100096x16xf32, #tpu.memory_space<hbm>> -> memref<656x16xf32, #tpu.memory_space<hbm>>
      tpu.wait_dma2 semaphore(%run_scoped3A : memref<!tpu.dma_semaphore, #tpu.memory_space<semaphore_mem>>) src(%dma_wait3A_84 : memref<656x16xf32, #tpu.memory_space<hbm>>) dst(%dma_wait3A_82 : memref<656x16xf32, #tpu.memory_space<vmem>>)
      tpu.yield
    }) : () -> ()
    "tpu.region"() ({
      %run_scoped3A = tpu.sem_alloc : memref<!tpu.dma_semaphore, #tpu.memory_space<semaphore_mem>>
      %dma_start3A_65 = arith.constant 0 : i32
      %dma_start3A_66 = arith.constant 0 : i32
      %dma_start3A_67 = tpu.memref_slice %arg11[%dma_start3A_65, %dma_start3A_66] : memref<800x16xf32, #tpu.memory_space<vmem>> -> memref<656x16xf32, #tpu.memory_space<vmem>>
      %dma_start3A_68 = arith.constant 0 : i32
      %dma_start3A_69 = tpu.memref_slice %arg8[%add3A_29, %dma_start3A_68] : memref<100096x16xf32, #tpu.memory_space<vmem_shared>> -> memref<656x16xf32, #tpu.memory_space<vmem_shared>>
      %dma_start3A_70 = arith.constant 0 : i32
      %dma_start3A_71 = tpu.memref_slice %arg8[%add3A_29, %dma_start3A_70] : memref<100096x16xf32, #tpu.memory_space<vmem_shared>> -> memref<656x16xf32, #tpu.memory_space<vmem_shared>>
      %dma_start3A_72 = arith.constant 0 : i32
      %dma_start3A_73 = arith.constant 0 : i32
      %dma_start3A_74 = tpu.memref_slice %arg11[%dma_start3A_72, %dma_start3A_73] : memref<800x16xf32, #tpu.memory_space<vmem>> -> memref<656x16xf32, #tpu.memory_space<vmem>>
      tpu.enqueue_dma source(%dma_start3A_74 : memref<656x16xf32, #tpu.memory_space<vmem>>) target(%dma_start3A_71 : memref<656x16xf32, #tpu.memory_space<vmem_shared>>) target_semaphore(%run_scoped3A : memref<!tpu.dma_semaphore, #tpu.memory_space<semaphore_mem>>)
      %dma_wait3A_75 = arith.constant 0 : i32
      %dma_wait3A_76 = arith.constant 0 : i32
      %dma_wait3A_77 = tpu.memref_slice %arg11[%dma_wait3A_75, %dma_wait3A_76] : memref<800x16xf32, #tpu.memory_space<vmem>> -> memref<656x16xf32, #tpu.memory_space<vmem>>
      %dma_wait3A_78 = arith.constant 0 : i32
      %dma_wait3A_79 = tpu.memref_slice %arg8[%add3A_29, %dma_wait3A_78] : memref<100096x16xf32, #tpu.memory_space<vmem_shared>> -> memref<656x16xf32, #tpu.memory_space<vmem_shared>>
      %dma_wait3A_80 = arith.constant 0 : i32
      %dma_wait3A_81 = tpu.memref_slice %arg8[%add3A_29, %dma_wait3A_80] : memref<100096x16xf32, #tpu.memory_space<vmem_shared>> -> memref<656x16xf32, #tpu.memory_space<vmem_shared>>
      %dma_wait3A_82 = arith.constant 0 : i32
      %dma_wait3A_83 = arith.constant 0 : i32
      %dma_wait3A_84 = tpu.memref_slice %arg11[%dma_wait3A_82, %dma_wait3A_83] : memref<800x16xf32, #tpu.memory_space<vmem>> -> memref<656x16xf32, #tpu.memory_space<vmem>>
      tpu.wait_dma2 semaphore(%run_scoped3A : memref<!tpu.dma_semaphore, #tpu.memory_space<semaphore_mem>>) src(%dma_wait3A_84 : memref<656x16xf32, #tpu.memory_space<vmem>>) dst(%dma_wait3A_81 : memref<656x16xf32, #tpu.memory_space<vmem_shared>>)
      tpu.yield
    }) : () -> ()
    %barrier3A = arith.constant 0 : index
    tpu.barrier barrier_id(%barrier3A)
    %mul3A_30 = arith.constant 400000 : i32
    %mul3A_31 = arith.muli %arg1, %mul3A_30 : i32
    %mul3A_32 = arith.constant 6400000 : i32
    %mul3A_33 = arith.muli %arg0, %mul3A_32 : i32
    %add3A_34 = arith.addi %mul3A_33, %mul3A_31 : i32
    %dma_start3A = tpu.memref_slice %arg3[%add3A_34] : memref<12800000xi32, #tpu.memory_space<hbm>> -> memref<800xi32, #tpu.memory_space<hbm>>
    %dma_start3A_35 = tpu.memref_slice %arg3[%add3A_34] : memref<12800000xi32, #tpu.memory_space<hbm>> -> memref<800xi32, #tpu.memory_space<hbm>>
    tpu.enqueue_dma source(%dma_start3A_35 : memref<800xi32, #tpu.memory_space<hbm>>) target(%arg9 : memref<800xi32, #tpu.memory_space<vmem>>) target_semaphore(%arg15 : memref<!tpu.dma_semaphore, #tpu.memory_space<semaphore_mem>>)
    %dma_start3A_36 = tpu.memref_slice %arg4[%mul3A_31] : memref<6400000xi32, #tpu.memory_space<hbm>> -> memref<800xi32, #tpu.memory_space<hbm>>
    %dma_start3A_37 = tpu.memref_slice %arg4[%mul3A_31] : memref<6400000xi32, #tpu.memory_space<hbm>> -> memref<800xi32, #tpu.memory_space<hbm>>
    tpu.enqueue_dma source(%dma_start3A_37 : memref<800xi32, #tpu.memory_space<hbm>>) target(%arg10 : memref<800xi32, #tpu.memory_space<vmem>>) target_semaphore(%arg15 : memref<!tpu.dma_semaphore, #tpu.memory_space<semaphore_mem>>)
    %dma_wait3A = arith.constant 0 : i32
    %dma_wait3A_38 = tpu.memref_slice %arg3[%dma_wait3A] : memref<12800000xi32, #tpu.memory_space<hbm>> -> memref<800xi32, #tpu.memory_space<hbm>>
    %dma_wait3A_39 = arith.constant 0 : i32
    %dma_wait3A_40 = tpu.memref_slice %arg3[%dma_wait3A_39] : memref<12800000xi32, #tpu.memory_space<hbm>> -> memref<800xi32, #tpu.memory_space<hbm>>
    tpu.wait_dma2 semaphore(%arg15 : memref<!tpu.dma_semaphore, #tpu.memory_space<semaphore_mem>>) src(%dma_wait3A_40 : memref<800xi32, #tpu.memory_space<hbm>>) dst(%arg9 : memref<800xi32, #tpu.memory_space<vmem>>)
    %dma_start3A_41 = arith.constant 0 : i32
    %dma_start3A_42 = arith.constant 0 : i32
    %dma_start3A_43 = tpu.memref_slice %arg2[%dma_start3A_41, %dma_start3A_42] : memref<200000x16xf32, #tpu.memory_space<hbm>> -> memref<200000x16xf32, #tpu.memory_space<hbm>>
    tpu.enqueue_indirect_dma source(%dma_start3A_43 : memref<200000x16xf32, #tpu.memory_space<hbm>>) target(%arg11 : memref<800x16xf32, #tpu.memory_space<vmem>>) offsets(%arg9 : memref<800xi32, #tpu.memory_space<vmem>>) semaphore(%arg16 : memref<!tpu.dma_semaphore, #tpu.memory_space<semaphore_mem>>)
    %add3A_44 = arith.constant 800 : i32
    %add3A_45 = arith.addi %add3A_34, %add3A_44 : i32
    %dma_start3A_46 = tpu.memref_slice %arg3[%add3A_45] : memref<12800000xi32, #tpu.memory_space<hbm>> -> memref<800xi32, #tpu.memory_space<hbm>>
    %dma_start3A_47 = tpu.memref_slice %arg3[%add3A_45] : memref<12800000xi32, #tpu.memory_space<hbm>> -> memref<800xi32, #tpu.memory_space<hbm>>
    tpu.enqueue_dma source(%dma_start3A_47 : memref<800xi32, #tpu.memory_space<hbm>>) target(%arg12 : memref<800xi32, #tpu.memory_space<vmem>>) target_semaphore(%arg17 : memref<!tpu.dma_semaphore, #tpu.memory_space<semaphore_mem>>)
    %add3A_48 = arith.constant 800 : i32
    %add3A_49 = arith.addi %mul3A_31, %add3A_48 : i32
    %dma_start3A_50 = tpu.memref_slice %arg4[%add3A_49] : memref<6400000xi32, #tpu.memory_space<hbm>> -> memref<800xi32, #tpu.memory_space<hbm>>
    %dma_start3A_51 = tpu.memref_slice %arg4[%add3A_49] : memref<6400000xi32, #tpu.memory_space<hbm>> -> memref<800xi32, #tpu.memory_space<hbm>>
    tpu.enqueue_dma source(%dma_start3A_51 : memref<800xi32, #tpu.memory_space<hbm>>) target(%arg13 : memref<800xi32, #tpu.memory_space<vmem>>) target_semaphore(%arg17 : memref<!tpu.dma_semaphore, #tpu.memory_space<semaphore_mem>>)
    %scan3A = arith.constant 0 : i32
    %scan3A_52 = arith.constant 0 : i32
    %scan3A_53 = arith.constant 250 : i32
    %scan3A_54 = arith.addi %scan3A_52, %scan3A_53 : i32
    %scan3A_55 = arith.constant 1 : i32
    scf.for %scan3A_65 = %scan3A_52 to %scan3A_54 step %scan3A_55  : i32 {
      %mul3A_66 = arith.constant 2 : i32
      %mul3A_67 = arith.muli %mul3A_66, %scan3A_65 : i32
      %add3A_68 = arith.constant 0 : i32
      %add3A_69 = arith.addi %mul3A_67, %add3A_68 : i32
      %dma_wait3A_70 = arith.constant 0 : i32
      %dma_wait3A_71 = arith.constant 0 : i32
      %dma_wait3A_72 = tpu.memref_slice %arg2[%dma_wait3A_70, %dma_wait3A_71] : memref<200000x16xf32, #tpu.memory_space<hbm>> -> memref<200000x16xf32, #tpu.memory_space<hbm>>
      tpu.wait_indirect_dma semaphore(%arg16 : memref<!tpu.dma_semaphore, #tpu.memory_space<semaphore_mem>>) src(%dma_wait3A_72 : memref<200000x16xf32, #tpu.memory_space<hbm>>) dst(%arg11 : memref<800x16xf32, #tpu.memory_space<vmem>>)
      %add3A_73 = arith.constant 1 : i32
      %add3A_74 = arith.addi %add3A_69, %add3A_73 : i32
      %lt3A = arith.constant 500 : i32
      %lt3A_75 = arith.cmpi slt, %add3A_74, %lt3A : i32
      %convert_element_type3A_76 = arith.extui %lt3A_75 : i1 to i32
      %cond3A_77 = arith.constant 0 : i32
      %cond3A_78 = arith.cmpi ne, %convert_element_type3A_76, %cond3A_77 : i32
      scf.if %cond3A_78 {
        %dma_wait3A_115 = arith.constant 0 : i32
        %dma_wait3A_116 = tpu.memref_slice %arg3[%dma_wait3A_115] : memref<12800000xi32, #tpu.memory_space<hbm>> -> memref<800xi32, #tpu.memory_space<hbm>>
        %dma_wait3A_117 = arith.constant 0 : i32
        %dma_wait3A_118 = tpu.memref_slice %arg3[%dma_wait3A_117] : memref<12800000xi32, #tpu.memory_space<hbm>> -> memref<800xi32, #tpu.memory_space<hbm>>
        tpu.wait_dma2 semaphore(%arg17 : memref<!tpu.dma_semaphore, #tpu.memory_space<semaphore_mem>>) src(%dma_wait3A_118 : memref<800xi32, #tpu.memory_space<hbm>>) dst(%arg12 : memref<800xi32, #tpu.memory_space<vmem>>)
        %dma_start3A_119 = arith.constant 0 : i32
        %dma_start3A_120 = arith.constant 0 : i32
        %dma_start3A_121 = tpu.memref_slice %arg2[%dma_start3A_119, %dma_start3A_120] : memref<200000x16xf32, #tpu.memory_space<hbm>> -> memref<200000x16xf32, #tpu.memory_space<hbm>>
        tpu.enqueue_indirect_dma source(%dma_start3A_121 : memref<200000x16xf32, #tpu.memory_space<hbm>>) target(%arg14 : memref<800x16xf32, #tpu.memory_space<vmem>>) offsets(%arg12 : memref<800xi32, #tpu.memory_space<vmem>>) semaphore(%arg18 : memref<!tpu.dma_semaphore, #tpu.memory_space<semaphore_mem>>)
      } else {
      }
      %dma_wait3A_79 = arith.constant 0 : i32
      %dma_wait3A_80 = tpu.memref_slice %arg4[%dma_wait3A_79] : memref<6400000xi32, #tpu.memory_space<hbm>> -> memref<800xi32, #tpu.memory_space<hbm>>
      %dma_wait3A_81 = arith.constant 0 : i32
      %dma_wait3A_82 = tpu.memref_slice %arg4[%dma_wait3A_81] : memref<6400000xi32, #tpu.memory_space<hbm>> -> memref<800xi32, #tpu.memory_space<hbm>>
      tpu.wait_dma2 semaphore(%arg15 : memref<!tpu.dma_semaphore, #tpu.memory_space<semaphore_mem>>) src(%dma_wait3A_82 : memref<800xi32, #tpu.memory_space<hbm>>) dst(%arg10 : memref<800xi32, #tpu.memory_space<vmem>>)
      "tpu.region"() ({
        %run_scoped3A = tpu.sem_alloc : memref<!tpu.dma_semaphore, #tpu.memory_space<semaphore_mem>>
        %dma_start3A_115 = arith.constant 0 : i32
        %dma_start3A_116 = arith.constant 0 : i32
        %dma_start3A_117 = tpu.memref_slice %arg8[%dma_start3A_115, %dma_start3A_116] : memref<100096x16xf32, #tpu.memory_space<vmem_shared>> -> memref<100096x16xf32, #tpu.memory_space<vmem_shared>>
        tpu.enqueue_indirect_dma source(%arg11 : memref<800x16xf32, #tpu.memory_space<vmem>>) target(%dma_start3A_117 : memref<100096x16xf32, #tpu.memory_space<vmem_shared>>) offsets(%arg10 : memref<800xi32, #tpu.memory_space<vmem>>) semaphore(%run_scoped3A : memref<!tpu.dma_semaphore, #tpu.memory_space<semaphore_mem>>) {add = true}
        %dma_wait3A_118 = arith.constant 0 : i32
        %dma_wait3A_119 = arith.constant 0 : i32
        %dma_wait3A_120 = tpu.memref_slice %arg8[%dma_wait3A_118, %dma_wait3A_119] : memref<100096x16xf32, #tpu.memory_space<vmem_shared>> -> memref<100096x16xf32, #tpu.memory_space<vmem_shared>>
        tpu.wait_indirect_dma semaphore(%run_scoped3A : memref<!tpu.dma_semaphore, #tpu.memory_space<semaphore_mem>>) src(%arg11 : memref<800x16xf32, #tpu.memory_space<vmem>>) dst(%dma_wait3A_120 : memref<100096x16xf32, #tpu.memory_space<vmem_shared>>)
        tpu.yield
      }) : () -> ()
      %add3A_83 = arith.constant 2 : i32
      %add3A_84 = arith.addi %add3A_69, %add3A_83 : i32
      %lt3A_85 = arith.constant 500 : i32
      %lt3A_86 = arith.cmpi slt, %add3A_84, %lt3A_85 : i32
      %convert_element_type3A_87 = arith.extui %lt3A_86 : i1 to i32
      %cond3A_88 = arith.constant 0 : i32
      %cond3A_89 = arith.cmpi ne, %convert_element_type3A_87, %cond3A_88 : i32
      scf.if %cond3A_89 {
        %add3A_115 = arith.constant 2 : i32
        %add3A_116 = arith.addi %add3A_69, %add3A_115 : i32
        %mul3A_117 = arith.constant 800 : i32
        %mul3A_118 = arith.muli %add3A_116, %mul3A_117 : i32
        %add3A_119 = arith.addi %add3A_34, %mul3A_118 : i32
        %dma_start3A_120 = tpu.memref_slice %arg3[%add3A_119] : memref<12800000xi32, #tpu.memory_space<hbm>> -> memref<800xi32, #tpu.memory_space<hbm>>
        %dma_start3A_121 = tpu.memref_slice %arg3[%add3A_119] : memref<12800000xi32, #tpu.memory_space<hbm>> -> memref<800xi32, #tpu.memory_space<hbm>>
        tpu.enqueue_dma source(%dma_start3A_121 : memref<800xi32, #tpu.memory_space<hbm>>) target(%arg9 : memref<800xi32, #tpu.memory_space<vmem>>) target_semaphore(%arg15 : memref<!tpu.dma_semaphore, #tpu.memory_space<semaphore_mem>>)
        %add3A_122 = arith.addi %mul3A_31, %mul3A_118 : i32
        %dma_start3A_123 = tpu.memref_slice %arg4[%add3A_122] : memref<6400000xi32, #tpu.memory_space<hbm>> -> memref<800xi32, #tpu.memory_space<hbm>>
        %dma_start3A_124 = tpu.memref_slice %arg4[%add3A_122] : memref<6400000xi32, #tpu.memory_space<hbm>> -> memref<800xi32, #tpu.memory_space<hbm>>
        tpu.enqueue_dma source(%dma_start3A_124 : memref<800xi32, #tpu.memory_space<hbm>>) target(%arg10 : memref<800xi32, #tpu.memory_space<vmem>>) target_semaphore(%arg15 : memref<!tpu.dma_semaphore, #tpu.memory_space<semaphore_mem>>)
      } else {
      }
      %mul3A_90 = arith.constant 2 : i32
      %mul3A_91 = arith.muli %mul3A_90, %scan3A_65 : i32
      %add3A_92 = arith.constant 1 : i32
      %add3A_93 = arith.addi %mul3A_91, %add3A_92 : i32
      %dma_wait3A_94 = arith.constant 0 : i32
      %dma_wait3A_95 = arith.constant 0 : i32
      %dma_wait3A_96 = tpu.memref_slice %arg2[%dma_wait3A_94, %dma_wait3A_95] : memref<200000x16xf32, #tpu.memory_space<hbm>> -> memref<200000x16xf32, #tpu.memory_space<hbm>>
      tpu.wait_indirect_dma semaphore(%arg18 : memref<!tpu.dma_semaphore, #tpu.memory_space<semaphore_mem>>) src(%dma_wait3A_96 : memref<200000x16xf32, #tpu.memory_space<hbm>>) dst(%arg14 : memref<800x16xf32, #tpu.memory_space<vmem>>)
      %add3A_97 = arith.constant 1 : i32
      %add3A_98 = arith.addi %add3A_93, %add3A_97 : i32
      %lt3A_99 = arith.constant 500 : i32
      %lt3A_100 = arith.cmpi slt, %add3A_98, %lt3A_99 : i32
      %convert_element_type3A_101 = arith.extui %lt3A_100 : i1 to i32
      %cond3A_102 = arith.constant 0 : i32
      %cond3A_103 = arith.cmpi ne, %convert_element_type3A_101, %cond3A_102 : i32
      scf.if %cond3A_103 {
        %dma_wait3A_115 = arith.constant 0 : i32
        %dma_wait3A_116 = tpu.memref_slice %arg3[%dma_wait3A_115] : memref<12800000xi32, #tpu.memory_space<hbm>> -> memref<800xi32, #tpu.memory_space<hbm>>
        %dma_wait3A_117 = arith.constant 0 : i32
        %dma_wait3A_118 = tpu.memref_slice %arg3[%dma_wait3A_117] : memref<12800000xi32, #tpu.memory_space<hbm>> -> memref<800xi32, #tpu.memory_space<hbm>>
        tpu.wait_dma2 semaphore(%arg15 : memref<!tpu.dma_semaphore, #tpu.memory_space<semaphore_mem>>) src(%dma_wait3A_118 : memref<800xi32, #tpu.memory_space<hbm>>) dst(%arg9 : memref<800xi32, #tpu.memory_space<vmem>>)
        %dma_start3A_119 = arith.constant 0 : i32
        %dma_start3A_120 = arith.constant 0 : i32
        %dma_start3A_121 = tpu.memref_slice %arg2[%dma_start3A_119, %dma_start3A_120] : memref<200000x16xf32, #tpu.memory_space<hbm>> -> memref<200000x16xf32, #tpu.memory_space<hbm>>
        tpu.enqueue_indirect_dma source(%dma_start3A_121 : memref<200000x16xf32, #tpu.memory_space<hbm>>) target(%arg11 : memref<800x16xf32, #tpu.memory_space<vmem>>) offsets(%arg9 : memref<800xi32, #tpu.memory_space<vmem>>) semaphore(%arg16 : memref<!tpu.dma_semaphore, #tpu.memory_space<semaphore_mem>>)
      } else {
      }
      %dma_wait3A_104 = arith.constant 0 : i32
      %dma_wait3A_105 = tpu.memref_slice %arg4[%dma_wait3A_104] : memref<6400000xi32, #tpu.memory_space<hbm>> -> memref<800xi32, #tpu.memory_space<hbm>>
      %dma_wait3A_106 = arith.constant 0 : i32
      %dma_wait3A_107 = tpu.memref_slice %arg4[%dma_wait3A_106] : memref<6400000xi32, #tpu.memory_space<hbm>> -> memref<800xi32, #tpu.memory_space<hbm>>
      tpu.wait_dma2 semaphore(%arg17 : memref<!tpu.dma_semaphore, #tpu.memory_space<semaphore_mem>>) src(%dma_wait3A_107 : memref<800xi32, #tpu.memory_space<hbm>>) dst(%arg13 : memref<800xi32, #tpu.memory_space<vmem>>)
      "tpu.region"() ({
        %run_scoped3A = tpu.sem_alloc : memref<!tpu.dma_semaphore, #tpu.memory_space<semaphore_mem>>
        %dma_start3A_115 = arith.constant 0 : i32
        %dma_start3A_116 = arith.constant 0 : i32
        %dma_start3A_117 = tpu.memref_slice %arg8[%dma_start3A_115, %dma_start3A_116] : memref<100096x16xf32, #tpu.memory_space<vmem_shared>> -> memref<100096x16xf32, #tpu.memory_space<vmem_shared>>
        tpu.enqueue_indirect_dma source(%arg14 : memref<800x16xf32, #tpu.memory_space<vmem>>) target(%dma_start3A_117 : memref<100096x16xf32, #tpu.memory_space<vmem_shared>>) offsets(%arg13 : memref<800xi32, #tpu.memory_space<vmem>>) semaphore(%run_scoped3A : memref<!tpu.dma_semaphore, #tpu.memory_space<semaphore_mem>>) {add = true}
        %dma_wait3A_118 = arith.constant 0 : i32
        %dma_wait3A_119 = arith.constant 0 : i32
        %dma_wait3A_120 = tpu.memref_slice %arg8[%dma_wait3A_118, %dma_wait3A_119] : memref<100096x16xf32, #tpu.memory_space<vmem_shared>> -> memref<100096x16xf32, #tpu.memory_space<vmem_shared>>
        tpu.wait_indirect_dma semaphore(%run_scoped3A : memref<!tpu.dma_semaphore, #tpu.memory_space<semaphore_mem>>) src(%arg14 : memref<800x16xf32, #tpu.memory_space<vmem>>) dst(%dma_wait3A_120 : memref<100096x16xf32, #tpu.memory_space<vmem_shared>>)
        tpu.yield
      }) : () -> ()
      %add3A_108 = arith.constant 2 : i32
      %add3A_109 = arith.addi %add3A_93, %add3A_108 : i32
      %lt3A_110 = arith.constant 500 : i32
      %lt3A_111 = arith.cmpi slt, %add3A_109, %lt3A_110 : i32
      %convert_element_type3A_112 = arith.extui %lt3A_111 : i1 to i32
      %cond3A_113 = arith.constant 0 : i32
      %cond3A_114 = arith.cmpi ne, %convert_element_type3A_112, %cond3A_113 : i32
      scf.if %cond3A_114 {
        %add3A_115 = arith.constant 2 : i32
        %add3A_116 = arith.addi %add3A_93, %add3A_115 : i32
        %mul3A_117 = arith.constant 800 : i32
        %mul3A_118 = arith.muli %add3A_116, %mul3A_117 : i32
        %add3A_119 = arith.addi %add3A_34, %mul3A_118 : i32
        %dma_start3A_120 = tpu.memref_slice %arg3[%add3A_119] : memref<12800000xi32, #tpu.memory_space<hbm>> -> memref<800xi32, #tpu.memory_space<hbm>>
        %dma_start3A_121 = tpu.memref_slice %arg3[%add3A_119] : memref<12800000xi32, #tpu.memory_space<hbm>> -> memref<800xi32, #tpu.memory_space<hbm>>
        tpu.enqueue_dma source(%dma_start3A_121 : memref<800xi32, #tpu.memory_space<hbm>>) target(%arg12 : memref<800xi32, #tpu.memory_space<vmem>>) target_semaphore(%arg17 : memref<!tpu.dma_semaphore, #tpu.memory_space<semaphore_mem>>)
        %add3A_122 = arith.addi %mul3A_31, %mul3A_118 : i32
        %dma_start3A_123 = tpu.memref_slice %arg4[%add3A_122] : memref<6400000xi32, #tpu.memory_space<hbm>> -> memref<800xi32, #tpu.memory_space<hbm>>
        %dma_start3A_124 = tpu.memref_slice %arg4[%add3A_122] : memref<6400000xi32, #tpu.memory_space<hbm>> -> memref<800xi32, #tpu.memory_space<hbm>>
        tpu.enqueue_dma source(%dma_start3A_124 : memref<800xi32, #tpu.memory_space<hbm>>) target(%arg13 : memref<800xi32, #tpu.memory_space<vmem>>) target_semaphore(%arg17 : memref<!tpu.dma_semaphore, #tpu.memory_space<semaphore_mem>>)
      } else {
      }
    }
    %scan3A_56 = arith.constant 250 : i32
    %barrier3A_57 = arith.constant 0 : index
    tpu.barrier barrier_id(%barrier3A_57)
    %eq3A = arith.constant 0 : i32
    %eq3A_58 = arith.cmpi eq, %arg0, %eq3A : i32
    %convert_element_type3A = arith.extui %eq3A_58 : i1 to i32
    %cond3A = arith.constant 0 : i32
    %cond3A_59 = arith.cmpi ne, %convert_element_type3A, %cond3A : i32
    scf.if %cond3A_59 {
      %mul3A_65 = arith.constant 6256 : i32
      %mul3A_66 = arith.muli %arg1, %mul3A_65 : i32
      %add3A_67 = arith.constant 0 : i32
      %add3A_68 = arith.addi %mul3A_66, %add3A_67 : i32
      "tpu.region"() ({
        %run_scoped3A = tpu.sem_alloc : memref<!tpu.dma_semaphore, #tpu.memory_space<semaphore_mem>>
        %dma_start3A_97 = arith.constant 0 : i32
        %dma_start3A_98 = arith.constant 0 : i32
        %dma_start3A_99 = tpu.memref_slice %arg11[%dma_start3A_97, %dma_start3A_98] : memref<800x16xf32, #tpu.memory_space<vmem>> -> memref<800x16xf32, #tpu.memory_space<vmem>>
        %dma_start3A_100 = arith.constant 0 : i32
        %dma_start3A_101 = tpu.memref_slice %arg8[%add3A_68, %dma_start3A_100] : memref<100096x16xf32, #tpu.memory_space<vmem_shared>> -> memref<800x16xf32, #tpu.memory_space<vmem_shared>>
        %dma_start3A_102 = arith.constant 0 : i32
        %dma_start3A_103 = arith.constant 0 : i32
        %dma_start3A_104 = tpu.memref_slice %arg11[%dma_start3A_102, %dma_start3A_103] : memref<800x16xf32, #tpu.memory_space<vmem>> -> memref<800x16xf32, #tpu.memory_space<vmem>>
        %dma_start3A_105 = arith.constant 0 : i32
        %dma_start3A_106 = tpu.memref_slice %arg8[%add3A_68, %dma_start3A_105] : memref<100096x16xf32, #tpu.memory_space<vmem_shared>> -> memref<800x16xf32, #tpu.memory_space<vmem_shared>>
        tpu.enqueue_dma source(%dma_start3A_106 : memref<800x16xf32, #tpu.memory_space<vmem_shared>>) target(%dma_start3A_104 : memref<800x16xf32, #tpu.memory_space<vmem>>) target_semaphore(%run_scoped3A : memref<!tpu.dma_semaphore, #tpu.memory_space<semaphore_mem>>)
        %dma_wait3A_107 = arith.constant 0 : i32
        %dma_wait3A_108 = arith.constant 0 : i32
        %dma_wait3A_109 = tpu.memref_slice %arg11[%dma_wait3A_107, %dma_wait3A_108] : memref<800x16xf32, #tpu.memory_space<vmem>> -> memref<800x16xf32, #tpu.memory_space<vmem>>
        %dma_wait3A_110 = arith.constant 0 : i32
        %dma_wait3A_111 = tpu.memref_slice %arg8[%add3A_68, %dma_wait3A_110] : memref<100096x16xf32, #tpu.memory_space<vmem_shared>> -> memref<800x16xf32, #tpu.memory_space<vmem_shared>>
        %dma_wait3A_112 = arith.constant 0 : i32
        %dma_wait3A_113 = arith.constant 0 : i32
        %dma_wait3A_114 = tpu.memref_slice %arg11[%dma_wait3A_112, %dma_wait3A_113] : memref<800x16xf32, #tpu.memory_space<vmem>> -> memref<800x16xf32, #tpu.memory_space<vmem>>
        %dma_wait3A_115 = arith.constant 0 : i32
        %dma_wait3A_116 = tpu.memref_slice %arg8[%add3A_68, %dma_wait3A_115] : memref<100096x16xf32, #tpu.memory_space<vmem_shared>> -> memref<800x16xf32, #tpu.memory_space<vmem_shared>>
        tpu.wait_dma2 semaphore(%run_scoped3A : memref<!tpu.dma_semaphore, #tpu.memory_space<semaphore_mem>>) src(%dma_wait3A_116 : memref<800x16xf32, #tpu.memory_space<vmem_shared>>) dst(%dma_wait3A_114 : memref<800x16xf32, #tpu.memory_space<vmem>>)
        tpu.yield
      }) : () -> ()
      "tpu.region"() ({
        %run_scoped3A = tpu.sem_alloc : memref<!tpu.dma_semaphore, #tpu.memory_space<semaphore_mem>>
        %dma_start3A_97 = arith.constant 0 : i32
        %dma_start3A_98 = arith.constant 0 : i32
        %dma_start3A_99 = tpu.memref_slice %arg11[%dma_start3A_97, %dma_start3A_98] : memref<800x16xf32, #tpu.memory_space<vmem>> -> memref<800x16xf32, #tpu.memory_space<vmem>>
        %dma_start3A_100 = arith.constant 0 : i32
        %dma_start3A_101 = tpu.memref_slice %arg6[%add3A_68, %dma_start3A_100] : memref<100096x16xf32, #tpu.memory_space<hbm>> -> memref<800x16xf32, #tpu.memory_space<hbm>>
        %dma_start3A_102 = arith.constant 0 : i32
        %dma_start3A_103 = tpu.memref_slice %arg6[%add3A_68, %dma_start3A_102] : memref<100096x16xf32, #tpu.memory_space<hbm>> -> memref<800x16xf32, #tpu.memory_space<hbm>>
        %dma_start3A_104 = arith.constant 0 : i32
        %dma_start3A_105 = arith.constant 0 : i32
        %dma_start3A_106 = tpu.memref_slice %arg11[%dma_start3A_104, %dma_start3A_105] : memref<800x16xf32, #tpu.memory_space<vmem>> -> memref<800x16xf32, #tpu.memory_space<vmem>>
        tpu.enqueue_dma source(%dma_start3A_106 : memref<800x16xf32, #tpu.memory_space<vmem>>) target(%dma_start3A_103 : memref<800x16xf32, #tpu.memory_space<hbm>>) target_semaphore(%run_scoped3A : memref<!tpu.dma_semaphore, #tpu.memory_space<semaphore_mem>>)
        %dma_wait3A_107 = arith.constant 0 : i32
        %dma_wait3A_108 = arith.constant 0 : i32
        %dma_wait3A_109 = tpu.memref_slice %arg11[%dma_wait3A_107, %dma_wait3A_108] : memref<800x16xf32, #tpu.memory_space<vmem>> -> memref<800x16xf32, #tpu.memory_space<vmem>>
        %dma_wait3A_110 = arith.constant 0 : i32
        %dma_wait3A_111 = tpu.memref_slice %arg6[%add3A_68, %dma_wait3A_110] : memref<100096x16xf32, #tpu.memory_space<hbm>> -> memref<800x16xf32, #tpu.memory_space<hbm>>
        %dma_wait3A_112 = arith.constant 0 : i32
        %dma_wait3A_113 = tpu.memref_slice %arg6[%add3A_68, %dma_wait3A_112] : memref<100096x16xf32, #tpu.memory_space<hbm>> -> memref<800x16xf32, #tpu.memory_space<hbm>>
        %dma_wait3A_114 = arith.constant 0 : i32
        %dma_wait3A_115 = arith.constant 0 : i32
        %dma_wait3A_116 = tpu.memref_slice %arg11[%dma_wait3A_114, %dma_wait3A_115] : memref<800x16xf32, #tpu.memory_space<vmem>> -> memref<800x16xf32, #tpu.memory_space<vmem>>
        tpu.wait_dma2 semaphore(%run_scoped3A : memref<!tpu.dma_semaphore, #tpu.memory_space<semaphore_mem>>) src(%dma_wait3A_116 : memref<800x16xf32, #tpu.memory_space<vmem>>) dst(%dma_wait3A_113 : memref<800x16xf32, #tpu.memory_space<hbm>>)
        tpu.yield
      }) : () -> ()
      %mul3A_69 = arith.constant 6256 : i32
      %mul3A_70 = arith.muli %arg1, %mul3A_69 : i32
      %add3A_71 = arith.constant 800 : i32
      %add3A_72 = arith.addi %mul3A_70, %add3A_71 : i32
      "tpu.region"() ({
        %run_scoped3A = tpu.sem_alloc : memref<!tpu.dma_semaphore, #tpu.memory_space<semaphore_mem>>
        %dma_start3A_97 = arith.constant 0 : i32
        %dma_start3A_98 = arith.constant 0 : i32
        %dma_start3A_99 = tpu.memref_slice %arg11[%dma_start3A_97, %dma_start3A_98] : memref<800x16xf32, #tpu.memory_space<vmem>> -> memref<800x16xf32, #tpu.memory_space<vmem>>
        %dma_start3A_100 = arith.constant 0 : i32
        %dma_start3A_101 = tpu.memref_slice %arg8[%add3A_72, %dma_start3A_100] : memref<100096x16xf32, #tpu.memory_space<vmem_shared>> -> memref<800x16xf32, #tpu.memory_space<vmem_shared>>
        %dma_start3A_102 = arith.constant 0 : i32
        %dma_start3A_103 = arith.constant 0 : i32
        %dma_start3A_104 = tpu.memref_slice %arg11[%dma_start3A_102, %dma_start3A_103] : memref<800x16xf32, #tpu.memory_space<vmem>> -> memref<800x16xf32, #tpu.memory_space<vmem>>
        %dma_start3A_105 = arith.constant 0 : i32
        %dma_start3A_106 = tpu.memref_slice %arg8[%add3A_72, %dma_start3A_105] : memref<100096x16xf32, #tpu.memory_space<vmem_shared>> -> memref<800x16xf32, #tpu.memory_space<vmem_shared>>
        tpu.enqueue_dma source(%dma_start3A_106 : memref<800x16xf32, #tpu.memory_space<vmem_shared>>) target(%dma_start3A_104 : memref<800x16xf32, #tpu.memory_space<vmem>>) target_semaphore(%run_scoped3A : memref<!tpu.dma_semaphore, #tpu.memory_space<semaphore_mem>>)
        %dma_wait3A_107 = arith.constant 0 : i32
        %dma_wait3A_108 = arith.constant 0 : i32
        %dma_wait3A_109 = tpu.memref_slice %arg11[%dma_wait3A_107, %dma_wait3A_108] : memref<800x16xf32, #tpu.memory_space<vmem>> -> memref<800x16xf32, #tpu.memory_space<vmem>>
        %dma_wait3A_110 = arith.constant 0 : i32
        %dma_wait3A_111 = tpu.memref_slice %arg8[%add3A_72, %dma_wait3A_110] : memref<100096x16xf32, #tpu.memory_space<vmem_shared>> -> memref<800x16xf32, #tpu.memory_space<vmem_shared>>
        %dma_wait3A_112 = arith.constant 0 : i32
        %dma_wait3A_113 = arith.constant 0 : i32
        %dma_wait3A_114 = tpu.memref_slice %arg11[%dma_wait3A_112, %dma_wait3A_113] : memref<800x16xf32, #tpu.memory_space<vmem>> -> memref<800x16xf32, #tpu.memory_space<vmem>>
        %dma_wait3A_115 = arith.constant 0 : i32
        %dma_wait3A_116 = tpu.memref_slice %arg8[%add3A_72, %dma_wait3A_115] : memref<100096x16xf32, #tpu.memory_space<vmem_shared>> -> memref<800x16xf32, #tpu.memory_space<vmem_shared>>
        tpu.wait_dma2 semaphore(%run_scoped3A : memref<!tpu.dma_semaphore, #tpu.memory_space<semaphore_mem>>) src(%dma_wait3A_116 : memref<800x16xf32, #tpu.memory_space<vmem_shared>>) dst(%dma_wait3A_114 : memref<800x16xf32, #tpu.memory_space<vmem>>)
        tpu.yield
      }) : () -> ()
      "tpu.region"() ({
        %run_scoped3A = tpu.sem_alloc : memref<!tpu.dma_semaphore, #tpu.memory_space<semaphore_mem>>
        %dma_start3A_97 = arith.constant 0 : i32
        %dma_start3A_98 = arith.constant 0 : i32
        %dma_start3A_99 = tpu.memref_slice %arg11[%dma_start3A_97, %dma_start3A_98] : memref<800x16xf32, #tpu.memory_space<vmem>> -> memref<800x16xf32, #tpu.memory_space<vmem>>
        %dma_start3A_100 = arith.constant 0 : i32
        %dma_start3A_101 = tpu.memref_slice %arg6[%add3A_72, %dma_start3A_100] : memref<100096x16xf32, #tpu.memory_space<hbm>> -> memref<800x16xf32, #tpu.memory_space<hbm>>
        %dma_start3A_102 = arith.constant 0 : i32
        %dma_start3A_103 = tpu.memref_slice %arg6[%add3A_72, %dma_start3A_102] : memref<100096x16xf32, #tpu.memory_space<hbm>> -> memref<800x16xf32, #tpu.memory_space<hbm>>
        %dma_start3A_104 = arith.constant 0 : i32
        %dma_start3A_105 = arith.constant 0 : i32
        %dma_start3A_106 = tpu.memref_slice %arg11[%dma_start3A_104, %dma_start3A_105] : memref<800x16xf32, #tpu.memory_space<vmem>> -> memref<800x16xf32, #tpu.memory_space<vmem>>
        tpu.enqueue_dma source(%dma_start3A_106 : memref<800x16xf32, #tpu.memory_space<vmem>>) target(%dma_start3A_103 : memref<800x16xf32, #tpu.memory_space<hbm>>) target_semaphore(%run_scoped3A : memref<!tpu.dma_semaphore, #tpu.memory_space<semaphore_mem>>)
        %dma_wait3A_107 = arith.constant 0 : i32
        %dma_wait3A_108 = arith.constant 0 : i32
        %dma_wait3A_109 = tpu.memref_slice %arg11[%dma_wait3A_107, %dma_wait3A_108] : memref<800x16xf32, #tpu.memory_space<vmem>> -> memref<800x16xf32, #tpu.memory_space<vmem>>
        %dma_wait3A_110 = arith.constant 0 : i32
        %dma_wait3A_111 = tpu.memref_slice %arg6[%add3A_72, %dma_wait3A_110] : memref<100096x16xf32, #tpu.memory_space<hbm>> -> memref<800x16xf32, #tpu.memory_space<hbm>>
        %dma_wait3A_112 = arith.constant 0 : i32
        %dma_wait3A_113 = tpu.memref_slice %arg6[%add3A_72, %dma_wait3A_112] : memref<100096x16xf32, #tpu.memory_space<hbm>> -> memref<800x16xf32, #tpu.memory_space<hbm>>
        %dma_wait3A_114 = arith.constant 0 : i32
        %dma_wait3A_115 = arith.constant 0 : i32
        %dma_wait3A_116 = tpu.memref_slice %arg11[%dma_wait3A_114, %dma_wait3A_115] : memref<800x16xf32, #tpu.memory_space<vmem>> -> memref<800x16xf32, #tpu.memory_space<vmem>>
        tpu.wait_dma2 semaphore(%run_scoped3A : memref<!tpu.dma_semaphore, #tpu.memory_space<semaphore_mem>>) src(%dma_wait3A_116 : memref<800x16xf32, #tpu.memory_space<vmem>>) dst(%dma_wait3A_113 : memref<800x16xf32, #tpu.memory_space<hbm>>)
        tpu.yield
      }) : () -> ()
      %mul3A_73 = arith.constant 6256 : i32
      %mul3A_74 = arith.muli %arg1, %mul3A_73 : i32
      %add3A_75 = arith.constant 1600 : i32
      %add3A_76 = arith.addi %mul3A_74, %add3A_75 : i32
      "tpu.region"() ({
        %run_scoped3A = tpu.sem_alloc : memref<!tpu.dma_semaphore, #tpu.memory_space<semaphore_mem>>
        %dma_start3A_97 = arith.constant 0 : i32
        %dma_start3A_98 = arith.constant 0 : i32
        %dma_start3A_99 = tpu.memref_slice %arg11[%dma_start3A_97, %dma_start3A_98] : memref<800x16xf32, #tpu.memory_space<vmem>> -> memref<800x16xf32, #tpu.memory_space<vmem>>
        %dma_start3A_100 = arith.constant 0 : i32
        %dma_start3A_101 = tpu.memref_slice %arg8[%add3A_76, %dma_start3A_100] : memref<100096x16xf32, #tpu.memory_space<vmem_shared>> -> memref<800x16xf32, #tpu.memory_space<vmem_shared>>
        %dma_start3A_102 = arith.constant 0 : i32
        %dma_start3A_103 = arith.constant 0 : i32
        %dma_start3A_104 = tpu.memref_slice %arg11[%dma_start3A_102, %dma_start3A_103] : memref<800x16xf32, #tpu.memory_space<vmem>> -> memref<800x16xf32, #tpu.memory_space<vmem>>
        %dma_start3A_105 = arith.constant 0 : i32
        %dma_start3A_106 = tpu.memref_slice %arg8[%add3A_76, %dma_start3A_105] : memref<100096x16xf32, #tpu.memory_space<vmem_shared>> -> memref<800x16xf32, #tpu.memory_space<vmem_shared>>
        tpu.enqueue_dma source(%dma_start3A_106 : memref<800x16xf32, #tpu.memory_space<vmem_shared>>) target(%dma_start3A_104 : memref<800x16xf32, #tpu.memory_space<vmem>>) target_semaphore(%run_scoped3A : memref<!tpu.dma_semaphore, #tpu.memory_space<semaphore_mem>>)
        %dma_wait3A_107 = arith.constant 0 : i32
        %dma_wait3A_108 = arith.constant 0 : i32
        %dma_wait3A_109 = tpu.memref_slice %arg11[%dma_wait3A_107, %dma_wait3A_108] : memref<800x16xf32, #tpu.memory_space<vmem>> -> memref<800x16xf32, #tpu.memory_space<vmem>>
        %dma_wait3A_110 = arith.constant 0 : i32
        %dma_wait3A_111 = tpu.memref_slice %arg8[%add3A_76, %dma_wait3A_110] : memref<100096x16xf32, #tpu.memory_space<vmem_shared>> -> memref<800x16xf32, #tpu.memory_space<vmem_shared>>
        %dma_wait3A_112 = arith.constant 0 : i32
        %dma_wait3A_113 = arith.constant 0 : i32
        %dma_wait3A_114 = tpu.memref_slice %arg11[%dma_wait3A_112, %dma_wait3A_113] : memref<800x16xf32, #tpu.memory_space<vmem>> -> memref<800x16xf32, #tpu.memory_space<vmem>>
        %dma_wait3A_115 = arith.constant 0 : i32
        %dma_wait3A_116 = tpu.memref_slice %arg8[%add3A_76, %dma_wait3A_115] : memref<100096x16xf32, #tpu.memory_space<vmem_shared>> -> memref<800x16xf32, #tpu.memory_space<vmem_shared>>
        tpu.wait_dma2 semaphore(%run_scoped3A : memref<!tpu.dma_semaphore, #tpu.memory_space<semaphore_mem>>) src(%dma_wait3A_116 : memref<800x16xf32, #tpu.memory_space<vmem_shared>>) dst(%dma_wait3A_114 : memref<800x16xf32, #tpu.memory_space<vmem>>)
        tpu.yield
      }) : () -> ()
      "tpu.region"() ({
        %run_scoped3A = tpu.sem_alloc : memref<!tpu.dma_semaphore, #tpu.memory_space<semaphore_mem>>
        %dma_start3A_97 = arith.constant 0 : i32
        %dma_start3A_98 = arith.constant 0 : i32
        %dma_start3A_99 = tpu.memref_slice %arg11[%dma_start3A_97, %dma_start3A_98] : memref<800x16xf32, #tpu.memory_space<vmem>> -> memref<800x16xf32, #tpu.memory_space<vmem>>
        %dma_start3A_100 = arith.constant 0 : i32
        %dma_start3A_101 = tpu.memref_slice %arg6[%add3A_76, %dma_start3A_100] : memref<100096x16xf32, #tpu.memory_space<hbm>> -> memref<800x16xf32, #tpu.memory_space<hbm>>
        %dma_start3A_102 = arith.constant 0 : i32
        %dma_start3A_103 = tpu.memref_slice %arg6[%add3A_76, %dma_start3A_102] : memref<100096x16xf32, #tpu.memory_space<hbm>> -> memref<800x16xf32, #tpu.memory_space<hbm>>
        %dma_start3A_104 = arith.constant 0 : i32
        %dma_start3A_105 = arith.constant 0 : i32
        %dma_start3A_106 = tpu.memref_slice %arg11[%dma_start3A_104, %dma_start3A_105] : memref<800x16xf32, #tpu.memory_space<vmem>> -> memref<800x16xf32, #tpu.memory_space<vmem>>
        tpu.enqueue_dma source(%dma_start3A_106 : memref<800x16xf32, #tpu.memory_space<vmem>>) target(%dma_start3A_103 : memref<800x16xf32, #tpu.memory_space<hbm>>) target_semaphore(%run_scoped3A : memref<!tpu.dma_semaphore, #tpu.memory_space<semaphore_mem>>)
        %dma_wait3A_107 = arith.constant 0 : i32
        %dma_wait3A_108 = arith.constant 0 : i32
        %dma_wait3A_109 = tpu.memref_slice %arg11[%dma_wait3A_107, %dma_wait3A_108] : memref<800x16xf32, #tpu.memory_space<vmem>> -> memref<800x16xf32, #tpu.memory_space<vmem>>
        %dma_wait3A_110 = arith.constant 0 : i32
        %dma_wait3A_111 = tpu.memref_slice %arg6[%add3A_76, %dma_wait3A_110] : memref<100096x16xf32, #tpu.memory_space<hbm>> -> memref<800x16xf32, #tpu.memory_space<hbm>>
        %dma_wait3A_112 = arith.constant 0 : i32
        %dma_wait3A_113 = tpu.memref_slice %arg6[%add3A_76, %dma_wait3A_112] : memref<100096x16xf32, #tpu.memory_space<hbm>> -> memref<800x16xf32, #tpu.memory_space<hbm>>
        %dma_wait3A_114 = arith.constant 0 : i32
        %dma_wait3A_115 = arith.constant 0 : i32
        %dma_wait3A_116 = tpu.memref_slice %arg11[%dma_wait3A_114, %dma_wait3A_115] : memref<800x16xf32, #tpu.memory_space<vmem>> -> memref<800x16xf32, #tpu.memory_space<vmem>>
        tpu.wait_dma2 semaphore(%run_scoped3A : memref<!tpu.dma_semaphore, #tpu.memory_space<semaphore_mem>>) src(%dma_wait3A_116 : memref<800x16xf32, #tpu.memory_space<vmem>>) dst(%dma_wait3A_113 : memref<800x16xf32, #tpu.memory_space<hbm>>)
        tpu.yield
      }) : () -> ()
      %mul3A_77 = arith.constant 6256 : i32
      %mul3A_78 = arith.muli %arg1, %mul3A_77 : i32
      %add3A_79 = arith.constant 2400 : i32
      %add3A_80 = arith.addi %mul3A_78, %add3A_79 : i32
      "tpu.region"() ({
        %run_scoped3A = tpu.sem_alloc : memref<!tpu.dma_semaphore, #tpu.memory_space<semaphore_mem>>
        %dma_start3A_97 = arith.constant 0 : i32
        %dma_start3A_98 = arith.constant 0 : i32
        %dma_start3A_99 = tpu.memref_slice %arg11[%dma_start3A_97, %dma_start3A_98] : memref<800x16xf32, #tpu.memory_space<vmem>> -> memref<800x16xf32, #tpu.memory_space<vmem>>
        %dma_start3A_100 = arith.constant 0 : i32
        %dma_start3A_101 = tpu.memref_slice %arg8[%add3A_80, %dma_start3A_100] : memref<100096x16xf32, #tpu.memory_space<vmem_shared>> -> memref<800x16xf32, #tpu.memory_space<vmem_shared>>
        %dma_start3A_102 = arith.constant 0 : i32
        %dma_start3A_103 = arith.constant 0 : i32
        %dma_start3A_104 = tpu.memref_slice %arg11[%dma_start3A_102, %dma_start3A_103] : memref<800x16xf32, #tpu.memory_space<vmem>> -> memref<800x16xf32, #tpu.memory_space<vmem>>
        %dma_start3A_105 = arith.constant 0 : i32
        %dma_start3A_106 = tpu.memref_slice %arg8[%add3A_80, %dma_start3A_105] : memref<100096x16xf32, #tpu.memory_space<vmem_shared>> -> memref<800x16xf32, #tpu.memory_space<vmem_shared>>
        tpu.enqueue_dma source(%dma_start3A_106 : memref<800x16xf32, #tpu.memory_space<vmem_shared>>) target(%dma_start3A_104 : memref<800x16xf32, #tpu.memory_space<vmem>>) target_semaphore(%run_scoped3A : memref<!tpu.dma_semaphore, #tpu.memory_space<semaphore_mem>>)
        %dma_wait3A_107 = arith.constant 0 : i32
        %dma_wait3A_108 = arith.constant 0 : i32
        %dma_wait3A_109 = tpu.memref_slice %arg11[%dma_wait3A_107, %dma_wait3A_108] : memref<800x16xf32, #tpu.memory_space<vmem>> -> memref<800x16xf32, #tpu.memory_space<vmem>>
        %dma_wait3A_110 = arith.constant 0 : i32
        %dma_wait3A_111 = tpu.memref_slice %arg8[%add3A_80, %dma_wait3A_110] : memref<100096x16xf32, #tpu.memory_space<vmem_shared>> -> memref<800x16xf32, #tpu.memory_space<vmem_shared>>
        %dma_wait3A_112 = arith.constant 0 : i32
        %dma_wait3A_113 = arith.constant 0 : i32
        %dma_wait3A_114 = tpu.memref_slice %arg11[%dma_wait3A_112, %dma_wait3A_113] : memref<800x16xf32, #tpu.memory_space<vmem>> -> memref<800x16xf32, #tpu.memory_space<vmem>>
        %dma_wait3A_115 = arith.constant 0 : i32
        %dma_wait3A_116 = tpu.memref_slice %arg8[%add3A_80, %dma_wait3A_115] : memref<100096x16xf32, #tpu.memory_space<vmem_shared>> -> memref<800x16xf32, #tpu.memory_space<vmem_shared>>
        tpu.wait_dma2 semaphore(%run_scoped3A : memref<!tpu.dma_semaphore, #tpu.memory_space<semaphore_mem>>) src(%dma_wait3A_116 : memref<800x16xf32, #tpu.memory_space<vmem_shared>>) dst(%dma_wait3A_114 : memref<800x16xf32, #tpu.memory_space<vmem>>)
        tpu.yield
      }) : () -> ()
      "tpu.region"() ({
        %run_scoped3A = tpu.sem_alloc : memref<!tpu.dma_semaphore, #tpu.memory_space<semaphore_mem>>
        %dma_start3A_97 = arith.constant 0 : i32
        %dma_start3A_98 = arith.constant 0 : i32
        %dma_start3A_99 = tpu.memref_slice %arg11[%dma_start3A_97, %dma_start3A_98] : memref<800x16xf32, #tpu.memory_space<vmem>> -> memref<800x16xf32, #tpu.memory_space<vmem>>
        %dma_start3A_100 = arith.constant 0 : i32
        %dma_start3A_101 = tpu.memref_slice %arg6[%add3A_80, %dma_start3A_100] : memref<100096x16xf32, #tpu.memory_space<hbm>> -> memref<800x16xf32, #tpu.memory_space<hbm>>
        %dma_start3A_102 = arith.constant 0 : i32
        %dma_start3A_103 = tpu.memref_slice %arg6[%add3A_80, %dma_start3A_102] : memref<100096x16xf32, #tpu.memory_space<hbm>> -> memref<800x16xf32, #tpu.memory_space<hbm>>
        %dma_start3A_104 = arith.constant 0 : i32
        %dma_start3A_105 = arith.constant 0 : i32
        %dma_start3A_106 = tpu.memref_slice %arg11[%dma_start3A_104, %dma_start3A_105] : memref<800x16xf32, #tpu.memory_space<vmem>> -> memref<800x16xf32, #tpu.memory_space<vmem>>
        tpu.enqueue_dma source(%dma_start3A_106 : memref<800x16xf32, #tpu.memory_space<vmem>>) target(%dma_start3A_103 : memref<800x16xf32, #tpu.memory_space<hbm>>) target_semaphore(%run_scoped3A : memref<!tpu.dma_semaphore, #tpu.memory_space<semaphore_mem>>)
        %dma_wait3A_107 = arith.constant 0 : i32
        %dma_wait3A_108 = arith.constant 0 : i32
        %dma_wait3A_109 = tpu.memref_slice %arg11[%dma_wait3A_107, %dma_wait3A_108] : memref<800x16xf32, #tpu.memory_space<vmem>> -> memref<800x16xf32, #tpu.memory_space<vmem>>
        %dma_wait3A_110 = arith.constant 0 : i32
        %dma_wait3A_111 = tpu.memref_slice %arg6[%add3A_80, %dma_wait3A_110] : memref<100096x16xf32, #tpu.memory_space<hbm>> -> memref<800x16xf32, #tpu.memory_space<hbm>>
        %dma_wait3A_112 = arith.constant 0 : i32
        %dma_wait3A_113 = tpu.memref_slice %arg6[%add3A_80, %dma_wait3A_112] : memref<100096x16xf32, #tpu.memory_space<hbm>> -> memref<800x16xf32, #tpu.memory_space<hbm>>
        %dma_wait3A_114 = arith.constant 0 : i32
        %dma_wait3A_115 = arith.constant 0 : i32
        %dma_wait3A_116 = tpu.memref_slice %arg11[%dma_wait3A_114, %dma_wait3A_115] : memref<800x16xf32, #tpu.memory_space<vmem>> -> memref<800x16xf32, #tpu.memory_space<vmem>>
        tpu.wait_dma2 semaphore(%run_scoped3A : memref<!tpu.dma_semaphore, #tpu.memory_space<semaphore_mem>>) src(%dma_wait3A_116 : memref<800x16xf32, #tpu.memory_space<vmem>>) dst(%dma_wait3A_113 : memref<800x16xf32, #tpu.memory_space<hbm>>)
        tpu.yield
      }) : () -> ()
      %mul3A_81 = arith.constant 6256 : i32
      %mul3A_82 = arith.muli %arg1, %mul3A_81 : i32
      %add3A_83 = arith.constant 3200 : i32
      %add3A_84 = arith.addi %mul3A_82, %add3A_83 : i32
      "tpu.region"() ({
        %run_scoped3A = tpu.sem_alloc : memref<!tpu.dma_semaphore, #tpu.memory_space<semaphore_mem>>
        %dma_start3A_97 = arith.constant 0 : i32
        %dma_start3A_98 = arith.constant 0 : i32
        %dma_start3A_99 = tpu.memref_slice %arg11[%dma_start3A_97, %dma_start3A_98] : memref<800x16xf32, #tpu.memory_space<vmem>> -> memref<800x16xf32, #tpu.memory_space<vmem>>
        %dma_start3A_100 = arith.constant 0 : i32
        %dma_start3A_101 = tpu.memref_slice %arg8[%add3A_84, %dma_start3A_100] : memref<100096x16xf32, #tpu.memory_space<vmem_shared>> -> memref<800x16xf32, #tpu.memory_space<vmem_shared>>
        %dma_start3A_102 = arith.constant 0 : i32
        %dma_start3A_103 = arith.constant 0 : i32
        %dma_start3A_104 = tpu.memref_slice %arg11[%dma_start3A_102, %dma_start3A_103] : memref<800x16xf32, #tpu.memory_space<vmem>> -> memref<800x16xf32, #tpu.memory_space<vmem>>
        %dma_start3A_105 = arith.constant 0 : i32
        %dma_start3A_106 = tpu.memref_slice %arg8[%add3A_84, %dma_start3A_105] : memref<100096x16xf32, #tpu.memory_space<vmem_shared>> -> memref<800x16xf32, #tpu.memory_space<vmem_shared>>
        tpu.enqueue_dma source(%dma_start3A_106 : memref<800x16xf32, #tpu.memory_space<vmem_shared>>) target(%dma_start3A_104 : memref<800x16xf32, #tpu.memory_space<vmem>>) target_semaphore(%run_scoped3A : memref<!tpu.dma_semaphore, #tpu.memory_space<semaphore_mem>>)
        %dma_wait3A_107 = arith.constant 0 : i32
        %dma_wait3A_108 = arith.constant 0 : i32
        %dma_wait3A_109 = tpu.memref_slice %arg11[%dma_wait3A_107, %dma_wait3A_108] : memref<800x16xf32, #tpu.memory_space<vmem>> -> memref<800x16xf32, #tpu.memory_space<vmem>>
        %dma_wait3A_110 = arith.constant 0 : i32
        %dma_wait3A_111 = tpu.memref_slice %arg8[%add3A_84, %dma_wait3A_110] : memref<100096x16xf32, #tpu.memory_space<vmem_shared>> -> memref<800x16xf32, #tpu.memory_space<vmem_shared>>
        %dma_wait3A_112 = arith.constant 0 : i32
        %dma_wait3A_113 = arith.constant 0 : i32
        %dma_wait3A_114 = tpu.memref_slice %arg11[%dma_wait3A_112, %dma_wait3A_113] : memref<800x16xf32, #tpu.memory_space<vmem>> -> memref<800x16xf32, #tpu.memory_space<vmem>>
        %dma_wait3A_115 = arith.constant 0 : i32
        %dma_wait3A_116 = tpu.memref_slice %arg8[%add3A_84, %dma_wait3A_115] : memref<100096x16xf32, #tpu.memory_space<vmem_shared>> -> memref<800x16xf32, #tpu.memory_space<vmem_shared>>
        tpu.wait_dma2 semaphore(%run_scoped3A : memref<!tpu.dma_semaphore, #tpu.memory_space<semaphore_mem>>) src(%dma_wait3A_116 : memref<800x16xf32, #tpu.memory_space<vmem_shared>>) dst(%dma_wait3A_114 : memref<800x16xf32, #tpu.memory_space<vmem>>)
        tpu.yield
      }) : () -> ()
      "tpu.region"() ({
        %run_scoped3A = tpu.sem_alloc : memref<!tpu.dma_semaphore, #tpu.memory_space<semaphore_mem>>
        %dma_start3A_97 = arith.constant 0 : i32
        %dma_start3A_98 = arith.constant 0 : i32
        %dma_start3A_99 = tpu.memref_slice %arg11[%dma_start3A_97, %dma_start3A_98] : memref<800x16xf32, #tpu.memory_space<vmem>> -> memref<800x16xf32, #tpu.memory_space<vmem>>
        %dma_start3A_100 = arith.constant 0 : i32
        %dma_start3A_101 = tpu.memref_slice %arg6[%add3A_84, %dma_start3A_100] : memref<100096x16xf32, #tpu.memory_space<hbm>> -> memref<800x16xf32, #tpu.memory_space<hbm>>
        %dma_start3A_102 = arith.constant 0 : i32
        %dma_start3A_103 = tpu.memref_slice %arg6[%add3A_84, %dma_start3A_102] : memref<100096x16xf32, #tpu.memory_space<hbm>> -> memref<800x16xf32, #tpu.memory_space<hbm>>
        %dma_start3A_104 = arith.constant 0 : i32
        %dma_start3A_105 = arith.constant 0 : i32
        %dma_start3A_106 = tpu.memref_slice %arg11[%dma_start3A_104, %dma_start3A_105] : memref<800x16xf32, #tpu.memory_space<vmem>> -> memref<800x16xf32, #tpu.memory_space<vmem>>
        tpu.enqueue_dma source(%dma_start3A_106 : memref<800x16xf32, #tpu.memory_space<vmem>>) target(%dma_start3A_103 : memref<800x16xf32, #tpu.memory_space<hbm>>) target_semaphore(%run_scoped3A : memref<!tpu.dma_semaphore, #tpu.memory_space<semaphore_mem>>)
        %dma_wait3A_107 = arith.constant 0 : i32
        %dma_wait3A_108 = arith.constant 0 : i32
        %dma_wait3A_109 = tpu.memref_slice %arg11[%dma_wait3A_107, %dma_wait3A_108] : memref<800x16xf32, #tpu.memory_space<vmem>> -> memref<800x16xf32, #tpu.memory_space<vmem>>
        %dma_wait3A_110 = arith.constant 0 : i32
        %dma_wait3A_111 = tpu.memref_slice %arg6[%add3A_84, %dma_wait3A_110] : memref<100096x16xf32, #tpu.memory_space<hbm>> -> memref<800x16xf32, #tpu.memory_space<hbm>>
        %dma_wait3A_112 = arith.constant 0 : i32
        %dma_wait3A_113 = tpu.memref_slice %arg6[%add3A_84, %dma_wait3A_112] : memref<100096x16xf32, #tpu.memory_space<hbm>> -> memref<800x16xf32, #tpu.memory_space<hbm>>
        %dma_wait3A_114 = arith.constant 0 : i32
        %dma_wait3A_115 = arith.constant 0 : i32
        %dma_wait3A_116 = tpu.memref_slice %arg11[%dma_wait3A_114, %dma_wait3A_115] : memref<800x16xf32, #tpu.memory_space<vmem>> -> memref<800x16xf32, #tpu.memory_space<vmem>>
        tpu.wait_dma2 semaphore(%run_scoped3A : memref<!tpu.dma_semaphore, #tpu.memory_space<semaphore_mem>>) src(%dma_wait3A_116 : memref<800x16xf32, #tpu.memory_space<vmem>>) dst(%dma_wait3A_113 : memref<800x16xf32, #tpu.memory_space<hbm>>)
        tpu.yield
      }) : () -> ()
      %mul3A_85 = arith.constant 6256 : i32
      %mul3A_86 = arith.muli %arg1, %mul3A_85 : i32
      %add3A_87 = arith.constant 4000 : i32
      %add3A_88 = arith.addi %mul3A_86, %add3A_87 : i32
      "tpu.region"() ({
        %run_scoped3A = tpu.sem_alloc : memref<!tpu.dma_semaphore, #tpu.memory_space<semaphore_mem>>
        %dma_start3A_97 = arith.constant 0 : i32
        %dma_start3A_98 = arith.constant 0 : i32
        %dma_start3A_99 = tpu.memref_slice %arg11[%dma_start3A_97, %dma_start3A_98] : memref<800x16xf32, #tpu.memory_space<vmem>> -> memref<800x16xf32, #tpu.memory_space<vmem>>
        %dma_start3A_100 = arith.constant 0 : i32
        %dma_start3A_101 = tpu.memref_slice %arg8[%add3A_88, %dma_start3A_100] : memref<100096x16xf32, #tpu.memory_space<vmem_shared>> -> memref<800x16xf32, #tpu.memory_space<vmem_shared>>
        %dma_start3A_102 = arith.constant 0 : i32
        %dma_start3A_103 = arith.constant 0 : i32
        %dma_start3A_104 = tpu.memref_slice %arg11[%dma_start3A_102, %dma_start3A_103] : memref<800x16xf32, #tpu.memory_space<vmem>> -> memref<800x16xf32, #tpu.memory_space<vmem>>
        %dma_start3A_105 = arith.constant 0 : i32
        %dma_start3A_106 = tpu.memref_slice %arg8[%add3A_88, %dma_start3A_105] : memref<100096x16xf32, #tpu.memory_space<vmem_shared>> -> memref<800x16xf32, #tpu.memory_space<vmem_shared>>
        tpu.enqueue_dma source(%dma_start3A_106 : memref<800x16xf32, #tpu.memory_space<vmem_shared>>) target(%dma_start3A_104 : memref<800x16xf32, #tpu.memory_space<vmem>>) target_semaphore(%run_scoped3A : memref<!tpu.dma_semaphore, #tpu.memory_space<semaphore_mem>>)
        %dma_wait3A_107 = arith.constant 0 : i32
        %dma_wait3A_108 = arith.constant 0 : i32
        %dma_wait3A_109 = tpu.memref_slice %arg11[%dma_wait3A_107, %dma_wait3A_108] : memref<800x16xf32, #tpu.memory_space<vmem>> -> memref<800x16xf32, #tpu.memory_space<vmem>>
        %dma_wait3A_110 = arith.constant 0 : i32
        %dma_wait3A_111 = tpu.memref_slice %arg8[%add3A_88, %dma_wait3A_110] : memref<100096x16xf32, #tpu.memory_space<vmem_shared>> -> memref<800x16xf32, #tpu.memory_space<vmem_shared>>
        %dma_wait3A_112 = arith.constant 0 : i32
        %dma_wait3A_113 = arith.constant 0 : i32
        %dma_wait3A_114 = tpu.memref_slice %arg11[%dma_wait3A_112, %dma_wait3A_113] : memref<800x16xf32, #tpu.memory_space<vmem>> -> memref<800x16xf32, #tpu.memory_space<vmem>>
        %dma_wait3A_115 = arith.constant 0 : i32
        %dma_wait3A_116 = tpu.memref_slice %arg8[%add3A_88, %dma_wait3A_115] : memref<100096x16xf32, #tpu.memory_space<vmem_shared>> -> memref<800x16xf32, #tpu.memory_space<vmem_shared>>
        tpu.wait_dma2 semaphore(%run_scoped3A : memref<!tpu.dma_semaphore, #tpu.memory_space<semaphore_mem>>) src(%dma_wait3A_116 : memref<800x16xf32, #tpu.memory_space<vmem_shared>>) dst(%dma_wait3A_114 : memref<800x16xf32, #tpu.memory_space<vmem>>)
        tpu.yield
      }) : () -> ()
      "tpu.region"() ({
        %run_scoped3A = tpu.sem_alloc : memref<!tpu.dma_semaphore, #tpu.memory_space<semaphore_mem>>
        %dma_start3A_97 = arith.constant 0 : i32
        %dma_start3A_98 = arith.constant 0 : i32
        %dma_start3A_99 = tpu.memref_slice %arg11[%dma_start3A_97, %dma_start3A_98] : memref<800x16xf32, #tpu.memory_space<vmem>> -> memref<800x16xf32, #tpu.memory_space<vmem>>
        %dma_start3A_100 = arith.constant 0 : i32
        %dma_start3A_101 = tpu.memref_slice %arg6[%add3A_88, %dma_start3A_100] : memref<100096x16xf32, #tpu.memory_space<hbm>> -> memref<800x16xf32, #tpu.memory_space<hbm>>
        %dma_start3A_102 = arith.constant 0 : i32
        %dma_start3A_103 = tpu.memref_slice %arg6[%add3A_88, %dma_start3A_102] : memref<100096x16xf32, #tpu.memory_space<hbm>> -> memref<800x16xf32, #tpu.memory_space<hbm>>
        %dma_start3A_104 = arith.constant 0 : i32
        %dma_start3A_105 = arith.constant 0 : i32
        %dma_start3A_106 = tpu.memref_slice %arg11[%dma_start3A_104, %dma_start3A_105] : memref<800x16xf32, #tpu.memory_space<vmem>> -> memref<800x16xf32, #tpu.memory_space<vmem>>
        tpu.enqueue_dma source(%dma_start3A_106 : memref<800x16xf32, #tpu.memory_space<vmem>>) target(%dma_start3A_103 : memref<800x16xf32, #tpu.memory_space<hbm>>) target_semaphore(%run_scoped3A : memref<!tpu.dma_semaphore, #tpu.memory_space<semaphore_mem>>)
        %dma_wait3A_107 = arith.constant 0 : i32
        %dma_wait3A_108 = arith.constant 0 : i32
        %dma_wait3A_109 = tpu.memref_slice %arg11[%dma_wait3A_107, %dma_wait3A_108] : memref<800x16xf32, #tpu.memory_space<vmem>> -> memref<800x16xf32, #tpu.memory_space<vmem>>
        %dma_wait3A_110 = arith.constant 0 : i32
        %dma_wait3A_111 = tpu.memref_slice %arg6[%add3A_88, %dma_wait3A_110] : memref<100096x16xf32, #tpu.memory_space<hbm>> -> memref<800x16xf32, #tpu.memory_space<hbm>>
        %dma_wait3A_112 = arith.constant 0 : i32
        %dma_wait3A_113 = tpu.memref_slice %arg6[%add3A_88, %dma_wait3A_112] : memref<100096x16xf32, #tpu.memory_space<hbm>> -> memref<800x16xf32, #tpu.memory_space<hbm>>
        %dma_wait3A_114 = arith.constant 0 : i32
        %dma_wait3A_115 = arith.constant 0 : i32
        %dma_wait3A_116 = tpu.memref_slice %arg11[%dma_wait3A_114, %dma_wait3A_115] : memref<800x16xf32, #tpu.memory_space<vmem>> -> memref<800x16xf32, #tpu.memory_space<vmem>>
        tpu.wait_dma2 semaphore(%run_scoped3A : memref<!tpu.dma_semaphore, #tpu.memory_space<semaphore_mem>>) src(%dma_wait3A_116 : memref<800x16xf32, #tpu.memory_space<vmem>>) dst(%dma_wait3A_113 : memref<800x16xf32, #tpu.memory_space<hbm>>)
        tpu.yield
      }) : () -> ()
      %mul3A_89 = arith.constant 6256 : i32
      %mul3A_90 = arith.muli %arg1, %mul3A_89 : i32
      %add3A_91 = arith.constant 4800 : i32
      %add3A_92 = arith.addi %mul3A_90, %add3A_91 : i32
      "tpu.region"() ({
        %run_scoped3A = tpu.sem_alloc : memref<!tpu.dma_semaphore, #tpu.memory_space<semaphore_mem>>
        %dma_start3A_97 = arith.constant 0 : i32
        %dma_start3A_98 = arith.constant 0 : i32
        %dma_start3A_99 = tpu.memref_slice %arg11[%dma_start3A_97, %dma_start3A_98] : memref<800x16xf32, #tpu.memory_space<vmem>> -> memref<800x16xf32, #tpu.memory_space<vmem>>
        %dma_start3A_100 = arith.constant 0 : i32
        %dma_start3A_101 = tpu.memref_slice %arg8[%add3A_92, %dma_start3A_100] : memref<100096x16xf32, #tpu.memory_space<vmem_shared>> -> memref<800x16xf32, #tpu.memory_space<vmem_shared>>
        %dma_start3A_102 = arith.constant 0 : i32
        %dma_start3A_103 = arith.constant 0 : i32
        %dma_start3A_104 = tpu.memref_slice %arg11[%dma_start3A_102, %dma_start3A_103] : memref<800x16xf32, #tpu.memory_space<vmem>> -> memref<800x16xf32, #tpu.memory_space<vmem>>
        %dma_start3A_105 = arith.constant 0 : i32
        %dma_start3A_106 = tpu.memref_slice %arg8[%add3A_92, %dma_start3A_105] : memref<100096x16xf32, #tpu.memory_space<vmem_shared>> -> memref<800x16xf32, #tpu.memory_space<vmem_shared>>
        tpu.enqueue_dma source(%dma_start3A_106 : memref<800x16xf32, #tpu.memory_space<vmem_shared>>) target(%dma_start3A_104 : memref<800x16xf32, #tpu.memory_space<vmem>>) target_semaphore(%run_scoped3A : memref<!tpu.dma_semaphore, #tpu.memory_space<semaphore_mem>>)
        %dma_wait3A_107 = arith.constant 0 : i32
        %dma_wait3A_108 = arith.constant 0 : i32
        %dma_wait3A_109 = tpu.memref_slice %arg11[%dma_wait3A_107, %dma_wait3A_108] : memref<800x16xf32, #tpu.memory_space<vmem>> -> memref<800x16xf32, #tpu.memory_space<vmem>>
        %dma_wait3A_110 = arith.constant 0 : i32
        %dma_wait3A_111 = tpu.memref_slice %arg8[%add3A_92, %dma_wait3A_110] : memref<100096x16xf32, #tpu.memory_space<vmem_shared>> -> memref<800x16xf32, #tpu.memory_space<vmem_shared>>
        %dma_wait3A_112 = arith.constant 0 : i32
        %dma_wait3A_113 = arith.constant 0 : i32
        %dma_wait3A_114 = tpu.memref_slice %arg11[%dma_wait3A_112, %dma_wait3A_113] : memref<800x16xf32, #tpu.memory_space<vmem>> -> memref<800x16xf32, #tpu.memory_space<vmem>>
        %dma_wait3A_115 = arith.constant 0 : i32
        %dma_wait3A_116 = tpu.memref_slice %arg8[%add3A_92, %dma_wait3A_115] : memref<100096x16xf32, #tpu.memory_space<vmem_shared>> -> memref<800x16xf32, #tpu.memory_space<vmem_shared>>
        tpu.wait_dma2 semaphore(%run_scoped3A : memref<!tpu.dma_semaphore, #tpu.memory_space<semaphore_mem>>) src(%dma_wait3A_116 : memref<800x16xf32, #tpu.memory_space<vmem_shared>>) dst(%dma_wait3A_114 : memref<800x16xf32, #tpu.memory_space<vmem>>)
        tpu.yield
      }) : () -> ()
      "tpu.region"() ({
        %run_scoped3A = tpu.sem_alloc : memref<!tpu.dma_semaphore, #tpu.memory_space<semaphore_mem>>
        %dma_start3A_97 = arith.constant 0 : i32
        %dma_start3A_98 = arith.constant 0 : i32
        %dma_start3A_99 = tpu.memref_slice %arg11[%dma_start3A_97, %dma_start3A_98] : memref<800x16xf32, #tpu.memory_space<vmem>> -> memref<800x16xf32, #tpu.memory_space<vmem>>
        %dma_start3A_100 = arith.constant 0 : i32
        %dma_start3A_101 = tpu.memref_slice %arg6[%add3A_92, %dma_start3A_100] : memref<100096x16xf32, #tpu.memory_space<hbm>> -> memref<800x16xf32, #tpu.memory_space<hbm>>
        %dma_start3A_102 = arith.constant 0 : i32
        %dma_start3A_103 = tpu.memref_slice %arg6[%add3A_92, %dma_start3A_102] : memref<100096x16xf32, #tpu.memory_space<hbm>> -> memref<800x16xf32, #tpu.memory_space<hbm>>
        %dma_start3A_104 = arith.constant 0 : i32
        %dma_start3A_105 = arith.constant 0 : i32
        %dma_start3A_106 = tpu.memref_slice %arg11[%dma_start3A_104, %dma_start3A_105] : memref<800x16xf32, #tpu.memory_space<vmem>> -> memref<800x16xf32, #tpu.memory_space<vmem>>
        tpu.enqueue_dma source(%dma_start3A_106 : memref<800x16xf32, #tpu.memory_space<vmem>>) target(%dma_start3A_103 : memref<800x16xf32, #tpu.memory_space<hbm>>) target_semaphore(%run_scoped3A : memref<!tpu.dma_semaphore, #tpu.memory_space<semaphore_mem>>)
        %dma_wait3A_107 = arith.constant 0 : i32
        %dma_wait3A_108 = arith.constant 0 : i32
        %dma_wait3A_109 = tpu.memref_slice %arg11[%dma_wait3A_107, %dma_wait3A_108] : memref<800x16xf32, #tpu.memory_space<vmem>> -> memref<800x16xf32, #tpu.memory_space<vmem>>
        %dma_wait3A_110 = arith.constant 0 : i32
        %dma_wait3A_111 = tpu.memref_slice %arg6[%add3A_92, %dma_wait3A_110] : memref<100096x16xf32, #tpu.memory_space<hbm>> -> memref<800x16xf32, #tpu.memory_space<hbm>>
        %dma_wait3A_112 = arith.constant 0 : i32
        %dma_wait3A_113 = tpu.memref_slice %arg6[%add3A_92, %dma_wait3A_112] : memref<100096x16xf32, #tpu.memory_space<hbm>> -> memref<800x16xf32, #tpu.memory_space<hbm>>
        %dma_wait3A_114 = arith.constant 0 : i32
        %dma_wait3A_115 = arith.constant 0 : i32
        %dma_wait3A_116 = tpu.memref_slice %arg11[%dma_wait3A_114, %dma_wait3A_115] : memref<800x16xf32, #tpu.memory_space<vmem>> -> memref<800x16xf32, #tpu.memory_space<vmem>>
        tpu.wait_dma2 semaphore(%run_scoped3A : memref<!tpu.dma_semaphore, #tpu.memory_space<semaphore_mem>>) src(%dma_wait3A_116 : memref<800x16xf32, #tpu.memory_space<vmem>>) dst(%dma_wait3A_113 : memref<800x16xf32, #tpu.memory_space<hbm>>)
        tpu.yield
      }) : () -> ()
      %mul3A_93 = arith.constant 6256 : i32
      %mul3A_94 = arith.muli %arg1, %mul3A_93 : i32
      %add3A_95 = arith.constant 5600 : i32
      %add3A_96 = arith.addi %mul3A_94, %add3A_95 : i32
      "tpu.region"() ({
        %run_scoped3A = tpu.sem_alloc : memref<!tpu.dma_semaphore, #tpu.memory_space<semaphore_mem>>
        %dma_start3A_97 = arith.constant 0 : i32
        %dma_start3A_98 = arith.constant 0 : i32
        %dma_start3A_99 = tpu.memref_slice %arg11[%dma_start3A_97, %dma_start3A_98] : memref<800x16xf32, #tpu.memory_space<vmem>> -> memref<656x16xf32, #tpu.memory_space<vmem>>
        %dma_start3A_100 = arith.constant 0 : i32
        %dma_start3A_101 = tpu.memref_slice %arg8[%add3A_96, %dma_start3A_100] : memref<100096x16xf32, #tpu.memory_space<vmem_shared>> -> memref<656x16xf32, #tpu.memory_space<vmem_shared>>
        %dma_start3A_102 = arith.constant 0 : i32
        %dma_start3A_103 = arith.constant 0 : i32
        %dma_start3A_104 = tpu.memref_slice %arg11[%dma_start3A_102, %dma_start3A_103] : memref<800x16xf32, #tpu.memory_space<vmem>> -> memref<656x16xf32, #tpu.memory_space<vmem>>
        %dma_start3A_105 = arith.constant 0 : i32
        %dma_start3A_106 = tpu.memref_slice %arg8[%add3A_96, %dma_start3A_105] : memref<100096x16xf32, #tpu.memory_space<vmem_shared>> -> memref<656x16xf32, #tpu.memory_space<vmem_shared>>
        tpu.enqueue_dma source(%dma_start3A_106 : memref<656x16xf32, #tpu.memory_space<vmem_shared>>) target(%dma_start3A_104 : memref<656x16xf32, #tpu.memory_space<vmem>>) target_semaphore(%run_scoped3A : memref<!tpu.dma_semaphore, #tpu.memory_space<semaphore_mem>>)
        %dma_wait3A_107 = arith.constant 0 : i32
        %dma_wait3A_108 = arith.constant 0 : i32
        %dma_wait3A_109 = tpu.memref_slice %arg11[%dma_wait3A_107, %dma_wait3A_108] : memref<800x16xf32, #tpu.memory_space<vmem>> -> memref<656x16xf32, #tpu.memory_space<vmem>>
        %dma_wait3A_110 = arith.constant 0 : i32
        %dma_wait3A_111 = tpu.memref_slice %arg8[%add3A_96, %dma_wait3A_110] : memref<100096x16xf32, #tpu.memory_space<vmem_shared>> -> memref<656x16xf32, #tpu.memory_space<vmem_shared>>
        %dma_wait3A_112 = arith.constant 0 : i32
        %dma_wait3A_113 = arith.constant 0 : i32
        %dma_wait3A_114 = tpu.memref_slice %arg11[%dma_wait3A_112, %dma_wait3A_113] : memref<800x16xf32, #tpu.memory_space<vmem>> -> memref<656x16xf32, #tpu.memory_space<vmem>>
        %dma_wait3A_115 = arith.constant 0 : i32
        %dma_wait3A_116 = tpu.memref_slice %arg8[%add3A_96, %dma_wait3A_115] : memref<100096x16xf32, #tpu.memory_space<vmem_shared>> -> memref<656x16xf32, #tpu.memory_space<vmem_shared>>
        tpu.wait_dma2 semaphore(%run_scoped3A : memref<!tpu.dma_semaphore, #tpu.memory_space<semaphore_mem>>) src(%dma_wait3A_116 : memref<656x16xf32, #tpu.memory_space<vmem_shared>>) dst(%dma_wait3A_114 : memref<656x16xf32, #tpu.memory_space<vmem>>)
        tpu.yield
      }) : () -> ()
      "tpu.region"() ({
        %run_scoped3A = tpu.sem_alloc : memref<!tpu.dma_semaphore, #tpu.memory_space<semaphore_mem>>
        %dma_start3A_97 = arith.constant 0 : i32
        %dma_start3A_98 = arith.constant 0 : i32
        %dma_start3A_99 = tpu.memref_slice %arg11[%dma_start3A_97, %dma_start3A_98] : memref<800x16xf32, #tpu.memory_space<vmem>> -> memref<656x16xf32, #tpu.memory_space<vmem>>
        %dma_start3A_100 = arith.constant 0 : i32
        %dma_start3A_101 = tpu.memref_slice %arg6[%add3A_96, %dma_start3A_100] : memref<100096x16xf32, #tpu.memory_space<hbm>> -> memref<656x16xf32, #tpu.memory_space<hbm>>
        %dma_start3A_102 = arith.constant 0 : i32
        %dma_start3A_103 = tpu.memref_slice %arg6[%add3A_96, %dma_start3A_102] : memref<100096x16xf32, #tpu.memory_space<hbm>> -> memref<656x16xf32, #tpu.memory_space<hbm>>
        %dma_start3A_104 = arith.constant 0 : i32
        %dma_start3A_105 = arith.constant 0 : i32
        %dma_start3A_106 = tpu.memref_slice %arg11[%dma_start3A_104, %dma_start3A_105] : memref<800x16xf32, #tpu.memory_space<vmem>> -> memref<656x16xf32, #tpu.memory_space<vmem>>
        tpu.enqueue_dma source(%dma_start3A_106 : memref<656x16xf32, #tpu.memory_space<vmem>>) target(%dma_start3A_103 : memref<656x16xf32, #tpu.memory_space<hbm>>) target_semaphore(%run_scoped3A : memref<!tpu.dma_semaphore, #tpu.memory_space<semaphore_mem>>)
        %dma_wait3A_107 = arith.constant 0 : i32
        %dma_wait3A_108 = arith.constant 0 : i32
        %dma_wait3A_109 = tpu.memref_slice %arg11[%dma_wait3A_107, %dma_wait3A_108] : memref<800x16xf32, #tpu.memory_space<vmem>> -> memref<656x16xf32, #tpu.memory_space<vmem>>
        %dma_wait3A_110 = arith.constant 0 : i32
        %dma_wait3A_111 = tpu.memref_slice %arg6[%add3A_96, %dma_wait3A_110] : memref<100096x16xf32, #tpu.memory_space<hbm>> -> memref<656x16xf32, #tpu.memory_space<hbm>>
        %dma_wait3A_112 = arith.constant 0 : i32
        %dma_wait3A_113 = tpu.memref_slice %arg6[%add3A_96, %dma_wait3A_112] : memref<100096x16xf32, #tpu.memory_space<hbm>> -> memref<656x16xf32, #tpu.memory_space<hbm>>
        %dma_wait3A_114 = arith.constant 0 : i32
        %dma_wait3A_115 = arith.constant 0 : i32
        %dma_wait3A_116 = tpu.memref_slice %arg11[%dma_wait3A_114, %dma_wait3A_115] : memref<800x16xf32, #tpu.memory_space<vmem>> -> memref<656x16xf32, #tpu.memory_space<vmem>>
        tpu.wait_dma2 semaphore(%run_scoped3A : memref<!tpu.dma_semaphore, #tpu.memory_space<semaphore_mem>>) src(%dma_wait3A_116 : memref<656x16xf32, #tpu.memory_space<vmem>>) dst(%dma_wait3A_113 : memref<656x16xf32, #tpu.memory_space<hbm>>)
        tpu.yield
      }) : () -> ()
    } else {
    }
    %eq3A_60 = arith.constant 1 : i32
    %eq3A_61 = arith.cmpi eq, %arg0, %eq3A_60 : i32
    %convert_element_type3A_62 = arith.extui %eq3A_61 : i1 to i32
    %cond3A_63 = arith.constant 0 : i32
    %cond3A_64 = arith.cmpi ne, %convert_element_type3A_62, %cond3A_63 : i32
    scf.if %cond3A_64 {
      %mul3A_65 = arith.constant 6256 : i32
      %mul3A_66 = arith.muli %arg1, %mul3A_65 : i32
      %add3A_67 = arith.constant 0 : i32
      %add3A_68 = arith.addi %mul3A_66, %add3A_67 : i32
      "tpu.region"() ({
        %run_scoped3A = tpu.sem_alloc : memref<!tpu.dma_semaphore, #tpu.memory_space<semaphore_mem>>
        %dma_start3A_97 = arith.constant 0 : i32
        %dma_start3A_98 = arith.constant 0 : i32
        %dma_start3A_99 = tpu.memref_slice %arg11[%dma_start3A_97, %dma_start3A_98] : memref<800x16xf32, #tpu.memory_space<vmem>> -> memref<800x16xf32, #tpu.memory_space<vmem>>
        %dma_start3A_100 = arith.constant 0 : i32
        %dma_start3A_101 = tpu.memref_slice %arg8[%add3A_68, %dma_start3A_100] : memref<100096x16xf32, #tpu.memory_space<vmem_shared>> -> memref<800x16xf32, #tpu.memory_space<vmem_shared>>
        %dma_start3A_102 = arith.constant 0 : i32
        %dma_start3A_103 = arith.constant 0 : i32
        %dma_start3A_104 = tpu.memref_slice %arg11[%dma_start3A_102, %dma_start3A_103] : memref<800x16xf32, #tpu.memory_space<vmem>> -> memref<800x16xf32, #tpu.memory_space<vmem>>
        %dma_start3A_105 = arith.constant 0 : i32
        %dma_start3A_106 = tpu.memref_slice %arg8[%add3A_68, %dma_start3A_105] : memref<100096x16xf32, #tpu.memory_space<vmem_shared>> -> memref<800x16xf32, #tpu.memory_space<vmem_shared>>
        tpu.enqueue_dma source(%dma_start3A_106 : memref<800x16xf32, #tpu.memory_space<vmem_shared>>) target(%dma_start3A_104 : memref<800x16xf32, #tpu.memory_space<vmem>>) target_semaphore(%run_scoped3A : memref<!tpu.dma_semaphore, #tpu.memory_space<semaphore_mem>>)
        %dma_wait3A_107 = arith.constant 0 : i32
        %dma_wait3A_108 = arith.constant 0 : i32
        %dma_wait3A_109 = tpu.memref_slice %arg11[%dma_wait3A_107, %dma_wait3A_108] : memref<800x16xf32, #tpu.memory_space<vmem>> -> memref<800x16xf32, #tpu.memory_space<vmem>>
        %dma_wait3A_110 = arith.constant 0 : i32
        %dma_wait3A_111 = tpu.memref_slice %arg8[%add3A_68, %dma_wait3A_110] : memref<100096x16xf32, #tpu.memory_space<vmem_shared>> -> memref<800x16xf32, #tpu.memory_space<vmem_shared>>
        %dma_wait3A_112 = arith.constant 0 : i32
        %dma_wait3A_113 = arith.constant 0 : i32
        %dma_wait3A_114 = tpu.memref_slice %arg11[%dma_wait3A_112, %dma_wait3A_113] : memref<800x16xf32, #tpu.memory_space<vmem>> -> memref<800x16xf32, #tpu.memory_space<vmem>>
        %dma_wait3A_115 = arith.constant 0 : i32
        %dma_wait3A_116 = tpu.memref_slice %arg8[%add3A_68, %dma_wait3A_115] : memref<100096x16xf32, #tpu.memory_space<vmem_shared>> -> memref<800x16xf32, #tpu.memory_space<vmem_shared>>
        tpu.wait_dma2 semaphore(%run_scoped3A : memref<!tpu.dma_semaphore, #tpu.memory_space<semaphore_mem>>) src(%dma_wait3A_116 : memref<800x16xf32, #tpu.memory_space<vmem_shared>>) dst(%dma_wait3A_114 : memref<800x16xf32, #tpu.memory_space<vmem>>)
        tpu.yield
      }) : () -> ()
      "tpu.region"() ({
        %run_scoped3A = tpu.sem_alloc : memref<!tpu.dma_semaphore, #tpu.memory_space<semaphore_mem>>
        %dma_start3A_97 = arith.constant 0 : i32
        %dma_start3A_98 = arith.constant 0 : i32
        %dma_start3A_99 = tpu.memref_slice %arg11[%dma_start3A_97, %dma_start3A_98] : memref<800x16xf32, #tpu.memory_space<vmem>> -> memref<800x16xf32, #tpu.memory_space<vmem>>
        %dma_start3A_100 = arith.constant 0 : i32
        %dma_start3A_101 = tpu.memref_slice %arg7[%add3A_68, %dma_start3A_100] : memref<100096x16xf32, #tpu.memory_space<hbm>> -> memref<800x16xf32, #tpu.memory_space<hbm>>
        %dma_start3A_102 = arith.constant 0 : i32
        %dma_start3A_103 = tpu.memref_slice %arg7[%add3A_68, %dma_start3A_102] : memref<100096x16xf32, #tpu.memory_space<hbm>> -> memref<800x16xf32, #tpu.memory_space<hbm>>
        %dma_start3A_104 = arith.constant 0 : i32
        %dma_start3A_105 = arith.constant 0 : i32
        %dma_start3A_106 = tpu.memref_slice %arg11[%dma_start3A_104, %dma_start3A_105] : memref<800x16xf32, #tpu.memory_space<vmem>> -> memref<800x16xf32, #tpu.memory_space<vmem>>
        tpu.enqueue_dma source(%dma_start3A_106 : memref<800x16xf32, #tpu.memory_space<vmem>>) target(%dma_start3A_103 : memref<800x16xf32, #tpu.memory_space<hbm>>) target_semaphore(%run_scoped3A : memref<!tpu.dma_semaphore, #tpu.memory_space<semaphore_mem>>)
        %dma_wait3A_107 = arith.constant 0 : i32
        %dma_wait3A_108 = arith.constant 0 : i32
        %dma_wait3A_109 = tpu.memref_slice %arg11[%dma_wait3A_107, %dma_wait3A_108] : memref<800x16xf32, #tpu.memory_space<vmem>> -> memref<800x16xf32, #tpu.memory_space<vmem>>
        %dma_wait3A_110 = arith.constant 0 : i32
        %dma_wait3A_111 = tpu.memref_slice %arg7[%add3A_68, %dma_wait3A_110] : memref<100096x16xf32, #tpu.memory_space<hbm>> -> memref<800x16xf32, #tpu.memory_space<hbm>>
        %dma_wait3A_112 = arith.constant 0 : i32
        %dma_wait3A_113 = tpu.memref_slice %arg7[%add3A_68, %dma_wait3A_112] : memref<100096x16xf32, #tpu.memory_space<hbm>> -> memref<800x16xf32, #tpu.memory_space<hbm>>
        %dma_wait3A_114 = arith.constant 0 : i32
        %dma_wait3A_115 = arith.constant 0 : i32
        %dma_wait3A_116 = tpu.memref_slice %arg11[%dma_wait3A_114, %dma_wait3A_115] : memref<800x16xf32, #tpu.memory_space<vmem>> -> memref<800x16xf32, #tpu.memory_space<vmem>>
        tpu.wait_dma2 semaphore(%run_scoped3A : memref<!tpu.dma_semaphore, #tpu.memory_space<semaphore_mem>>) src(%dma_wait3A_116 : memref<800x16xf32, #tpu.memory_space<vmem>>) dst(%dma_wait3A_113 : memref<800x16xf32, #tpu.memory_space<hbm>>)
        tpu.yield
      }) : () -> ()
      %mul3A_69 = arith.constant 6256 : i32
      %mul3A_70 = arith.muli %arg1, %mul3A_69 : i32
      %add3A_71 = arith.constant 800 : i32
      %add3A_72 = arith.addi %mul3A_70, %add3A_71 : i32
      "tpu.region"() ({
        %run_scoped3A = tpu.sem_alloc : memref<!tpu.dma_semaphore, #tpu.memory_space<semaphore_mem>>
        %dma_start3A_97 = arith.constant 0 : i32
        %dma_start3A_98 = arith.constant 0 : i32
        %dma_start3A_99 = tpu.memref_slice %arg11[%dma_start3A_97, %dma_start3A_98] : memref<800x16xf32, #tpu.memory_space<vmem>> -> memref<800x16xf32, #tpu.memory_space<vmem>>
        %dma_start3A_100 = arith.constant 0 : i32
        %dma_start3A_101 = tpu.memref_slice %arg8[%add3A_72, %dma_start3A_100] : memref<100096x16xf32, #tpu.memory_space<vmem_shared>> -> memref<800x16xf32, #tpu.memory_space<vmem_shared>>
        %dma_start3A_102 = arith.constant 0 : i32
        %dma_start3A_103 = arith.constant 0 : i32
        %dma_start3A_104 = tpu.memref_slice %arg11[%dma_start3A_102, %dma_start3A_103] : memref<800x16xf32, #tpu.memory_space<vmem>> -> memref<800x16xf32, #tpu.memory_space<vmem>>
        %dma_start3A_105 = arith.constant 0 : i32
        %dma_start3A_106 = tpu.memref_slice %arg8[%add3A_72, %dma_start3A_105] : memref<100096x16xf32, #tpu.memory_space<vmem_shared>> -> memref<800x16xf32, #tpu.memory_space<vmem_shared>>
        tpu.enqueue_dma source(%dma_start3A_106 : memref<800x16xf32, #tpu.memory_space<vmem_shared>>) target(%dma_start3A_104 : memref<800x16xf32, #tpu.memory_space<vmem>>) target_semaphore(%run_scoped3A : memref<!tpu.dma_semaphore, #tpu.memory_space<semaphore_mem>>)
        %dma_wait3A_107 = arith.constant 0 : i32
        %dma_wait3A_108 = arith.constant 0 : i32
        %dma_wait3A_109 = tpu.memref_slice %arg11[%dma_wait3A_107, %dma_wait3A_108] : memref<800x16xf32, #tpu.memory_space<vmem>> -> memref<800x16xf32, #tpu.memory_space<vmem>>
        %dma_wait3A_110 = arith.constant 0 : i32
        %dma_wait3A_111 = tpu.memref_slice %arg8[%add3A_72, %dma_wait3A_110] : memref<100096x16xf32, #tpu.memory_space<vmem_shared>> -> memref<800x16xf32, #tpu.memory_space<vmem_shared>>
        %dma_wait3A_112 = arith.constant 0 : i32
        %dma_wait3A_113 = arith.constant 0 : i32
        %dma_wait3A_114 = tpu.memref_slice %arg11[%dma_wait3A_112, %dma_wait3A_113] : memref<800x16xf32, #tpu.memory_space<vmem>> -> memref<800x16xf32, #tpu.memory_space<vmem>>
        %dma_wait3A_115 = arith.constant 0 : i32
        %dma_wait3A_116 = tpu.memref_slice %arg8[%add3A_72, %dma_wait3A_115] : memref<100096x16xf32, #tpu.memory_space<vmem_shared>> -> memref<800x16xf32, #tpu.memory_space<vmem_shared>>
        tpu.wait_dma2 semaphore(%run_scoped3A : memref<!tpu.dma_semaphore, #tpu.memory_space<semaphore_mem>>) src(%dma_wait3A_116 : memref<800x16xf32, #tpu.memory_space<vmem_shared>>) dst(%dma_wait3A_114 : memref<800x16xf32, #tpu.memory_space<vmem>>)
        tpu.yield
      }) : () -> ()
      "tpu.region"() ({
        %run_scoped3A = tpu.sem_alloc : memref<!tpu.dma_semaphore, #tpu.memory_space<semaphore_mem>>
        %dma_start3A_97 = arith.constant 0 : i32
        %dma_start3A_98 = arith.constant 0 : i32
        %dma_start3A_99 = tpu.memref_slice %arg11[%dma_start3A_97, %dma_start3A_98] : memref<800x16xf32, #tpu.memory_space<vmem>> -> memref<800x16xf32, #tpu.memory_space<vmem>>
        %dma_start3A_100 = arith.constant 0 : i32
        %dma_start3A_101 = tpu.memref_slice %arg7[%add3A_72, %dma_start3A_100] : memref<100096x16xf32, #tpu.memory_space<hbm>> -> memref<800x16xf32, #tpu.memory_space<hbm>>
        %dma_start3A_102 = arith.constant 0 : i32
        %dma_start3A_103 = tpu.memref_slice %arg7[%add3A_72, %dma_start3A_102] : memref<100096x16xf32, #tpu.memory_space<hbm>> -> memref<800x16xf32, #tpu.memory_space<hbm>>
        %dma_start3A_104 = arith.constant 0 : i32
        %dma_start3A_105 = arith.constant 0 : i32
        %dma_start3A_106 = tpu.memref_slice %arg11[%dma_start3A_104, %dma_start3A_105] : memref<800x16xf32, #tpu.memory_space<vmem>> -> memref<800x16xf32, #tpu.memory_space<vmem>>
        tpu.enqueue_dma source(%dma_start3A_106 : memref<800x16xf32, #tpu.memory_space<vmem>>) target(%dma_start3A_103 : memref<800x16xf32, #tpu.memory_space<hbm>>) target_semaphore(%run_scoped3A : memref<!tpu.dma_semaphore, #tpu.memory_space<semaphore_mem>>)
        %dma_wait3A_107 = arith.constant 0 : i32
        %dma_wait3A_108 = arith.constant 0 : i32
        %dma_wait3A_109 = tpu.memref_slice %arg11[%dma_wait3A_107, %dma_wait3A_108] : memref<800x16xf32, #tpu.memory_space<vmem>> -> memref<800x16xf32, #tpu.memory_space<vmem>>
        %dma_wait3A_110 = arith.constant 0 : i32
        %dma_wait3A_111 = tpu.memref_slice %arg7[%add3A_72, %dma_wait3A_110] : memref<100096x16xf32, #tpu.memory_space<hbm>> -> memref<800x16xf32, #tpu.memory_space<hbm>>
        %dma_wait3A_112 = arith.constant 0 : i32
        %dma_wait3A_113 = tpu.memref_slice %arg7[%add3A_72, %dma_wait3A_112] : memref<100096x16xf32, #tpu.memory_space<hbm>> -> memref<800x16xf32, #tpu.memory_space<hbm>>
        %dma_wait3A_114 = arith.constant 0 : i32
        %dma_wait3A_115 = arith.constant 0 : i32
        %dma_wait3A_116 = tpu.memref_slice %arg11[%dma_wait3A_114, %dma_wait3A_115] : memref<800x16xf32, #tpu.memory_space<vmem>> -> memref<800x16xf32, #tpu.memory_space<vmem>>
        tpu.wait_dma2 semaphore(%run_scoped3A : memref<!tpu.dma_semaphore, #tpu.memory_space<semaphore_mem>>) src(%dma_wait3A_116 : memref<800x16xf32, #tpu.memory_space<vmem>>) dst(%dma_wait3A_113 : memref<800x16xf32, #tpu.memory_space<hbm>>)
        tpu.yield
      }) : () -> ()
      %mul3A_73 = arith.constant 6256 : i32
      %mul3A_74 = arith.muli %arg1, %mul3A_73 : i32
      %add3A_75 = arith.constant 1600 : i32
      %add3A_76 = arith.addi %mul3A_74, %add3A_75 : i32
      "tpu.region"() ({
        %run_scoped3A = tpu.sem_alloc : memref<!tpu.dma_semaphore, #tpu.memory_space<semaphore_mem>>
        %dma_start3A_97 = arith.constant 0 : i32
        %dma_start3A_98 = arith.constant 0 : i32
        %dma_start3A_99 = tpu.memref_slice %arg11[%dma_start3A_97, %dma_start3A_98] : memref<800x16xf32, #tpu.memory_space<vmem>> -> memref<800x16xf32, #tpu.memory_space<vmem>>
        %dma_start3A_100 = arith.constant 0 : i32
        %dma_start3A_101 = tpu.memref_slice %arg8[%add3A_76, %dma_start3A_100] : memref<100096x16xf32, #tpu.memory_space<vmem_shared>> -> memref<800x16xf32, #tpu.memory_space<vmem_shared>>
        %dma_start3A_102 = arith.constant 0 : i32
        %dma_start3A_103 = arith.constant 0 : i32
        %dma_start3A_104 = tpu.memref_slice %arg11[%dma_start3A_102, %dma_start3A_103] : memref<800x16xf32, #tpu.memory_space<vmem>> -> memref<800x16xf32, #tpu.memory_space<vmem>>
        %dma_start3A_105 = arith.constant 0 : i32
        %dma_start3A_106 = tpu.memref_slice %arg8[%add3A_76, %dma_start3A_105] : memref<100096x16xf32, #tpu.memory_space<vmem_shared>> -> memref<800x16xf32, #tpu.memory_space<vmem_shared>>
        tpu.enqueue_dma source(%dma_start3A_106 : memref<800x16xf32, #tpu.memory_space<vmem_shared>>) target(%dma_start3A_104 : memref<800x16xf32, #tpu.memory_space<vmem>>) target_semaphore(%run_scoped3A : memref<!tpu.dma_semaphore, #tpu.memory_space<semaphore_mem>>)
        %dma_wait3A_107 = arith.constant 0 : i32
        %dma_wait3A_108 = arith.constant 0 : i32
        %dma_wait3A_109 = tpu.memref_slice %arg11[%dma_wait3A_107, %dma_wait3A_108] : memref<800x16xf32, #tpu.memory_space<vmem>> -> memref<800x16xf32, #tpu.memory_space<vmem>>
        %dma_wait3A_110 = arith.constant 0 : i32
        %dma_wait3A_111 = tpu.memref_slice %arg8[%add3A_76, %dma_wait3A_110] : memref<100096x16xf32, #tpu.memory_space<vmem_shared>> -> memref<800x16xf32, #tpu.memory_space<vmem_shared>>
        %dma_wait3A_112 = arith.constant 0 : i32
        %dma_wait3A_113 = arith.constant 0 : i32
        %dma_wait3A_114 = tpu.memref_slice %arg11[%dma_wait3A_112, %dma_wait3A_113] : memref<800x16xf32, #tpu.memory_space<vmem>> -> memref<800x16xf32, #tpu.memory_space<vmem>>
        %dma_wait3A_115 = arith.constant 0 : i32
        %dma_wait3A_116 = tpu.memref_slice %arg8[%add3A_76, %dma_wait3A_115] : memref<100096x16xf32, #tpu.memory_space<vmem_shared>> -> memref<800x16xf32, #tpu.memory_space<vmem_shared>>
        tpu.wait_dma2 semaphore(%run_scoped3A : memref<!tpu.dma_semaphore, #tpu.memory_space<semaphore_mem>>) src(%dma_wait3A_116 : memref<800x16xf32, #tpu.memory_space<vmem_shared>>) dst(%dma_wait3A_114 : memref<800x16xf32, #tpu.memory_space<vmem>>)
        tpu.yield
      }) : () -> ()
      "tpu.region"() ({
        %run_scoped3A = tpu.sem_alloc : memref<!tpu.dma_semaphore, #tpu.memory_space<semaphore_mem>>
        %dma_start3A_97 = arith.constant 0 : i32
        %dma_start3A_98 = arith.constant 0 : i32
        %dma_start3A_99 = tpu.memref_slice %arg11[%dma_start3A_97, %dma_start3A_98] : memref<800x16xf32, #tpu.memory_space<vmem>> -> memref<800x16xf32, #tpu.memory_space<vmem>>
        %dma_start3A_100 = arith.constant 0 : i32
        %dma_start3A_101 = tpu.memref_slice %arg7[%add3A_76, %dma_start3A_100] : memref<100096x16xf32, #tpu.memory_space<hbm>> -> memref<800x16xf32, #tpu.memory_space<hbm>>
        %dma_start3A_102 = arith.constant 0 : i32
        %dma_start3A_103 = tpu.memref_slice %arg7[%add3A_76, %dma_start3A_102] : memref<100096x16xf32, #tpu.memory_space<hbm>> -> memref<800x16xf32, #tpu.memory_space<hbm>>
        %dma_start3A_104 = arith.constant 0 : i32
        %dma_start3A_105 = arith.constant 0 : i32
        %dma_start3A_106 = tpu.memref_slice %arg11[%dma_start3A_104, %dma_start3A_105] : memref<800x16xf32, #tpu.memory_space<vmem>> -> memref<800x16xf32, #tpu.memory_space<vmem>>
        tpu.enqueue_dma source(%dma_start3A_106 : memref<800x16xf32, #tpu.memory_space<vmem>>) target(%dma_start3A_103 : memref<800x16xf32, #tpu.memory_space<hbm>>) target_semaphore(%run_scoped3A : memref<!tpu.dma_semaphore, #tpu.memory_space<semaphore_mem>>)
        %dma_wait3A_107 = arith.constant 0 : i32
        %dma_wait3A_108 = arith.constant 0 : i32
        %dma_wait3A_109 = tpu.memref_slice %arg11[%dma_wait3A_107, %dma_wait3A_108] : memref<800x16xf32, #tpu.memory_space<vmem>> -> memref<800x16xf32, #tpu.memory_space<vmem>>
        %dma_wait3A_110 = arith.constant 0 : i32
        %dma_wait3A_111 = tpu.memref_slice %arg7[%add3A_76, %dma_wait3A_110] : memref<100096x16xf32, #tpu.memory_space<hbm>> -> memref<800x16xf32, #tpu.memory_space<hbm>>
        %dma_wait3A_112 = arith.constant 0 : i32
        %dma_wait3A_113 = tpu.memref_slice %arg7[%add3A_76, %dma_wait3A_112] : memref<100096x16xf32, #tpu.memory_space<hbm>> -> memref<800x16xf32, #tpu.memory_space<hbm>>
        %dma_wait3A_114 = arith.constant 0 : i32
        %dma_wait3A_115 = arith.constant 0 : i32
        %dma_wait3A_116 = tpu.memref_slice %arg11[%dma_wait3A_114, %dma_wait3A_115] : memref<800x16xf32, #tpu.memory_space<vmem>> -> memref<800x16xf32, #tpu.memory_space<vmem>>
        tpu.wait_dma2 semaphore(%run_scoped3A : memref<!tpu.dma_semaphore, #tpu.memory_space<semaphore_mem>>) src(%dma_wait3A_116 : memref<800x16xf32, #tpu.memory_space<vmem>>) dst(%dma_wait3A_113 : memref<800x16xf32, #tpu.memory_space<hbm>>)
        tpu.yield
      }) : () -> ()
      %mul3A_77 = arith.constant 6256 : i32
      %mul3A_78 = arith.muli %arg1, %mul3A_77 : i32
      %add3A_79 = arith.constant 2400 : i32
      %add3A_80 = arith.addi %mul3A_78, %add3A_79 : i32
      "tpu.region"() ({
        %run_scoped3A = tpu.sem_alloc : memref<!tpu.dma_semaphore, #tpu.memory_space<semaphore_mem>>
        %dma_start3A_97 = arith.constant 0 : i32
        %dma_start3A_98 = arith.constant 0 : i32
        %dma_start3A_99 = tpu.memref_slice %arg11[%dma_start3A_97, %dma_start3A_98] : memref<800x16xf32, #tpu.memory_space<vmem>> -> memref<800x16xf32, #tpu.memory_space<vmem>>
        %dma_start3A_100 = arith.constant 0 : i32
        %dma_start3A_101 = tpu.memref_slice %arg8[%add3A_80, %dma_start3A_100] : memref<100096x16xf32, #tpu.memory_space<vmem_shared>> -> memref<800x16xf32, #tpu.memory_space<vmem_shared>>
        %dma_start3A_102 = arith.constant 0 : i32
        %dma_start3A_103 = arith.constant 0 : i32
        %dma_start3A_104 = tpu.memref_slice %arg11[%dma_start3A_102, %dma_start3A_103] : memref<800x16xf32, #tpu.memory_space<vmem>> -> memref<800x16xf32, #tpu.memory_space<vmem>>
        %dma_start3A_105 = arith.constant 0 : i32
        %dma_start3A_106 = tpu.memref_slice %arg8[%add3A_80, %dma_start3A_105] : memref<100096x16xf32, #tpu.memory_space<vmem_shared>> -> memref<800x16xf32, #tpu.memory_space<vmem_shared>>
        tpu.enqueue_dma source(%dma_start3A_106 : memref<800x16xf32, #tpu.memory_space<vmem_shared>>) target(%dma_start3A_104 : memref<800x16xf32, #tpu.memory_space<vmem>>) target_semaphore(%run_scoped3A : memref<!tpu.dma_semaphore, #tpu.memory_space<semaphore_mem>>)
        %dma_wait3A_107 = arith.constant 0 : i32
        %dma_wait3A_108 = arith.constant 0 : i32
        %dma_wait3A_109 = tpu.memref_slice %arg11[%dma_wait3A_107, %dma_wait3A_108] : memref<800x16xf32, #tpu.memory_space<vmem>> -> memref<800x16xf32, #tpu.memory_space<vmem>>
        %dma_wait3A_110 = arith.constant 0 : i32
        %dma_wait3A_111 = tpu.memref_slice %arg8[%add3A_80, %dma_wait3A_110] : memref<100096x16xf32, #tpu.memory_space<vmem_shared>> -> memref<800x16xf32, #tpu.memory_space<vmem_shared>>
        %dma_wait3A_112 = arith.constant 0 : i32
        %dma_wait3A_113 = arith.constant 0 : i32
        %dma_wait3A_114 = tpu.memref_slice %arg11[%dma_wait3A_112, %dma_wait3A_113] : memref<800x16xf32, #tpu.memory_space<vmem>> -> memref<800x16xf32, #tpu.memory_space<vmem>>
        %dma_wait3A_115 = arith.constant 0 : i32
        %dma_wait3A_116 = tpu.memref_slice %arg8[%add3A_80, %dma_wait3A_115] : memref<100096x16xf32, #tpu.memory_space<vmem_shared>> -> memref<800x16xf32, #tpu.memory_space<vmem_shared>>
        tpu.wait_dma2 semaphore(%run_scoped3A : memref<!tpu.dma_semaphore, #tpu.memory_space<semaphore_mem>>) src(%dma_wait3A_116 : memref<800x16xf32, #tpu.memory_space<vmem_shared>>) dst(%dma_wait3A_114 : memref<800x16xf32, #tpu.memory_space<vmem>>)
        tpu.yield
      }) : () -> ()
      "tpu.region"() ({
        %run_scoped3A = tpu.sem_alloc : memref<!tpu.dma_semaphore, #tpu.memory_space<semaphore_mem>>
        %dma_start3A_97 = arith.constant 0 : i32
        %dma_start3A_98 = arith.constant 0 : i32
        %dma_start3A_99 = tpu.memref_slice %arg11[%dma_start3A_97, %dma_start3A_98] : memref<800x16xf32, #tpu.memory_space<vmem>> -> memref<800x16xf32, #tpu.memory_space<vmem>>
        %dma_start3A_100 = arith.constant 0 : i32
        %dma_start3A_101 = tpu.memref_slice %arg7[%add3A_80, %dma_start3A_100] : memref<100096x16xf32, #tpu.memory_space<hbm>> -> memref<800x16xf32, #tpu.memory_space<hbm>>
        %dma_start3A_102 = arith.constant 0 : i32
        %dma_start3A_103 = tpu.memref_slice %arg7[%add3A_80, %dma_start3A_102] : memref<100096x16xf32, #tpu.memory_space<hbm>> -> memref<800x16xf32, #tpu.memory_space<hbm>>
        %dma_start3A_104 = arith.constant 0 : i32
        %dma_start3A_105 = arith.constant 0 : i32
        %dma_start3A_106 = tpu.memref_slice %arg11[%dma_start3A_104, %dma_start3A_105] : memref<800x16xf32, #tpu.memory_space<vmem>> -> memref<800x16xf32, #tpu.memory_space<vmem>>
        tpu.enqueue_dma source(%dma_start3A_106 : memref<800x16xf32, #tpu.memory_space<vmem>>) target(%dma_start3A_103 : memref<800x16xf32, #tpu.memory_space<hbm>>) target_semaphore(%run_scoped3A : memref<!tpu.dma_semaphore, #tpu.memory_space<semaphore_mem>>)
        %dma_wait3A_107 = arith.constant 0 : i32
        %dma_wait3A_108 = arith.constant 0 : i32
        %dma_wait3A_109 = tpu.memref_slice %arg11[%dma_wait3A_107, %dma_wait3A_108] : memref<800x16xf32, #tpu.memory_space<vmem>> -> memref<800x16xf32, #tpu.memory_space<vmem>>
        %dma_wait3A_110 = arith.constant 0 : i32
        %dma_wait3A_111 = tpu.memref_slice %arg7[%add3A_80, %dma_wait3A_110] : memref<100096x16xf32, #tpu.memory_space<hbm>> -> memref<800x16xf32, #tpu.memory_space<hbm>>
        %dma_wait3A_112 = arith.constant 0 : i32
        %dma_wait3A_113 = tpu.memref_slice %arg7[%add3A_80, %dma_wait3A_112] : memref<100096x16xf32, #tpu.memory_space<hbm>> -> memref<800x16xf32, #tpu.memory_space<hbm>>
        %dma_wait3A_114 = arith.constant 0 : i32
        %dma_wait3A_115 = arith.constant 0 : i32
        %dma_wait3A_116 = tpu.memref_slice %arg11[%dma_wait3A_114, %dma_wait3A_115] : memref<800x16xf32, #tpu.memory_space<vmem>> -> memref<800x16xf32, #tpu.memory_space<vmem>>
        tpu.wait_dma2 semaphore(%run_scoped3A : memref<!tpu.dma_semaphore, #tpu.memory_space<semaphore_mem>>) src(%dma_wait3A_116 : memref<800x16xf32, #tpu.memory_space<vmem>>) dst(%dma_wait3A_113 : memref<800x16xf32, #tpu.memory_space<hbm>>)
        tpu.yield
      }) : () -> ()
      %mul3A_81 = arith.constant 6256 : i32
      %mul3A_82 = arith.muli %arg1, %mul3A_81 : i32
      %add3A_83 = arith.constant 3200 : i32
      %add3A_84 = arith.addi %mul3A_82, %add3A_83 : i32
      "tpu.region"() ({
        %run_scoped3A = tpu.sem_alloc : memref<!tpu.dma_semaphore, #tpu.memory_space<semaphore_mem>>
        %dma_start3A_97 = arith.constant 0 : i32
        %dma_start3A_98 = arith.constant 0 : i32
        %dma_start3A_99 = tpu.memref_slice %arg11[%dma_start3A_97, %dma_start3A_98] : memref<800x16xf32, #tpu.memory_space<vmem>> -> memref<800x16xf32, #tpu.memory_space<vmem>>
        %dma_start3A_100 = arith.constant 0 : i32
        %dma_start3A_101 = tpu.memref_slice %arg8[%add3A_84, %dma_start3A_100] : memref<100096x16xf32, #tpu.memory_space<vmem_shared>> -> memref<800x16xf32, #tpu.memory_space<vmem_shared>>
        %dma_start3A_102 = arith.constant 0 : i32
        %dma_start3A_103 = arith.constant 0 : i32
        %dma_start3A_104 = tpu.memref_slice %arg11[%dma_start3A_102, %dma_start3A_103] : memref<800x16xf32, #tpu.memory_space<vmem>> -> memref<800x16xf32, #tpu.memory_space<vmem>>
        %dma_start3A_105 = arith.constant 0 : i32
        %dma_start3A_106 = tpu.memref_slice %arg8[%add3A_84, %dma_start3A_105] : memref<100096x16xf32, #tpu.memory_space<vmem_shared>> -> memref<800x16xf32, #tpu.memory_space<vmem_shared>>
        tpu.enqueue_dma source(%dma_start3A_106 : memref<800x16xf32, #tpu.memory_space<vmem_shared>>) target(%dma_start3A_104 : memref<800x16xf32, #tpu.memory_space<vmem>>) target_semaphore(%run_scoped3A : memref<!tpu.dma_semaphore, #tpu.memory_space<semaphore_mem>>)
        %dma_wait3A_107 = arith.constant 0 : i32
        %dma_wait3A_108 = arith.constant 0 : i32
        %dma_wait3A_109 = tpu.memref_slice %arg11[%dma_wait3A_107, %dma_wait3A_108] : memref<800x16xf32, #tpu.memory_space<vmem>> -> memref<800x16xf32, #tpu.memory_space<vmem>>
        %dma_wait3A_110 = arith.constant 0 : i32
        %dma_wait3A_111 = tpu.memref_slice %arg8[%add3A_84, %dma_wait3A_110] : memref<100096x16xf32, #tpu.memory_space<vmem_shared>> -> memref<800x16xf32, #tpu.memory_space<vmem_shared>>
        %dma_wait3A_112 = arith.constant 0 : i32
        %dma_wait3A_113 = arith.constant 0 : i32
        %dma_wait3A_114 = tpu.memref_slice %arg11[%dma_wait3A_112, %dma_wait3A_113] : memref<800x16xf32, #tpu.memory_space<vmem>> -> memref<800x16xf32, #tpu.memory_space<vmem>>
        %dma_wait3A_115 = arith.constant 0 : i32
        %dma_wait3A_116 = tpu.memref_slice %arg8[%add3A_84, %dma_wait3A_115] : memref<100096x16xf32, #tpu.memory_space<vmem_shared>> -> memref<800x16xf32, #tpu.memory_space<vmem_shared>>
        tpu.wait_dma2 semaphore(%run_scoped3A : memref<!tpu.dma_semaphore, #tpu.memory_space<semaphore_mem>>) src(%dma_wait3A_116 : memref<800x16xf32, #tpu.memory_space<vmem_shared>>) dst(%dma_wait3A_114 : memref<800x16xf32, #tpu.memory_space<vmem>>)
        tpu.yield
      }) : () -> ()
      "tpu.region"() ({
        %run_scoped3A = tpu.sem_alloc : memref<!tpu.dma_semaphore, #tpu.memory_space<semaphore_mem>>
        %dma_start3A_97 = arith.constant 0 : i32
        %dma_start3A_98 = arith.constant 0 : i32
        %dma_start3A_99 = tpu.memref_slice %arg11[%dma_start3A_97, %dma_start3A_98] : memref<800x16xf32, #tpu.memory_space<vmem>> -> memref<800x16xf32, #tpu.memory_space<vmem>>
        %dma_start3A_100 = arith.constant 0 : i32
        %dma_start3A_101 = tpu.memref_slice %arg7[%add3A_84, %dma_start3A_100] : memref<100096x16xf32, #tpu.memory_space<hbm>> -> memref<800x16xf32, #tpu.memory_space<hbm>>
        %dma_start3A_102 = arith.constant 0 : i32
        %dma_start3A_103 = tpu.memref_slice %arg7[%add3A_84, %dma_start3A_102] : memref<100096x16xf32, #tpu.memory_space<hbm>> -> memref<800x16xf32, #tpu.memory_space<hbm>>
        %dma_start3A_104 = arith.constant 0 : i32
        %dma_start3A_105 = arith.constant 0 : i32
        %dma_start3A_106 = tpu.memref_slice %arg11[%dma_start3A_104, %dma_start3A_105] : memref<800x16xf32, #tpu.memory_space<vmem>> -> memref<800x16xf32, #tpu.memory_space<vmem>>
        tpu.enqueue_dma source(%dma_start3A_106 : memref<800x16xf32, #tpu.memory_space<vmem>>) target(%dma_start3A_103 : memref<800x16xf32, #tpu.memory_space<hbm>>) target_semaphore(%run_scoped3A : memref<!tpu.dma_semaphore, #tpu.memory_space<semaphore_mem>>)
        %dma_wait3A_107 = arith.constant 0 : i32
        %dma_wait3A_108 = arith.constant 0 : i32
        %dma_wait3A_109 = tpu.memref_slice %arg11[%dma_wait3A_107, %dma_wait3A_108] : memref<800x16xf32, #tpu.memory_space<vmem>> -> memref<800x16xf32, #tpu.memory_space<vmem>>
        %dma_wait3A_110 = arith.constant 0 : i32
        %dma_wait3A_111 = tpu.memref_slice %arg7[%add3A_84, %dma_wait3A_110] : memref<100096x16xf32, #tpu.memory_space<hbm>> -> memref<800x16xf32, #tpu.memory_space<hbm>>
        %dma_wait3A_112 = arith.constant 0 : i32
        %dma_wait3A_113 = tpu.memref_slice %arg7[%add3A_84, %dma_wait3A_112] : memref<100096x16xf32, #tpu.memory_space<hbm>> -> memref<800x16xf32, #tpu.memory_space<hbm>>
        %dma_wait3A_114 = arith.constant 0 : i32
        %dma_wait3A_115 = arith.constant 0 : i32
        %dma_wait3A_116 = tpu.memref_slice %arg11[%dma_wait3A_114, %dma_wait3A_115] : memref<800x16xf32, #tpu.memory_space<vmem>> -> memref<800x16xf32, #tpu.memory_space<vmem>>
        tpu.wait_dma2 semaphore(%run_scoped3A : memref<!tpu.dma_semaphore, #tpu.memory_space<semaphore_mem>>) src(%dma_wait3A_116 : memref<800x16xf32, #tpu.memory_space<vmem>>) dst(%dma_wait3A_113 : memref<800x16xf32, #tpu.memory_space<hbm>>)
        tpu.yield
      }) : () -> ()
      %mul3A_85 = arith.constant 6256 : i32
      %mul3A_86 = arith.muli %arg1, %mul3A_85 : i32
      %add3A_87 = arith.constant 4000 : i32
      %add3A_88 = arith.addi %mul3A_86, %add3A_87 : i32
      "tpu.region"() ({
        %run_scoped3A = tpu.sem_alloc : memref<!tpu.dma_semaphore, #tpu.memory_space<semaphore_mem>>
        %dma_start3A_97 = arith.constant 0 : i32
        %dma_start3A_98 = arith.constant 0 : i32
        %dma_start3A_99 = tpu.memref_slice %arg11[%dma_start3A_97, %dma_start3A_98] : memref<800x16xf32, #tpu.memory_space<vmem>> -> memref<800x16xf32, #tpu.memory_space<vmem>>
        %dma_start3A_100 = arith.constant 0 : i32
        %dma_start3A_101 = tpu.memref_slice %arg8[%add3A_88, %dma_start3A_100] : memref<100096x16xf32, #tpu.memory_space<vmem_shared>> -> memref<800x16xf32, #tpu.memory_space<vmem_shared>>
        %dma_start3A_102 = arith.constant 0 : i32
        %dma_start3A_103 = arith.constant 0 : i32
        %dma_start3A_104 = tpu.memref_slice %arg11[%dma_start3A_102, %dma_start3A_103] : memref<800x16xf32, #tpu.memory_space<vmem>> -> memref<800x16xf32, #tpu.memory_space<vmem>>
        %dma_start3A_105 = arith.constant 0 : i32
        %dma_start3A_106 = tpu.memref_slice %arg8[%add3A_88, %dma_start3A_105] : memref<100096x16xf32, #tpu.memory_space<vmem_shared>> -> memref<800x16xf32, #tpu.memory_space<vmem_shared>>
        tpu.enqueue_dma source(%dma_start3A_106 : memref<800x16xf32, #tpu.memory_space<vmem_shared>>) target(%dma_start3A_104 : memref<800x16xf32, #tpu.memory_space<vmem>>) target_semaphore(%run_scoped3A : memref<!tpu.dma_semaphore, #tpu.memory_space<semaphore_mem>>)
        %dma_wait3A_107 = arith.constant 0 : i32
        %dma_wait3A_108 = arith.constant 0 : i32
        %dma_wait3A_109 = tpu.memref_slice %arg11[%dma_wait3A_107, %dma_wait3A_108] : memref<800x16xf32, #tpu.memory_space<vmem>> -> memref<800x16xf32, #tpu.memory_space<vmem>>
        %dma_wait3A_110 = arith.constant 0 : i32
        %dma_wait3A_111 = tpu.memref_slice %arg8[%add3A_88, %dma_wait3A_110] : memref<100096x16xf32, #tpu.memory_space<vmem_shared>> -> memref<800x16xf32, #tpu.memory_space<vmem_shared>>
        %dma_wait3A_112 = arith.constant 0 : i32
        %dma_wait3A_113 = arith.constant 0 : i32
        %dma_wait3A_114 = tpu.memref_slice %arg11[%dma_wait3A_112, %dma_wait3A_113] : memref<800x16xf32, #tpu.memory_space<vmem>> -> memref<800x16xf32, #tpu.memory_space<vmem>>
        %dma_wait3A_115 = arith.constant 0 : i32
        %dma_wait3A_116 = tpu.memref_slice %arg8[%add3A_88, %dma_wait3A_115] : memref<100096x16xf32, #tpu.memory_space<vmem_shared>> -> memref<800x16xf32, #tpu.memory_space<vmem_shared>>
        tpu.wait_dma2 semaphore(%run_scoped3A : memref<!tpu.dma_semaphore, #tpu.memory_space<semaphore_mem>>) src(%dma_wait3A_116 : memref<800x16xf32, #tpu.memory_space<vmem_shared>>) dst(%dma_wait3A_114 : memref<800x16xf32, #tpu.memory_space<vmem>>)
        tpu.yield
      }) : () -> ()
      "tpu.region"() ({
        %run_scoped3A = tpu.sem_alloc : memref<!tpu.dma_semaphore, #tpu.memory_space<semaphore_mem>>
        %dma_start3A_97 = arith.constant 0 : i32
        %dma_start3A_98 = arith.constant 0 : i32
        %dma_start3A_99 = tpu.memref_slice %arg11[%dma_start3A_97, %dma_start3A_98] : memref<800x16xf32, #tpu.memory_space<vmem>> -> memref<800x16xf32, #tpu.memory_space<vmem>>
        %dma_start3A_100 = arith.constant 0 : i32
        %dma_start3A_101 = tpu.memref_slice %arg7[%add3A_88, %dma_start3A_100] : memref<100096x16xf32, #tpu.memory_space<hbm>> -> memref<800x16xf32, #tpu.memory_space<hbm>>
        %dma_start3A_102 = arith.constant 0 : i32
        %dma_start3A_103 = tpu.memref_slice %arg7[%add3A_88, %dma_start3A_102] : memref<100096x16xf32, #tpu.memory_space<hbm>> -> memref<800x16xf32, #tpu.memory_space<hbm>>
        %dma_start3A_104 = arith.constant 0 : i32
        %dma_start3A_105 = arith.constant 0 : i32
        %dma_start3A_106 = tpu.memref_slice %arg11[%dma_start3A_104, %dma_start3A_105] : memref<800x16xf32, #tpu.memory_space<vmem>> -> memref<800x16xf32, #tpu.memory_space<vmem>>
        tpu.enqueue_dma source(%dma_start3A_106 : memref<800x16xf32, #tpu.memory_space<vmem>>) target(%dma_start3A_103 : memref<800x16xf32, #tpu.memory_space<hbm>>) target_semaphore(%run_scoped3A : memref<!tpu.dma_semaphore, #tpu.memory_space<semaphore_mem>>)
        %dma_wait3A_107 = arith.constant 0 : i32
        %dma_wait3A_108 = arith.constant 0 : i32
        %dma_wait3A_109 = tpu.memref_slice %arg11[%dma_wait3A_107, %dma_wait3A_108] : memref<800x16xf32, #tpu.memory_space<vmem>> -> memref<800x16xf32, #tpu.memory_space<vmem>>
        %dma_wait3A_110 = arith.constant 0 : i32
        %dma_wait3A_111 = tpu.memref_slice %arg7[%add3A_88, %dma_wait3A_110] : memref<100096x16xf32, #tpu.memory_space<hbm>> -> memref<800x16xf32, #tpu.memory_space<hbm>>
        %dma_wait3A_112 = arith.constant 0 : i32
        %dma_wait3A_113 = tpu.memref_slice %arg7[%add3A_88, %dma_wait3A_112] : memref<100096x16xf32, #tpu.memory_space<hbm>> -> memref<800x16xf32, #tpu.memory_space<hbm>>
        %dma_wait3A_114 = arith.constant 0 : i32
        %dma_wait3A_115 = arith.constant 0 : i32
        %dma_wait3A_116 = tpu.memref_slice %arg11[%dma_wait3A_114, %dma_wait3A_115] : memref<800x16xf32, #tpu.memory_space<vmem>> -> memref<800x16xf32, #tpu.memory_space<vmem>>
        tpu.wait_dma2 semaphore(%run_scoped3A : memref<!tpu.dma_semaphore, #tpu.memory_space<semaphore_mem>>) src(%dma_wait3A_116 : memref<800x16xf32, #tpu.memory_space<vmem>>) dst(%dma_wait3A_113 : memref<800x16xf32, #tpu.memory_space<hbm>>)
        tpu.yield
      }) : () -> ()
      %mul3A_89 = arith.constant 6256 : i32
      %mul3A_90 = arith.muli %arg1, %mul3A_89 : i32
      %add3A_91 = arith.constant 4800 : i32
      %add3A_92 = arith.addi %mul3A_90, %add3A_91 : i32
      "tpu.region"() ({
        %run_scoped3A = tpu.sem_alloc : memref<!tpu.dma_semaphore, #tpu.memory_space<semaphore_mem>>
        %dma_start3A_97 = arith.constant 0 : i32
        %dma_start3A_98 = arith.constant 0 : i32
        %dma_start3A_99 = tpu.memref_slice %arg11[%dma_start3A_97, %dma_start3A_98] : memref<800x16xf32, #tpu.memory_space<vmem>> -> memref<800x16xf32, #tpu.memory_space<vmem>>
        %dma_start3A_100 = arith.constant 0 : i32
        %dma_start3A_101 = tpu.memref_slice %arg8[%add3A_92, %dma_start3A_100] : memref<100096x16xf32, #tpu.memory_space<vmem_shared>> -> memref<800x16xf32, #tpu.memory_space<vmem_shared>>
        %dma_start3A_102 = arith.constant 0 : i32
        %dma_start3A_103 = arith.constant 0 : i32
        %dma_start3A_104 = tpu.memref_slice %arg11[%dma_start3A_102, %dma_start3A_103] : memref<800x16xf32, #tpu.memory_space<vmem>> -> memref<800x16xf32, #tpu.memory_space<vmem>>
        %dma_start3A_105 = arith.constant 0 : i32
        %dma_start3A_106 = tpu.memref_slice %arg8[%add3A_92, %dma_start3A_105] : memref<100096x16xf32, #tpu.memory_space<vmem_shared>> -> memref<800x16xf32, #tpu.memory_space<vmem_shared>>
        tpu.enqueue_dma source(%dma_start3A_106 : memref<800x16xf32, #tpu.memory_space<vmem_shared>>) target(%dma_start3A_104 : memref<800x16xf32, #tpu.memory_space<vmem>>) target_semaphore(%run_scoped3A : memref<!tpu.dma_semaphore, #tpu.memory_space<semaphore_mem>>)
        %dma_wait3A_107 = arith.constant 0 : i32
        %dma_wait3A_108 = arith.constant 0 : i32
        %dma_wait3A_109 = tpu.memref_slice %arg11[%dma_wait3A_107, %dma_wait3A_108] : memref<800x16xf32, #tpu.memory_space<vmem>> -> memref<800x16xf32, #tpu.memory_space<vmem>>
        %dma_wait3A_110 = arith.constant 0 : i32
        %dma_wait3A_111 = tpu.memref_slice %arg8[%add3A_92, %dma_wait3A_110] : memref<100096x16xf32, #tpu.memory_space<vmem_shared>> -> memref<800x16xf32, #tpu.memory_space<vmem_shared>>
        %dma_wait3A_112 = arith.constant 0 : i32
        %dma_wait3A_113 = arith.constant 0 : i32
        %dma_wait3A_114 = tpu.memref_slice %arg11[%dma_wait3A_112, %dma_wait3A_113] : memref<800x16xf32, #tpu.memory_space<vmem>> -> memref<800x16xf32, #tpu.memory_space<vmem>>
        %dma_wait3A_115 = arith.constant 0 : i32
        %dma_wait3A_116 = tpu.memref_slice %arg8[%add3A_92, %dma_wait3A_115] : memref<100096x16xf32, #tpu.memory_space<vmem_shared>> -> memref<800x16xf32, #tpu.memory_space<vmem_shared>>
        tpu.wait_dma2 semaphore(%run_scoped3A : memref<!tpu.dma_semaphore, #tpu.memory_space<semaphore_mem>>) src(%dma_wait3A_116 : memref<800x16xf32, #tpu.memory_space<vmem_shared>>) dst(%dma_wait3A_114 : memref<800x16xf32, #tpu.memory_space<vmem>>)
        tpu.yield
      }) : () -> ()
      "tpu.region"() ({
        %run_scoped3A = tpu.sem_alloc : memref<!tpu.dma_semaphore, #tpu.memory_space<semaphore_mem>>
        %dma_start3A_97 = arith.constant 0 : i32
        %dma_start3A_98 = arith.constant 0 : i32
        %dma_start3A_99 = tpu.memref_slice %arg11[%dma_start3A_97, %dma_start3A_98] : memref<800x16xf32, #tpu.memory_space<vmem>> -> memref<800x16xf32, #tpu.memory_space<vmem>>
        %dma_start3A_100 = arith.constant 0 : i32
        %dma_start3A_101 = tpu.memref_slice %arg7[%add3A_92, %dma_start3A_100] : memref<100096x16xf32, #tpu.memory_space<hbm>> -> memref<800x16xf32, #tpu.memory_space<hbm>>
        %dma_start3A_102 = arith.constant 0 : i32
        %dma_start3A_103 = tpu.memref_slice %arg7[%add3A_92, %dma_start3A_102] : memref<100096x16xf32, #tpu.memory_space<hbm>> -> memref<800x16xf32, #tpu.memory_space<hbm>>
        %dma_start3A_104 = arith.constant 0 : i32
        %dma_start3A_105 = arith.constant 0 : i32
        %dma_start3A_106 = tpu.memref_slice %arg11[%dma_start3A_104, %dma_start3A_105] : memref<800x16xf32, #tpu.memory_space<vmem>> -> memref<800x16xf32, #tpu.memory_space<vmem>>
        tpu.enqueue_dma source(%dma_start3A_106 : memref<800x16xf32, #tpu.memory_space<vmem>>) target(%dma_start3A_103 : memref<800x16xf32, #tpu.memory_space<hbm>>) target_semaphore(%run_scoped3A : memref<!tpu.dma_semaphore, #tpu.memory_space<semaphore_mem>>)
        %dma_wait3A_107 = arith.constant 0 : i32
        %dma_wait3A_108 = arith.constant 0 : i32
        %dma_wait3A_109 = tpu.memref_slice %arg11[%dma_wait3A_107, %dma_wait3A_108] : memref<800x16xf32, #tpu.memory_space<vmem>> -> memref<800x16xf32, #tpu.memory_space<vmem>>
        %dma_wait3A_110 = arith.constant 0 : i32
        %dma_wait3A_111 = tpu.memref_slice %arg7[%add3A_92, %dma_wait3A_110] : memref<100096x16xf32, #tpu.memory_space<hbm>> -> memref<800x16xf32, #tpu.memory_space<hbm>>
        %dma_wait3A_112 = arith.constant 0 : i32
        %dma_wait3A_113 = tpu.memref_slice %arg7[%add3A_92, %dma_wait3A_112] : memref<100096x16xf32, #tpu.memory_space<hbm>> -> memref<800x16xf32, #tpu.memory_space<hbm>>
        %dma_wait3A_114 = arith.constant 0 : i32
        %dma_wait3A_115 = arith.constant 0 : i32
        %dma_wait3A_116 = tpu.memref_slice %arg11[%dma_wait3A_114, %dma_wait3A_115] : memref<800x16xf32, #tpu.memory_space<vmem>> -> memref<800x16xf32, #tpu.memory_space<vmem>>
        tpu.wait_dma2 semaphore(%run_scoped3A : memref<!tpu.dma_semaphore, #tpu.memory_space<semaphore_mem>>) src(%dma_wait3A_116 : memref<800x16xf32, #tpu.memory_space<vmem>>) dst(%dma_wait3A_113 : memref<800x16xf32, #tpu.memory_space<hbm>>)
        tpu.yield
      }) : () -> ()
      %mul3A_93 = arith.constant 6256 : i32
      %mul3A_94 = arith.muli %arg1, %mul3A_93 : i32
      %add3A_95 = arith.constant 5600 : i32
      %add3A_96 = arith.addi %mul3A_94, %add3A_95 : i32
      "tpu.region"() ({
        %run_scoped3A = tpu.sem_alloc : memref<!tpu.dma_semaphore, #tpu.memory_space<semaphore_mem>>
        %dma_start3A_97 = arith.constant 0 : i32
        %dma_start3A_98 = arith.constant 0 : i32
        %dma_start3A_99 = tpu.memref_slice %arg11[%dma_start3A_97, %dma_start3A_98] : memref<800x16xf32, #tpu.memory_space<vmem>> -> memref<656x16xf32, #tpu.memory_space<vmem>>
        %dma_start3A_100 = arith.constant 0 : i32
        %dma_start3A_101 = tpu.memref_slice %arg8[%add3A_96, %dma_start3A_100] : memref<100096x16xf32, #tpu.memory_space<vmem_shared>> -> memref<656x16xf32, #tpu.memory_space<vmem_shared>>
        %dma_start3A_102 = arith.constant 0 : i32
        %dma_start3A_103 = arith.constant 0 : i32
        %dma_start3A_104 = tpu.memref_slice %arg11[%dma_start3A_102, %dma_start3A_103] : memref<800x16xf32, #tpu.memory_space<vmem>> -> memref<656x16xf32, #tpu.memory_space<vmem>>
        %dma_start3A_105 = arith.constant 0 : i32
        %dma_start3A_106 = tpu.memref_slice %arg8[%add3A_96, %dma_start3A_105] : memref<100096x16xf32, #tpu.memory_space<vmem_shared>> -> memref<656x16xf32, #tpu.memory_space<vmem_shared>>
        tpu.enqueue_dma source(%dma_start3A_106 : memref<656x16xf32, #tpu.memory_space<vmem_shared>>) target(%dma_start3A_104 : memref<656x16xf32, #tpu.memory_space<vmem>>) target_semaphore(%run_scoped3A : memref<!tpu.dma_semaphore, #tpu.memory_space<semaphore_mem>>)
        %dma_wait3A_107 = arith.constant 0 : i32
        %dma_wait3A_108 = arith.constant 0 : i32
        %dma_wait3A_109 = tpu.memref_slice %arg11[%dma_wait3A_107, %dma_wait3A_108] : memref<800x16xf32, #tpu.memory_space<vmem>> -> memref<656x16xf32, #tpu.memory_space<vmem>>
        %dma_wait3A_110 = arith.constant 0 : i32
        %dma_wait3A_111 = tpu.memref_slice %arg8[%add3A_96, %dma_wait3A_110] : memref<100096x16xf32, #tpu.memory_space<vmem_shared>> -> memref<656x16xf32, #tpu.memory_space<vmem_shared>>
        %dma_wait3A_112 = arith.constant 0 : i32
        %dma_wait3A_113 = arith.constant 0 : i32
        %dma_wait3A_114 = tpu.memref_slice %arg11[%dma_wait3A_112, %dma_wait3A_113] : memref<800x16xf32, #tpu.memory_space<vmem>> -> memref<656x16xf32, #tpu.memory_space<vmem>>
        %dma_wait3A_115 = arith.constant 0 : i32
        %dma_wait3A_116 = tpu.memref_slice %arg8[%add3A_96, %dma_wait3A_115] : memref<100096x16xf32, #tpu.memory_space<vmem_shared>> -> memref<656x16xf32, #tpu.memory_space<vmem_shared>>
        tpu.wait_dma2 semaphore(%run_scoped3A : memref<!tpu.dma_semaphore, #tpu.memory_space<semaphore_mem>>) src(%dma_wait3A_116 : memref<656x16xf32, #tpu.memory_space<vmem_shared>>) dst(%dma_wait3A_114 : memref<656x16xf32, #tpu.memory_space<vmem>>)
        tpu.yield
      }) : () -> ()
      "tpu.region"() ({
        %run_scoped3A = tpu.sem_alloc : memref<!tpu.dma_semaphore, #tpu.memory_space<semaphore_mem>>
        %dma_start3A_97 = arith.constant 0 : i32
        %dma_start3A_98 = arith.constant 0 : i32
        %dma_start3A_99 = tpu.memref_slice %arg11[%dma_start3A_97, %dma_start3A_98] : memref<800x16xf32, #tpu.memory_space<vmem>> -> memref<656x16xf32, #tpu.memory_space<vmem>>
        %dma_start3A_100 = arith.constant 0 : i32
        %dma_start3A_101 = tpu.memref_slice %arg7[%add3A_96, %dma_start3A_100] : memref<100096x16xf32, #tpu.memory_space<hbm>> -> memref<656x16xf32, #tpu.memory_space<hbm>>
        %dma_start3A_102 = arith.constant 0 : i32
        %dma_start3A_103 = tpu.memref_slice %arg7[%add3A_96, %dma_start3A_102] : memref<100096x16xf32, #tpu.memory_space<hbm>> -> memref<656x16xf32, #tpu.memory_space<hbm>>
        %dma_start3A_104 = arith.constant 0 : i32
        %dma_start3A_105 = arith.constant 0 : i32
        %dma_start3A_106 = tpu.memref_slice %arg11[%dma_start3A_104, %dma_start3A_105] : memref<800x16xf32, #tpu.memory_space<vmem>> -> memref<656x16xf32, #tpu.memory_space<vmem>>
        tpu.enqueue_dma source(%dma_start3A_106 : memref<656x16xf32, #tpu.memory_space<vmem>>) target(%dma_start3A_103 : memref<656x16xf32, #tpu.memory_space<hbm>>) target_semaphore(%run_scoped3A : memref<!tpu.dma_semaphore, #tpu.memory_space<semaphore_mem>>)
        %dma_wait3A_107 = arith.constant 0 : i32
        %dma_wait3A_108 = arith.constant 0 : i32
        %dma_wait3A_109 = tpu.memref_slice %arg11[%dma_wait3A_107, %dma_wait3A_108] : memref<800x16xf32, #tpu.memory_space<vmem>> -> memref<656x16xf32, #tpu.memory_space<vmem>>
        %dma_wait3A_110 = arith.constant 0 : i32
        %dma_wait3A_111 = tpu.memref_slice %arg7[%add3A_96, %dma_wait3A_110] : memref<100096x16xf32, #tpu.memory_space<hbm>> -> memref<656x16xf32, #tpu.memory_space<hbm>>
        %dma_wait3A_112 = arith.constant 0 : i32
        %dma_wait3A_113 = tpu.memref_slice %arg7[%add3A_96, %dma_wait3A_112] : memref<100096x16xf32, #tpu.memory_space<hbm>> -> memref<656x16xf32, #tpu.memory_space<hbm>>
        %dma_wait3A_114 = arith.constant 0 : i32
        %dma_wait3A_115 = arith.constant 0 : i32
        %dma_wait3A_116 = tpu.memref_slice %arg11[%dma_wait3A_114, %dma_wait3A_115] : memref<800x16xf32, #tpu.memory_space<vmem>> -> memref<656x16xf32, #tpu.memory_space<vmem>>
        tpu.wait_dma2 semaphore(%run_scoped3A : memref<!tpu.dma_semaphore, #tpu.memory_space<semaphore_mem>>) src(%dma_wait3A_116 : memref<656x16xf32, #tpu.memory_space<vmem>>) dst(%dma_wait3A_113 : memref<656x16xf32, #tpu.memory_space<hbm>>)
        tpu.yield
      }) : () -> ()
    } else {
    }
    return
  }
}

#map = affine_map<(d0, d1) -> (0)>
#map1 = affine_map<(d0, d1) -> (0, 0)>
module attributes {stable_mosaic.version = 14 : i64} {
  func.func @_sc_deg(%arg0: i32, %arg1: i32, %arg2: memref<6400000xi32, #tpu.memory_space<hbm>>, %arg3: memref<4000x8xf32, #tpu.memory_space<hbm>>, %arg4: memref<100096x8xf32, #tpu.memory_space<hbm>>, %arg5: memref<100096x8xf32, #tpu.memory_space<hbm>>, %arg6: memref<100096x8xf32, #tpu.memory_space<hbm>>, %arg7: memref<100096x8xf32, #tpu.memory_space<vmem_shared>>, %arg8: memref<4000xi32, #tpu.memory_space<vmem>>, %arg9: memref<4000xi32, #tpu.memory_space<vmem>>, %arg10: memref<4000x8xf32, #tpu.memory_space<vmem>>, %arg11: memref<!tpu.dma_semaphore, #tpu.memory_space<semaphore_mem>>, %arg12: memref<!tpu.dma_semaphore, #tpu.memory_space<semaphore_mem>>) attributes {dimension_semantics = [#tpu.dimension_semantics<core_parallel>, #tpu.dimension_semantics<subcore_parallel>], iteration_bounds = array<i64: 2, 16>, scalar_prefetch = 0 : i64, scratch_operands = 6 : i64, tpu.core_type = #tpu.core_type<sc_vector_subcore>, window_params = [{transform_indices = #map}, {transform_indices = #map1}, {transform_indices = #map1}, {transform_indices = #map1}, {transform_indices = #map1}]} {
    %mul3A = arith.constant 6256 : i32
    %mul3A_0 = arith.muli %arg1, %mul3A : i32
    %add3A = arith.constant 0 : i32
    %add3A_1 = arith.addi %mul3A_0, %add3A : i32
    "tpu.region"() ({
      %run_scoped3A = tpu.sem_alloc : memref<!tpu.dma_semaphore, #tpu.memory_space<semaphore_mem>>
      %dma_start3A_29 = arith.constant 0 : i32
      %dma_start3A_30 = arith.constant 0 : i32
      %dma_start3A_31 = tpu.memref_slice %arg10[%dma_start3A_29, %dma_start3A_30] : memref<4000x8xf32, #tpu.memory_space<vmem>> -> memref<4000x8xf32, #tpu.memory_space<vmem>>
      %dma_start3A_32 = arith.constant 0 : i32
      %dma_start3A_33 = tpu.memref_slice %arg4[%add3A_1, %dma_start3A_32] : memref<100096x8xf32, #tpu.memory_space<hbm>> -> memref<4000x8xf32, #tpu.memory_space<hbm>>
      %dma_start3A_34 = arith.constant 0 : i32
      %dma_start3A_35 = arith.constant 0 : i32
      %dma_start3A_36 = tpu.memref_slice %arg10[%dma_start3A_34, %dma_start3A_35] : memref<4000x8xf32, #tpu.memory_space<vmem>> -> memref<4000x8xf32, #tpu.memory_space<vmem>>
      %dma_start3A_37 = arith.constant 0 : i32
      %dma_start3A_38 = tpu.memref_slice %arg4[%add3A_1, %dma_start3A_37] : memref<100096x8xf32, #tpu.memory_space<hbm>> -> memref<4000x8xf32, #tpu.memory_space<hbm>>
      tpu.enqueue_dma source(%dma_start3A_38 : memref<4000x8xf32, #tpu.memory_space<hbm>>) target(%dma_start3A_36 : memref<4000x8xf32, #tpu.memory_space<vmem>>) target_semaphore(%run_scoped3A : memref<!tpu.dma_semaphore, #tpu.memory_space<semaphore_mem>>)
      %dma_wait3A = arith.constant 0 : i32
      %dma_wait3A_39 = arith.constant 0 : i32
      %dma_wait3A_40 = tpu.memref_slice %arg10[%dma_wait3A, %dma_wait3A_39] : memref<4000x8xf32, #tpu.memory_space<vmem>> -> memref<4000x8xf32, #tpu.memory_space<vmem>>
      %dma_wait3A_41 = arith.constant 0 : i32
      %dma_wait3A_42 = tpu.memref_slice %arg4[%add3A_1, %dma_wait3A_41] : memref<100096x8xf32, #tpu.memory_space<hbm>> -> memref<4000x8xf32, #tpu.memory_space<hbm>>
      %dma_wait3A_43 = arith.constant 0 : i32
      %dma_wait3A_44 = arith.constant 0 : i32
      %dma_wait3A_45 = tpu.memref_slice %arg10[%dma_wait3A_43, %dma_wait3A_44] : memref<4000x8xf32, #tpu.memory_space<vmem>> -> memref<4000x8xf32, #tpu.memory_space<vmem>>
      %dma_wait3A_46 = arith.constant 0 : i32
      %dma_wait3A_47 = tpu.memref_slice %arg4[%add3A_1, %dma_wait3A_46] : memref<100096x8xf32, #tpu.memory_space<hbm>> -> memref<4000x8xf32, #tpu.memory_space<hbm>>
      tpu.wait_dma2 semaphore(%run_scoped3A : memref<!tpu.dma_semaphore, #tpu.memory_space<semaphore_mem>>) src(%dma_wait3A_47 : memref<4000x8xf32, #tpu.memory_space<hbm>>) dst(%dma_wait3A_45 : memref<4000x8xf32, #tpu.memory_space<vmem>>)
      tpu.yield
    }) : () -> ()
    "tpu.region"() ({
      %run_scoped3A = tpu.sem_alloc : memref<!tpu.dma_semaphore, #tpu.memory_space<semaphore_mem>>
      %dma_start3A_29 = arith.constant 0 : i32
      %dma_start3A_30 = arith.constant 0 : i32
      %dma_start3A_31 = tpu.memref_slice %arg10[%dma_start3A_29, %dma_start3A_30] : memref<4000x8xf32, #tpu.memory_space<vmem>> -> memref<4000x8xf32, #tpu.memory_space<vmem>>
      %dma_start3A_32 = arith.constant 0 : i32
      %dma_start3A_33 = tpu.memref_slice %arg7[%add3A_1, %dma_start3A_32] : memref<100096x8xf32, #tpu.memory_space<vmem_shared>> -> memref<4000x8xf32, #tpu.memory_space<vmem_shared>>
      %dma_start3A_34 = arith.constant 0 : i32
      %dma_start3A_35 = tpu.memref_slice %arg7[%add3A_1, %dma_start3A_34] : memref<100096x8xf32, #tpu.memory_space<vmem_shared>> -> memref<4000x8xf32, #tpu.memory_space<vmem_shared>>
      %dma_start3A_36 = arith.constant 0 : i32
      %dma_start3A_37 = arith.constant 0 : i32
      %dma_start3A_38 = tpu.memref_slice %arg10[%dma_start3A_36, %dma_start3A_37] : memref<4000x8xf32, #tpu.memory_space<vmem>> -> memref<4000x8xf32, #tpu.memory_space<vmem>>
      tpu.enqueue_dma source(%dma_start3A_38 : memref<4000x8xf32, #tpu.memory_space<vmem>>) target(%dma_start3A_35 : memref<4000x8xf32, #tpu.memory_space<vmem_shared>>) target_semaphore(%run_scoped3A : memref<!tpu.dma_semaphore, #tpu.memory_space<semaphore_mem>>)
      %dma_wait3A = arith.constant 0 : i32
      %dma_wait3A_39 = arith.constant 0 : i32
      %dma_wait3A_40 = tpu.memref_slice %arg10[%dma_wait3A, %dma_wait3A_39] : memref<4000x8xf32, #tpu.memory_space<vmem>> -> memref<4000x8xf32, #tpu.memory_space<vmem>>
      %dma_wait3A_41 = arith.constant 0 : i32
      %dma_wait3A_42 = tpu.memref_slice %arg7[%add3A_1, %dma_wait3A_41] : memref<100096x8xf32, #tpu.memory_space<vmem_shared>> -> memref<4000x8xf32, #tpu.memory_space<vmem_shared>>
      %dma_wait3A_43 = arith.constant 0 : i32
      %dma_wait3A_44 = tpu.memref_slice %arg7[%add3A_1, %dma_wait3A_43] : memref<100096x8xf32, #tpu.memory_space<vmem_shared>> -> memref<4000x8xf32, #tpu.memory_space<vmem_shared>>
      %dma_wait3A_45 = arith.constant 0 : i32
      %dma_wait3A_46 = arith.constant 0 : i32
      %dma_wait3A_47 = tpu.memref_slice %arg10[%dma_wait3A_45, %dma_wait3A_46] : memref<4000x8xf32, #tpu.memory_space<vmem>> -> memref<4000x8xf32, #tpu.memory_space<vmem>>
      tpu.wait_dma2 semaphore(%run_scoped3A : memref<!tpu.dma_semaphore, #tpu.memory_space<semaphore_mem>>) src(%dma_wait3A_47 : memref<4000x8xf32, #tpu.memory_space<vmem>>) dst(%dma_wait3A_44 : memref<4000x8xf32, #tpu.memory_space<vmem_shared>>)
      tpu.yield
    }) : () -> ()
    %mul3A_2 = arith.constant 6256 : i32
    %mul3A_3 = arith.muli %arg1, %mul3A_2 : i32
    %add3A_4 = arith.constant 4000 : i32
    %add3A_5 = arith.addi %mul3A_3, %add3A_4 : i32
    "tpu.region"() ({
      %run_scoped3A = tpu.sem_alloc : memref<!tpu.dma_semaphore, #tpu.memory_space<semaphore_mem>>
      %dma_start3A_29 = arith.constant 0 : i32
      %dma_start3A_30 = arith.constant 0 : i32
      %dma_start3A_31 = tpu.memref_slice %arg10[%dma_start3A_29, %dma_start3A_30] : memref<4000x8xf32, #tpu.memory_space<vmem>> -> memref<2256x8xf32, #tpu.memory_space<vmem>>
      %dma_start3A_32 = arith.constant 0 : i32
      %dma_start3A_33 = tpu.memref_slice %arg4[%add3A_5, %dma_start3A_32] : memref<100096x8xf32, #tpu.memory_space<hbm>> -> memref<2256x8xf32, #tpu.memory_space<hbm>>
      %dma_start3A_34 = arith.constant 0 : i32
      %dma_start3A_35 = arith.constant 0 : i32
      %dma_start3A_36 = tpu.memref_slice %arg10[%dma_start3A_34, %dma_start3A_35] : memref<4000x8xf32, #tpu.memory_space<vmem>> -> memref<2256x8xf32, #tpu.memory_space<vmem>>
      %dma_start3A_37 = arith.constant 0 : i32
      %dma_start3A_38 = tpu.memref_slice %arg4[%add3A_5, %dma_start3A_37] : memref<100096x8xf32, #tpu.memory_space<hbm>> -> memref<2256x8xf32, #tpu.memory_space<hbm>>
      tpu.enqueue_dma source(%dma_start3A_38 : memref<2256x8xf32, #tpu.memory_space<hbm>>) target(%dma_start3A_36 : memref<2256x8xf32, #tpu.memory_space<vmem>>) target_semaphore(%run_scoped3A : memref<!tpu.dma_semaphore, #tpu.memory_space<semaphore_mem>>)
      %dma_wait3A = arith.constant 0 : i32
      %dma_wait3A_39 = arith.constant 0 : i32
      %dma_wait3A_40 = tpu.memref_slice %arg10[%dma_wait3A, %dma_wait3A_39] : memref<4000x8xf32, #tpu.memory_space<vmem>> -> memref<2256x8xf32, #tpu.memory_space<vmem>>
      %dma_wait3A_41 = arith.constant 0 : i32
      %dma_wait3A_42 = tpu.memref_slice %arg4[%add3A_5, %dma_wait3A_41] : memref<100096x8xf32, #tpu.memory_space<hbm>> -> memref<2256x8xf32, #tpu.memory_space<hbm>>
      %dma_wait3A_43 = arith.constant 0 : i32
      %dma_wait3A_44 = arith.constant 0 : i32
      %dma_wait3A_45 = tpu.memref_slice %arg10[%dma_wait3A_43, %dma_wait3A_44] : memref<4000x8xf32, #tpu.memory_space<vmem>> -> memref<2256x8xf32, #tpu.memory_space<vmem>>
      %dma_wait3A_46 = arith.constant 0 : i32
      %dma_wait3A_47 = tpu.memref_slice %arg4[%add3A_5, %dma_wait3A_46] : memref<100096x8xf32, #tpu.memory_space<hbm>> -> memref<2256x8xf32, #tpu.memory_space<hbm>>
      tpu.wait_dma2 semaphore(%run_scoped3A : memref<!tpu.dma_semaphore, #tpu.memory_space<semaphore_mem>>) src(%dma_wait3A_47 : memref<2256x8xf32, #tpu.memory_space<hbm>>) dst(%dma_wait3A_45 : memref<2256x8xf32, #tpu.memory_space<vmem>>)
      tpu.yield
    }) : () -> ()
    "tpu.region"() ({
      %run_scoped3A = tpu.sem_alloc : memref<!tpu.dma_semaphore, #tpu.memory_space<semaphore_mem>>
      %dma_start3A_29 = arith.constant 0 : i32
      %dma_start3A_30 = arith.constant 0 : i32
      %dma_start3A_31 = tpu.memref_slice %arg10[%dma_start3A_29, %dma_start3A_30] : memref<4000x8xf32, #tpu.memory_space<vmem>> -> memref<2256x8xf32, #tpu.memory_space<vmem>>
      %dma_start3A_32 = arith.constant 0 : i32
      %dma_start3A_33 = tpu.memref_slice %arg7[%add3A_5, %dma_start3A_32] : memref<100096x8xf32, #tpu.memory_space<vmem_shared>> -> memref<2256x8xf32, #tpu.memory_space<vmem_shared>>
      %dma_start3A_34 = arith.constant 0 : i32
      %dma_start3A_35 = tpu.memref_slice %arg7[%add3A_5, %dma_start3A_34] : memref<100096x8xf32, #tpu.memory_space<vmem_shared>> -> memref<2256x8xf32, #tpu.memory_space<vmem_shared>>
      %dma_start3A_36 = arith.constant 0 : i32
      %dma_start3A_37 = arith.constant 0 : i32
      %dma_start3A_38 = tpu.memref_slice %arg10[%dma_start3A_36, %dma_start3A_37] : memref<4000x8xf32, #tpu.memory_space<vmem>> -> memref<2256x8xf32, #tpu.memory_space<vmem>>
      tpu.enqueue_dma source(%dma_start3A_38 : memref<2256x8xf32, #tpu.memory_space<vmem>>) target(%dma_start3A_35 : memref<2256x8xf32, #tpu.memory_space<vmem_shared>>) target_semaphore(%run_scoped3A : memref<!tpu.dma_semaphore, #tpu.memory_space<semaphore_mem>>)
      %dma_wait3A = arith.constant 0 : i32
      %dma_wait3A_39 = arith.constant 0 : i32
      %dma_wait3A_40 = tpu.memref_slice %arg10[%dma_wait3A, %dma_wait3A_39] : memref<4000x8xf32, #tpu.memory_space<vmem>> -> memref<2256x8xf32, #tpu.memory_space<vmem>>
      %dma_wait3A_41 = arith.constant 0 : i32
      %dma_wait3A_42 = tpu.memref_slice %arg7[%add3A_5, %dma_wait3A_41] : memref<100096x8xf32, #tpu.memory_space<vmem_shared>> -> memref<2256x8xf32, #tpu.memory_space<vmem_shared>>
      %dma_wait3A_43 = arith.constant 0 : i32
      %dma_wait3A_44 = tpu.memref_slice %arg7[%add3A_5, %dma_wait3A_43] : memref<100096x8xf32, #tpu.memory_space<vmem_shared>> -> memref<2256x8xf32, #tpu.memory_space<vmem_shared>>
      %dma_wait3A_45 = arith.constant 0 : i32
      %dma_wait3A_46 = arith.constant 0 : i32
      %dma_wait3A_47 = tpu.memref_slice %arg10[%dma_wait3A_45, %dma_wait3A_46] : memref<4000x8xf32, #tpu.memory_space<vmem>> -> memref<2256x8xf32, #tpu.memory_space<vmem>>
      tpu.wait_dma2 semaphore(%run_scoped3A : memref<!tpu.dma_semaphore, #tpu.memory_space<semaphore_mem>>) src(%dma_wait3A_47 : memref<2256x8xf32, #tpu.memory_space<vmem>>) dst(%dma_wait3A_44 : memref<2256x8xf32, #tpu.memory_space<vmem_shared>>)
      tpu.yield
    }) : () -> ()
    "tpu.region"() ({
      %run_scoped3A = tpu.sem_alloc : memref<!tpu.dma_semaphore, #tpu.memory_space<semaphore_mem>>
      tpu.enqueue_dma source(%arg3 : memref<4000x8xf32, #tpu.memory_space<hbm>>) target(%arg10 : memref<4000x8xf32, #tpu.memory_space<vmem>>) target_semaphore(%run_scoped3A : memref<!tpu.dma_semaphore, #tpu.memory_space<semaphore_mem>>)
      tpu.wait_dma2 semaphore(%run_scoped3A : memref<!tpu.dma_semaphore, #tpu.memory_space<semaphore_mem>>) src(%arg3 : memref<4000x8xf32, #tpu.memory_space<hbm>>) dst(%arg10 : memref<4000x8xf32, #tpu.memory_space<vmem>>)
      tpu.yield
    }) : () -> ()
    %barrier3A = arith.constant 0 : index
    tpu.barrier barrier_id(%barrier3A)
    %mul3A_6 = arith.constant 3200000 : i32
    %mul3A_7 = arith.muli %arg0, %mul3A_6 : i32
    %mul3A_8 = arith.constant 200000 : i32
    %mul3A_9 = arith.muli %arg1, %mul3A_8 : i32
    %add3A_10 = arith.addi %mul3A_7, %mul3A_9 : i32
    %dma_start3A = tpu.memref_slice %arg2[%add3A_10] : memref<6400000xi32, #tpu.memory_space<hbm>> -> memref<4000xi32, #tpu.memory_space<hbm>>
    %dma_start3A_11 = tpu.memref_slice %arg2[%add3A_10] : memref<6400000xi32, #tpu.memory_space<hbm>> -> memref<4000xi32, #tpu.memory_space<hbm>>
    tpu.enqueue_dma source(%dma_start3A_11 : memref<4000xi32, #tpu.memory_space<hbm>>) target(%arg8 : memref<4000xi32, #tpu.memory_space<vmem>>) target_semaphore(%arg11 : memref<!tpu.dma_semaphore, #tpu.memory_space<semaphore_mem>>)
    %add3A_12 = arith.constant 4000 : i32
    %add3A_13 = arith.addi %add3A_10, %add3A_12 : i32
    %dma_start3A_14 = tpu.memref_slice %arg2[%add3A_13] : memref<6400000xi32, #tpu.memory_space<hbm>> -> memref<4000xi32, #tpu.memory_space<hbm>>
    %dma_start3A_15 = tpu.memref_slice %arg2[%add3A_13] : memref<6400000xi32, #tpu.memory_space<hbm>> -> memref<4000xi32, #tpu.memory_space<hbm>>
    tpu.enqueue_dma source(%dma_start3A_15 : memref<4000xi32, #tpu.memory_space<hbm>>) target(%arg9 : memref<4000xi32, #tpu.memory_space<vmem>>) target_semaphore(%arg12 : memref<!tpu.dma_semaphore, #tpu.memory_space<semaphore_mem>>)
    %scan3A = arith.constant 0 : i32
    %scan3A_16 = arith.constant 0 : i32
    %scan3A_17 = arith.constant 25 : i32
    %scan3A_18 = arith.addi %scan3A_16, %scan3A_17 : i32
    %scan3A_19 = arith.constant 1 : i32
    scf.for %scan3A_29 = %scan3A_16 to %scan3A_18 step %scan3A_19  : i32 {
      %mul3A_30 = arith.constant 2 : i32
      %mul3A_31 = arith.muli %mul3A_30, %scan3A_29 : i32
      %add3A_32 = arith.constant 0 : i32
      %add3A_33 = arith.addi %mul3A_31, %add3A_32 : i32
      %dma_wait3A = arith.constant 0 : i32
      %dma_wait3A_34 = tpu.memref_slice %arg2[%dma_wait3A] : memref<6400000xi32, #tpu.memory_space<hbm>> -> memref<4000xi32, #tpu.memory_space<hbm>>
      %dma_wait3A_35 = arith.constant 0 : i32
      %dma_wait3A_36 = tpu.memref_slice %arg2[%dma_wait3A_35] : memref<6400000xi32, #tpu.memory_space<hbm>> -> memref<4000xi32, #tpu.memory_space<hbm>>
      tpu.wait_dma2 semaphore(%arg11 : memref<!tpu.dma_semaphore, #tpu.memory_space<semaphore_mem>>) src(%dma_wait3A_36 : memref<4000xi32, #tpu.memory_space<hbm>>) dst(%arg8 : memref<4000xi32, #tpu.memory_space<vmem>>)
      "tpu.region"() ({
        %run_scoped3A = tpu.sem_alloc : memref<!tpu.dma_semaphore, #tpu.memory_space<semaphore_mem>>
        %dma_start3A_58 = arith.constant 0 : i32
        %dma_start3A_59 = arith.constant 0 : i32
        %dma_start3A_60 = tpu.memref_slice %arg7[%dma_start3A_58, %dma_start3A_59] : memref<100096x8xf32, #tpu.memory_space<vmem_shared>> -> memref<100096x8xf32, #tpu.memory_space<vmem_shared>>
        tpu.enqueue_indirect_dma source(%arg10 : memref<4000x8xf32, #tpu.memory_space<vmem>>) target(%dma_start3A_60 : memref<100096x8xf32, #tpu.memory_space<vmem_shared>>) offsets(%arg8 : memref<4000xi32, #tpu.memory_space<vmem>>) semaphore(%run_scoped3A : memref<!tpu.dma_semaphore, #tpu.memory_space<semaphore_mem>>) {add = true}
        %dma_wait3A_61 = arith.constant 0 : i32
        %dma_wait3A_62 = arith.constant 0 : i32
        %dma_wait3A_63 = tpu.memref_slice %arg7[%dma_wait3A_61, %dma_wait3A_62] : memref<100096x8xf32, #tpu.memory_space<vmem_shared>> -> memref<100096x8xf32, #tpu.memory_space<vmem_shared>>
        tpu.wait_indirect_dma semaphore(%run_scoped3A : memref<!tpu.dma_semaphore, #tpu.memory_space<semaphore_mem>>) src(%arg10 : memref<4000x8xf32, #tpu.memory_space<vmem>>) dst(%dma_wait3A_63 : memref<100096x8xf32, #tpu.memory_space<vmem_shared>>)
        tpu.yield
      }) : () -> ()
      %add3A_37 = arith.constant 2 : i32
      %add3A_38 = arith.addi %add3A_33, %add3A_37 : i32
      %lt3A = arith.constant 50 : i32
      %lt3A_39 = arith.cmpi slt, %add3A_38, %lt3A : i32
      %convert_element_type3A_40 = arith.extui %lt3A_39 : i1 to i32
      %cond3A_41 = arith.constant 0 : i32
      %cond3A_42 = arith.cmpi ne, %convert_element_type3A_40, %cond3A_41 : i32
      scf.if %cond3A_42 {
        %add3A_58 = arith.constant 2 : i32
        %add3A_59 = arith.addi %add3A_33, %add3A_58 : i32
        %mul3A_60 = arith.constant 4000 : i32
        %mul3A_61 = arith.muli %add3A_59, %mul3A_60 : i32
        %add3A_62 = arith.addi %add3A_10, %mul3A_61 : i32
        %dma_start3A_63 = tpu.memref_slice %arg2[%add3A_62] : memref<6400000xi32, #tpu.memory_space<hbm>> -> memref<4000xi32, #tpu.memory_space<hbm>>
        %dma_start3A_64 = tpu.memref_slice %arg2[%add3A_62] : memref<6400000xi32, #tpu.memory_space<hbm>> -> memref<4000xi32, #tpu.memory_space<hbm>>
        tpu.enqueue_dma source(%dma_start3A_64 : memref<4000xi32, #tpu.memory_space<hbm>>) target(%arg8 : memref<4000xi32, #tpu.memory_space<vmem>>) target_semaphore(%arg11 : memref<!tpu.dma_semaphore, #tpu.memory_space<semaphore_mem>>)
      } else {
      }
      %mul3A_43 = arith.constant 2 : i32
      %mul3A_44 = arith.muli %mul3A_43, %scan3A_29 : i32
      %add3A_45 = arith.constant 1 : i32
      %add3A_46 = arith.addi %mul3A_44, %add3A_45 : i32
      %dma_wait3A_47 = arith.constant 0 : i32
      %dma_wait3A_48 = tpu.memref_slice %arg2[%dma_wait3A_47] : memref<6400000xi32, #tpu.memory_space<hbm>> -> memref<4000xi32, #tpu.memory_space<hbm>>
      %dma_wait3A_49 = arith.constant 0 : i32
      %dma_wait3A_50 = tpu.memref_slice %arg2[%dma_wait3A_49] : memref<6400000xi32, #tpu.memory_space<hbm>> -> memref<4000xi32, #tpu.memory_space<hbm>>
      tpu.wait_dma2 semaphore(%arg12 : memref<!tpu.dma_semaphore, #tpu.memory_space<semaphore_mem>>) src(%dma_wait3A_50 : memref<4000xi32, #tpu.memory_space<hbm>>) dst(%arg9 : memref<4000xi32, #tpu.memory_space<vmem>>)
      "tpu.region"() ({
        %run_scoped3A = tpu.sem_alloc : memref<!tpu.dma_semaphore, #tpu.memory_space<semaphore_mem>>
        %dma_start3A_58 = arith.constant 0 : i32
        %dma_start3A_59 = arith.constant 0 : i32
        %dma_start3A_60 = tpu.memref_slice %arg7[%dma_start3A_58, %dma_start3A_59] : memref<100096x8xf32, #tpu.memory_space<vmem_shared>> -> memref<100096x8xf32, #tpu.memory_space<vmem_shared>>
        tpu.enqueue_indirect_dma source(%arg10 : memref<4000x8xf32, #tpu.memory_space<vmem>>) target(%dma_start3A_60 : memref<100096x8xf32, #tpu.memory_space<vmem_shared>>) offsets(%arg9 : memref<4000xi32, #tpu.memory_space<vmem>>) semaphore(%run_scoped3A : memref<!tpu.dma_semaphore, #tpu.memory_space<semaphore_mem>>) {add = true}
        %dma_wait3A_61 = arith.constant 0 : i32
        %dma_wait3A_62 = arith.constant 0 : i32
        %dma_wait3A_63 = tpu.memref_slice %arg7[%dma_wait3A_61, %dma_wait3A_62] : memref<100096x8xf32, #tpu.memory_space<vmem_shared>> -> memref<100096x8xf32, #tpu.memory_space<vmem_shared>>
        tpu.wait_indirect_dma semaphore(%run_scoped3A : memref<!tpu.dma_semaphore, #tpu.memory_space<semaphore_mem>>) src(%arg10 : memref<4000x8xf32, #tpu.memory_space<vmem>>) dst(%dma_wait3A_63 : memref<100096x8xf32, #tpu.memory_space<vmem_shared>>)
        tpu.yield
      }) : () -> ()
      %add3A_51 = arith.constant 2 : i32
      %add3A_52 = arith.addi %add3A_46, %add3A_51 : i32
      %lt3A_53 = arith.constant 50 : i32
      %lt3A_54 = arith.cmpi slt, %add3A_52, %lt3A_53 : i32
      %convert_element_type3A_55 = arith.extui %lt3A_54 : i1 to i32
      %cond3A_56 = arith.constant 0 : i32
      %cond3A_57 = arith.cmpi ne, %convert_element_type3A_55, %cond3A_56 : i32
      scf.if %cond3A_57 {
        %add3A_58 = arith.constant 2 : i32
        %add3A_59 = arith.addi %add3A_46, %add3A_58 : i32
        %mul3A_60 = arith.constant 4000 : i32
        %mul3A_61 = arith.muli %add3A_59, %mul3A_60 : i32
        %add3A_62 = arith.addi %add3A_10, %mul3A_61 : i32
        %dma_start3A_63 = tpu.memref_slice %arg2[%add3A_62] : memref<6400000xi32, #tpu.memory_space<hbm>> -> memref<4000xi32, #tpu.memory_space<hbm>>
        %dma_start3A_64 = tpu.memref_slice %arg2[%add3A_62] : memref<6400000xi32, #tpu.memory_space<hbm>> -> memref<4000xi32, #tpu.memory_space<hbm>>
        tpu.enqueue_dma source(%dma_start3A_64 : memref<4000xi32, #tpu.memory_space<hbm>>) target(%arg9 : memref<4000xi32, #tpu.memory_space<vmem>>) target_semaphore(%arg12 : memref<!tpu.dma_semaphore, #tpu.memory_space<semaphore_mem>>)
      } else {
      }
    }
    %scan3A_20 = arith.constant 25 : i32
    %barrier3A_21 = arith.constant 0 : index
    tpu.barrier barrier_id(%barrier3A_21)
    %eq3A = arith.constant 0 : i32
    %eq3A_22 = arith.cmpi eq, %arg0, %eq3A : i32
    %convert_element_type3A = arith.extui %eq3A_22 : i1 to i32
    %cond3A = arith.constant 0 : i32
    %cond3A_23 = arith.cmpi ne, %convert_element_type3A, %cond3A : i32
    scf.if %cond3A_23 {
      %mul3A_29 = arith.constant 6256 : i32
      %mul3A_30 = arith.muli %arg1, %mul3A_29 : i32
      %add3A_31 = arith.constant 0 : i32
      %add3A_32 = arith.addi %mul3A_30, %add3A_31 : i32
      "tpu.region"() ({
        %run_scoped3A = tpu.sem_alloc : memref<!tpu.dma_semaphore, #tpu.memory_space<semaphore_mem>>
        %dma_start3A_37 = arith.constant 0 : i32
        %dma_start3A_38 = arith.constant 0 : i32
        %dma_start3A_39 = tpu.memref_slice %arg10[%dma_start3A_37, %dma_start3A_38] : memref<4000x8xf32, #tpu.memory_space<vmem>> -> memref<4000x8xf32, #tpu.memory_space<vmem>>
        %dma_start3A_40 = arith.constant 0 : i32
        %dma_start3A_41 = tpu.memref_slice %arg7[%add3A_32, %dma_start3A_40] : memref<100096x8xf32, #tpu.memory_space<vmem_shared>> -> memref<4000x8xf32, #tpu.memory_space<vmem_shared>>
        %dma_start3A_42 = arith.constant 0 : i32
        %dma_start3A_43 = arith.constant 0 : i32
        %dma_start3A_44 = tpu.memref_slice %arg10[%dma_start3A_42, %dma_start3A_43] : memref<4000x8xf32, #tpu.memory_space<vmem>> -> memref<4000x8xf32, #tpu.memory_space<vmem>>
        %dma_start3A_45 = arith.constant 0 : i32
        %dma_start3A_46 = tpu.memref_slice %arg7[%add3A_32, %dma_start3A_45] : memref<100096x8xf32, #tpu.memory_space<vmem_shared>> -> memref<4000x8xf32, #tpu.memory_space<vmem_shared>>
        tpu.enqueue_dma source(%dma_start3A_46 : memref<4000x8xf32, #tpu.memory_space<vmem_shared>>) target(%dma_start3A_44 : memref<4000x8xf32, #tpu.memory_space<vmem>>) target_semaphore(%run_scoped3A : memref<!tpu.dma_semaphore, #tpu.memory_space<semaphore_mem>>)
        %dma_wait3A = arith.constant 0 : i32
        %dma_wait3A_47 = arith.constant 0 : i32
        %dma_wait3A_48 = tpu.memref_slice %arg10[%dma_wait3A, %dma_wait3A_47] : memref<4000x8xf32, #tpu.memory_space<vmem>> -> memref<4000x8xf32, #tpu.memory_space<vmem>>
        %dma_wait3A_49 = arith.constant 0 : i32
        %dma_wait3A_50 = tpu.memref_slice %arg7[%add3A_32, %dma_wait3A_49] : memref<100096x8xf32, #tpu.memory_space<vmem_shared>> -> memref<4000x8xf32, #tpu.memory_space<vmem_shared>>
        %dma_wait3A_51 = arith.constant 0 : i32
        %dma_wait3A_52 = arith.constant 0 : i32
        %dma_wait3A_53 = tpu.memref_slice %arg10[%dma_wait3A_51, %dma_wait3A_52] : memref<4000x8xf32, #tpu.memory_space<vmem>> -> memref<4000x8xf32, #tpu.memory_space<vmem>>
        %dma_wait3A_54 = arith.constant 0 : i32
        %dma_wait3A_55 = tpu.memref_slice %arg7[%add3A_32, %dma_wait3A_54] : memref<100096x8xf32, #tpu.memory_space<vmem_shared>> -> memref<4000x8xf32, #tpu.memory_space<vmem_shared>>
        tpu.wait_dma2 semaphore(%run_scoped3A : memref<!tpu.dma_semaphore, #tpu.memory_space<semaphore_mem>>) src(%dma_wait3A_55 : memref<4000x8xf32, #tpu.memory_space<vmem_shared>>) dst(%dma_wait3A_53 : memref<4000x8xf32, #tpu.memory_space<vmem>>)
        tpu.yield
      }) : () -> ()
      "tpu.region"() ({
        %run_scoped3A = tpu.sem_alloc : memref<!tpu.dma_semaphore, #tpu.memory_space<semaphore_mem>>
        %dma_start3A_37 = arith.constant 0 : i32
        %dma_start3A_38 = arith.constant 0 : i32
        %dma_start3A_39 = tpu.memref_slice %arg10[%dma_start3A_37, %dma_start3A_38] : memref<4000x8xf32, #tpu.memory_space<vmem>> -> memref<4000x8xf32, #tpu.memory_space<vmem>>
        %dma_start3A_40 = arith.constant 0 : i32
        %dma_start3A_41 = tpu.memref_slice %arg5[%add3A_32, %dma_start3A_40] : memref<100096x8xf32, #tpu.memory_space<hbm>> -> memref<4000x8xf32, #tpu.memory_space<hbm>>
        %dma_start3A_42 = arith.constant 0 : i32
        %dma_start3A_43 = tpu.memref_slice %arg5[%add3A_32, %dma_start3A_42] : memref<100096x8xf32, #tpu.memory_space<hbm>> -> memref<4000x8xf32, #tpu.memory_space<hbm>>
        %dma_start3A_44 = arith.constant 0 : i32
        %dma_start3A_45 = arith.constant 0 : i32
        %dma_start3A_46 = tpu.memref_slice %arg10[%dma_start3A_44, %dma_start3A_45] : memref<4000x8xf32, #tpu.memory_space<vmem>> -> memref<4000x8xf32, #tpu.memory_space<vmem>>
        tpu.enqueue_dma source(%dma_start3A_46 : memref<4000x8xf32, #tpu.memory_space<vmem>>) target(%dma_start3A_43 : memref<4000x8xf32, #tpu.memory_space<hbm>>) target_semaphore(%run_scoped3A : memref<!tpu.dma_semaphore, #tpu.memory_space<semaphore_mem>>)
        %dma_wait3A = arith.constant 0 : i32
        %dma_wait3A_47 = arith.constant 0 : i32
        %dma_wait3A_48 = tpu.memref_slice %arg10[%dma_wait3A, %dma_wait3A_47] : memref<4000x8xf32, #tpu.memory_space<vmem>> -> memref<4000x8xf32, #tpu.memory_space<vmem>>
        %dma_wait3A_49 = arith.constant 0 : i32
        %dma_wait3A_50 = tpu.memref_slice %arg5[%add3A_32, %dma_wait3A_49] : memref<100096x8xf32, #tpu.memory_space<hbm>> -> memref<4000x8xf32, #tpu.memory_space<hbm>>
        %dma_wait3A_51 = arith.constant 0 : i32
        %dma_wait3A_52 = tpu.memref_slice %arg5[%add3A_32, %dma_wait3A_51] : memref<100096x8xf32, #tpu.memory_space<hbm>> -> memref<4000x8xf32, #tpu.memory_space<hbm>>
        %dma_wait3A_53 = arith.constant 0 : i32
        %dma_wait3A_54 = arith.constant 0 : i32
        %dma_wait3A_55 = tpu.memref_slice %arg10[%dma_wait3A_53, %dma_wait3A_54] : memref<4000x8xf32, #tpu.memory_space<vmem>> -> memref<4000x8xf32, #tpu.memory_space<vmem>>
        tpu.wait_dma2 semaphore(%run_scoped3A : memref<!tpu.dma_semaphore, #tpu.memory_space<semaphore_mem>>) src(%dma_wait3A_55 : memref<4000x8xf32, #tpu.memory_space<vmem>>) dst(%dma_wait3A_52 : memref<4000x8xf32, #tpu.memory_space<hbm>>)
        tpu.yield
      }) : () -> ()
      %mul3A_33 = arith.constant 6256 : i32
      %mul3A_34 = arith.muli %arg1, %mul3A_33 : i32
      %add3A_35 = arith.constant 4000 : i32
      %add3A_36 = arith.addi %mul3A_34, %add3A_35 : i32
      "tpu.region"() ({
        %run_scoped3A = tpu.sem_alloc : memref<!tpu.dma_semaphore, #tpu.memory_space<semaphore_mem>>
        %dma_start3A_37 = arith.constant 0 : i32
        %dma_start3A_38 = arith.constant 0 : i32
        %dma_start3A_39 = tpu.memref_slice %arg10[%dma_start3A_37, %dma_start3A_38] : memref<4000x8xf32, #tpu.memory_space<vmem>> -> memref<2256x8xf32, #tpu.memory_space<vmem>>
        %dma_start3A_40 = arith.constant 0 : i32
        %dma_start3A_41 = tpu.memref_slice %arg7[%add3A_36, %dma_start3A_40] : memref<100096x8xf32, #tpu.memory_space<vmem_shared>> -> memref<2256x8xf32, #tpu.memory_space<vmem_shared>>
        %dma_start3A_42 = arith.constant 0 : i32
        %dma_start3A_43 = arith.constant 0 : i32
        %dma_start3A_44 = tpu.memref_slice %arg10[%dma_start3A_42, %dma_start3A_43] : memref<4000x8xf32, #tpu.memory_space<vmem>> -> memref<2256x8xf32, #tpu.memory_space<vmem>>
        %dma_start3A_45 = arith.constant 0 : i32
        %dma_start3A_46 = tpu.memref_slice %arg7[%add3A_36, %dma_start3A_45] : memref<100096x8xf32, #tpu.memory_space<vmem_shared>> -> memref<2256x8xf32, #tpu.memory_space<vmem_shared>>
        tpu.enqueue_dma source(%dma_start3A_46 : memref<2256x8xf32, #tpu.memory_space<vmem_shared>>) target(%dma_start3A_44 : memref<2256x8xf32, #tpu.memory_space<vmem>>) target_semaphore(%run_scoped3A : memref<!tpu.dma_semaphore, #tpu.memory_space<semaphore_mem>>)
        %dma_wait3A = arith.constant 0 : i32
        %dma_wait3A_47 = arith.constant 0 : i32
        %dma_wait3A_48 = tpu.memref_slice %arg10[%dma_wait3A, %dma_wait3A_47] : memref<4000x8xf32, #tpu.memory_space<vmem>> -> memref<2256x8xf32, #tpu.memory_space<vmem>>
        %dma_wait3A_49 = arith.constant 0 : i32
        %dma_wait3A_50 = tpu.memref_slice %arg7[%add3A_36, %dma_wait3A_49] : memref<100096x8xf32, #tpu.memory_space<vmem_shared>> -> memref<2256x8xf32, #tpu.memory_space<vmem_shared>>
        %dma_wait3A_51 = arith.constant 0 : i32
        %dma_wait3A_52 = arith.constant 0 : i32
        %dma_wait3A_53 = tpu.memref_slice %arg10[%dma_wait3A_51, %dma_wait3A_52] : memref<4000x8xf32, #tpu.memory_space<vmem>> -> memref<2256x8xf32, #tpu.memory_space<vmem>>
        %dma_wait3A_54 = arith.constant 0 : i32
        %dma_wait3A_55 = tpu.memref_slice %arg7[%add3A_36, %dma_wait3A_54] : memref<100096x8xf32, #tpu.memory_space<vmem_shared>> -> memref<2256x8xf32, #tpu.memory_space<vmem_shared>>
        tpu.wait_dma2 semaphore(%run_scoped3A : memref<!tpu.dma_semaphore, #tpu.memory_space<semaphore_mem>>) src(%dma_wait3A_55 : memref<2256x8xf32, #tpu.memory_space<vmem_shared>>) dst(%dma_wait3A_53 : memref<2256x8xf32, #tpu.memory_space<vmem>>)
        tpu.yield
      }) : () -> ()
      "tpu.region"() ({
        %run_scoped3A = tpu.sem_alloc : memref<!tpu.dma_semaphore, #tpu.memory_space<semaphore_mem>>
        %dma_start3A_37 = arith.constant 0 : i32
        %dma_start3A_38 = arith.constant 0 : i32
        %dma_start3A_39 = tpu.memref_slice %arg10[%dma_start3A_37, %dma_start3A_38] : memref<4000x8xf32, #tpu.memory_space<vmem>> -> memref<2256x8xf32, #tpu.memory_space<vmem>>
        %dma_start3A_40 = arith.constant 0 : i32
        %dma_start3A_41 = tpu.memref_slice %arg5[%add3A_36, %dma_start3A_40] : memref<100096x8xf32, #tpu.memory_space<hbm>> -> memref<2256x8xf32, #tpu.memory_space<hbm>>
        %dma_start3A_42 = arith.constant 0 : i32
        %dma_start3A_43 = tpu.memref_slice %arg5[%add3A_36, %dma_start3A_42] : memref<100096x8xf32, #tpu.memory_space<hbm>> -> memref<2256x8xf32, #tpu.memory_space<hbm>>
        %dma_start3A_44 = arith.constant 0 : i32
        %dma_start3A_45 = arith.constant 0 : i32
        %dma_start3A_46 = tpu.memref_slice %arg10[%dma_start3A_44, %dma_start3A_45] : memref<4000x8xf32, #tpu.memory_space<vmem>> -> memref<2256x8xf32, #tpu.memory_space<vmem>>
        tpu.enqueue_dma source(%dma_start3A_46 : memref<2256x8xf32, #tpu.memory_space<vmem>>) target(%dma_start3A_43 : memref<2256x8xf32, #tpu.memory_space<hbm>>) target_semaphore(%run_scoped3A : memref<!tpu.dma_semaphore, #tpu.memory_space<semaphore_mem>>)
        %dma_wait3A = arith.constant 0 : i32
        %dma_wait3A_47 = arith.constant 0 : i32
        %dma_wait3A_48 = tpu.memref_slice %arg10[%dma_wait3A, %dma_wait3A_47] : memref<4000x8xf32, #tpu.memory_space<vmem>> -> memref<2256x8xf32, #tpu.memory_space<vmem>>
        %dma_wait3A_49 = arith.constant 0 : i32
        %dma_wait3A_50 = tpu.memref_slice %arg5[%add3A_36, %dma_wait3A_49] : memref<100096x8xf32, #tpu.memory_space<hbm>> -> memref<2256x8xf32, #tpu.memory_space<hbm>>
        %dma_wait3A_51 = arith.constant 0 : i32
        %dma_wait3A_52 = tpu.memref_slice %arg5[%add3A_36, %dma_wait3A_51] : memref<100096x8xf32, #tpu.memory_space<hbm>> -> memref<2256x8xf32, #tpu.memory_space<hbm>>
        %dma_wait3A_53 = arith.constant 0 : i32
        %dma_wait3A_54 = arith.constant 0 : i32
        %dma_wait3A_55 = tpu.memref_slice %arg10[%dma_wait3A_53, %dma_wait3A_54] : memref<4000x8xf32, #tpu.memory_space<vmem>> -> memref<2256x8xf32, #tpu.memory_space<vmem>>
        tpu.wait_dma2 semaphore(%run_scoped3A : memref<!tpu.dma_semaphore, #tpu.memory_space<semaphore_mem>>) src(%dma_wait3A_55 : memref<2256x8xf32, #tpu.memory_space<vmem>>) dst(%dma_wait3A_52 : memref<2256x8xf32, #tpu.memory_space<hbm>>)
        tpu.yield
      }) : () -> ()
    } else {
    }
    %eq3A_24 = arith.constant 1 : i32
    %eq3A_25 = arith.cmpi eq, %arg0, %eq3A_24 : i32
    %convert_element_type3A_26 = arith.extui %eq3A_25 : i1 to i32
    %cond3A_27 = arith.constant 0 : i32
    %cond3A_28 = arith.cmpi ne, %convert_element_type3A_26, %cond3A_27 : i32
    scf.if %cond3A_28 {
      %mul3A_29 = arith.constant 6256 : i32
      %mul3A_30 = arith.muli %arg1, %mul3A_29 : i32
      %add3A_31 = arith.constant 0 : i32
      %add3A_32 = arith.addi %mul3A_30, %add3A_31 : i32
      "tpu.region"() ({
        %run_scoped3A = tpu.sem_alloc : memref<!tpu.dma_semaphore, #tpu.memory_space<semaphore_mem>>
        %dma_start3A_37 = arith.constant 0 : i32
        %dma_start3A_38 = arith.constant 0 : i32
        %dma_start3A_39 = tpu.memref_slice %arg10[%dma_start3A_37, %dma_start3A_38] : memref<4000x8xf32, #tpu.memory_space<vmem>> -> memref<4000x8xf32, #tpu.memory_space<vmem>>
        %dma_start3A_40 = arith.constant 0 : i32
        %dma_start3A_41 = tpu.memref_slice %arg7[%add3A_32, %dma_start3A_40] : memref<100096x8xf32, #tpu.memory_space<vmem_shared>> -> memref<4000x8xf32, #tpu.memory_space<vmem_shared>>
        %dma_start3A_42 = arith.constant 0 : i32
        %dma_start3A_43 = arith.constant 0 : i32
        %dma_start3A_44 = tpu.memref_slice %arg10[%dma_start3A_42, %dma_start3A_43] : memref<4000x8xf32, #tpu.memory_space<vmem>> -> memref<4000x8xf32, #tpu.memory_space<vmem>>
        %dma_start3A_45 = arith.constant 0 : i32
        %dma_start3A_46 = tpu.memref_slice %arg7[%add3A_32, %dma_start3A_45] : memref<100096x8xf32, #tpu.memory_space<vmem_shared>> -> memref<4000x8xf32, #tpu.memory_space<vmem_shared>>
        tpu.enqueue_dma source(%dma_start3A_46 : memref<4000x8xf32, #tpu.memory_space<vmem_shared>>) target(%dma_start3A_44 : memref<4000x8xf32, #tpu.memory_space<vmem>>) target_semaphore(%run_scoped3A : memref<!tpu.dma_semaphore, #tpu.memory_space<semaphore_mem>>)
        %dma_wait3A = arith.constant 0 : i32
        %dma_wait3A_47 = arith.constant 0 : i32
        %dma_wait3A_48 = tpu.memref_slice %arg10[%dma_wait3A, %dma_wait3A_47] : memref<4000x8xf32, #tpu.memory_space<vmem>> -> memref<4000x8xf32, #tpu.memory_space<vmem>>
        %dma_wait3A_49 = arith.constant 0 : i32
        %dma_wait3A_50 = tpu.memref_slice %arg7[%add3A_32, %dma_wait3A_49] : memref<100096x8xf32, #tpu.memory_space<vmem_shared>> -> memref<4000x8xf32, #tpu.memory_space<vmem_shared>>
        %dma_wait3A_51 = arith.constant 0 : i32
        %dma_wait3A_52 = arith.constant 0 : i32
        %dma_wait3A_53 = tpu.memref_slice %arg10[%dma_wait3A_51, %dma_wait3A_52] : memref<4000x8xf32, #tpu.memory_space<vmem>> -> memref<4000x8xf32, #tpu.memory_space<vmem>>
        %dma_wait3A_54 = arith.constant 0 : i32
        %dma_wait3A_55 = tpu.memref_slice %arg7[%add3A_32, %dma_wait3A_54] : memref<100096x8xf32, #tpu.memory_space<vmem_shared>> -> memref<4000x8xf32, #tpu.memory_space<vmem_shared>>
        tpu.wait_dma2 semaphore(%run_scoped3A : memref<!tpu.dma_semaphore, #tpu.memory_space<semaphore_mem>>) src(%dma_wait3A_55 : memref<4000x8xf32, #tpu.memory_space<vmem_shared>>) dst(%dma_wait3A_53 : memref<4000x8xf32, #tpu.memory_space<vmem>>)
        tpu.yield
      }) : () -> ()
      "tpu.region"() ({
        %run_scoped3A = tpu.sem_alloc : memref<!tpu.dma_semaphore, #tpu.memory_space<semaphore_mem>>
        %dma_start3A_37 = arith.constant 0 : i32
        %dma_start3A_38 = arith.constant 0 : i32
        %dma_start3A_39 = tpu.memref_slice %arg10[%dma_start3A_37, %dma_start3A_38] : memref<4000x8xf32, #tpu.memory_space<vmem>> -> memref<4000x8xf32, #tpu.memory_space<vmem>>
        %dma_start3A_40 = arith.constant 0 : i32
        %dma_start3A_41 = tpu.memref_slice %arg6[%add3A_32, %dma_start3A_40] : memref<100096x8xf32, #tpu.memory_space<hbm>> -> memref<4000x8xf32, #tpu.memory_space<hbm>>
        %dma_start3A_42 = arith.constant 0 : i32
        %dma_start3A_43 = tpu.memref_slice %arg6[%add3A_32, %dma_start3A_42] : memref<100096x8xf32, #tpu.memory_space<hbm>> -> memref<4000x8xf32, #tpu.memory_space<hbm>>
        %dma_start3A_44 = arith.constant 0 : i32
        %dma_start3A_45 = arith.constant 0 : i32
        %dma_start3A_46 = tpu.memref_slice %arg10[%dma_start3A_44, %dma_start3A_45] : memref<4000x8xf32, #tpu.memory_space<vmem>> -> memref<4000x8xf32, #tpu.memory_space<vmem>>
        tpu.enqueue_dma source(%dma_start3A_46 : memref<4000x8xf32, #tpu.memory_space<vmem>>) target(%dma_start3A_43 : memref<4000x8xf32, #tpu.memory_space<hbm>>) target_semaphore(%run_scoped3A : memref<!tpu.dma_semaphore, #tpu.memory_space<semaphore_mem>>)
        %dma_wait3A = arith.constant 0 : i32
        %dma_wait3A_47 = arith.constant 0 : i32
        %dma_wait3A_48 = tpu.memref_slice %arg10[%dma_wait3A, %dma_wait3A_47] : memref<4000x8xf32, #tpu.memory_space<vmem>> -> memref<4000x8xf32, #tpu.memory_space<vmem>>
        %dma_wait3A_49 = arith.constant 0 : i32
        %dma_wait3A_50 = tpu.memref_slice %arg6[%add3A_32, %dma_wait3A_49] : memref<100096x8xf32, #tpu.memory_space<hbm>> -> memref<4000x8xf32, #tpu.memory_space<hbm>>
        %dma_wait3A_51 = arith.constant 0 : i32
        %dma_wait3A_52 = tpu.memref_slice %arg6[%add3A_32, %dma_wait3A_51] : memref<100096x8xf32, #tpu.memory_space<hbm>> -> memref<4000x8xf32, #tpu.memory_space<hbm>>
        %dma_wait3A_53 = arith.constant 0 : i32
        %dma_wait3A_54 = arith.constant 0 : i32
        %dma_wait3A_55 = tpu.memref_slice %arg10[%dma_wait3A_53, %dma_wait3A_54] : memref<4000x8xf32, #tpu.memory_space<vmem>> -> memref<4000x8xf32, #tpu.memory_space<vmem>>
        tpu.wait_dma2 semaphore(%run_scoped3A : memref<!tpu.dma_semaphore, #tpu.memory_space<semaphore_mem>>) src(%dma_wait3A_55 : memref<4000x8xf32, #tpu.memory_space<vmem>>) dst(%dma_wait3A_52 : memref<4000x8xf32, #tpu.memory_space<hbm>>)
        tpu.yield
      }) : () -> ()
      %mul3A_33 = arith.constant 6256 : i32
      %mul3A_34 = arith.muli %arg1, %mul3A_33 : i32
      %add3A_35 = arith.constant 4000 : i32
      %add3A_36 = arith.addi %mul3A_34, %add3A_35 : i32
      "tpu.region"() ({
        %run_scoped3A = tpu.sem_alloc : memref<!tpu.dma_semaphore, #tpu.memory_space<semaphore_mem>>
        %dma_start3A_37 = arith.constant 0 : i32
        %dma_start3A_38 = arith.constant 0 : i32
        %dma_start3A_39 = tpu.memref_slice %arg10[%dma_start3A_37, %dma_start3A_38] : memref<4000x8xf32, #tpu.memory_space<vmem>> -> memref<2256x8xf32, #tpu.memory_space<vmem>>
        %dma_start3A_40 = arith.constant 0 : i32
        %dma_start3A_41 = tpu.memref_slice %arg7[%add3A_36, %dma_start3A_40] : memref<100096x8xf32, #tpu.memory_space<vmem_shared>> -> memref<2256x8xf32, #tpu.memory_space<vmem_shared>>
        %dma_start3A_42 = arith.constant 0 : i32
        %dma_start3A_43 = arith.constant 0 : i32
        %dma_start3A_44 = tpu.memref_slice %arg10[%dma_start3A_42, %dma_start3A_43] : memref<4000x8xf32, #tpu.memory_space<vmem>> -> memref<2256x8xf32, #tpu.memory_space<vmem>>
        %dma_start3A_45 = arith.constant 0 : i32
        %dma_start3A_46 = tpu.memref_slice %arg7[%add3A_36, %dma_start3A_45] : memref<100096x8xf32, #tpu.memory_space<vmem_shared>> -> memref<2256x8xf32, #tpu.memory_space<vmem_shared>>
        tpu.enqueue_dma source(%dma_start3A_46 : memref<2256x8xf32, #tpu.memory_space<vmem_shared>>) target(%dma_start3A_44 : memref<2256x8xf32, #tpu.memory_space<vmem>>) target_semaphore(%run_scoped3A : memref<!tpu.dma_semaphore, #tpu.memory_space<semaphore_mem>>)
        %dma_wait3A = arith.constant 0 : i32
        %dma_wait3A_47 = arith.constant 0 : i32
        %dma_wait3A_48 = tpu.memref_slice %arg10[%dma_wait3A, %dma_wait3A_47] : memref<4000x8xf32, #tpu.memory_space<vmem>> -> memref<2256x8xf32, #tpu.memory_space<vmem>>
        %dma_wait3A_49 = arith.constant 0 : i32
        %dma_wait3A_50 = tpu.memref_slice %arg7[%add3A_36, %dma_wait3A_49] : memref<100096x8xf32, #tpu.memory_space<vmem_shared>> -> memref<2256x8xf32, #tpu.memory_space<vmem_shared>>
        %dma_wait3A_51 = arith.constant 0 : i32
        %dma_wait3A_52 = arith.constant 0 : i32
        %dma_wait3A_53 = tpu.memref_slice %arg10[%dma_wait3A_51, %dma_wait3A_52] : memref<4000x8xf32, #tpu.memory_space<vmem>> -> memref<2256x8xf32, #tpu.memory_space<vmem>>
        %dma_wait3A_54 = arith.constant 0 : i32
        %dma_wait3A_55 = tpu.memref_slice %arg7[%add3A_36, %dma_wait3A_54] : memref<100096x8xf32, #tpu.memory_space<vmem_shared>> -> memref<2256x8xf32, #tpu.memory_space<vmem_shared>>
        tpu.wait_dma2 semaphore(%run_scoped3A : memref<!tpu.dma_semaphore, #tpu.memory_space<semaphore_mem>>) src(%dma_wait3A_55 : memref<2256x8xf32, #tpu.memory_space<vmem_shared>>) dst(%dma_wait3A_53 : memref<2256x8xf32, #tpu.memory_space<vmem>>)
        tpu.yield
      }) : () -> ()
      "tpu.region"() ({
        %run_scoped3A = tpu.sem_alloc : memref<!tpu.dma_semaphore, #tpu.memory_space<semaphore_mem>>
        %dma_start3A_37 = arith.constant 0 : i32
        %dma_start3A_38 = arith.constant 0 : i32
        %dma_start3A_39 = tpu.memref_slice %arg10[%dma_start3A_37, %dma_start3A_38] : memref<4000x8xf32, #tpu.memory_space<vmem>> -> memref<2256x8xf32, #tpu.memory_space<vmem>>
        %dma_start3A_40 = arith.constant 0 : i32
        %dma_start3A_41 = tpu.memref_slice %arg6[%add3A_36, %dma_start3A_40] : memref<100096x8xf32, #tpu.memory_space<hbm>> -> memref<2256x8xf32, #tpu.memory_space<hbm>>
        %dma_start3A_42 = arith.constant 0 : i32
        %dma_start3A_43 = tpu.memref_slice %arg6[%add3A_36, %dma_start3A_42] : memref<100096x8xf32, #tpu.memory_space<hbm>> -> memref<2256x8xf32, #tpu.memory_space<hbm>>
        %dma_start3A_44 = arith.constant 0 : i32
        %dma_start3A_45 = arith.constant 0 : i32
        %dma_start3A_46 = tpu.memref_slice %arg10[%dma_start3A_44, %dma_start3A_45] : memref<4000x8xf32, #tpu.memory_space<vmem>> -> memref<2256x8xf32, #tpu.memory_space<vmem>>
        tpu.enqueue_dma source(%dma_start3A_46 : memref<2256x8xf32, #tpu.memory_space<vmem>>) target(%dma_start3A_43 : memref<2256x8xf32, #tpu.memory_space<hbm>>) target_semaphore(%run_scoped3A : memref<!tpu.dma_semaphore, #tpu.memory_space<semaphore_mem>>)
        %dma_wait3A = arith.constant 0 : i32
        %dma_wait3A_47 = arith.constant 0 : i32
        %dma_wait3A_48 = tpu.memref_slice %arg10[%dma_wait3A, %dma_wait3A_47] : memref<4000x8xf32, #tpu.memory_space<vmem>> -> memref<2256x8xf32, #tpu.memory_space<vmem>>
        %dma_wait3A_49 = arith.constant 0 : i32
        %dma_wait3A_50 = tpu.memref_slice %arg6[%add3A_36, %dma_wait3A_49] : memref<100096x8xf32, #tpu.memory_space<hbm>> -> memref<2256x8xf32, #tpu.memory_space<hbm>>
        %dma_wait3A_51 = arith.constant 0 : i32
        %dma_wait3A_52 = tpu.memref_slice %arg6[%add3A_36, %dma_wait3A_51] : memref<100096x8xf32, #tpu.memory_space<hbm>> -> memref<2256x8xf32, #tpu.memory_space<hbm>>
        %dma_wait3A_53 = arith.constant 0 : i32
        %dma_wait3A_54 = arith.constant 0 : i32
        %dma_wait3A_55 = tpu.memref_slice %arg10[%dma_wait3A_53, %dma_wait3A_54] : memref<4000x8xf32, #tpu.memory_space<vmem>> -> memref<2256x8xf32, #tpu.memory_space<vmem>>
        tpu.wait_dma2 semaphore(%run_scoped3A : memref<!tpu.dma_semaphore, #tpu.memory_space<semaphore_mem>>) src(%dma_wait3A_55 : memref<2256x8xf32, #tpu.memory_space<vmem>>) dst(%dma_wait3A_52 : memref<2256x8xf32, #tpu.memory_space<hbm>>)
        tpu.yield
      }) : () -> ()
    } else {
    }
    return
  }
}

#map = affine_map<(d0, d1) -> (0, 0)>
#map1 = affine_map<(d0, d1) -> (0)>
module attributes {stable_mosaic.version = 14 : i64} {
  func.func @body(%arg0: i32, %arg1: i32, %arg2: memref<100000x8xf32, #tpu.memory_space<hbm>>, %arg3: memref<6400000xi32, #tpu.memory_space<hbm>>, %arg4: memref<6400000xi32, #tpu.memory_space<hbm>>, %arg5: memref<100096x8xf32, #tpu.memory_space<hbm>>, %arg6: memref<100096x8xf32, #tpu.memory_space<hbm>>, %arg7: memref<100096x8xf32, #tpu.memory_space<hbm>>, %arg8: memref<100096x8xf32, #tpu.memory_space<vmem_shared>>, %arg9: memref<4000xi32, #tpu.memory_space<vmem>>, %arg10: memref<4000xi32, #tpu.memory_space<vmem>>, %arg11: memref<4000x8xf32, #tpu.memory_space<vmem>>, %arg12: memref<4000xi32, #tpu.memory_space<vmem>>, %arg13: memref<4000xi32, #tpu.memory_space<vmem>>, %arg14: memref<4000x8xf32, #tpu.memory_space<vmem>>, %arg15: memref<!tpu.dma_semaphore, #tpu.memory_space<semaphore_mem>>, %arg16: memref<!tpu.dma_semaphore, #tpu.memory_space<semaphore_mem>>, %arg17: memref<!tpu.dma_semaphore, #tpu.memory_space<semaphore_mem>>, %arg18: memref<!tpu.dma_semaphore, #tpu.memory_space<semaphore_mem>>) attributes {dimension_semantics = [#tpu.dimension_semantics<core_parallel>, #tpu.dimension_semantics<subcore_parallel>], iteration_bounds = array<i64: 2, 16>, scalar_prefetch = 0 : i64, scratch_operands = 11 : i64, tpu.core_type = #tpu.core_type<sc_vector_subcore>, window_params = [{transform_indices = #map}, {transform_indices = #map1}, {transform_indices = #map1}, {transform_indices = #map}, {transform_indices = #map}, {transform_indices = #map}]} {
    %mul3A = arith.constant 6256 : i32
    %mul3A_0 = arith.muli %arg1, %mul3A : i32
    %add3A = arith.constant 0 : i32
    %add3A_1 = arith.addi %mul3A_0, %add3A : i32
    "tpu.region"() ({
      %run_scoped3A = tpu.sem_alloc : memref<!tpu.dma_semaphore, #tpu.memory_space<semaphore_mem>>
      %dma_start3A_41 = arith.constant 0 : i32
      %dma_start3A_42 = arith.constant 0 : i32
      %dma_start3A_43 = tpu.memref_slice %arg11[%dma_start3A_41, %dma_start3A_42] : memref<4000x8xf32, #tpu.memory_space<vmem>> -> memref<4000x8xf32, #tpu.memory_space<vmem>>
      %dma_start3A_44 = arith.constant 0 : i32
      %dma_start3A_45 = tpu.memref_slice %arg5[%add3A_1, %dma_start3A_44] : memref<100096x8xf32, #tpu.memory_space<hbm>> -> memref<4000x8xf32, #tpu.memory_space<hbm>>
      %dma_start3A_46 = arith.constant 0 : i32
      %dma_start3A_47 = arith.constant 0 : i32
      %dma_start3A_48 = tpu.memref_slice %arg11[%dma_start3A_46, %dma_start3A_47] : memref<4000x8xf32, #tpu.memory_space<vmem>> -> memref<4000x8xf32, #tpu.memory_space<vmem>>
      %dma_start3A_49 = arith.constant 0 : i32
      %dma_start3A_50 = tpu.memref_slice %arg5[%add3A_1, %dma_start3A_49] : memref<100096x8xf32, #tpu.memory_space<hbm>> -> memref<4000x8xf32, #tpu.memory_space<hbm>>
      tpu.enqueue_dma source(%dma_start3A_50 : memref<4000x8xf32, #tpu.memory_space<hbm>>) target(%dma_start3A_48 : memref<4000x8xf32, #tpu.memory_space<vmem>>) target_semaphore(%run_scoped3A : memref<!tpu.dma_semaphore, #tpu.memory_space<semaphore_mem>>)
      %dma_wait3A_51 = arith.constant 0 : i32
      %dma_wait3A_52 = arith.constant 0 : i32
      %dma_wait3A_53 = tpu.memref_slice %arg11[%dma_wait3A_51, %dma_wait3A_52] : memref<4000x8xf32, #tpu.memory_space<vmem>> -> memref<4000x8xf32, #tpu.memory_space<vmem>>
      %dma_wait3A_54 = arith.constant 0 : i32
      %dma_wait3A_55 = tpu.memref_slice %arg5[%add3A_1, %dma_wait3A_54] : memref<100096x8xf32, #tpu.memory_space<hbm>> -> memref<4000x8xf32, #tpu.memory_space<hbm>>
      %dma_wait3A_56 = arith.constant 0 : i32
      %dma_wait3A_57 = arith.constant 0 : i32
      %dma_wait3A_58 = tpu.memref_slice %arg11[%dma_wait3A_56, %dma_wait3A_57] : memref<4000x8xf32, #tpu.memory_space<vmem>> -> memref<4000x8xf32, #tpu.memory_space<vmem>>
      %dma_wait3A_59 = arith.constant 0 : i32
      %dma_wait3A_60 = tpu.memref_slice %arg5[%add3A_1, %dma_wait3A_59] : memref<100096x8xf32, #tpu.memory_space<hbm>> -> memref<4000x8xf32, #tpu.memory_space<hbm>>
      tpu.wait_dma2 semaphore(%run_scoped3A : memref<!tpu.dma_semaphore, #tpu.memory_space<semaphore_mem>>) src(%dma_wait3A_60 : memref<4000x8xf32, #tpu.memory_space<hbm>>) dst(%dma_wait3A_58 : memref<4000x8xf32, #tpu.memory_space<vmem>>)
      tpu.yield
    }) : () -> ()
    "tpu.region"() ({
      %run_scoped3A = tpu.sem_alloc : memref<!tpu.dma_semaphore, #tpu.memory_space<semaphore_mem>>
      %dma_start3A_41 = arith.constant 0 : i32
      %dma_start3A_42 = arith.constant 0 : i32
      %dma_start3A_43 = tpu.memref_slice %arg11[%dma_start3A_41, %dma_start3A_42] : memref<4000x8xf32, #tpu.memory_space<vmem>> -> memref<4000x8xf32, #tpu.memory_space<vmem>>
      %dma_start3A_44 = arith.constant 0 : i32
      %dma_start3A_45 = tpu.memref_slice %arg8[%add3A_1, %dma_start3A_44] : memref<100096x8xf32, #tpu.memory_space<vmem_shared>> -> memref<4000x8xf32, #tpu.memory_space<vmem_shared>>
      %dma_start3A_46 = arith.constant 0 : i32
      %dma_start3A_47 = tpu.memref_slice %arg8[%add3A_1, %dma_start3A_46] : memref<100096x8xf32, #tpu.memory_space<vmem_shared>> -> memref<4000x8xf32, #tpu.memory_space<vmem_shared>>
      %dma_start3A_48 = arith.constant 0 : i32
      %dma_start3A_49 = arith.constant 0 : i32
      %dma_start3A_50 = tpu.memref_slice %arg11[%dma_start3A_48, %dma_start3A_49] : memref<4000x8xf32, #tpu.memory_space<vmem>> -> memref<4000x8xf32, #tpu.memory_space<vmem>>
      tpu.enqueue_dma source(%dma_start3A_50 : memref<4000x8xf32, #tpu.memory_space<vmem>>) target(%dma_start3A_47 : memref<4000x8xf32, #tpu.memory_space<vmem_shared>>) target_semaphore(%run_scoped3A : memref<!tpu.dma_semaphore, #tpu.memory_space<semaphore_mem>>)
      %dma_wait3A_51 = arith.constant 0 : i32
      %dma_wait3A_52 = arith.constant 0 : i32
      %dma_wait3A_53 = tpu.memref_slice %arg11[%dma_wait3A_51, %dma_wait3A_52] : memref<4000x8xf32, #tpu.memory_space<vmem>> -> memref<4000x8xf32, #tpu.memory_space<vmem>>
      %dma_wait3A_54 = arith.constant 0 : i32
      %dma_wait3A_55 = tpu.memref_slice %arg8[%add3A_1, %dma_wait3A_54] : memref<100096x8xf32, #tpu.memory_space<vmem_shared>> -> memref<4000x8xf32, #tpu.memory_space<vmem_shared>>
      %dma_wait3A_56 = arith.constant 0 : i32
      %dma_wait3A_57 = tpu.memref_slice %arg8[%add3A_1, %dma_wait3A_56] : memref<100096x8xf32, #tpu.memory_space<vmem_shared>> -> memref<4000x8xf32, #tpu.memory_space<vmem_shared>>
      %dma_wait3A_58 = arith.constant 0 : i32
      %dma_wait3A_59 = arith.constant 0 : i32
      %dma_wait3A_60 = tpu.memref_slice %arg11[%dma_wait3A_58, %dma_wait3A_59] : memref<4000x8xf32, #tpu.memory_space<vmem>> -> memref<4000x8xf32, #tpu.memory_space<vmem>>
      tpu.wait_dma2 semaphore(%run_scoped3A : memref<!tpu.dma_semaphore, #tpu.memory_space<semaphore_mem>>) src(%dma_wait3A_60 : memref<4000x8xf32, #tpu.memory_space<vmem>>) dst(%dma_wait3A_57 : memref<4000x8xf32, #tpu.memory_space<vmem_shared>>)
      tpu.yield
    }) : () -> ()
    %mul3A_2 = arith.constant 6256 : i32
    %mul3A_3 = arith.muli %arg1, %mul3A_2 : i32
    %add3A_4 = arith.constant 4000 : i32
    %add3A_5 = arith.addi %mul3A_3, %add3A_4 : i32
    "tpu.region"() ({
      %run_scoped3A = tpu.sem_alloc : memref<!tpu.dma_semaphore, #tpu.memory_space<semaphore_mem>>
      %dma_start3A_41 = arith.constant 0 : i32
      %dma_start3A_42 = arith.constant 0 : i32
      %dma_start3A_43 = tpu.memref_slice %arg11[%dma_start3A_41, %dma_start3A_42] : memref<4000x8xf32, #tpu.memory_space<vmem>> -> memref<2256x8xf32, #tpu.memory_space<vmem>>
      %dma_start3A_44 = arith.constant 0 : i32
      %dma_start3A_45 = tpu.memref_slice %arg5[%add3A_5, %dma_start3A_44] : memref<100096x8xf32, #tpu.memory_space<hbm>> -> memref<2256x8xf32, #tpu.memory_space<hbm>>
      %dma_start3A_46 = arith.constant 0 : i32
      %dma_start3A_47 = arith.constant 0 : i32
      %dma_start3A_48 = tpu.memref_slice %arg11[%dma_start3A_46, %dma_start3A_47] : memref<4000x8xf32, #tpu.memory_space<vmem>> -> memref<2256x8xf32, #tpu.memory_space<vmem>>
      %dma_start3A_49 = arith.constant 0 : i32
      %dma_start3A_50 = tpu.memref_slice %arg5[%add3A_5, %dma_start3A_49] : memref<100096x8xf32, #tpu.memory_space<hbm>> -> memref<2256x8xf32, #tpu.memory_space<hbm>>
      tpu.enqueue_dma source(%dma_start3A_50 : memref<2256x8xf32, #tpu.memory_space<hbm>>) target(%dma_start3A_48 : memref<2256x8xf32, #tpu.memory_space<vmem>>) target_semaphore(%run_scoped3A : memref<!tpu.dma_semaphore, #tpu.memory_space<semaphore_mem>>)
      %dma_wait3A_51 = arith.constant 0 : i32
      %dma_wait3A_52 = arith.constant 0 : i32
      %dma_wait3A_53 = tpu.memref_slice %arg11[%dma_wait3A_51, %dma_wait3A_52] : memref<4000x8xf32, #tpu.memory_space<vmem>> -> memref<2256x8xf32, #tpu.memory_space<vmem>>
      %dma_wait3A_54 = arith.constant 0 : i32
      %dma_wait3A_55 = tpu.memref_slice %arg5[%add3A_5, %dma_wait3A_54] : memref<100096x8xf32, #tpu.memory_space<hbm>> -> memref<2256x8xf32, #tpu.memory_space<hbm>>
      %dma_wait3A_56 = arith.constant 0 : i32
      %dma_wait3A_57 = arith.constant 0 : i32
      %dma_wait3A_58 = tpu.memref_slice %arg11[%dma_wait3A_56, %dma_wait3A_57] : memref<4000x8xf32, #tpu.memory_space<vmem>> -> memref<2256x8xf32, #tpu.memory_space<vmem>>
      %dma_wait3A_59 = arith.constant 0 : i32
      %dma_wait3A_60 = tpu.memref_slice %arg5[%add3A_5, %dma_wait3A_59] : memref<100096x8xf32, #tpu.memory_space<hbm>> -> memref<2256x8xf32, #tpu.memory_space<hbm>>
      tpu.wait_dma2 semaphore(%run_scoped3A : memref<!tpu.dma_semaphore, #tpu.memory_space<semaphore_mem>>) src(%dma_wait3A_60 : memref<2256x8xf32, #tpu.memory_space<hbm>>) dst(%dma_wait3A_58 : memref<2256x8xf32, #tpu.memory_space<vmem>>)
      tpu.yield
    }) : () -> ()
    "tpu.region"() ({
      %run_scoped3A = tpu.sem_alloc : memref<!tpu.dma_semaphore, #tpu.memory_space<semaphore_mem>>
      %dma_start3A_41 = arith.constant 0 : i32
      %dma_start3A_42 = arith.constant 0 : i32
      %dma_start3A_43 = tpu.memref_slice %arg11[%dma_start3A_41, %dma_start3A_42] : memref<4000x8xf32, #tpu.memory_space<vmem>> -> memref<2256x8xf32, #tpu.memory_space<vmem>>
      %dma_start3A_44 = arith.constant 0 : i32
      %dma_start3A_45 = tpu.memref_slice %arg8[%add3A_5, %dma_start3A_44] : memref<100096x8xf32, #tpu.memory_space<vmem_shared>> -> memref<2256x8xf32, #tpu.memory_space<vmem_shared>>
      %dma_start3A_46 = arith.constant 0 : i32
      %dma_start3A_47 = tpu.memref_slice %arg8[%add3A_5, %dma_start3A_46] : memref<100096x8xf32, #tpu.memory_space<vmem_shared>> -> memref<2256x8xf32, #tpu.memory_space<vmem_shared>>
      %dma_start3A_48 = arith.constant 0 : i32
      %dma_start3A_49 = arith.constant 0 : i32
      %dma_start3A_50 = tpu.memref_slice %arg11[%dma_start3A_48, %dma_start3A_49] : memref<4000x8xf32, #tpu.memory_space<vmem>> -> memref<2256x8xf32, #tpu.memory_space<vmem>>
      tpu.enqueue_dma source(%dma_start3A_50 : memref<2256x8xf32, #tpu.memory_space<vmem>>) target(%dma_start3A_47 : memref<2256x8xf32, #tpu.memory_space<vmem_shared>>) target_semaphore(%run_scoped3A : memref<!tpu.dma_semaphore, #tpu.memory_space<semaphore_mem>>)
      %dma_wait3A_51 = arith.constant 0 : i32
      %dma_wait3A_52 = arith.constant 0 : i32
      %dma_wait3A_53 = tpu.memref_slice %arg11[%dma_wait3A_51, %dma_wait3A_52] : memref<4000x8xf32, #tpu.memory_space<vmem>> -> memref<2256x8xf32, #tpu.memory_space<vmem>>
      %dma_wait3A_54 = arith.constant 0 : i32
      %dma_wait3A_55 = tpu.memref_slice %arg8[%add3A_5, %dma_wait3A_54] : memref<100096x8xf32, #tpu.memory_space<vmem_shared>> -> memref<2256x8xf32, #tpu.memory_space<vmem_shared>>
      %dma_wait3A_56 = arith.constant 0 : i32
      %dma_wait3A_57 = tpu.memref_slice %arg8[%add3A_5, %dma_wait3A_56] : memref<100096x8xf32, #tpu.memory_space<vmem_shared>> -> memref<2256x8xf32, #tpu.memory_space<vmem_shared>>
      %dma_wait3A_58 = arith.constant 0 : i32
      %dma_wait3A_59 = arith.constant 0 : i32
      %dma_wait3A_60 = tpu.memref_slice %arg11[%dma_wait3A_58, %dma_wait3A_59] : memref<4000x8xf32, #tpu.memory_space<vmem>> -> memref<2256x8xf32, #tpu.memory_space<vmem>>
      tpu.wait_dma2 semaphore(%run_scoped3A : memref<!tpu.dma_semaphore, #tpu.memory_space<semaphore_mem>>) src(%dma_wait3A_60 : memref<2256x8xf32, #tpu.memory_space<vmem>>) dst(%dma_wait3A_57 : memref<2256x8xf32, #tpu.memory_space<vmem_shared>>)
      tpu.yield
    }) : () -> ()
    %barrier3A = arith.constant 0 : index
    tpu.barrier barrier_id(%barrier3A)
    %mul3A_6 = arith.constant 3200000 : i32
    %mul3A_7 = arith.muli %arg0, %mul3A_6 : i32
    %mul3A_8 = arith.constant 200000 : i32
    %mul3A_9 = arith.muli %arg1, %mul3A_8 : i32
    %add3A_10 = arith.addi %mul3A_7, %mul3A_9 : i32
    %dma_start3A = tpu.memref_slice %arg3[%add3A_10] : memref<6400000xi32, #tpu.memory_space<hbm>> -> memref<4000xi32, #tpu.memory_space<hbm>>
    %dma_start3A_11 = tpu.memref_slice %arg3[%add3A_10] : memref<6400000xi32, #tpu.memory_space<hbm>> -> memref<4000xi32, #tpu.memory_space<hbm>>
    tpu.enqueue_dma source(%dma_start3A_11 : memref<4000xi32, #tpu.memory_space<hbm>>) target(%arg9 : memref<4000xi32, #tpu.memory_space<vmem>>) target_semaphore(%arg15 : memref<!tpu.dma_semaphore, #tpu.memory_space<semaphore_mem>>)
    %dma_start3A_12 = tpu.memref_slice %arg4[%add3A_10] : memref<6400000xi32, #tpu.memory_space<hbm>> -> memref<4000xi32, #tpu.memory_space<hbm>>
    %dma_start3A_13 = tpu.memref_slice %arg4[%add3A_10] : memref<6400000xi32, #tpu.memory_space<hbm>> -> memref<4000xi32, #tpu.memory_space<hbm>>
    tpu.enqueue_dma source(%dma_start3A_13 : memref<4000xi32, #tpu.memory_space<hbm>>) target(%arg10 : memref<4000xi32, #tpu.memory_space<vmem>>) target_semaphore(%arg15 : memref<!tpu.dma_semaphore, #tpu.memory_space<semaphore_mem>>)
    %dma_wait3A = arith.constant 0 : i32
    %dma_wait3A_14 = tpu.memref_slice %arg3[%dma_wait3A] : memref<6400000xi32, #tpu.memory_space<hbm>> -> memref<4000xi32, #tpu.memory_space<hbm>>
    %dma_wait3A_15 = arith.constant 0 : i32
    %dma_wait3A_16 = tpu.memref_slice %arg3[%dma_wait3A_15] : memref<6400000xi32, #tpu.memory_space<hbm>> -> memref<4000xi32, #tpu.memory_space<hbm>>
    tpu.wait_dma2 semaphore(%arg15 : memref<!tpu.dma_semaphore, #tpu.memory_space<semaphore_mem>>) src(%dma_wait3A_16 : memref<4000xi32, #tpu.memory_space<hbm>>) dst(%arg9 : memref<4000xi32, #tpu.memory_space<vmem>>)
    %dma_start3A_17 = arith.constant 0 : i32
    %dma_start3A_18 = arith.constant 0 : i32
    %dma_start3A_19 = tpu.memref_slice %arg2[%dma_start3A_17, %dma_start3A_18] : memref<100000x8xf32, #tpu.memory_space<hbm>> -> memref<100000x8xf32, #tpu.memory_space<hbm>>
    tpu.enqueue_indirect_dma source(%dma_start3A_19 : memref<100000x8xf32, #tpu.memory_space<hbm>>) target(%arg11 : memref<4000x8xf32, #tpu.memory_space<vmem>>) offsets(%arg9 : memref<4000xi32, #tpu.memory_space<vmem>>) semaphore(%arg16 : memref<!tpu.dma_semaphore, #tpu.memory_space<semaphore_mem>>)
    %add3A_20 = arith.constant 4000 : i32
    %add3A_21 = arith.addi %add3A_10, %add3A_20 : i32
    %dma_start3A_22 = tpu.memref_slice %arg3[%add3A_21] : memref<6400000xi32, #tpu.memory_space<hbm>> -> memref<4000xi32, #tpu.memory_space<hbm>>
    %dma_start3A_23 = tpu.memref_slice %arg3[%add3A_21] : memref<6400000xi32, #tpu.memory_space<hbm>> -> memref<4000xi32, #tpu.memory_space<hbm>>
    tpu.enqueue_dma source(%dma_start3A_23 : memref<4000xi32, #tpu.memory_space<hbm>>) target(%arg12 : memref<4000xi32, #tpu.memory_space<vmem>>) target_semaphore(%arg17 : memref<!tpu.dma_semaphore, #tpu.memory_space<semaphore_mem>>)
    %add3A_24 = arith.constant 4000 : i32
    %add3A_25 = arith.addi %add3A_10, %add3A_24 : i32
    %dma_start3A_26 = tpu.memref_slice %arg4[%add3A_25] : memref<6400000xi32, #tpu.memory_space<hbm>> -> memref<4000xi32, #tpu.memory_space<hbm>>
    %dma_start3A_27 = tpu.memref_slice %arg4[%add3A_25] : memref<6400000xi32, #tpu.memory_space<hbm>> -> memref<4000xi32, #tpu.memory_space<hbm>>
    tpu.enqueue_dma source(%dma_start3A_27 : memref<4000xi32, #tpu.memory_space<hbm>>) target(%arg13 : memref<4000xi32, #tpu.memory_space<vmem>>) target_semaphore(%arg17 : memref<!tpu.dma_semaphore, #tpu.memory_space<semaphore_mem>>)
    %scan3A = arith.constant 0 : i32
    %scan3A_28 = arith.constant 0 : i32
    %scan3A_29 = arith.constant 25 : i32
    %scan3A_30 = arith.addi %scan3A_28, %scan3A_29 : i32
    %scan3A_31 = arith.constant 1 : i32
    scf.for %scan3A_41 = %scan3A_28 to %scan3A_30 step %scan3A_31  : i32 {
      %mul3A_42 = arith.constant 2 : i32
      %mul3A_43 = arith.muli %mul3A_42, %scan3A_41 : i32
      %add3A_44 = arith.constant 0 : i32
      %add3A_45 = arith.addi %mul3A_43, %add3A_44 : i32
      %dma_wait3A_46 = arith.constant 0 : i32
      %dma_wait3A_47 = arith.constant 0 : i32
      %dma_wait3A_48 = tpu.memref_slice %arg2[%dma_wait3A_46, %dma_wait3A_47] : memref<100000x8xf32, #tpu.memory_space<hbm>> -> memref<100000x8xf32, #tpu.memory_space<hbm>>
      tpu.wait_indirect_dma semaphore(%arg16 : memref<!tpu.dma_semaphore, #tpu.memory_space<semaphore_mem>>) src(%dma_wait3A_48 : memref<100000x8xf32, #tpu.memory_space<hbm>>) dst(%arg11 : memref<4000x8xf32, #tpu.memory_space<vmem>>)
      %add3A_49 = arith.constant 1 : i32
      %add3A_50 = arith.addi %add3A_45, %add3A_49 : i32
      %lt3A = arith.constant 50 : i32
      %lt3A_51 = arith.cmpi slt, %add3A_50, %lt3A : i32
      %convert_element_type3A_52 = arith.extui %lt3A_51 : i1 to i32
      %cond3A_53 = arith.constant 0 : i32
      %cond3A_54 = arith.cmpi ne, %convert_element_type3A_52, %cond3A_53 : i32
      scf.if %cond3A_54 {
        %dma_wait3A_91 = arith.constant 0 : i32
        %dma_wait3A_92 = tpu.memref_slice %arg3[%dma_wait3A_91] : memref<6400000xi32, #tpu.memory_space<hbm>> -> memref<4000xi32, #tpu.memory_space<hbm>>
        %dma_wait3A_93 = arith.constant 0 : i32
        %dma_wait3A_94 = tpu.memref_slice %arg3[%dma_wait3A_93] : memref<6400000xi32, #tpu.memory_space<hbm>> -> memref<4000xi32, #tpu.memory_space<hbm>>
        tpu.wait_dma2 semaphore(%arg17 : memref<!tpu.dma_semaphore, #tpu.memory_space<semaphore_mem>>) src(%dma_wait3A_94 : memref<4000xi32, #tpu.memory_space<hbm>>) dst(%arg12 : memref<4000xi32, #tpu.memory_space<vmem>>)
        %dma_start3A_95 = arith.constant 0 : i32
        %dma_start3A_96 = arith.constant 0 : i32
        %dma_start3A_97 = tpu.memref_slice %arg2[%dma_start3A_95, %dma_start3A_96] : memref<100000x8xf32, #tpu.memory_space<hbm>> -> memref<100000x8xf32, #tpu.memory_space<hbm>>
        tpu.enqueue_indirect_dma source(%dma_start3A_97 : memref<100000x8xf32, #tpu.memory_space<hbm>>) target(%arg14 : memref<4000x8xf32, #tpu.memory_space<vmem>>) offsets(%arg12 : memref<4000xi32, #tpu.memory_space<vmem>>) semaphore(%arg18 : memref<!tpu.dma_semaphore, #tpu.memory_space<semaphore_mem>>)
      } else {
      }
      %dma_wait3A_55 = arith.constant 0 : i32
      %dma_wait3A_56 = tpu.memref_slice %arg4[%dma_wait3A_55] : memref<6400000xi32, #tpu.memory_space<hbm>> -> memref<4000xi32, #tpu.memory_space<hbm>>
      %dma_wait3A_57 = arith.constant 0 : i32
      %dma_wait3A_58 = tpu.memref_slice %arg4[%dma_wait3A_57] : memref<6400000xi32, #tpu.memory_space<hbm>> -> memref<4000xi32, #tpu.memory_space<hbm>>
      tpu.wait_dma2 semaphore(%arg15 : memref<!tpu.dma_semaphore, #tpu.memory_space<semaphore_mem>>) src(%dma_wait3A_58 : memref<4000xi32, #tpu.memory_space<hbm>>) dst(%arg10 : memref<4000xi32, #tpu.memory_space<vmem>>)
      "tpu.region"() ({
        %run_scoped3A = tpu.sem_alloc : memref<!tpu.dma_semaphore, #tpu.memory_space<semaphore_mem>>
        %dma_start3A_91 = arith.constant 0 : i32
        %dma_start3A_92 = arith.constant 0 : i32
        %dma_start3A_93 = tpu.memref_slice %arg8[%dma_start3A_91, %dma_start3A_92] : memref<100096x8xf32, #tpu.memory_space<vmem_shared>> -> memref<100096x8xf32, #tpu.memory_space<vmem_shared>>
        tpu.enqueue_indirect_dma source(%arg11 : memref<4000x8xf32, #tpu.memory_space<vmem>>) target(%dma_start3A_93 : memref<100096x8xf32, #tpu.memory_space<vmem_shared>>) offsets(%arg10 : memref<4000xi32, #tpu.memory_space<vmem>>) semaphore(%run_scoped3A : memref<!tpu.dma_semaphore, #tpu.memory_space<semaphore_mem>>) {add = true}
        %dma_wait3A_94 = arith.constant 0 : i32
        %dma_wait3A_95 = arith.constant 0 : i32
        %dma_wait3A_96 = tpu.memref_slice %arg8[%dma_wait3A_94, %dma_wait3A_95] : memref<100096x8xf32, #tpu.memory_space<vmem_shared>> -> memref<100096x8xf32, #tpu.memory_space<vmem_shared>>
        tpu.wait_indirect_dma semaphore(%run_scoped3A : memref<!tpu.dma_semaphore, #tpu.memory_space<semaphore_mem>>) src(%arg11 : memref<4000x8xf32, #tpu.memory_space<vmem>>) dst(%dma_wait3A_96 : memref<100096x8xf32, #tpu.memory_space<vmem_shared>>)
        tpu.yield
      }) : () -> ()
      %add3A_59 = arith.constant 2 : i32
      %add3A_60 = arith.addi %add3A_45, %add3A_59 : i32
      %lt3A_61 = arith.constant 50 : i32
      %lt3A_62 = arith.cmpi slt, %add3A_60, %lt3A_61 : i32
      %convert_element_type3A_63 = arith.extui %lt3A_62 : i1 to i32
      %cond3A_64 = arith.constant 0 : i32
      %cond3A_65 = arith.cmpi ne, %convert_element_type3A_63, %cond3A_64 : i32
      scf.if %cond3A_65 {
        %add3A_91 = arith.constant 2 : i32
        %add3A_92 = arith.addi %add3A_45, %add3A_91 : i32
        %mul3A_93 = arith.constant 4000 : i32
        %mul3A_94 = arith.muli %add3A_92, %mul3A_93 : i32
        %add3A_95 = arith.addi %add3A_10, %mul3A_94 : i32
        %dma_start3A_96 = tpu.memref_slice %arg3[%add3A_95] : memref<6400000xi32, #tpu.memory_space<hbm>> -> memref<4000xi32, #tpu.memory_space<hbm>>
        %dma_start3A_97 = tpu.memref_slice %arg3[%add3A_95] : memref<6400000xi32, #tpu.memory_space<hbm>> -> memref<4000xi32, #tpu.memory_space<hbm>>
        tpu.enqueue_dma source(%dma_start3A_97 : memref<4000xi32, #tpu.memory_space<hbm>>) target(%arg9 : memref<4000xi32, #tpu.memory_space<vmem>>) target_semaphore(%arg15 : memref<!tpu.dma_semaphore, #tpu.memory_space<semaphore_mem>>)
        %add3A_98 = arith.addi %add3A_10, %mul3A_94 : i32
        %dma_start3A_99 = tpu.memref_slice %arg4[%add3A_98] : memref<6400000xi32, #tpu.memory_space<hbm>> -> memref<4000xi32, #tpu.memory_space<hbm>>
        %dma_start3A_100 = tpu.memref_slice %arg4[%add3A_98] : memref<6400000xi32, #tpu.memory_space<hbm>> -> memref<4000xi32, #tpu.memory_space<hbm>>
        tpu.enqueue_dma source(%dma_start3A_100 : memref<4000xi32, #tpu.memory_space<hbm>>) target(%arg10 : memref<4000xi32, #tpu.memory_space<vmem>>) target_semaphore(%arg15 : memref<!tpu.dma_semaphore, #tpu.memory_space<semaphore_mem>>)
      } else {
      }
      %mul3A_66 = arith.constant 2 : i32
      %mul3A_67 = arith.muli %mul3A_66, %scan3A_41 : i32
      %add3A_68 = arith.constant 1 : i32
      %add3A_69 = arith.addi %mul3A_67, %add3A_68 : i32
      %dma_wait3A_70 = arith.constant 0 : i32
      %dma_wait3A_71 = arith.constant 0 : i32
      %dma_wait3A_72 = tpu.memref_slice %arg2[%dma_wait3A_70, %dma_wait3A_71] : memref<100000x8xf32, #tpu.memory_space<hbm>> -> memref<100000x8xf32, #tpu.memory_space<hbm>>
      tpu.wait_indirect_dma semaphore(%arg18 : memref<!tpu.dma_semaphore, #tpu.memory_space<semaphore_mem>>) src(%dma_wait3A_72 : memref<100000x8xf32, #tpu.memory_space<hbm>>) dst(%arg14 : memref<4000x8xf32, #tpu.memory_space<vmem>>)
      %add3A_73 = arith.constant 1 : i32
      %add3A_74 = arith.addi %add3A_69, %add3A_73 : i32
      %lt3A_75 = arith.constant 50 : i32
      %lt3A_76 = arith.cmpi slt, %add3A_74, %lt3A_75 : i32
      %convert_element_type3A_77 = arith.extui %lt3A_76 : i1 to i32
      %cond3A_78 = arith.constant 0 : i32
      %cond3A_79 = arith.cmpi ne, %convert_element_type3A_77, %cond3A_78 : i32
      scf.if %cond3A_79 {
        %dma_wait3A_91 = arith.constant 0 : i32
        %dma_wait3A_92 = tpu.memref_slice %arg3[%dma_wait3A_91] : memref<6400000xi32, #tpu.memory_space<hbm>> -> memref<4000xi32, #tpu.memory_space<hbm>>
        %dma_wait3A_93 = arith.constant 0 : i32
        %dma_wait3A_94 = tpu.memref_slice %arg3[%dma_wait3A_93] : memref<6400000xi32, #tpu.memory_space<hbm>> -> memref<4000xi32, #tpu.memory_space<hbm>>
        tpu.wait_dma2 semaphore(%arg15 : memref<!tpu.dma_semaphore, #tpu.memory_space<semaphore_mem>>) src(%dma_wait3A_94 : memref<4000xi32, #tpu.memory_space<hbm>>) dst(%arg9 : memref<4000xi32, #tpu.memory_space<vmem>>)
        %dma_start3A_95 = arith.constant 0 : i32
        %dma_start3A_96 = arith.constant 0 : i32
        %dma_start3A_97 = tpu.memref_slice %arg2[%dma_start3A_95, %dma_start3A_96] : memref<100000x8xf32, #tpu.memory_space<hbm>> -> memref<100000x8xf32, #tpu.memory_space<hbm>>
        tpu.enqueue_indirect_dma source(%dma_start3A_97 : memref<100000x8xf32, #tpu.memory_space<hbm>>) target(%arg11 : memref<4000x8xf32, #tpu.memory_space<vmem>>) offsets(%arg9 : memref<4000xi32, #tpu.memory_space<vmem>>) semaphore(%arg16 : memref<!tpu.dma_semaphore, #tpu.memory_space<semaphore_mem>>)
      } else {
      }
      %dma_wait3A_80 = arith.constant 0 : i32
      %dma_wait3A_81 = tpu.memref_slice %arg4[%dma_wait3A_80] : memref<6400000xi32, #tpu.memory_space<hbm>> -> memref<4000xi32, #tpu.memory_space<hbm>>
      %dma_wait3A_82 = arith.constant 0 : i32
      %dma_wait3A_83 = tpu.memref_slice %arg4[%dma_wait3A_82] : memref<6400000xi32, #tpu.memory_space<hbm>> -> memref<4000xi32, #tpu.memory_space<hbm>>
      tpu.wait_dma2 semaphore(%arg17 : memref<!tpu.dma_semaphore, #tpu.memory_space<semaphore_mem>>) src(%dma_wait3A_83 : memref<4000xi32, #tpu.memory_space<hbm>>) dst(%arg13 : memref<4000xi32, #tpu.memory_space<vmem>>)
      "tpu.region"() ({
        %run_scoped3A = tpu.sem_alloc : memref<!tpu.dma_semaphore, #tpu.memory_space<semaphore_mem>>
        %dma_start3A_91 = arith.constant 0 : i32
        %dma_start3A_92 = arith.constant 0 : i32
        %dma_start3A_93 = tpu.memref_slice %arg8[%dma_start3A_91, %dma_start3A_92] : memref<100096x8xf32, #tpu.memory_space<vmem_shared>> -> memref<100096x8xf32, #tpu.memory_space<vmem_shared>>
        tpu.enqueue_indirect_dma source(%arg14 : memref<4000x8xf32, #tpu.memory_space<vmem>>) target(%dma_start3A_93 : memref<100096x8xf32, #tpu.memory_space<vmem_shared>>) offsets(%arg13 : memref<4000xi32, #tpu.memory_space<vmem>>) semaphore(%run_scoped3A : memref<!tpu.dma_semaphore, #tpu.memory_space<semaphore_mem>>) {add = true}
        %dma_wait3A_94 = arith.constant 0 : i32
        %dma_wait3A_95 = arith.constant 0 : i32
        %dma_wait3A_96 = tpu.memref_slice %arg8[%dma_wait3A_94, %dma_wait3A_95] : memref<100096x8xf32, #tpu.memory_space<vmem_shared>> -> memref<100096x8xf32, #tpu.memory_space<vmem_shared>>
        tpu.wait_indirect_dma semaphore(%run_scoped3A : memref<!tpu.dma_semaphore, #tpu.memory_space<semaphore_mem>>) src(%arg14 : memref<4000x8xf32, #tpu.memory_space<vmem>>) dst(%dma_wait3A_96 : memref<100096x8xf32, #tpu.memory_space<vmem_shared>>)
        tpu.yield
      }) : () -> ()
      %add3A_84 = arith.constant 2 : i32
      %add3A_85 = arith.addi %add3A_69, %add3A_84 : i32
      %lt3A_86 = arith.constant 50 : i32
      %lt3A_87 = arith.cmpi slt, %add3A_85, %lt3A_86 : i32
      %convert_element_type3A_88 = arith.extui %lt3A_87 : i1 to i32
      %cond3A_89 = arith.constant 0 : i32
      %cond3A_90 = arith.cmpi ne, %convert_element_type3A_88, %cond3A_89 : i32
      scf.if %cond3A_90 {
        %add3A_91 = arith.constant 2 : i32
        %add3A_92 = arith.addi %add3A_69, %add3A_91 : i32
        %mul3A_93 = arith.constant 4000 : i32
        %mul3A_94 = arith.muli %add3A_92, %mul3A_93 : i32
        %add3A_95 = arith.addi %add3A_10, %mul3A_94 : i32
        %dma_start3A_96 = tpu.memref_slice %arg3[%add3A_95] : memref<6400000xi32, #tpu.memory_space<hbm>> -> memref<4000xi32, #tpu.memory_space<hbm>>
        %dma_start3A_97 = tpu.memref_slice %arg3[%add3A_95] : memref<6400000xi32, #tpu.memory_space<hbm>> -> memref<4000xi32, #tpu.memory_space<hbm>>
        tpu.enqueue_dma source(%dma_start3A_97 : memref<4000xi32, #tpu.memory_space<hbm>>) target(%arg12 : memref<4000xi32, #tpu.memory_space<vmem>>) target_semaphore(%arg17 : memref<!tpu.dma_semaphore, #tpu.memory_space<semaphore_mem>>)
        %add3A_98 = arith.addi %add3A_10, %mul3A_94 : i32
        %dma_start3A_99 = tpu.memref_slice %arg4[%add3A_98] : memref<6400000xi32, #tpu.memory_space<hbm>> -> memref<4000xi32, #tpu.memory_space<hbm>>
        %dma_start3A_100 = tpu.memref_slice %arg4[%add3A_98] : memref<6400000xi32, #tpu.memory_space<hbm>> -> memref<4000xi32, #tpu.memory_space<hbm>>
        tpu.enqueue_dma source(%dma_start3A_100 : memref<4000xi32, #tpu.memory_space<hbm>>) target(%arg13 : memref<4000xi32, #tpu.memory_space<vmem>>) target_semaphore(%arg17 : memref<!tpu.dma_semaphore, #tpu.memory_space<semaphore_mem>>)
      } else {
      }
    }
    %scan3A_32 = arith.constant 25 : i32
    %barrier3A_33 = arith.constant 0 : index
    tpu.barrier barrier_id(%barrier3A_33)
    %eq3A = arith.constant 0 : i32
    %eq3A_34 = arith.cmpi eq, %arg0, %eq3A : i32
    %convert_element_type3A = arith.extui %eq3A_34 : i1 to i32
    %cond3A = arith.constant 0 : i32
    %cond3A_35 = arith.cmpi ne, %convert_element_type3A, %cond3A : i32
    scf.if %cond3A_35 {
      %mul3A_41 = arith.constant 6256 : i32
      %mul3A_42 = arith.muli %arg1, %mul3A_41 : i32
      %add3A_43 = arith.constant 0 : i32
      %add3A_44 = arith.addi %mul3A_42, %add3A_43 : i32
      "tpu.region"() ({
        %run_scoped3A = tpu.sem_alloc : memref<!tpu.dma_semaphore, #tpu.memory_space<semaphore_mem>>
        %dma_start3A_49 = arith.constant 0 : i32
        %dma_start3A_50 = arith.constant 0 : i32
        %dma_start3A_51 = tpu.memref_slice %arg11[%dma_start3A_49, %dma_start3A_50] : memref<4000x8xf32, #tpu.memory_space<vmem>> -> memref<4000x8xf32, #tpu.memory_space<vmem>>
        %dma_start3A_52 = arith.constant 0 : i32
        %dma_start3A_53 = tpu.memref_slice %arg8[%add3A_44, %dma_start3A_52] : memref<100096x8xf32, #tpu.memory_space<vmem_shared>> -> memref<4000x8xf32, #tpu.memory_space<vmem_shared>>
        %dma_start3A_54 = arith.constant 0 : i32
        %dma_start3A_55 = arith.constant 0 : i32
        %dma_start3A_56 = tpu.memref_slice %arg11[%dma_start3A_54, %dma_start3A_55] : memref<4000x8xf32, #tpu.memory_space<vmem>> -> memref<4000x8xf32, #tpu.memory_space<vmem>>
        %dma_start3A_57 = arith.constant 0 : i32
        %dma_start3A_58 = tpu.memref_slice %arg8[%add3A_44, %dma_start3A_57] : memref<100096x8xf32, #tpu.memory_space<vmem_shared>> -> memref<4000x8xf32, #tpu.memory_space<vmem_shared>>
        tpu.enqueue_dma source(%dma_start3A_58 : memref<4000x8xf32, #tpu.memory_space<vmem_shared>>) target(%dma_start3A_56 : memref<4000x8xf32, #tpu.memory_space<vmem>>) target_semaphore(%run_scoped3A : memref<!tpu.dma_semaphore, #tpu.memory_space<semaphore_mem>>)
        %dma_wait3A_59 = arith.constant 0 : i32
        %dma_wait3A_60 = arith.constant 0 : i32
        %dma_wait3A_61 = tpu.memref_slice %arg11[%dma_wait3A_59, %dma_wait3A_60] : memref<4000x8xf32, #tpu.memory_space<vmem>> -> memref<4000x8xf32, #tpu.memory_space<vmem>>
        %dma_wait3A_62 = arith.constant 0 : i32
        %dma_wait3A_63 = tpu.memref_slice %arg8[%add3A_44, %dma_wait3A_62] : memref<100096x8xf32, #tpu.memory_space<vmem_shared>> -> memref<4000x8xf32, #tpu.memory_space<vmem_shared>>
        %dma_wait3A_64 = arith.constant 0 : i32
        %dma_wait3A_65 = arith.constant 0 : i32
        %dma_wait3A_66 = tpu.memref_slice %arg11[%dma_wait3A_64, %dma_wait3A_65] : memref<4000x8xf32, #tpu.memory_space<vmem>> -> memref<4000x8xf32, #tpu.memory_space<vmem>>
        %dma_wait3A_67 = arith.constant 0 : i32
        %dma_wait3A_68 = tpu.memref_slice %arg8[%add3A_44, %dma_wait3A_67] : memref<100096x8xf32, #tpu.memory_space<vmem_shared>> -> memref<4000x8xf32, #tpu.memory_space<vmem_shared>>
        tpu.wait_dma2 semaphore(%run_scoped3A : memref<!tpu.dma_semaphore, #tpu.memory_space<semaphore_mem>>) src(%dma_wait3A_68 : memref<4000x8xf32, #tpu.memory_space<vmem_shared>>) dst(%dma_wait3A_66 : memref<4000x8xf32, #tpu.memory_space<vmem>>)
        tpu.yield
      }) : () -> ()
      "tpu.region"() ({
        %run_scoped3A = tpu.sem_alloc : memref<!tpu.dma_semaphore, #tpu.memory_space<semaphore_mem>>
        %dma_start3A_49 = arith.constant 0 : i32
        %dma_start3A_50 = arith.constant 0 : i32
        %dma_start3A_51 = tpu.memref_slice %arg11[%dma_start3A_49, %dma_start3A_50] : memref<4000x8xf32, #tpu.memory_space<vmem>> -> memref<4000x8xf32, #tpu.memory_space<vmem>>
        %dma_start3A_52 = arith.constant 0 : i32
        %dma_start3A_53 = tpu.memref_slice %arg6[%add3A_44, %dma_start3A_52] : memref<100096x8xf32, #tpu.memory_space<hbm>> -> memref<4000x8xf32, #tpu.memory_space<hbm>>
        %dma_start3A_54 = arith.constant 0 : i32
        %dma_start3A_55 = tpu.memref_slice %arg6[%add3A_44, %dma_start3A_54] : memref<100096x8xf32, #tpu.memory_space<hbm>> -> memref<4000x8xf32, #tpu.memory_space<hbm>>
        %dma_start3A_56 = arith.constant 0 : i32
        %dma_start3A_57 = arith.constant 0 : i32
        %dma_start3A_58 = tpu.memref_slice %arg11[%dma_start3A_56, %dma_start3A_57] : memref<4000x8xf32, #tpu.memory_space<vmem>> -> memref<4000x8xf32, #tpu.memory_space<vmem>>
        tpu.enqueue_dma source(%dma_start3A_58 : memref<4000x8xf32, #tpu.memory_space<vmem>>) target(%dma_start3A_55 : memref<4000x8xf32, #tpu.memory_space<hbm>>) target_semaphore(%run_scoped3A : memref<!tpu.dma_semaphore, #tpu.memory_space<semaphore_mem>>)
        %dma_wait3A_59 = arith.constant 0 : i32
        %dma_wait3A_60 = arith.constant 0 : i32
        %dma_wait3A_61 = tpu.memref_slice %arg11[%dma_wait3A_59, %dma_wait3A_60] : memref<4000x8xf32, #tpu.memory_space<vmem>> -> memref<4000x8xf32, #tpu.memory_space<vmem>>
        %dma_wait3A_62 = arith.constant 0 : i32
        %dma_wait3A_63 = tpu.memref_slice %arg6[%add3A_44, %dma_wait3A_62] : memref<100096x8xf32, #tpu.memory_space<hbm>> -> memref<4000x8xf32, #tpu.memory_space<hbm>>
        %dma_wait3A_64 = arith.constant 0 : i32
        %dma_wait3A_65 = tpu.memref_slice %arg6[%add3A_44, %dma_wait3A_64] : memref<100096x8xf32, #tpu.memory_space<hbm>> -> memref<4000x8xf32, #tpu.memory_space<hbm>>
        %dma_wait3A_66 = arith.constant 0 : i32
        %dma_wait3A_67 = arith.constant 0 : i32
        %dma_wait3A_68 = tpu.memref_slice %arg11[%dma_wait3A_66, %dma_wait3A_67] : memref<4000x8xf32, #tpu.memory_space<vmem>> -> memref<4000x8xf32, #tpu.memory_space<vmem>>
        tpu.wait_dma2 semaphore(%run_scoped3A : memref<!tpu.dma_semaphore, #tpu.memory_space<semaphore_mem>>) src(%dma_wait3A_68 : memref<4000x8xf32, #tpu.memory_space<vmem>>) dst(%dma_wait3A_65 : memref<4000x8xf32, #tpu.memory_space<hbm>>)
        tpu.yield
      }) : () -> ()
      %mul3A_45 = arith.constant 6256 : i32
      %mul3A_46 = arith.muli %arg1, %mul3A_45 : i32
      %add3A_47 = arith.constant 4000 : i32
      %add3A_48 = arith.addi %mul3A_46, %add3A_47 : i32
      "tpu.region"() ({
        %run_scoped3A = tpu.sem_alloc : memref<!tpu.dma_semaphore, #tpu.memory_space<semaphore_mem>>
        %dma_start3A_49 = arith.constant 0 : i32
        %dma_start3A_50 = arith.constant 0 : i32
        %dma_start3A_51 = tpu.memref_slice %arg11[%dma_start3A_49, %dma_start3A_50] : memref<4000x8xf32, #tpu.memory_space<vmem>> -> memref<2256x8xf32, #tpu.memory_space<vmem>>
        %dma_start3A_52 = arith.constant 0 : i32
        %dma_start3A_53 = tpu.memref_slice %arg8[%add3A_48, %dma_start3A_52] : memref<100096x8xf32, #tpu.memory_space<vmem_shared>> -> memref<2256x8xf32, #tpu.memory_space<vmem_shared>>
        %dma_start3A_54 = arith.constant 0 : i32
        %dma_start3A_55 = arith.constant 0 : i32
        %dma_start3A_56 = tpu.memref_slice %arg11[%dma_start3A_54, %dma_start3A_55] : memref<4000x8xf32, #tpu.memory_space<vmem>> -> memref<2256x8xf32, #tpu.memory_space<vmem>>
        %dma_start3A_57 = arith.constant 0 : i32
        %dma_start3A_58 = tpu.memref_slice %arg8[%add3A_48, %dma_start3A_57] : memref<100096x8xf32, #tpu.memory_space<vmem_shared>> -> memref<2256x8xf32, #tpu.memory_space<vmem_shared>>
        tpu.enqueue_dma source(%dma_start3A_58 : memref<2256x8xf32, #tpu.memory_space<vmem_shared>>) target(%dma_start3A_56 : memref<2256x8xf32, #tpu.memory_space<vmem>>) target_semaphore(%run_scoped3A : memref<!tpu.dma_semaphore, #tpu.memory_space<semaphore_mem>>)
        %dma_wait3A_59 = arith.constant 0 : i32
        %dma_wait3A_60 = arith.constant 0 : i32
        %dma_wait3A_61 = tpu.memref_slice %arg11[%dma_wait3A_59, %dma_wait3A_60] : memref<4000x8xf32, #tpu.memory_space<vmem>> -> memref<2256x8xf32, #tpu.memory_space<vmem>>
        %dma_wait3A_62 = arith.constant 0 : i32
        %dma_wait3A_63 = tpu.memref_slice %arg8[%add3A_48, %dma_wait3A_62] : memref<100096x8xf32, #tpu.memory_space<vmem_shared>> -> memref<2256x8xf32, #tpu.memory_space<vmem_shared>>
        %dma_wait3A_64 = arith.constant 0 : i32
        %dma_wait3A_65 = arith.constant 0 : i32
        %dma_wait3A_66 = tpu.memref_slice %arg11[%dma_wait3A_64, %dma_wait3A_65] : memref<4000x8xf32, #tpu.memory_space<vmem>> -> memref<2256x8xf32, #tpu.memory_space<vmem>>
        %dma_wait3A_67 = arith.constant 0 : i32
        %dma_wait3A_68 = tpu.memref_slice %arg8[%add3A_48, %dma_wait3A_67] : memref<100096x8xf32, #tpu.memory_space<vmem_shared>> -> memref<2256x8xf32, #tpu.memory_space<vmem_shared>>
        tpu.wait_dma2 semaphore(%run_scoped3A : memref<!tpu.dma_semaphore, #tpu.memory_space<semaphore_mem>>) src(%dma_wait3A_68 : memref<2256x8xf32, #tpu.memory_space<vmem_shared>>) dst(%dma_wait3A_66 : memref<2256x8xf32, #tpu.memory_space<vmem>>)
        tpu.yield
      }) : () -> ()
      "tpu.region"() ({
        %run_scoped3A = tpu.sem_alloc : memref<!tpu.dma_semaphore, #tpu.memory_space<semaphore_mem>>
        %dma_start3A_49 = arith.constant 0 : i32
        %dma_start3A_50 = arith.constant 0 : i32
        %dma_start3A_51 = tpu.memref_slice %arg11[%dma_start3A_49, %dma_start3A_50] : memref<4000x8xf32, #tpu.memory_space<vmem>> -> memref<2256x8xf32, #tpu.memory_space<vmem>>
        %dma_start3A_52 = arith.constant 0 : i32
        %dma_start3A_53 = tpu.memref_slice %arg6[%add3A_48, %dma_start3A_52] : memref<100096x8xf32, #tpu.memory_space<hbm>> -> memref<2256x8xf32, #tpu.memory_space<hbm>>
        %dma_start3A_54 = arith.constant 0 : i32
        %dma_start3A_55 = tpu.memref_slice %arg6[%add3A_48, %dma_start3A_54] : memref<100096x8xf32, #tpu.memory_space<hbm>> -> memref<2256x8xf32, #tpu.memory_space<hbm>>
        %dma_start3A_56 = arith.constant 0 : i32
        %dma_start3A_57 = arith.constant 0 : i32
        %dma_start3A_58 = tpu.memref_slice %arg11[%dma_start3A_56, %dma_start3A_57] : memref<4000x8xf32, #tpu.memory_space<vmem>> -> memref<2256x8xf32, #tpu.memory_space<vmem>>
        tpu.enqueue_dma source(%dma_start3A_58 : memref<2256x8xf32, #tpu.memory_space<vmem>>) target(%dma_start3A_55 : memref<2256x8xf32, #tpu.memory_space<hbm>>) target_semaphore(%run_scoped3A : memref<!tpu.dma_semaphore, #tpu.memory_space<semaphore_mem>>)
        %dma_wait3A_59 = arith.constant 0 : i32
        %dma_wait3A_60 = arith.constant 0 : i32
        %dma_wait3A_61 = tpu.memref_slice %arg11[%dma_wait3A_59, %dma_wait3A_60] : memref<4000x8xf32, #tpu.memory_space<vmem>> -> memref<2256x8xf32, #tpu.memory_space<vmem>>
        %dma_wait3A_62 = arith.constant 0 : i32
        %dma_wait3A_63 = tpu.memref_slice %arg6[%add3A_48, %dma_wait3A_62] : memref<100096x8xf32, #tpu.memory_space<hbm>> -> memref<2256x8xf32, #tpu.memory_space<hbm>>
        %dma_wait3A_64 = arith.constant 0 : i32
        %dma_wait3A_65 = tpu.memref_slice %arg6[%add3A_48, %dma_wait3A_64] : memref<100096x8xf32, #tpu.memory_space<hbm>> -> memref<2256x8xf32, #tpu.memory_space<hbm>>
        %dma_wait3A_66 = arith.constant 0 : i32
        %dma_wait3A_67 = arith.constant 0 : i32
        %dma_wait3A_68 = tpu.memref_slice %arg11[%dma_wait3A_66, %dma_wait3A_67] : memref<4000x8xf32, #tpu.memory_space<vmem>> -> memref<2256x8xf32, #tpu.memory_space<vmem>>
        tpu.wait_dma2 semaphore(%run_scoped3A : memref<!tpu.dma_semaphore, #tpu.memory_space<semaphore_mem>>) src(%dma_wait3A_68 : memref<2256x8xf32, #tpu.memory_space<vmem>>) dst(%dma_wait3A_65 : memref<2256x8xf32, #tpu.memory_space<hbm>>)
        tpu.yield
      }) : () -> ()
    } else {
    }
    %eq3A_36 = arith.constant 1 : i32
    %eq3A_37 = arith.cmpi eq, %arg0, %eq3A_36 : i32
    %convert_element_type3A_38 = arith.extui %eq3A_37 : i1 to i32
    %cond3A_39 = arith.constant 0 : i32
    %cond3A_40 = arith.cmpi ne, %convert_element_type3A_38, %cond3A_39 : i32
    scf.if %cond3A_40 {
      %mul3A_41 = arith.constant 6256 : i32
      %mul3A_42 = arith.muli %arg1, %mul3A_41 : i32
      %add3A_43 = arith.constant 0 : i32
      %add3A_44 = arith.addi %mul3A_42, %add3A_43 : i32
      "tpu.region"() ({
        %run_scoped3A = tpu.sem_alloc : memref<!tpu.dma_semaphore, #tpu.memory_space<semaphore_mem>>
        %dma_start3A_49 = arith.constant 0 : i32
        %dma_start3A_50 = arith.constant 0 : i32
        %dma_start3A_51 = tpu.memref_slice %arg11[%dma_start3A_49, %dma_start3A_50] : memref<4000x8xf32, #tpu.memory_space<vmem>> -> memref<4000x8xf32, #tpu.memory_space<vmem>>
        %dma_start3A_52 = arith.constant 0 : i32
        %dma_start3A_53 = tpu.memref_slice %arg8[%add3A_44, %dma_start3A_52] : memref<100096x8xf32, #tpu.memory_space<vmem_shared>> -> memref<4000x8xf32, #tpu.memory_space<vmem_shared>>
        %dma_start3A_54 = arith.constant 0 : i32
        %dma_start3A_55 = arith.constant 0 : i32
        %dma_start3A_56 = tpu.memref_slice %arg11[%dma_start3A_54, %dma_start3A_55] : memref<4000x8xf32, #tpu.memory_space<vmem>> -> memref<4000x8xf32, #tpu.memory_space<vmem>>
        %dma_start3A_57 = arith.constant 0 : i32
        %dma_start3A_58 = tpu.memref_slice %arg8[%add3A_44, %dma_start3A_57] : memref<100096x8xf32, #tpu.memory_space<vmem_shared>> -> memref<4000x8xf32, #tpu.memory_space<vmem_shared>>
        tpu.enqueue_dma source(%dma_start3A_58 : memref<4000x8xf32, #tpu.memory_space<vmem_shared>>) target(%dma_start3A_56 : memref<4000x8xf32, #tpu.memory_space<vmem>>) target_semaphore(%run_scoped3A : memref<!tpu.dma_semaphore, #tpu.memory_space<semaphore_mem>>)
        %dma_wait3A_59 = arith.constant 0 : i32
        %dma_wait3A_60 = arith.constant 0 : i32
        %dma_wait3A_61 = tpu.memref_slice %arg11[%dma_wait3A_59, %dma_wait3A_60] : memref<4000x8xf32, #tpu.memory_space<vmem>> -> memref<4000x8xf32, #tpu.memory_space<vmem>>
        %dma_wait3A_62 = arith.constant 0 : i32
        %dma_wait3A_63 = tpu.memref_slice %arg8[%add3A_44, %dma_wait3A_62] : memref<100096x8xf32, #tpu.memory_space<vmem_shared>> -> memref<4000x8xf32, #tpu.memory_space<vmem_shared>>
        %dma_wait3A_64 = arith.constant 0 : i32
        %dma_wait3A_65 = arith.constant 0 : i32
        %dma_wait3A_66 = tpu.memref_slice %arg11[%dma_wait3A_64, %dma_wait3A_65] : memref<4000x8xf32, #tpu.memory_space<vmem>> -> memref<4000x8xf32, #tpu.memory_space<vmem>>
        %dma_wait3A_67 = arith.constant 0 : i32
        %dma_wait3A_68 = tpu.memref_slice %arg8[%add3A_44, %dma_wait3A_67] : memref<100096x8xf32, #tpu.memory_space<vmem_shared>> -> memref<4000x8xf32, #tpu.memory_space<vmem_shared>>
        tpu.wait_dma2 semaphore(%run_scoped3A : memref<!tpu.dma_semaphore, #tpu.memory_space<semaphore_mem>>) src(%dma_wait3A_68 : memref<4000x8xf32, #tpu.memory_space<vmem_shared>>) dst(%dma_wait3A_66 : memref<4000x8xf32, #tpu.memory_space<vmem>>)
        tpu.yield
      }) : () -> ()
      "tpu.region"() ({
        %run_scoped3A = tpu.sem_alloc : memref<!tpu.dma_semaphore, #tpu.memory_space<semaphore_mem>>
        %dma_start3A_49 = arith.constant 0 : i32
        %dma_start3A_50 = arith.constant 0 : i32
        %dma_start3A_51 = tpu.memref_slice %arg11[%dma_start3A_49, %dma_start3A_50] : memref<4000x8xf32, #tpu.memory_space<vmem>> -> memref<4000x8xf32, #tpu.memory_space<vmem>>
        %dma_start3A_52 = arith.constant 0 : i32
        %dma_start3A_53 = tpu.memref_slice %arg7[%add3A_44, %dma_start3A_52] : memref<100096x8xf32, #tpu.memory_space<hbm>> -> memref<4000x8xf32, #tpu.memory_space<hbm>>
        %dma_start3A_54 = arith.constant 0 : i32
        %dma_start3A_55 = tpu.memref_slice %arg7[%add3A_44, %dma_start3A_54] : memref<100096x8xf32, #tpu.memory_space<hbm>> -> memref<4000x8xf32, #tpu.memory_space<hbm>>
        %dma_start3A_56 = arith.constant 0 : i32
        %dma_start3A_57 = arith.constant 0 : i32
        %dma_start3A_58 = tpu.memref_slice %arg11[%dma_start3A_56, %dma_start3A_57] : memref<4000x8xf32, #tpu.memory_space<vmem>> -> memref<4000x8xf32, #tpu.memory_space<vmem>>
        tpu.enqueue_dma source(%dma_start3A_58 : memref<4000x8xf32, #tpu.memory_space<vmem>>) target(%dma_start3A_55 : memref<4000x8xf32, #tpu.memory_space<hbm>>) target_semaphore(%run_scoped3A : memref<!tpu.dma_semaphore, #tpu.memory_space<semaphore_mem>>)
        %dma_wait3A_59 = arith.constant 0 : i32
        %dma_wait3A_60 = arith.constant 0 : i32
        %dma_wait3A_61 = tpu.memref_slice %arg11[%dma_wait3A_59, %dma_wait3A_60] : memref<4000x8xf32, #tpu.memory_space<vmem>> -> memref<4000x8xf32, #tpu.memory_space<vmem>>
        %dma_wait3A_62 = arith.constant 0 : i32
        %dma_wait3A_63 = tpu.memref_slice %arg7[%add3A_44, %dma_wait3A_62] : memref<100096x8xf32, #tpu.memory_space<hbm>> -> memref<4000x8xf32, #tpu.memory_space<hbm>>
        %dma_wait3A_64 = arith.constant 0 : i32
        %dma_wait3A_65 = tpu.memref_slice %arg7[%add3A_44, %dma_wait3A_64] : memref<100096x8xf32, #tpu.memory_space<hbm>> -> memref<4000x8xf32, #tpu.memory_space<hbm>>
        %dma_wait3A_66 = arith.constant 0 : i32
        %dma_wait3A_67 = arith.constant 0 : i32
        %dma_wait3A_68 = tpu.memref_slice %arg11[%dma_wait3A_66, %dma_wait3A_67] : memref<4000x8xf32, #tpu.memory_space<vmem>> -> memref<4000x8xf32, #tpu.memory_space<vmem>>
        tpu.wait_dma2 semaphore(%run_scoped3A : memref<!tpu.dma_semaphore, #tpu.memory_space<semaphore_mem>>) src(%dma_wait3A_68 : memref<4000x8xf32, #tpu.memory_space<vmem>>) dst(%dma_wait3A_65 : memref<4000x8xf32, #tpu.memory_space<hbm>>)
        tpu.yield
      }) : () -> ()
      %mul3A_45 = arith.constant 6256 : i32
      %mul3A_46 = arith.muli %arg1, %mul3A_45 : i32
      %add3A_47 = arith.constant 4000 : i32
      %add3A_48 = arith.addi %mul3A_46, %add3A_47 : i32
      "tpu.region"() ({
        %run_scoped3A = tpu.sem_alloc : memref<!tpu.dma_semaphore, #tpu.memory_space<semaphore_mem>>
        %dma_start3A_49 = arith.constant 0 : i32
        %dma_start3A_50 = arith.constant 0 : i32
        %dma_start3A_51 = tpu.memref_slice %arg11[%dma_start3A_49, %dma_start3A_50] : memref<4000x8xf32, #tpu.memory_space<vmem>> -> memref<2256x8xf32, #tpu.memory_space<vmem>>
        %dma_start3A_52 = arith.constant 0 : i32
        %dma_start3A_53 = tpu.memref_slice %arg8[%add3A_48, %dma_start3A_52] : memref<100096x8xf32, #tpu.memory_space<vmem_shared>> -> memref<2256x8xf32, #tpu.memory_space<vmem_shared>>
        %dma_start3A_54 = arith.constant 0 : i32
        %dma_start3A_55 = arith.constant 0 : i32
        %dma_start3A_56 = tpu.memref_slice %arg11[%dma_start3A_54, %dma_start3A_55] : memref<4000x8xf32, #tpu.memory_space<vmem>> -> memref<2256x8xf32, #tpu.memory_space<vmem>>
        %dma_start3A_57 = arith.constant 0 : i32
        %dma_start3A_58 = tpu.memref_slice %arg8[%add3A_48, %dma_start3A_57] : memref<100096x8xf32, #tpu.memory_space<vmem_shared>> -> memref<2256x8xf32, #tpu.memory_space<vmem_shared>>
        tpu.enqueue_dma source(%dma_start3A_58 : memref<2256x8xf32, #tpu.memory_space<vmem_shared>>) target(%dma_start3A_56 : memref<2256x8xf32, #tpu.memory_space<vmem>>) target_semaphore(%run_scoped3A : memref<!tpu.dma_semaphore, #tpu.memory_space<semaphore_mem>>)
        %dma_wait3A_59 = arith.constant 0 : i32
        %dma_wait3A_60 = arith.constant 0 : i32
        %dma_wait3A_61 = tpu.memref_slice %arg11[%dma_wait3A_59, %dma_wait3A_60] : memref<4000x8xf32, #tpu.memory_space<vmem>> -> memref<2256x8xf32, #tpu.memory_space<vmem>>
        %dma_wait3A_62 = arith.constant 0 : i32
        %dma_wait3A_63 = tpu.memref_slice %arg8[%add3A_48, %dma_wait3A_62] : memref<100096x8xf32, #tpu.memory_space<vmem_shared>> -> memref<2256x8xf32, #tpu.memory_space<vmem_shared>>
        %dma_wait3A_64 = arith.constant 0 : i32
        %dma_wait3A_65 = arith.constant 0 : i32
        %dma_wait3A_66 = tpu.memref_slice %arg11[%dma_wait3A_64, %dma_wait3A_65] : memref<4000x8xf32, #tpu.memory_space<vmem>> -> memref<2256x8xf32, #tpu.memory_space<vmem>>
        %dma_wait3A_67 = arith.constant 0 : i32
        %dma_wait3A_68 = tpu.memref_slice %arg8[%add3A_48, %dma_wait3A_67] : memref<100096x8xf32, #tpu.memory_space<vmem_shared>> -> memref<2256x8xf32, #tpu.memory_space<vmem_shared>>
        tpu.wait_dma2 semaphore(%run_scoped3A : memref<!tpu.dma_semaphore, #tpu.memory_space<semaphore_mem>>) src(%dma_wait3A_68 : memref<2256x8xf32, #tpu.memory_space<vmem_shared>>) dst(%dma_wait3A_66 : memref<2256x8xf32, #tpu.memory_space<vmem>>)
        tpu.yield
      }) : () -> ()
      "tpu.region"() ({
        %run_scoped3A = tpu.sem_alloc : memref<!tpu.dma_semaphore, #tpu.memory_space<semaphore_mem>>
        %dma_start3A_49 = arith.constant 0 : i32
        %dma_start3A_50 = arith.constant 0 : i32
        %dma_start3A_51 = tpu.memref_slice %arg11[%dma_start3A_49, %dma_start3A_50] : memref<4000x8xf32, #tpu.memory_space<vmem>> -> memref<2256x8xf32, #tpu.memory_space<vmem>>
        %dma_start3A_52 = arith.constant 0 : i32
        %dma_start3A_53 = tpu.memref_slice %arg7[%add3A_48, %dma_start3A_52] : memref<100096x8xf32, #tpu.memory_space<hbm>> -> memref<2256x8xf32, #tpu.memory_space<hbm>>
        %dma_start3A_54 = arith.constant 0 : i32
        %dma_start3A_55 = tpu.memref_slice %arg7[%add3A_48, %dma_start3A_54] : memref<100096x8xf32, #tpu.memory_space<hbm>> -> memref<2256x8xf32, #tpu.memory_space<hbm>>
        %dma_start3A_56 = arith.constant 0 : i32
        %dma_start3A_57 = arith.constant 0 : i32
        %dma_start3A_58 = tpu.memref_slice %arg11[%dma_start3A_56, %dma_start3A_57] : memref<4000x8xf32, #tpu.memory_space<vmem>> -> memref<2256x8xf32, #tpu.memory_space<vmem>>
        tpu.enqueue_dma source(%dma_start3A_58 : memref<2256x8xf32, #tpu.memory_space<vmem>>) target(%dma_start3A_55 : memref<2256x8xf32, #tpu.memory_space<hbm>>) target_semaphore(%run_scoped3A : memref<!tpu.dma_semaphore, #tpu.memory_space<semaphore_mem>>)
        %dma_wait3A_59 = arith.constant 0 : i32
        %dma_wait3A_60 = arith.constant 0 : i32
        %dma_wait3A_61 = tpu.memref_slice %arg11[%dma_wait3A_59, %dma_wait3A_60] : memref<4000x8xf32, #tpu.memory_space<vmem>> -> memref<2256x8xf32, #tpu.memory_space<vmem>>
        %dma_wait3A_62 = arith.constant 0 : i32
        %dma_wait3A_63 = tpu.memref_slice %arg7[%add3A_48, %dma_wait3A_62] : memref<100096x8xf32, #tpu.memory_space<hbm>> -> memref<2256x8xf32, #tpu.memory_space<hbm>>
        %dma_wait3A_64 = arith.constant 0 : i32
        %dma_wait3A_65 = tpu.memref_slice %arg7[%add3A_48, %dma_wait3A_64] : memref<100096x8xf32, #tpu.memory_space<hbm>> -> memref<2256x8xf32, #tpu.memory_space<hbm>>
        %dma_wait3A_66 = arith.constant 0 : i32
        %dma_wait3A_67 = arith.constant 0 : i32
        %dma_wait3A_68 = tpu.memref_slice %arg11[%dma_wait3A_66, %dma_wait3A_67] : memref<4000x8xf32, #tpu.memory_space<vmem>> -> memref<2256x8xf32, #tpu.memory_space<vmem>>
        tpu.wait_dma2 semaphore(%run_scoped3A : memref<!tpu.dma_semaphore, #tpu.memory_space<semaphore_mem>>) src(%dma_wait3A_68 : memref<2256x8xf32, #tpu.memory_space<vmem>>) dst(%dma_wait3A_65 : memref<2256x8xf32, #tpu.memory_space<hbm>>)
        tpu.yield
      }) : () -> ()
    } else {
    }
    return
  }
}

#map = affine_map<(d0, d1) -> (0, 0)>
#map1 = affine_map<(d0, d1) -> (0)>
module attributes {stable_mosaic.version = 14 : i64} {
  func.func @body(%arg0: i32, %arg1: i32, %arg2: memref<100000x8xf32, #tpu.memory_space<hbm>>, %arg3: memref<6400000xi32, #tpu.memory_space<hbm>>, %arg4: memref<6400000xi32, #tpu.memory_space<hbm>>, %arg5: memref<100096x8xf32, #tpu.memory_space<hbm>>, %arg6: memref<100096x8xf32, #tpu.memory_space<hbm>>, %arg7: memref<100096x8xf32, #tpu.memory_space<hbm>>, %arg8: memref<100096x8xf32, #tpu.memory_space<vmem_shared>>, %arg9: memref<4000xi32, #tpu.memory_space<vmem>>, %arg10: memref<4000xi32, #tpu.memory_space<vmem>>, %arg11: memref<4000x8xf32, #tpu.memory_space<vmem>>, %arg12: memref<4000xi32, #tpu.memory_space<vmem>>, %arg13: memref<4000xi32, #tpu.memory_space<vmem>>, %arg14: memref<4000x8xf32, #tpu.memory_space<vmem>>, %arg15: memref<!tpu.dma_semaphore, #tpu.memory_space<semaphore_mem>>, %arg16: memref<!tpu.dma_semaphore, #tpu.memory_space<semaphore_mem>>, %arg17: memref<!tpu.dma_semaphore, #tpu.memory_space<semaphore_mem>>, %arg18: memref<!tpu.dma_semaphore, #tpu.memory_space<semaphore_mem>>) attributes {dimension_semantics = [#tpu.dimension_semantics<core_parallel>, #tpu.dimension_semantics<subcore_parallel>], iteration_bounds = array<i64: 2, 16>, scalar_prefetch = 0 : i64, scratch_operands = 11 : i64, tpu.core_type = #tpu.core_type<sc_vector_subcore>, window_params = [{transform_indices = #map}, {transform_indices = #map1}, {transform_indices = #map1}, {transform_indices = #map}, {transform_indices = #map}, {transform_indices = #map}]} {
    %mul3A = arith.constant 6256 : i32
    %mul3A_0 = arith.muli %arg1, %mul3A : i32
    %add3A = arith.constant 0 : i32
    %add3A_1 = arith.addi %mul3A_0, %add3A : i32
    "tpu.region"() ({
      %run_scoped3A = tpu.sem_alloc : memref<!tpu.dma_semaphore, #tpu.memory_space<semaphore_mem>>
      %dma_start3A_41 = arith.constant 0 : i32
      %dma_start3A_42 = arith.constant 0 : i32
      %dma_start3A_43 = tpu.memref_slice %arg11[%dma_start3A_41, %dma_start3A_42] : memref<4000x8xf32, #tpu.memory_space<vmem>> -> memref<4000x8xf32, #tpu.memory_space<vmem>>
      %dma_start3A_44 = arith.constant 0 : i32
      %dma_start3A_45 = tpu.memref_slice %arg5[%add3A_1, %dma_start3A_44] : memref<100096x8xf32, #tpu.memory_space<hbm>> -> memref<4000x8xf32, #tpu.memory_space<hbm>>
      %dma_start3A_46 = arith.constant 0 : i32
      %dma_start3A_47 = arith.constant 0 : i32
      %dma_start3A_48 = tpu.memref_slice %arg11[%dma_start3A_46, %dma_start3A_47] : memref<4000x8xf32, #tpu.memory_space<vmem>> -> memref<4000x8xf32, #tpu.memory_space<vmem>>
      %dma_start3A_49 = arith.constant 0 : i32
      %dma_start3A_50 = tpu.memref_slice %arg5[%add3A_1, %dma_start3A_49] : memref<100096x8xf32, #tpu.memory_space<hbm>> -> memref<4000x8xf32, #tpu.memory_space<hbm>>
      tpu.enqueue_dma source(%dma_start3A_50 : memref<4000x8xf32, #tpu.memory_space<hbm>>) target(%dma_start3A_48 : memref<4000x8xf32, #tpu.memory_space<vmem>>) target_semaphore(%run_scoped3A : memref<!tpu.dma_semaphore, #tpu.memory_space<semaphore_mem>>)
      %dma_wait3A_51 = arith.constant 0 : i32
      %dma_wait3A_52 = arith.constant 0 : i32
      %dma_wait3A_53 = tpu.memref_slice %arg11[%dma_wait3A_51, %dma_wait3A_52] : memref<4000x8xf32, #tpu.memory_space<vmem>> -> memref<4000x8xf32, #tpu.memory_space<vmem>>
      %dma_wait3A_54 = arith.constant 0 : i32
      %dma_wait3A_55 = tpu.memref_slice %arg5[%add3A_1, %dma_wait3A_54] : memref<100096x8xf32, #tpu.memory_space<hbm>> -> memref<4000x8xf32, #tpu.memory_space<hbm>>
      %dma_wait3A_56 = arith.constant 0 : i32
      %dma_wait3A_57 = arith.constant 0 : i32
      %dma_wait3A_58 = tpu.memref_slice %arg11[%dma_wait3A_56, %dma_wait3A_57] : memref<4000x8xf32, #tpu.memory_space<vmem>> -> memref<4000x8xf32, #tpu.memory_space<vmem>>
      %dma_wait3A_59 = arith.constant 0 : i32
      %dma_wait3A_60 = tpu.memref_slice %arg5[%add3A_1, %dma_wait3A_59] : memref<100096x8xf32, #tpu.memory_space<hbm>> -> memref<4000x8xf32, #tpu.memory_space<hbm>>
      tpu.wait_dma2 semaphore(%run_scoped3A : memref<!tpu.dma_semaphore, #tpu.memory_space<semaphore_mem>>) src(%dma_wait3A_60 : memref<4000x8xf32, #tpu.memory_space<hbm>>) dst(%dma_wait3A_58 : memref<4000x8xf32, #tpu.memory_space<vmem>>)
      tpu.yield
    }) : () -> ()
    "tpu.region"() ({
      %run_scoped3A = tpu.sem_alloc : memref<!tpu.dma_semaphore, #tpu.memory_space<semaphore_mem>>
      %dma_start3A_41 = arith.constant 0 : i32
      %dma_start3A_42 = arith.constant 0 : i32
      %dma_start3A_43 = tpu.memref_slice %arg11[%dma_start3A_41, %dma_start3A_42] : memref<4000x8xf32, #tpu.memory_space<vmem>> -> memref<4000x8xf32, #tpu.memory_space<vmem>>
      %dma_start3A_44 = arith.constant 0 : i32
      %dma_start3A_45 = tpu.memref_slice %arg8[%add3A_1, %dma_start3A_44] : memref<100096x8xf32, #tpu.memory_space<vmem_shared>> -> memref<4000x8xf32, #tpu.memory_space<vmem_shared>>
      %dma_start3A_46 = arith.constant 0 : i32
      %dma_start3A_47 = tpu.memref_slice %arg8[%add3A_1, %dma_start3A_46] : memref<100096x8xf32, #tpu.memory_space<vmem_shared>> -> memref<4000x8xf32, #tpu.memory_space<vmem_shared>>
      %dma_start3A_48 = arith.constant 0 : i32
      %dma_start3A_49 = arith.constant 0 : i32
      %dma_start3A_50 = tpu.memref_slice %arg11[%dma_start3A_48, %dma_start3A_49] : memref<4000x8xf32, #tpu.memory_space<vmem>> -> memref<4000x8xf32, #tpu.memory_space<vmem>>
      tpu.enqueue_dma source(%dma_start3A_50 : memref<4000x8xf32, #tpu.memory_space<vmem>>) target(%dma_start3A_47 : memref<4000x8xf32, #tpu.memory_space<vmem_shared>>) target_semaphore(%run_scoped3A : memref<!tpu.dma_semaphore, #tpu.memory_space<semaphore_mem>>)
      %dma_wait3A_51 = arith.constant 0 : i32
      %dma_wait3A_52 = arith.constant 0 : i32
      %dma_wait3A_53 = tpu.memref_slice %arg11[%dma_wait3A_51, %dma_wait3A_52] : memref<4000x8xf32, #tpu.memory_space<vmem>> -> memref<4000x8xf32, #tpu.memory_space<vmem>>
      %dma_wait3A_54 = arith.constant 0 : i32
      %dma_wait3A_55 = tpu.memref_slice %arg8[%add3A_1, %dma_wait3A_54] : memref<100096x8xf32, #tpu.memory_space<vmem_shared>> -> memref<4000x8xf32, #tpu.memory_space<vmem_shared>>
      %dma_wait3A_56 = arith.constant 0 : i32
      %dma_wait3A_57 = tpu.memref_slice %arg8[%add3A_1, %dma_wait3A_56] : memref<100096x8xf32, #tpu.memory_space<vmem_shared>> -> memref<4000x8xf32, #tpu.memory_space<vmem_shared>>
      %dma_wait3A_58 = arith.constant 0 : i32
      %dma_wait3A_59 = arith.constant 0 : i32
      %dma_wait3A_60 = tpu.memref_slice %arg11[%dma_wait3A_58, %dma_wait3A_59] : memref<4000x8xf32, #tpu.memory_space<vmem>> -> memref<4000x8xf32, #tpu.memory_space<vmem>>
      tpu.wait_dma2 semaphore(%run_scoped3A : memref<!tpu.dma_semaphore, #tpu.memory_space<semaphore_mem>>) src(%dma_wait3A_60 : memref<4000x8xf32, #tpu.memory_space<vmem>>) dst(%dma_wait3A_57 : memref<4000x8xf32, #tpu.memory_space<vmem_shared>>)
      tpu.yield
    }) : () -> ()
    %mul3A_2 = arith.constant 6256 : i32
    %mul3A_3 = arith.muli %arg1, %mul3A_2 : i32
    %add3A_4 = arith.constant 4000 : i32
    %add3A_5 = arith.addi %mul3A_3, %add3A_4 : i32
    "tpu.region"() ({
      %run_scoped3A = tpu.sem_alloc : memref<!tpu.dma_semaphore, #tpu.memory_space<semaphore_mem>>
      %dma_start3A_41 = arith.constant 0 : i32
      %dma_start3A_42 = arith.constant 0 : i32
      %dma_start3A_43 = tpu.memref_slice %arg11[%dma_start3A_41, %dma_start3A_42] : memref<4000x8xf32, #tpu.memory_space<vmem>> -> memref<2256x8xf32, #tpu.memory_space<vmem>>
      %dma_start3A_44 = arith.constant 0 : i32
      %dma_start3A_45 = tpu.memref_slice %arg5[%add3A_5, %dma_start3A_44] : memref<100096x8xf32, #tpu.memory_space<hbm>> -> memref<2256x8xf32, #tpu.memory_space<hbm>>
      %dma_start3A_46 = arith.constant 0 : i32
      %dma_start3A_47 = arith.constant 0 : i32
      %dma_start3A_48 = tpu.memref_slice %arg11[%dma_start3A_46, %dma_start3A_47] : memref<4000x8xf32, #tpu.memory_space<vmem>> -> memref<2256x8xf32, #tpu.memory_space<vmem>>
      %dma_start3A_49 = arith.constant 0 : i32
      %dma_start3A_50 = tpu.memref_slice %arg5[%add3A_5, %dma_start3A_49] : memref<100096x8xf32, #tpu.memory_space<hbm>> -> memref<2256x8xf32, #tpu.memory_space<hbm>>
      tpu.enqueue_dma source(%dma_start3A_50 : memref<2256x8xf32, #tpu.memory_space<hbm>>) target(%dma_start3A_48 : memref<2256x8xf32, #tpu.memory_space<vmem>>) target_semaphore(%run_scoped3A : memref<!tpu.dma_semaphore, #tpu.memory_space<semaphore_mem>>)
      %dma_wait3A_51 = arith.constant 0 : i32
      %dma_wait3A_52 = arith.constant 0 : i32
      %dma_wait3A_53 = tpu.memref_slice %arg11[%dma_wait3A_51, %dma_wait3A_52] : memref<4000x8xf32, #tpu.memory_space<vmem>> -> memref<2256x8xf32, #tpu.memory_space<vmem>>
      %dma_wait3A_54 = arith.constant 0 : i32
      %dma_wait3A_55 = tpu.memref_slice %arg5[%add3A_5, %dma_wait3A_54] : memref<100096x8xf32, #tpu.memory_space<hbm>> -> memref<2256x8xf32, #tpu.memory_space<hbm>>
      %dma_wait3A_56 = arith.constant 0 : i32
      %dma_wait3A_57 = arith.constant 0 : i32
      %dma_wait3A_58 = tpu.memref_slice %arg11[%dma_wait3A_56, %dma_wait3A_57] : memref<4000x8xf32, #tpu.memory_space<vmem>> -> memref<2256x8xf32, #tpu.memory_space<vmem>>
      %dma_wait3A_59 = arith.constant 0 : i32
      %dma_wait3A_60 = tpu.memref_slice %arg5[%add3A_5, %dma_wait3A_59] : memref<100096x8xf32, #tpu.memory_space<hbm>> -> memref<2256x8xf32, #tpu.memory_space<hbm>>
      tpu.wait_dma2 semaphore(%run_scoped3A : memref<!tpu.dma_semaphore, #tpu.memory_space<semaphore_mem>>) src(%dma_wait3A_60 : memref<2256x8xf32, #tpu.memory_space<hbm>>) dst(%dma_wait3A_58 : memref<2256x8xf32, #tpu.memory_space<vmem>>)
      tpu.yield
    }) : () -> ()
    "tpu.region"() ({
      %run_scoped3A = tpu.sem_alloc : memref<!tpu.dma_semaphore, #tpu.memory_space<semaphore_mem>>
      %dma_start3A_41 = arith.constant 0 : i32
      %dma_start3A_42 = arith.constant 0 : i32
      %dma_start3A_43 = tpu.memref_slice %arg11[%dma_start3A_41, %dma_start3A_42] : memref<4000x8xf32, #tpu.memory_space<vmem>> -> memref<2256x8xf32, #tpu.memory_space<vmem>>
      %dma_start3A_44 = arith.constant 0 : i32
      %dma_start3A_45 = tpu.memref_slice %arg8[%add3A_5, %dma_start3A_44] : memref<100096x8xf32, #tpu.memory_space<vmem_shared>> -> memref<2256x8xf32, #tpu.memory_space<vmem_shared>>
      %dma_start3A_46 = arith.constant 0 : i32
      %dma_start3A_47 = tpu.memref_slice %arg8[%add3A_5, %dma_start3A_46] : memref<100096x8xf32, #tpu.memory_space<vmem_shared>> -> memref<2256x8xf32, #tpu.memory_space<vmem_shared>>
      %dma_start3A_48 = arith.constant 0 : i32
      %dma_start3A_49 = arith.constant 0 : i32
      %dma_start3A_50 = tpu.memref_slice %arg11[%dma_start3A_48, %dma_start3A_49] : memref<4000x8xf32, #tpu.memory_space<vmem>> -> memref<2256x8xf32, #tpu.memory_space<vmem>>
      tpu.enqueue_dma source(%dma_start3A_50 : memref<2256x8xf32, #tpu.memory_space<vmem>>) target(%dma_start3A_47 : memref<2256x8xf32, #tpu.memory_space<vmem_shared>>) target_semaphore(%run_scoped3A : memref<!tpu.dma_semaphore, #tpu.memory_space<semaphore_mem>>)
      %dma_wait3A_51 = arith.constant 0 : i32
      %dma_wait3A_52 = arith.constant 0 : i32
      %dma_wait3A_53 = tpu.memref_slice %arg11[%dma_wait3A_51, %dma_wait3A_52] : memref<4000x8xf32, #tpu.memory_space<vmem>> -> memref<2256x8xf32, #tpu.memory_space<vmem>>
      %dma_wait3A_54 = arith.constant 0 : i32
      %dma_wait3A_55 = tpu.memref_slice %arg8[%add3A_5, %dma_wait3A_54] : memref<100096x8xf32, #tpu.memory_space<vmem_shared>> -> memref<2256x8xf32, #tpu.memory_space<vmem_shared>>
      %dma_wait3A_56 = arith.constant 0 : i32
      %dma_wait3A_57 = tpu.memref_slice %arg8[%add3A_5, %dma_wait3A_56] : memref<100096x8xf32, #tpu.memory_space<vmem_shared>> -> memref<2256x8xf32, #tpu.memory_space<vmem_shared>>
      %dma_wait3A_58 = arith.constant 0 : i32
      %dma_wait3A_59 = arith.constant 0 : i32
      %dma_wait3A_60 = tpu.memref_slice %arg11[%dma_wait3A_58, %dma_wait3A_59] : memref<4000x8xf32, #tpu.memory_space<vmem>> -> memref<2256x8xf32, #tpu.memory_space<vmem>>
      tpu.wait_dma2 semaphore(%run_scoped3A : memref<!tpu.dma_semaphore, #tpu.memory_space<semaphore_mem>>) src(%dma_wait3A_60 : memref<2256x8xf32, #tpu.memory_space<vmem>>) dst(%dma_wait3A_57 : memref<2256x8xf32, #tpu.memory_space<vmem_shared>>)
      tpu.yield
    }) : () -> ()
    %barrier3A = arith.constant 0 : index
    tpu.barrier barrier_id(%barrier3A)
    %mul3A_6 = arith.constant 3200000 : i32
    %mul3A_7 = arith.muli %arg0, %mul3A_6 : i32
    %mul3A_8 = arith.constant 200000 : i32
    %mul3A_9 = arith.muli %arg1, %mul3A_8 : i32
    %add3A_10 = arith.addi %mul3A_7, %mul3A_9 : i32
    %dma_start3A = tpu.memref_slice %arg3[%add3A_10] : memref<6400000xi32, #tpu.memory_space<hbm>> -> memref<4000xi32, #tpu.memory_space<hbm>>
    %dma_start3A_11 = tpu.memref_slice %arg3[%add3A_10] : memref<6400000xi32, #tpu.memory_space<hbm>> -> memref<4000xi32, #tpu.memory_space<hbm>>
    tpu.enqueue_dma source(%dma_start3A_11 : memref<4000xi32, #tpu.memory_space<hbm>>) target(%arg9 : memref<4000xi32, #tpu.memory_space<vmem>>) target_semaphore(%arg15 : memref<!tpu.dma_semaphore, #tpu.memory_space<semaphore_mem>>)
    %dma_start3A_12 = tpu.memref_slice %arg4[%add3A_10] : memref<6400000xi32, #tpu.memory_space<hbm>> -> memref<4000xi32, #tpu.memory_space<hbm>>
    %dma_start3A_13 = tpu.memref_slice %arg4[%add3A_10] : memref<6400000xi32, #tpu.memory_space<hbm>> -> memref<4000xi32, #tpu.memory_space<hbm>>
    tpu.enqueue_dma source(%dma_start3A_13 : memref<4000xi32, #tpu.memory_space<hbm>>) target(%arg10 : memref<4000xi32, #tpu.memory_space<vmem>>) target_semaphore(%arg15 : memref<!tpu.dma_semaphore, #tpu.memory_space<semaphore_mem>>)
    %dma_wait3A = arith.constant 0 : i32
    %dma_wait3A_14 = tpu.memref_slice %arg3[%dma_wait3A] : memref<6400000xi32, #tpu.memory_space<hbm>> -> memref<4000xi32, #tpu.memory_space<hbm>>
    %dma_wait3A_15 = arith.constant 0 : i32
    %dma_wait3A_16 = tpu.memref_slice %arg3[%dma_wait3A_15] : memref<6400000xi32, #tpu.memory_space<hbm>> -> memref<4000xi32, #tpu.memory_space<hbm>>
    tpu.wait_dma2 semaphore(%arg15 : memref<!tpu.dma_semaphore, #tpu.memory_space<semaphore_mem>>) src(%dma_wait3A_16 : memref<4000xi32, #tpu.memory_space<hbm>>) dst(%arg9 : memref<4000xi32, #tpu.memory_space<vmem>>)
    %dma_start3A_17 = arith.constant 0 : i32
    %dma_start3A_18 = arith.constant 0 : i32
    %dma_start3A_19 = tpu.memref_slice %arg2[%dma_start3A_17, %dma_start3A_18] : memref<100000x8xf32, #tpu.memory_space<hbm>> -> memref<100000x8xf32, #tpu.memory_space<hbm>>
    tpu.enqueue_indirect_dma source(%dma_start3A_19 : memref<100000x8xf32, #tpu.memory_space<hbm>>) target(%arg11 : memref<4000x8xf32, #tpu.memory_space<vmem>>) offsets(%arg9 : memref<4000xi32, #tpu.memory_space<vmem>>) semaphore(%arg16 : memref<!tpu.dma_semaphore, #tpu.memory_space<semaphore_mem>>)
    %add3A_20 = arith.constant 4000 : i32
    %add3A_21 = arith.addi %add3A_10, %add3A_20 : i32
    %dma_start3A_22 = tpu.memref_slice %arg3[%add3A_21] : memref<6400000xi32, #tpu.memory_space<hbm>> -> memref<4000xi32, #tpu.memory_space<hbm>>
    %dma_start3A_23 = tpu.memref_slice %arg3[%add3A_21] : memref<6400000xi32, #tpu.memory_space<hbm>> -> memref<4000xi32, #tpu.memory_space<hbm>>
    tpu.enqueue_dma source(%dma_start3A_23 : memref<4000xi32, #tpu.memory_space<hbm>>) target(%arg12 : memref<4000xi32, #tpu.memory_space<vmem>>) target_semaphore(%arg17 : memref<!tpu.dma_semaphore, #tpu.memory_space<semaphore_mem>>)
    %add3A_24 = arith.constant 4000 : i32
    %add3A_25 = arith.addi %add3A_10, %add3A_24 : i32
    %dma_start3A_26 = tpu.memref_slice %arg4[%add3A_25] : memref<6400000xi32, #tpu.memory_space<hbm>> -> memref<4000xi32, #tpu.memory_space<hbm>>
    %dma_start3A_27 = tpu.memref_slice %arg4[%add3A_25] : memref<6400000xi32, #tpu.memory_space<hbm>> -> memref<4000xi32, #tpu.memory_space<hbm>>
    tpu.enqueue_dma source(%dma_start3A_27 : memref<4000xi32, #tpu.memory_space<hbm>>) target(%arg13 : memref<4000xi32, #tpu.memory_space<vmem>>) target_semaphore(%arg17 : memref<!tpu.dma_semaphore, #tpu.memory_space<semaphore_mem>>)
    %scan3A = arith.constant 0 : i32
    %scan3A_28 = arith.constant 0 : i32
    %scan3A_29 = arith.constant 25 : i32
    %scan3A_30 = arith.addi %scan3A_28, %scan3A_29 : i32
    %scan3A_31 = arith.constant 1 : i32
    scf.for %scan3A_41 = %scan3A_28 to %scan3A_30 step %scan3A_31  : i32 {
      %mul3A_42 = arith.constant 2 : i32
      %mul3A_43 = arith.muli %mul3A_42, %scan3A_41 : i32
      %add3A_44 = arith.constant 0 : i32
      %add3A_45 = arith.addi %mul3A_43, %add3A_44 : i32
      %dma_wait3A_46 = arith.constant 0 : i32
      %dma_wait3A_47 = arith.constant 0 : i32
      %dma_wait3A_48 = tpu.memref_slice %arg2[%dma_wait3A_46, %dma_wait3A_47] : memref<100000x8xf32, #tpu.memory_space<hbm>> -> memref<100000x8xf32, #tpu.memory_space<hbm>>
      tpu.wait_indirect_dma semaphore(%arg16 : memref<!tpu.dma_semaphore, #tpu.memory_space<semaphore_mem>>) src(%dma_wait3A_48 : memref<100000x8xf32, #tpu.memory_space<hbm>>) dst(%arg11 : memref<4000x8xf32, #tpu.memory_space<vmem>>)
      %add3A_49 = arith.constant 1 : i32
      %add3A_50 = arith.addi %add3A_45, %add3A_49 : i32
      %lt3A = arith.constant 50 : i32
      %lt3A_51 = arith.cmpi slt, %add3A_50, %lt3A : i32
      %convert_element_type3A_52 = arith.extui %lt3A_51 : i1 to i32
      %cond3A_53 = arith.constant 0 : i32
      %cond3A_54 = arith.cmpi ne, %convert_element_type3A_52, %cond3A_53 : i32
      scf.if %cond3A_54 {
        %dma_wait3A_91 = arith.constant 0 : i32
        %dma_wait3A_92 = tpu.memref_slice %arg3[%dma_wait3A_91] : memref<6400000xi32, #tpu.memory_space<hbm>> -> memref<4000xi32, #tpu.memory_space<hbm>>
        %dma_wait3A_93 = arith.constant 0 : i32
        %dma_wait3A_94 = tpu.memref_slice %arg3[%dma_wait3A_93] : memref<6400000xi32, #tpu.memory_space<hbm>> -> memref<4000xi32, #tpu.memory_space<hbm>>
        tpu.wait_dma2 semaphore(%arg17 : memref<!tpu.dma_semaphore, #tpu.memory_space<semaphore_mem>>) src(%dma_wait3A_94 : memref<4000xi32, #tpu.memory_space<hbm>>) dst(%arg12 : memref<4000xi32, #tpu.memory_space<vmem>>)
        %dma_start3A_95 = arith.constant 0 : i32
        %dma_start3A_96 = arith.constant 0 : i32
        %dma_start3A_97 = tpu.memref_slice %arg2[%dma_start3A_95, %dma_start3A_96] : memref<100000x8xf32, #tpu.memory_space<hbm>> -> memref<100000x8xf32, #tpu.memory_space<hbm>>
        tpu.enqueue_indirect_dma source(%dma_start3A_97 : memref<100000x8xf32, #tpu.memory_space<hbm>>) target(%arg14 : memref<4000x8xf32, #tpu.memory_space<vmem>>) offsets(%arg12 : memref<4000xi32, #tpu.memory_space<vmem>>) semaphore(%arg18 : memref<!tpu.dma_semaphore, #tpu.memory_space<semaphore_mem>>)
      } else {
      }
      %dma_wait3A_55 = arith.constant 0 : i32
      %dma_wait3A_56 = tpu.memref_slice %arg4[%dma_wait3A_55] : memref<6400000xi32, #tpu.memory_space<hbm>> -> memref<4000xi32, #tpu.memory_space<hbm>>
      %dma_wait3A_57 = arith.constant 0 : i32
      %dma_wait3A_58 = tpu.memref_slice %arg4[%dma_wait3A_57] : memref<6400000xi32, #tpu.memory_space<hbm>> -> memref<4000xi32, #tpu.memory_space<hbm>>
      tpu.wait_dma2 semaphore(%arg15 : memref<!tpu.dma_semaphore, #tpu.memory_space<semaphore_mem>>) src(%dma_wait3A_58 : memref<4000xi32, #tpu.memory_space<hbm>>) dst(%arg10 : memref<4000xi32, #tpu.memory_space<vmem>>)
      "tpu.region"() ({
        %run_scoped3A = tpu.sem_alloc : memref<!tpu.dma_semaphore, #tpu.memory_space<semaphore_mem>>
        %dma_start3A_91 = arith.constant 0 : i32
        %dma_start3A_92 = arith.constant 0 : i32
        %dma_start3A_93 = tpu.memref_slice %arg8[%dma_start3A_91, %dma_start3A_92] : memref<100096x8xf32, #tpu.memory_space<vmem_shared>> -> memref<100096x8xf32, #tpu.memory_space<vmem_shared>>
        tpu.enqueue_indirect_dma source(%arg11 : memref<4000x8xf32, #tpu.memory_space<vmem>>) target(%dma_start3A_93 : memref<100096x8xf32, #tpu.memory_space<vmem_shared>>) offsets(%arg10 : memref<4000xi32, #tpu.memory_space<vmem>>) semaphore(%run_scoped3A : memref<!tpu.dma_semaphore, #tpu.memory_space<semaphore_mem>>) {add = true}
        %dma_wait3A_94 = arith.constant 0 : i32
        %dma_wait3A_95 = arith.constant 0 : i32
        %dma_wait3A_96 = tpu.memref_slice %arg8[%dma_wait3A_94, %dma_wait3A_95] : memref<100096x8xf32, #tpu.memory_space<vmem_shared>> -> memref<100096x8xf32, #tpu.memory_space<vmem_shared>>
        tpu.wait_indirect_dma semaphore(%run_scoped3A : memref<!tpu.dma_semaphore, #tpu.memory_space<semaphore_mem>>) src(%arg11 : memref<4000x8xf32, #tpu.memory_space<vmem>>) dst(%dma_wait3A_96 : memref<100096x8xf32, #tpu.memory_space<vmem_shared>>)
        tpu.yield
      }) : () -> ()
      %add3A_59 = arith.constant 2 : i32
      %add3A_60 = arith.addi %add3A_45, %add3A_59 : i32
      %lt3A_61 = arith.constant 50 : i32
      %lt3A_62 = arith.cmpi slt, %add3A_60, %lt3A_61 : i32
      %convert_element_type3A_63 = arith.extui %lt3A_62 : i1 to i32
      %cond3A_64 = arith.constant 0 : i32
      %cond3A_65 = arith.cmpi ne, %convert_element_type3A_63, %cond3A_64 : i32
      scf.if %cond3A_65 {
        %add3A_91 = arith.constant 2 : i32
        %add3A_92 = arith.addi %add3A_45, %add3A_91 : i32
        %mul3A_93 = arith.constant 4000 : i32
        %mul3A_94 = arith.muli %add3A_92, %mul3A_93 : i32
        %add3A_95 = arith.addi %add3A_10, %mul3A_94 : i32
        %dma_start3A_96 = tpu.memref_slice %arg3[%add3A_95] : memref<6400000xi32, #tpu.memory_space<hbm>> -> memref<4000xi32, #tpu.memory_space<hbm>>
        %dma_start3A_97 = tpu.memref_slice %arg3[%add3A_95] : memref<6400000xi32, #tpu.memory_space<hbm>> -> memref<4000xi32, #tpu.memory_space<hbm>>
        tpu.enqueue_dma source(%dma_start3A_97 : memref<4000xi32, #tpu.memory_space<hbm>>) target(%arg9 : memref<4000xi32, #tpu.memory_space<vmem>>) target_semaphore(%arg15 : memref<!tpu.dma_semaphore, #tpu.memory_space<semaphore_mem>>)
        %add3A_98 = arith.addi %add3A_10, %mul3A_94 : i32
        %dma_start3A_99 = tpu.memref_slice %arg4[%add3A_98] : memref<6400000xi32, #tpu.memory_space<hbm>> -> memref<4000xi32, #tpu.memory_space<hbm>>
        %dma_start3A_100 = tpu.memref_slice %arg4[%add3A_98] : memref<6400000xi32, #tpu.memory_space<hbm>> -> memref<4000xi32, #tpu.memory_space<hbm>>
        tpu.enqueue_dma source(%dma_start3A_100 : memref<4000xi32, #tpu.memory_space<hbm>>) target(%arg10 : memref<4000xi32, #tpu.memory_space<vmem>>) target_semaphore(%arg15 : memref<!tpu.dma_semaphore, #tpu.memory_space<semaphore_mem>>)
      } else {
      }
      %mul3A_66 = arith.constant 2 : i32
      %mul3A_67 = arith.muli %mul3A_66, %scan3A_41 : i32
      %add3A_68 = arith.constant 1 : i32
      %add3A_69 = arith.addi %mul3A_67, %add3A_68 : i32
      %dma_wait3A_70 = arith.constant 0 : i32
      %dma_wait3A_71 = arith.constant 0 : i32
      %dma_wait3A_72 = tpu.memref_slice %arg2[%dma_wait3A_70, %dma_wait3A_71] : memref<100000x8xf32, #tpu.memory_space<hbm>> -> memref<100000x8xf32, #tpu.memory_space<hbm>>
      tpu.wait_indirect_dma semaphore(%arg18 : memref<!tpu.dma_semaphore, #tpu.memory_space<semaphore_mem>>) src(%dma_wait3A_72 : memref<100000x8xf32, #tpu.memory_space<hbm>>) dst(%arg14 : memref<4000x8xf32, #tpu.memory_space<vmem>>)
      %add3A_73 = arith.constant 1 : i32
      %add3A_74 = arith.addi %add3A_69, %add3A_73 : i32
      %lt3A_75 = arith.constant 50 : i32
      %lt3A_76 = arith.cmpi slt, %add3A_74, %lt3A_75 : i32
      %convert_element_type3A_77 = arith.extui %lt3A_76 : i1 to i32
      %cond3A_78 = arith.constant 0 : i32
      %cond3A_79 = arith.cmpi ne, %convert_element_type3A_77, %cond3A_78 : i32
      scf.if %cond3A_79 {
        %dma_wait3A_91 = arith.constant 0 : i32
        %dma_wait3A_92 = tpu.memref_slice %arg3[%dma_wait3A_91] : memref<6400000xi32, #tpu.memory_space<hbm>> -> memref<4000xi32, #tpu.memory_space<hbm>>
        %dma_wait3A_93 = arith.constant 0 : i32
        %dma_wait3A_94 = tpu.memref_slice %arg3[%dma_wait3A_93] : memref<6400000xi32, #tpu.memory_space<hbm>> -> memref<4000xi32, #tpu.memory_space<hbm>>
        tpu.wait_dma2 semaphore(%arg15 : memref<!tpu.dma_semaphore, #tpu.memory_space<semaphore_mem>>) src(%dma_wait3A_94 : memref<4000xi32, #tpu.memory_space<hbm>>) dst(%arg9 : memref<4000xi32, #tpu.memory_space<vmem>>)
        %dma_start3A_95 = arith.constant 0 : i32
        %dma_start3A_96 = arith.constant 0 : i32
        %dma_start3A_97 = tpu.memref_slice %arg2[%dma_start3A_95, %dma_start3A_96] : memref<100000x8xf32, #tpu.memory_space<hbm>> -> memref<100000x8xf32, #tpu.memory_space<hbm>>
        tpu.enqueue_indirect_dma source(%dma_start3A_97 : memref<100000x8xf32, #tpu.memory_space<hbm>>) target(%arg11 : memref<4000x8xf32, #tpu.memory_space<vmem>>) offsets(%arg9 : memref<4000xi32, #tpu.memory_space<vmem>>) semaphore(%arg16 : memref<!tpu.dma_semaphore, #tpu.memory_space<semaphore_mem>>)
      } else {
      }
      %dma_wait3A_80 = arith.constant 0 : i32
      %dma_wait3A_81 = tpu.memref_slice %arg4[%dma_wait3A_80] : memref<6400000xi32, #tpu.memory_space<hbm>> -> memref<4000xi32, #tpu.memory_space<hbm>>
      %dma_wait3A_82 = arith.constant 0 : i32
      %dma_wait3A_83 = tpu.memref_slice %arg4[%dma_wait3A_82] : memref<6400000xi32, #tpu.memory_space<hbm>> -> memref<4000xi32, #tpu.memory_space<hbm>>
      tpu.wait_dma2 semaphore(%arg17 : memref<!tpu.dma_semaphore, #tpu.memory_space<semaphore_mem>>) src(%dma_wait3A_83 : memref<4000xi32, #tpu.memory_space<hbm>>) dst(%arg13 : memref<4000xi32, #tpu.memory_space<vmem>>)
      "tpu.region"() ({
        %run_scoped3A = tpu.sem_alloc : memref<!tpu.dma_semaphore, #tpu.memory_space<semaphore_mem>>
        %dma_start3A_91 = arith.constant 0 : i32
        %dma_start3A_92 = arith.constant 0 : i32
        %dma_start3A_93 = tpu.memref_slice %arg8[%dma_start3A_91, %dma_start3A_92] : memref<100096x8xf32, #tpu.memory_space<vmem_shared>> -> memref<100096x8xf32, #tpu.memory_space<vmem_shared>>
        tpu.enqueue_indirect_dma source(%arg14 : memref<4000x8xf32, #tpu.memory_space<vmem>>) target(%dma_start3A_93 : memref<100096x8xf32, #tpu.memory_space<vmem_shared>>) offsets(%arg13 : memref<4000xi32, #tpu.memory_space<vmem>>) semaphore(%run_scoped3A : memref<!tpu.dma_semaphore, #tpu.memory_space<semaphore_mem>>) {add = true}
        %dma_wait3A_94 = arith.constant 0 : i32
        %dma_wait3A_95 = arith.constant 0 : i32
        %dma_wait3A_96 = tpu.memref_slice %arg8[%dma_wait3A_94, %dma_wait3A_95] : memref<100096x8xf32, #tpu.memory_space<vmem_shared>> -> memref<100096x8xf32, #tpu.memory_space<vmem_shared>>
        tpu.wait_indirect_dma semaphore(%run_scoped3A : memref<!tpu.dma_semaphore, #tpu.memory_space<semaphore_mem>>) src(%arg14 : memref<4000x8xf32, #tpu.memory_space<vmem>>) dst(%dma_wait3A_96 : memref<100096x8xf32, #tpu.memory_space<vmem_shared>>)
        tpu.yield
      }) : () -> ()
      %add3A_84 = arith.constant 2 : i32
      %add3A_85 = arith.addi %add3A_69, %add3A_84 : i32
      %lt3A_86 = arith.constant 50 : i32
      %lt3A_87 = arith.cmpi slt, %add3A_85, %lt3A_86 : i32
      %convert_element_type3A_88 = arith.extui %lt3A_87 : i1 to i32
      %cond3A_89 = arith.constant 0 : i32
      %cond3A_90 = arith.cmpi ne, %convert_element_type3A_88, %cond3A_89 : i32
      scf.if %cond3A_90 {
        %add3A_91 = arith.constant 2 : i32
        %add3A_92 = arith.addi %add3A_69, %add3A_91 : i32
        %mul3A_93 = arith.constant 4000 : i32
        %mul3A_94 = arith.muli %add3A_92, %mul3A_93 : i32
        %add3A_95 = arith.addi %add3A_10, %mul3A_94 : i32
        %dma_start3A_96 = tpu.memref_slice %arg3[%add3A_95] : memref<6400000xi32, #tpu.memory_space<hbm>> -> memref<4000xi32, #tpu.memory_space<hbm>>
        %dma_start3A_97 = tpu.memref_slice %arg3[%add3A_95] : memref<6400000xi32, #tpu.memory_space<hbm>> -> memref<4000xi32, #tpu.memory_space<hbm>>
        tpu.enqueue_dma source(%dma_start3A_97 : memref<4000xi32, #tpu.memory_space<hbm>>) target(%arg12 : memref<4000xi32, #tpu.memory_space<vmem>>) target_semaphore(%arg17 : memref<!tpu.dma_semaphore, #tpu.memory_space<semaphore_mem>>)
        %add3A_98 = arith.addi %add3A_10, %mul3A_94 : i32
        %dma_start3A_99 = tpu.memref_slice %arg4[%add3A_98] : memref<6400000xi32, #tpu.memory_space<hbm>> -> memref<4000xi32, #tpu.memory_space<hbm>>
        %dma_start3A_100 = tpu.memref_slice %arg4[%add3A_98] : memref<6400000xi32, #tpu.memory_space<hbm>> -> memref<4000xi32, #tpu.memory_space<hbm>>
        tpu.enqueue_dma source(%dma_start3A_100 : memref<4000xi32, #tpu.memory_space<hbm>>) target(%arg13 : memref<4000xi32, #tpu.memory_space<vmem>>) target_semaphore(%arg17 : memref<!tpu.dma_semaphore, #tpu.memory_space<semaphore_mem>>)
      } else {
      }
    }
    %scan3A_32 = arith.constant 25 : i32
    %barrier3A_33 = arith.constant 0 : index
    tpu.barrier barrier_id(%barrier3A_33)
    %eq3A = arith.constant 0 : i32
    %eq3A_34 = arith.cmpi eq, %arg0, %eq3A : i32
    %convert_element_type3A = arith.extui %eq3A_34 : i1 to i32
    %cond3A = arith.constant 0 : i32
    %cond3A_35 = arith.cmpi ne, %convert_element_type3A, %cond3A : i32
    scf.if %cond3A_35 {
      %mul3A_41 = arith.constant 6256 : i32
      %mul3A_42 = arith.muli %arg1, %mul3A_41 : i32
      %add3A_43 = arith.constant 0 : i32
      %add3A_44 = arith.addi %mul3A_42, %add3A_43 : i32
      "tpu.region"() ({
        %run_scoped3A = tpu.sem_alloc : memref<!tpu.dma_semaphore, #tpu.memory_space<semaphore_mem>>
        %dma_start3A_49 = arith.constant 0 : i32
        %dma_start3A_50 = arith.constant 0 : i32
        %dma_start3A_51 = tpu.memref_slice %arg11[%dma_start3A_49, %dma_start3A_50] : memref<4000x8xf32, #tpu.memory_space<vmem>> -> memref<4000x8xf32, #tpu.memory_space<vmem>>
        %dma_start3A_52 = arith.constant 0 : i32
        %dma_start3A_53 = tpu.memref_slice %arg8[%add3A_44, %dma_start3A_52] : memref<100096x8xf32, #tpu.memory_space<vmem_shared>> -> memref<4000x8xf32, #tpu.memory_space<vmem_shared>>
        %dma_start3A_54 = arith.constant 0 : i32
        %dma_start3A_55 = arith.constant 0 : i32
        %dma_start3A_56 = tpu.memref_slice %arg11[%dma_start3A_54, %dma_start3A_55] : memref<4000x8xf32, #tpu.memory_space<vmem>> -> memref<4000x8xf32, #tpu.memory_space<vmem>>
        %dma_start3A_57 = arith.constant 0 : i32
        %dma_start3A_58 = tpu.memref_slice %arg8[%add3A_44, %dma_start3A_57] : memref<100096x8xf32, #tpu.memory_space<vmem_shared>> -> memref<4000x8xf32, #tpu.memory_space<vmem_shared>>
        tpu.enqueue_dma source(%dma_start3A_58 : memref<4000x8xf32, #tpu.memory_space<vmem_shared>>) target(%dma_start3A_56 : memref<4000x8xf32, #tpu.memory_space<vmem>>) target_semaphore(%run_scoped3A : memref<!tpu.dma_semaphore, #tpu.memory_space<semaphore_mem>>)
        %dma_wait3A_59 = arith.constant 0 : i32
        %dma_wait3A_60 = arith.constant 0 : i32
        %dma_wait3A_61 = tpu.memref_slice %arg11[%dma_wait3A_59, %dma_wait3A_60] : memref<4000x8xf32, #tpu.memory_space<vmem>> -> memref<4000x8xf32, #tpu.memory_space<vmem>>
        %dma_wait3A_62 = arith.constant 0 : i32
        %dma_wait3A_63 = tpu.memref_slice %arg8[%add3A_44, %dma_wait3A_62] : memref<100096x8xf32, #tpu.memory_space<vmem_shared>> -> memref<4000x8xf32, #tpu.memory_space<vmem_shared>>
        %dma_wait3A_64 = arith.constant 0 : i32
        %dma_wait3A_65 = arith.constant 0 : i32
        %dma_wait3A_66 = tpu.memref_slice %arg11[%dma_wait3A_64, %dma_wait3A_65] : memref<4000x8xf32, #tpu.memory_space<vmem>> -> memref<4000x8xf32, #tpu.memory_space<vmem>>
        %dma_wait3A_67 = arith.constant 0 : i32
        %dma_wait3A_68 = tpu.memref_slice %arg8[%add3A_44, %dma_wait3A_67] : memref<100096x8xf32, #tpu.memory_space<vmem_shared>> -> memref<4000x8xf32, #tpu.memory_space<vmem_shared>>
        tpu.wait_dma2 semaphore(%run_scoped3A : memref<!tpu.dma_semaphore, #tpu.memory_space<semaphore_mem>>) src(%dma_wait3A_68 : memref<4000x8xf32, #tpu.memory_space<vmem_shared>>) dst(%dma_wait3A_66 : memref<4000x8xf32, #tpu.memory_space<vmem>>)
        tpu.yield
      }) : () -> ()
      "tpu.region"() ({
        %run_scoped3A = tpu.sem_alloc : memref<!tpu.dma_semaphore, #tpu.memory_space<semaphore_mem>>
        %dma_start3A_49 = arith.constant 0 : i32
        %dma_start3A_50 = arith.constant 0 : i32
        %dma_start3A_51 = tpu.memref_slice %arg11[%dma_start3A_49, %dma_start3A_50] : memref<4000x8xf32, #tpu.memory_space<vmem>> -> memref<4000x8xf32, #tpu.memory_space<vmem>>
        %dma_start3A_52 = arith.constant 0 : i32
        %dma_start3A_53 = tpu.memref_slice %arg6[%add3A_44, %dma_start3A_52] : memref<100096x8xf32, #tpu.memory_space<hbm>> -> memref<4000x8xf32, #tpu.memory_space<hbm>>
        %dma_start3A_54 = arith.constant 0 : i32
        %dma_start3A_55 = tpu.memref_slice %arg6[%add3A_44, %dma_start3A_54] : memref<100096x8xf32, #tpu.memory_space<hbm>> -> memref<4000x8xf32, #tpu.memory_space<hbm>>
        %dma_start3A_56 = arith.constant 0 : i32
        %dma_start3A_57 = arith.constant 0 : i32
        %dma_start3A_58 = tpu.memref_slice %arg11[%dma_start3A_56, %dma_start3A_57] : memref<4000x8xf32, #tpu.memory_space<vmem>> -> memref<4000x8xf32, #tpu.memory_space<vmem>>
        tpu.enqueue_dma source(%dma_start3A_58 : memref<4000x8xf32, #tpu.memory_space<vmem>>) target(%dma_start3A_55 : memref<4000x8xf32, #tpu.memory_space<hbm>>) target_semaphore(%run_scoped3A : memref<!tpu.dma_semaphore, #tpu.memory_space<semaphore_mem>>)
        %dma_wait3A_59 = arith.constant 0 : i32
        %dma_wait3A_60 = arith.constant 0 : i32
        %dma_wait3A_61 = tpu.memref_slice %arg11[%dma_wait3A_59, %dma_wait3A_60] : memref<4000x8xf32, #tpu.memory_space<vmem>> -> memref<4000x8xf32, #tpu.memory_space<vmem>>
        %dma_wait3A_62 = arith.constant 0 : i32
        %dma_wait3A_63 = tpu.memref_slice %arg6[%add3A_44, %dma_wait3A_62] : memref<100096x8xf32, #tpu.memory_space<hbm>> -> memref<4000x8xf32, #tpu.memory_space<hbm>>
        %dma_wait3A_64 = arith.constant 0 : i32
        %dma_wait3A_65 = tpu.memref_slice %arg6[%add3A_44, %dma_wait3A_64] : memref<100096x8xf32, #tpu.memory_space<hbm>> -> memref<4000x8xf32, #tpu.memory_space<hbm>>
        %dma_wait3A_66 = arith.constant 0 : i32
        %dma_wait3A_67 = arith.constant 0 : i32
        %dma_wait3A_68 = tpu.memref_slice %arg11[%dma_wait3A_66, %dma_wait3A_67] : memref<4000x8xf32, #tpu.memory_space<vmem>> -> memref<4000x8xf32, #tpu.memory_space<vmem>>
        tpu.wait_dma2 semaphore(%run_scoped3A : memref<!tpu.dma_semaphore, #tpu.memory_space<semaphore_mem>>) src(%dma_wait3A_68 : memref<4000x8xf32, #tpu.memory_space<vmem>>) dst(%dma_wait3A_65 : memref<4000x8xf32, #tpu.memory_space<hbm>>)
        tpu.yield
      }) : () -> ()
      %mul3A_45 = arith.constant 6256 : i32
      %mul3A_46 = arith.muli %arg1, %mul3A_45 : i32
      %add3A_47 = arith.constant 4000 : i32
      %add3A_48 = arith.addi %mul3A_46, %add3A_47 : i32
      "tpu.region"() ({
        %run_scoped3A = tpu.sem_alloc : memref<!tpu.dma_semaphore, #tpu.memory_space<semaphore_mem>>
        %dma_start3A_49 = arith.constant 0 : i32
        %dma_start3A_50 = arith.constant 0 : i32
        %dma_start3A_51 = tpu.memref_slice %arg11[%dma_start3A_49, %dma_start3A_50] : memref<4000x8xf32, #tpu.memory_space<vmem>> -> memref<2256x8xf32, #tpu.memory_space<vmem>>
        %dma_start3A_52 = arith.constant 0 : i32
        %dma_start3A_53 = tpu.memref_slice %arg8[%add3A_48, %dma_start3A_52] : memref<100096x8xf32, #tpu.memory_space<vmem_shared>> -> memref<2256x8xf32, #tpu.memory_space<vmem_shared>>
        %dma_start3A_54 = arith.constant 0 : i32
        %dma_start3A_55 = arith.constant 0 : i32
        %dma_start3A_56 = tpu.memref_slice %arg11[%dma_start3A_54, %dma_start3A_55] : memref<4000x8xf32, #tpu.memory_space<vmem>> -> memref<2256x8xf32, #tpu.memory_space<vmem>>
        %dma_start3A_57 = arith.constant 0 : i32
        %dma_start3A_58 = tpu.memref_slice %arg8[%add3A_48, %dma_start3A_57] : memref<100096x8xf32, #tpu.memory_space<vmem_shared>> -> memref<2256x8xf32, #tpu.memory_space<vmem_shared>>
        tpu.enqueue_dma source(%dma_start3A_58 : memref<2256x8xf32, #tpu.memory_space<vmem_shared>>) target(%dma_start3A_56 : memref<2256x8xf32, #tpu.memory_space<vmem>>) target_semaphore(%run_scoped3A : memref<!tpu.dma_semaphore, #tpu.memory_space<semaphore_mem>>)
        %dma_wait3A_59 = arith.constant 0 : i32
        %dma_wait3A_60 = arith.constant 0 : i32
        %dma_wait3A_61 = tpu.memref_slice %arg11[%dma_wait3A_59, %dma_wait3A_60] : memref<4000x8xf32, #tpu.memory_space<vmem>> -> memref<2256x8xf32, #tpu.memory_space<vmem>>
        %dma_wait3A_62 = arith.constant 0 : i32
        %dma_wait3A_63 = tpu.memref_slice %arg8[%add3A_48, %dma_wait3A_62] : memref<100096x8xf32, #tpu.memory_space<vmem_shared>> -> memref<2256x8xf32, #tpu.memory_space<vmem_shared>>
        %dma_wait3A_64 = arith.constant 0 : i32
        %dma_wait3A_65 = arith.constant 0 : i32
        %dma_wait3A_66 = tpu.memref_slice %arg11[%dma_wait3A_64, %dma_wait3A_65] : memref<4000x8xf32, #tpu.memory_space<vmem>> -> memref<2256x8xf32, #tpu.memory_space<vmem>>
        %dma_wait3A_67 = arith.constant 0 : i32
        %dma_wait3A_68 = tpu.memref_slice %arg8[%add3A_48, %dma_wait3A_67] : memref<100096x8xf32, #tpu.memory_space<vmem_shared>> -> memref<2256x8xf32, #tpu.memory_space<vmem_shared>>
        tpu.wait_dma2 semaphore(%run_scoped3A : memref<!tpu.dma_semaphore, #tpu.memory_space<semaphore_mem>>) src(%dma_wait3A_68 : memref<2256x8xf32, #tpu.memory_space<vmem_shared>>) dst(%dma_wait3A_66 : memref<2256x8xf32, #tpu.memory_space<vmem>>)
        tpu.yield
      }) : () -> ()
      "tpu.region"() ({
        %run_scoped3A = tpu.sem_alloc : memref<!tpu.dma_semaphore, #tpu.memory_space<semaphore_mem>>
        %dma_start3A_49 = arith.constant 0 : i32
        %dma_start3A_50 = arith.constant 0 : i32
        %dma_start3A_51 = tpu.memref_slice %arg11[%dma_start3A_49, %dma_start3A_50] : memref<4000x8xf32, #tpu.memory_space<vmem>> -> memref<2256x8xf32, #tpu.memory_space<vmem>>
        %dma_start3A_52 = arith.constant 0 : i32
        %dma_start3A_53 = tpu.memref_slice %arg6[%add3A_48, %dma_start3A_52] : memref<100096x8xf32, #tpu.memory_space<hbm>> -> memref<2256x8xf32, #tpu.memory_space<hbm>>
        %dma_start3A_54 = arith.constant 0 : i32
        %dma_start3A_55 = tpu.memref_slice %arg6[%add3A_48, %dma_start3A_54] : memref<100096x8xf32, #tpu.memory_space<hbm>> -> memref<2256x8xf32, #tpu.memory_space<hbm>>
        %dma_start3A_56 = arith.constant 0 : i32
        %dma_start3A_57 = arith.constant 0 : i32
        %dma_start3A_58 = tpu.memref_slice %arg11[%dma_start3A_56, %dma_start3A_57] : memref<4000x8xf32, #tpu.memory_space<vmem>> -> memref<2256x8xf32, #tpu.memory_space<vmem>>
        tpu.enqueue_dma source(%dma_start3A_58 : memref<2256x8xf32, #tpu.memory_space<vmem>>) target(%dma_start3A_55 : memref<2256x8xf32, #tpu.memory_space<hbm>>) target_semaphore(%run_scoped3A : memref<!tpu.dma_semaphore, #tpu.memory_space<semaphore_mem>>)
        %dma_wait3A_59 = arith.constant 0 : i32
        %dma_wait3A_60 = arith.constant 0 : i32
        %dma_wait3A_61 = tpu.memref_slice %arg11[%dma_wait3A_59, %dma_wait3A_60] : memref<4000x8xf32, #tpu.memory_space<vmem>> -> memref<2256x8xf32, #tpu.memory_space<vmem>>
        %dma_wait3A_62 = arith.constant 0 : i32
        %dma_wait3A_63 = tpu.memref_slice %arg6[%add3A_48, %dma_wait3A_62] : memref<100096x8xf32, #tpu.memory_space<hbm>> -> memref<2256x8xf32, #tpu.memory_space<hbm>>
        %dma_wait3A_64 = arith.constant 0 : i32
        %dma_wait3A_65 = tpu.memref_slice %arg6[%add3A_48, %dma_wait3A_64] : memref<100096x8xf32, #tpu.memory_space<hbm>> -> memref<2256x8xf32, #tpu.memory_space<hbm>>
        %dma_wait3A_66 = arith.constant 0 : i32
        %dma_wait3A_67 = arith.constant 0 : i32
        %dma_wait3A_68 = tpu.memref_slice %arg11[%dma_wait3A_66, %dma_wait3A_67] : memref<4000x8xf32, #tpu.memory_space<vmem>> -> memref<2256x8xf32, #tpu.memory_space<vmem>>
        tpu.wait_dma2 semaphore(%run_scoped3A : memref<!tpu.dma_semaphore, #tpu.memory_space<semaphore_mem>>) src(%dma_wait3A_68 : memref<2256x8xf32, #tpu.memory_space<vmem>>) dst(%dma_wait3A_65 : memref<2256x8xf32, #tpu.memory_space<hbm>>)
        tpu.yield
      }) : () -> ()
    } else {
    }
    %eq3A_36 = arith.constant 1 : i32
    %eq3A_37 = arith.cmpi eq, %arg0, %eq3A_36 : i32
    %convert_element_type3A_38 = arith.extui %eq3A_37 : i1 to i32
    %cond3A_39 = arith.constant 0 : i32
    %cond3A_40 = arith.cmpi ne, %convert_element_type3A_38, %cond3A_39 : i32
    scf.if %cond3A_40 {
      %mul3A_41 = arith.constant 6256 : i32
      %mul3A_42 = arith.muli %arg1, %mul3A_41 : i32
      %add3A_43 = arith.constant 0 : i32
      %add3A_44 = arith.addi %mul3A_42, %add3A_43 : i32
      "tpu.region"() ({
        %run_scoped3A = tpu.sem_alloc : memref<!tpu.dma_semaphore, #tpu.memory_space<semaphore_mem>>
        %dma_start3A_49 = arith.constant 0 : i32
        %dma_start3A_50 = arith.constant 0 : i32
        %dma_start3A_51 = tpu.memref_slice %arg11[%dma_start3A_49, %dma_start3A_50] : memref<4000x8xf32, #tpu.memory_space<vmem>> -> memref<4000x8xf32, #tpu.memory_space<vmem>>
        %dma_start3A_52 = arith.constant 0 : i32
        %dma_start3A_53 = tpu.memref_slice %arg8[%add3A_44, %dma_start3A_52] : memref<100096x8xf32, #tpu.memory_space<vmem_shared>> -> memref<4000x8xf32, #tpu.memory_space<vmem_shared>>
        %dma_start3A_54 = arith.constant 0 : i32
        %dma_start3A_55 = arith.constant 0 : i32
        %dma_start3A_56 = tpu.memref_slice %arg11[%dma_start3A_54, %dma_start3A_55] : memref<4000x8xf32, #tpu.memory_space<vmem>> -> memref<4000x8xf32, #tpu.memory_space<vmem>>
        %dma_start3A_57 = arith.constant 0 : i32
        %dma_start3A_58 = tpu.memref_slice %arg8[%add3A_44, %dma_start3A_57] : memref<100096x8xf32, #tpu.memory_space<vmem_shared>> -> memref<4000x8xf32, #tpu.memory_space<vmem_shared>>
        tpu.enqueue_dma source(%dma_start3A_58 : memref<4000x8xf32, #tpu.memory_space<vmem_shared>>) target(%dma_start3A_56 : memref<4000x8xf32, #tpu.memory_space<vmem>>) target_semaphore(%run_scoped3A : memref<!tpu.dma_semaphore, #tpu.memory_space<semaphore_mem>>)
        %dma_wait3A_59 = arith.constant 0 : i32
        %dma_wait3A_60 = arith.constant 0 : i32
        %dma_wait3A_61 = tpu.memref_slice %arg11[%dma_wait3A_59, %dma_wait3A_60] : memref<4000x8xf32, #tpu.memory_space<vmem>> -> memref<4000x8xf32, #tpu.memory_space<vmem>>
        %dma_wait3A_62 = arith.constant 0 : i32
        %dma_wait3A_63 = tpu.memref_slice %arg8[%add3A_44, %dma_wait3A_62] : memref<100096x8xf32, #tpu.memory_space<vmem_shared>> -> memref<4000x8xf32, #tpu.memory_space<vmem_shared>>
        %dma_wait3A_64 = arith.constant 0 : i32
        %dma_wait3A_65 = arith.constant 0 : i32
        %dma_wait3A_66 = tpu.memref_slice %arg11[%dma_wait3A_64, %dma_wait3A_65] : memref<4000x8xf32, #tpu.memory_space<vmem>> -> memref<4000x8xf32, #tpu.memory_space<vmem>>
        %dma_wait3A_67 = arith.constant 0 : i32
        %dma_wait3A_68 = tpu.memref_slice %arg8[%add3A_44, %dma_wait3A_67] : memref<100096x8xf32, #tpu.memory_space<vmem_shared>> -> memref<4000x8xf32, #tpu.memory_space<vmem_shared>>
        tpu.wait_dma2 semaphore(%run_scoped3A : memref<!tpu.dma_semaphore, #tpu.memory_space<semaphore_mem>>) src(%dma_wait3A_68 : memref<4000x8xf32, #tpu.memory_space<vmem_shared>>) dst(%dma_wait3A_66 : memref<4000x8xf32, #tpu.memory_space<vmem>>)
        tpu.yield
      }) : () -> ()
      "tpu.region"() ({
        %run_scoped3A = tpu.sem_alloc : memref<!tpu.dma_semaphore, #tpu.memory_space<semaphore_mem>>
        %dma_start3A_49 = arith.constant 0 : i32
        %dma_start3A_50 = arith.constant 0 : i32
        %dma_start3A_51 = tpu.memref_slice %arg11[%dma_start3A_49, %dma_start3A_50] : memref<4000x8xf32, #tpu.memory_space<vmem>> -> memref<4000x8xf32, #tpu.memory_space<vmem>>
        %dma_start3A_52 = arith.constant 0 : i32
        %dma_start3A_53 = tpu.memref_slice %arg7[%add3A_44, %dma_start3A_52] : memref<100096x8xf32, #tpu.memory_space<hbm>> -> memref<4000x8xf32, #tpu.memory_space<hbm>>
        %dma_start3A_54 = arith.constant 0 : i32
        %dma_start3A_55 = tpu.memref_slice %arg7[%add3A_44, %dma_start3A_54] : memref<100096x8xf32, #tpu.memory_space<hbm>> -> memref<4000x8xf32, #tpu.memory_space<hbm>>
        %dma_start3A_56 = arith.constant 0 : i32
        %dma_start3A_57 = arith.constant 0 : i32
        %dma_start3A_58 = tpu.memref_slice %arg11[%dma_start3A_56, %dma_start3A_57] : memref<4000x8xf32, #tpu.memory_space<vmem>> -> memref<4000x8xf32, #tpu.memory_space<vmem>>
        tpu.enqueue_dma source(%dma_start3A_58 : memref<4000x8xf32, #tpu.memory_space<vmem>>) target(%dma_start3A_55 : memref<4000x8xf32, #tpu.memory_space<hbm>>) target_semaphore(%run_scoped3A : memref<!tpu.dma_semaphore, #tpu.memory_space<semaphore_mem>>)
        %dma_wait3A_59 = arith.constant 0 : i32
        %dma_wait3A_60 = arith.constant 0 : i32
        %dma_wait3A_61 = tpu.memref_slice %arg11[%dma_wait3A_59, %dma_wait3A_60] : memref<4000x8xf32, #tpu.memory_space<vmem>> -> memref<4000x8xf32, #tpu.memory_space<vmem>>
        %dma_wait3A_62 = arith.constant 0 : i32
        %dma_wait3A_63 = tpu.memref_slice %arg7[%add3A_44, %dma_wait3A_62] : memref<100096x8xf32, #tpu.memory_space<hbm>> -> memref<4000x8xf32, #tpu.memory_space<hbm>>
        %dma_wait3A_64 = arith.constant 0 : i32
        %dma_wait3A_65 = tpu.memref_slice %arg7[%add3A_44, %dma_wait3A_64] : memref<100096x8xf32, #tpu.memory_space<hbm>> -> memref<4000x8xf32, #tpu.memory_space<hbm>>
        %dma_wait3A_66 = arith.constant 0 : i32
        %dma_wait3A_67 = arith.constant 0 : i32
        %dma_wait3A_68 = tpu.memref_slice %arg11[%dma_wait3A_66, %dma_wait3A_67] : memref<4000x8xf32, #tpu.memory_space<vmem>> -> memref<4000x8xf32, #tpu.memory_space<vmem>>
        tpu.wait_dma2 semaphore(%run_scoped3A : memref<!tpu.dma_semaphore, #tpu.memory_space<semaphore_mem>>) src(%dma_wait3A_68 : memref<4000x8xf32, #tpu.memory_space<vmem>>) dst(%dma_wait3A_65 : memref<4000x8xf32, #tpu.memory_space<hbm>>)
        tpu.yield
      }) : () -> ()
      %mul3A_45 = arith.constant 6256 : i32
      %mul3A_46 = arith.muli %arg1, %mul3A_45 : i32
      %add3A_47 = arith.constant 4000 : i32
      %add3A_48 = arith.addi %mul3A_46, %add3A_47 : i32
      "tpu.region"() ({
        %run_scoped3A = tpu.sem_alloc : memref<!tpu.dma_semaphore, #tpu.memory_space<semaphore_mem>>
        %dma_start3A_49 = arith.constant 0 : i32
        %dma_start3A_50 = arith.constant 0 : i32
        %dma_start3A_51 = tpu.memref_slice %arg11[%dma_start3A_49, %dma_start3A_50] : memref<4000x8xf32, #tpu.memory_space<vmem>> -> memref<2256x8xf32, #tpu.memory_space<vmem>>
        %dma_start3A_52 = arith.constant 0 : i32
        %dma_start3A_53 = tpu.memref_slice %arg8[%add3A_48, %dma_start3A_52] : memref<100096x8xf32, #tpu.memory_space<vmem_shared>> -> memref<2256x8xf32, #tpu.memory_space<vmem_shared>>
        %dma_start3A_54 = arith.constant 0 : i32
        %dma_start3A_55 = arith.constant 0 : i32
        %dma_start3A_56 = tpu.memref_slice %arg11[%dma_start3A_54, %dma_start3A_55] : memref<4000x8xf32, #tpu.memory_space<vmem>> -> memref<2256x8xf32, #tpu.memory_space<vmem>>
        %dma_start3A_57 = arith.constant 0 : i32
        %dma_start3A_58 = tpu.memref_slice %arg8[%add3A_48, %dma_start3A_57] : memref<100096x8xf32, #tpu.memory_space<vmem_shared>> -> memref<2256x8xf32, #tpu.memory_space<vmem_shared>>
        tpu.enqueue_dma source(%dma_start3A_58 : memref<2256x8xf32, #tpu.memory_space<vmem_shared>>) target(%dma_start3A_56 : memref<2256x8xf32, #tpu.memory_space<vmem>>) target_semaphore(%run_scoped3A : memref<!tpu.dma_semaphore, #tpu.memory_space<semaphore_mem>>)
        %dma_wait3A_59 = arith.constant 0 : i32
        %dma_wait3A_60 = arith.constant 0 : i32
        %dma_wait3A_61 = tpu.memref_slice %arg11[%dma_wait3A_59, %dma_wait3A_60] : memref<4000x8xf32, #tpu.memory_space<vmem>> -> memref<2256x8xf32, #tpu.memory_space<vmem>>
        %dma_wait3A_62 = arith.constant 0 : i32
        %dma_wait3A_63 = tpu.memref_slice %arg8[%add3A_48, %dma_wait3A_62] : memref<100096x8xf32, #tpu.memory_space<vmem_shared>> -> memref<2256x8xf32, #tpu.memory_space<vmem_shared>>
        %dma_wait3A_64 = arith.constant 0 : i32
        %dma_wait3A_65 = arith.constant 0 : i32
        %dma_wait3A_66 = tpu.memref_slice %arg11[%dma_wait3A_64, %dma_wait3A_65] : memref<4000x8xf32, #tpu.memory_space<vmem>> -> memref<2256x8xf32, #tpu.memory_space<vmem>>
        %dma_wait3A_67 = arith.constant 0 : i32
        %dma_wait3A_68 = tpu.memref_slice %arg8[%add3A_48, %dma_wait3A_67] : memref<100096x8xf32, #tpu.memory_space<vmem_shared>> -> memref<2256x8xf32, #tpu.memory_space<vmem_shared>>
        tpu.wait_dma2 semaphore(%run_scoped3A : memref<!tpu.dma_semaphore, #tpu.memory_space<semaphore_mem>>) src(%dma_wait3A_68 : memref<2256x8xf32, #tpu.memory_space<vmem_shared>>) dst(%dma_wait3A_66 : memref<2256x8xf32, #tpu.memory_space<vmem>>)
        tpu.yield
      }) : () -> ()
      "tpu.region"() ({
        %run_scoped3A = tpu.sem_alloc : memref<!tpu.dma_semaphore, #tpu.memory_space<semaphore_mem>>
        %dma_start3A_49 = arith.constant 0 : i32
        %dma_start3A_50 = arith.constant 0 : i32
        %dma_start3A_51 = tpu.memref_slice %arg11[%dma_start3A_49, %dma_start3A_50] : memref<4000x8xf32, #tpu.memory_space<vmem>> -> memref<2256x8xf32, #tpu.memory_space<vmem>>
        %dma_start3A_52 = arith.constant 0 : i32
        %dma_start3A_53 = tpu.memref_slice %arg7[%add3A_48, %dma_start3A_52] : memref<100096x8xf32, #tpu.memory_space<hbm>> -> memref<2256x8xf32, #tpu.memory_space<hbm>>
        %dma_start3A_54 = arith.constant 0 : i32
        %dma_start3A_55 = tpu.memref_slice %arg7[%add3A_48, %dma_start3A_54] : memref<100096x8xf32, #tpu.memory_space<hbm>> -> memref<2256x8xf32, #tpu.memory_space<hbm>>
        %dma_start3A_56 = arith.constant 0 : i32
        %dma_start3A_57 = arith.constant 0 : i32
        %dma_start3A_58 = tpu.memref_slice %arg11[%dma_start3A_56, %dma_start3A_57] : memref<4000x8xf32, #tpu.memory_space<vmem>> -> memref<2256x8xf32, #tpu.memory_space<vmem>>
        tpu.enqueue_dma source(%dma_start3A_58 : memref<2256x8xf32, #tpu.memory_space<vmem>>) target(%dma_start3A_55 : memref<2256x8xf32, #tpu.memory_space<hbm>>) target_semaphore(%run_scoped3A : memref<!tpu.dma_semaphore, #tpu.memory_space<semaphore_mem>>)
        %dma_wait3A_59 = arith.constant 0 : i32
        %dma_wait3A_60 = arith.constant 0 : i32
        %dma_wait3A_61 = tpu.memref_slice %arg11[%dma_wait3A_59, %dma_wait3A_60] : memref<4000x8xf32, #tpu.memory_space<vmem>> -> memref<2256x8xf32, #tpu.memory_space<vmem>>
        %dma_wait3A_62 = arith.constant 0 : i32
        %dma_wait3A_63 = tpu.memref_slice %arg7[%add3A_48, %dma_wait3A_62] : memref<100096x8xf32, #tpu.memory_space<hbm>> -> memref<2256x8xf32, #tpu.memory_space<hbm>>
        %dma_wait3A_64 = arith.constant 0 : i32
        %dma_wait3A_65 = tpu.memref_slice %arg7[%add3A_48, %dma_wait3A_64] : memref<100096x8xf32, #tpu.memory_space<hbm>> -> memref<2256x8xf32, #tpu.memory_space<hbm>>
        %dma_wait3A_66 = arith.constant 0 : i32
        %dma_wait3A_67 = arith.constant 0 : i32
        %dma_wait3A_68 = tpu.memref_slice %arg11[%dma_wait3A_66, %dma_wait3A_67] : memref<4000x8xf32, #tpu.memory_space<vmem>> -> memref<2256x8xf32, #tpu.memory_space<vmem>>
        tpu.wait_dma2 semaphore(%run_scoped3A : memref<!tpu.dma_semaphore, #tpu.memory_space<semaphore_mem>>) src(%dma_wait3A_68 : memref<2256x8xf32, #tpu.memory_space<vmem>>) dst(%dma_wait3A_65 : memref<2256x8xf32, #tpu.memory_space<hbm>>)
        tpu.yield
      }) : () -> ()
    } else {
    }
    return
  }
}

module attributes {stable_mosaic.version = 14 : i64} {
  func.func @body(%arg0: i32, %arg1: memref<5000x3xf32, #tpu.memory_space<vmem>>, %arg2: memref<5000x8xf32, #tpu.memory_space<vmem>>, %arg3: memref<5000x8xf32, #tpu.memory_space<vmem>>, %arg4: memref<5000x1xf32, #tpu.memory_space<vmem>>, %arg5: memref<5000x8xf32, #tpu.memory_space<vmem>>) attributes {dimension_semantics = [#tpu.dimension_semantics<arbitrary>], iteration_bounds = array<i64: 20>, scalar_prefetch = 0 : i64, scratch_operands = 0 : i64, tpu.core_type = #tpu.core_type<tc>, window_params = [{transform_indices = @transform_0, window_bounds = array<i64: 5000, 3>}, {transform_indices = @transform_1, window_bounds = array<i64: 5000, 8>}, {transform_indices = @transform_2, window_bounds = array<i64: 5000, 8>}, {transform_indices = @transform_3, window_bounds = array<i64: 5000, 1>}, {transform_indices = @transform_4, window_bounds = array<i64: 5000, 8>}]} {
    %get3A = arith.constant 0 : index
    %get3A_0 = arith.constant 0 : index
    %get3A_1 = vector.load %arg2[%get3A, %get3A_0] : memref<5000x8xf32, #tpu.memory_space<vmem>>, vector<5000x8xf32>
    %slice3A = vector.extract_strided_slice %get3A_1 {offsets = [0, 0], sizes = [5000, 1], strides = [1, 1]} : vector<5000x8xf32> to vector<5000x1xf32>
    %add3A = arith.constant 1.000000e+00 : f32
    %add3A_2 = vector.broadcast %add3A : f32 to vector<5000x1xf32>
    %add3A_3 = arith.addf %add3A_2, %slice3A : vector<5000x1xf32>
    %get3A_4 = arith.constant 0 : index
    %get3A_5 = arith.constant 0 : index
    %get3A_6 = vector.load %arg3[%get3A_4, %get3A_5] : memref<5000x8xf32, #tpu.memory_space<vmem>>, vector<5000x8xf32>
    %slice3A_7 = vector.extract_strided_slice %get3A_6 {offsets = [0, 0], sizes = [5000, 1], strides = [1, 1]} : vector<5000x8xf32> to vector<5000x1xf32>
    %add3A_8 = arith.addf %add3A_3, %slice3A_7 : vector<5000x1xf32>
    %rsqrt3A = math.rsqrt %add3A_8 : vector<5000x1xf32>
    %swap3A = arith.constant 0 : index
    %swap3A_9 = arith.constant 0 : index
    %swap3A_10 = vector.load %arg4[%swap3A, %swap3A_9] : memref<5000x1xf32, #tpu.memory_space<vmem>>, vector<5000x1xf32>
    tpu.vector_store %arg4[%swap3A, %swap3A_9], %rsqrt3A {strides = array<i32>} : memref<5000x1xf32, #tpu.memory_space<vmem>>, vector<5000x1xf32>,
    %get3A_11 = arith.constant 0 : index
    %get3A_12 = arith.constant 0 : index
    %get3A_13 = vector.load %arg1[%get3A_11, %get3A_12] : memref<5000x3xf32, #tpu.memory_space<vmem>>, vector<5000x3xf32>
    %broadcast_in_dim3A = arith.constant 0.000000e+00 : f32
    %broadcast_in_dim3A_14 = vector.broadcast %broadcast_in_dim3A : f32 to vector<5000x5xf32>
    %concatenate3A = tpu.concatenate %get3A_13, %broadcast_in_dim3A_14 in 1 : vector<5000x3xf32>, vector<5000x5xf32> -> vector<5000x8xf32>
    %mul3A = vector.broadcast %rsqrt3A : vector<5000x1xf32> to vector<5000x8xf32>
    %mul3A_15 = arith.mulf %concatenate3A, %mul3A : vector<5000x8xf32>
    %swap3A_16 = arith.constant 0 : index
    %swap3A_17 = arith.constant 0 : index
    %swap3A_18 = vector.load %arg5[%swap3A_16, %swap3A_17] : memref<5000x8xf32, #tpu.memory_space<vmem>>, vector<5000x8xf32>
    tpu.vector_store %arg5[%swap3A_16, %swap3A_17], %mul3A_15 {strides = array<i32>} : memref<5000x8xf32, #tpu.memory_space<vmem>>, vector<5000x8xf32>,
    return
  }
  func.func @transform_0(%arg0: i32) -> (i32, i32) {
    %c0_i32 = arith.constant 0 : i32
    %c0_i32_0 = arith.constant 0 : i32
    return %arg0, %c0_i32 : i32, i32
  }
  func.func @transform_1(%arg0: i32) -> (i32, i32) {
    %c0_i32 = arith.constant 0 : i32
    %c0_i32_0 = arith.constant 0 : i32
    return %arg0, %c0_i32 : i32, i32
  }
  func.func @transform_2(%arg0: i32) -> (i32, i32) {
    %c0_i32 = arith.constant 0 : i32
    %c0_i32_0 = arith.constant 0 : i32
    return %arg0, %c0_i32 : i32, i32
  }
  func.func @transform_3(%arg0: i32) -> (i32, i32) {
    %c0_i32 = arith.constant 0 : i32
    %c0_i32_0 = arith.constant 0 : i32
    return %arg0, %c0_i32 : i32, i32
  }
  func.func @transform_4(%arg0: i32) -> (i32, i32) {
    %c0_i32 = arith.constant 0 : i32
    %c0_i32_0 = arith.constant 0 : i32
    return %arg0, %c0_i32 : i32, i32
  }
}

module attributes {stable_mosaic.version = 14 : i64} {
  func.func @body(%arg0: i32, %arg1: i32, %arg2: memref<5000x8xf32, #tpu.memory_space<vmem>>, %arg3: memref<5000x8xf32, #tpu.memory_space<vmem>>, %arg4: memref<5000x8xf32, #tpu.memory_space<vmem>>, %arg5: memref<5000x1xf32, #tpu.memory_space<vmem>>, %arg6: memref<8x32xf32, #tpu.memory_space<vmem>>, %arg7: memref<1x32xf32, #tpu.memory_space<vmem>>, %arg8: memref<5000x16xf32, #tpu.memory_space<vmem>>) attributes {dimension_semantics = [#tpu.dimension_semantics<arbitrary>, #tpu.dimension_semantics<arbitrary>], iteration_bounds = array<i64: 2, 20>, scalar_prefetch = 0 : i64, scratch_operands = 0 : i64, tpu.core_type = #tpu.core_type<tc>, window_params = [{transform_indices = @transform_0, window_bounds = array<i64: 5000, 8>}, {transform_indices = @transform_1, window_bounds = array<i64: 5000, 8>}, {transform_indices = @transform_2, window_bounds = array<i64: 5000, 8>}, {transform_indices = @transform_3, window_bounds = array<i64: 5000, 1>}, {pipeline_mode = #tpu.pipeline_mode<synchronous>, transform_indices = @transform_4, window_bounds = array<i64: 8, 32>}, {pipeline_mode = #tpu.pipeline_mode<synchronous>, transform_indices = @transform_5, window_bounds = array<i64: 1, 32>}, {transform_indices = @transform_6, window_bounds = array<i64: 5000, 16>}]} {
    %get3A = arith.constant 0 : index
    %get3A_0 = arith.constant 0 : index
    %get3A_1 = vector.load %arg5[%get3A, %get3A_0] : memref<5000x1xf32, #tpu.memory_space<vmem>>, vector<5000x1xf32>
    %get3A_2 = arith.constant 0 : index
    %get3A_3 = arith.constant 0 : index
    %get3A_4 = vector.load %arg2[%get3A_2, %get3A_3] : memref<5000x8xf32, #tpu.memory_space<vmem>>, vector<5000x8xf32>
    %get3A_5 = arith.constant 0 : index
    %get3A_6 = arith.constant 0 : index
    %get3A_7 = vector.load %arg3[%get3A_5, %get3A_6] : memref<5000x8xf32, #tpu.memory_space<vmem>>, vector<5000x8xf32>
    %add3A = arith.addf %get3A_4, %get3A_7 : vector<5000x8xf32>
    %get3A_8 = arith.constant 0 : index
    %get3A_9 = arith.constant 0 : index
    %get3A_10 = vector.load %arg4[%get3A_8, %get3A_9] : memref<5000x8xf32, #tpu.memory_space<vmem>>, vector<5000x8xf32>
    %add3A_11 = arith.addf %add3A, %get3A_10 : vector<5000x8xf32>
    %mul3A = vector.broadcast %get3A_1 : vector<5000x1xf32> to vector<5000x8xf32>
    %mul3A_12 = arith.mulf %mul3A, %add3A_11 : vector<5000x8xf32>
    %get3A_13 = arith.constant 0 : index
    %get3A_14 = arith.constant 0 : index
    %get3A_15 = vector.load %arg6[%get3A_13, %get3A_14] : memref<8x32xf32, #tpu.memory_space<vmem>>, vector<8x32xf32>
    %dot_general3A = arith.constant dense<0.000000e+00> : vector<5000x32xf32>
    %dot_general3A_16 = tpu.matmul %mul3A_12, %get3A_15, %dot_general3A {dimension_numbers = #tpu.dot_dimension_numbers<[1], [0], [0], [1], [0, 0, 1, 1], [], []>, transpose_lhs_hint = false} : vector<5000x8xf32>, vector<8x32xf32>, vector<5000x32xf32> -> vector<5000x32xf32>
    %get3A_17 = arith.constant 0 : index
    %get3A_18 = arith.constant 0 : index
    %get3A_19 = vector.load %arg7[%get3A_17, %get3A_18] : memref<1x32xf32, #tpu.memory_space<vmem>>, vector<1x32xf32>
    %add3A_20 = vector.broadcast %get3A_19 : vector<1x32xf32> to vector<5000x32xf32>
    %add3A_21 = arith.addf %dot_general3A_16, %add3A_20 : vector<5000x32xf32>
    %max3A = arith.constant 0.000000e+00 : f32
    %max3A_22 = vector.broadcast %max3A : f32 to vector<5000x32xf32>
    %max3A_23 = arith.maximumf %add3A_21, %max3A_22 : vector<5000x32xf32>
    %mul3A_24 = vector.broadcast %get3A_1 : vector<5000x1xf32> to vector<5000x32xf32>
    %mul3A_25 = arith.mulf %max3A_23, %mul3A_24 : vector<5000x32xf32>
    %eq3A = arith.constant 0 : i32
    %eq3A_26 = arith.cmpi eq, %arg0, %eq3A : i32
    %slice3A = vector.extract_strided_slice %mul3A_25 {offsets = [0, 0], sizes = [5000, 16], strides = [1, 1]} : vector<5000x32xf32> to vector<5000x16xf32>
    %slice3A_27 = vector.extract_strided_slice %mul3A_25 {offsets = [0, 16], sizes = [5000, 16], strides = [1, 1]} : vector<5000x32xf32> to vector<5000x16xf32>
    %select_n3A = arith.select %eq3A_26, %slice3A, %slice3A_27 : vector<5000x16xf32>
    %swap3A = arith.constant 0 : index
    %swap3A_28 = arith.constant 0 : index
    %swap3A_29 = vector.load %arg8[%swap3A, %swap3A_28] : memref<5000x16xf32, #tpu.memory_space<vmem>>, vector<5000x16xf32>
    tpu.vector_store %arg8[%swap3A, %swap3A_28], %select_n3A {strides = array<i32>} : memref<5000x16xf32, #tpu.memory_space<vmem>>, vector<5000x16xf32>,
    return
  }
  func.func @transform_0(%arg0: i32, %arg1: i32) -> (i32, i32) {
    %c0_i32 = arith.constant 0 : i32
    %c0_i32_0 = arith.constant 0 : i32
    return %arg1, %c0_i32 : i32, i32
  }
  func.func @transform_1(%arg0: i32, %arg1: i32) -> (i32, i32) {
    %c0_i32 = arith.constant 0 : i32
    %c0_i32_0 = arith.constant 0 : i32
    return %arg1, %c0_i32 : i32, i32
  }
  func.func @transform_2(%arg0: i32, %arg1: i32) -> (i32, i32) {
    %c0_i32 = arith.constant 0 : i32
    %c0_i32_0 = arith.constant 0 : i32
    return %arg1, %c0_i32 : i32, i32
  }
  func.func @transform_3(%arg0: i32, %arg1: i32) -> (i32, i32) {
    %c0_i32 = arith.constant 0 : i32
    %c0_i32_0 = arith.constant 0 : i32
    return %arg1, %c0_i32 : i32, i32
  }
  func.func @transform_4(%arg0: i32, %arg1: i32) -> (i32, i32) {
    %c0_i32 = arith.constant 0 : i32
    %c0_i32_0 = arith.constant 0 : i32
    %c0_i32_1 = arith.constant 0 : i32
    return %c0_i32, %c0_i32_0 : i32, i32
  }
  func.func @transform_5(%arg0: i32, %arg1: i32) -> (i32, i32) {
    %c0_i32 = arith.constant 0 : i32
    %c0_i32_0 = arith.constant 0 : i32
    %c0_i32_1 = arith.constant 0 : i32
    return %c0_i32, %c0_i32_0 : i32, i32
  }
  func.func @transform_6(%arg0: i32, %arg1: i32) -> (i32, i32) {
    %mul3A = arith.constant 20 : i32
    %mul3A_0 = arith.muli %arg0, %mul3A : i32
    %add3A = arith.addi %mul3A_0, %arg1 : i32
    %c0_i32 = arith.constant 0 : i32
    %c0_i32_1 = arith.constant 0 : i32
    return %add3A, %c0_i32 : i32, i32
  }
}

module attributes {stable_mosaic.version = 14 : i64} {
  func.func @body(%arg0: i32, %arg1: memref<5000x16xf32, #tpu.memory_space<vmem>>, %arg2: memref<5000x16xf32, #tpu.memory_space<vmem>>, %arg3: memref<5000x16xf32, #tpu.memory_space<vmem>>, %arg4: memref<5000x16xf32, #tpu.memory_space<vmem>>, %arg5: memref<5000x1xf32, #tpu.memory_space<vmem>>, %arg6: memref<32x64xf32, #tpu.memory_space<vmem>>, %arg7: memref<1x64xf32, #tpu.memory_space<vmem>>, %arg8: memref<64x2xf32, #tpu.memory_space<vmem>>, %arg9: memref<5000x8xf32, #tpu.memory_space<vmem>>) attributes {dimension_semantics = [#tpu.dimension_semantics<arbitrary>], iteration_bounds = array<i64: 20>, scalar_prefetch = 0 : i64, scratch_operands = 0 : i64, tpu.core_type = #tpu.core_type<tc>, window_params = [{transform_indices = @transform_0, window_bounds = array<i64: 5000, 16>}, {transform_indices = @transform_1, window_bounds = array<i64: 5000, 16>}, {transform_indices = @transform_2, window_bounds = array<i64: 5000, 16>}, {transform_indices = @transform_3, window_bounds = array<i64: 5000, 16>}, {transform_indices = @transform_4, window_bounds = array<i64: 5000, 1>}, {pipeline_mode = #tpu.pipeline_mode<synchronous>, transform_indices = @transform_5, window_bounds = array<i64: 32, 64>}, {pipeline_mode = #tpu.pipeline_mode<synchronous>, transform_indices = @transform_6, window_bounds = array<i64: 1, 64>}, {pipeline_mode = #tpu.pipeline_mode<synchronous>, transform_indices = @transform_7, window_bounds = array<i64: 64, 2>}, {transform_indices = @transform_8, window_bounds = array<i64: 5000, 8>}]} {
    %get3A = arith.constant 0 : index
    %get3A_0 = arith.constant 0 : index
    %get3A_1 = vector.load %arg5[%get3A, %get3A_0] : memref<5000x1xf32, #tpu.memory_space<vmem>>, vector<5000x1xf32>
    %get3A_2 = arith.constant 0 : index
    %get3A_3 = arith.constant 0 : index
    %get3A_4 = vector.load %arg1[%get3A_2, %get3A_3] : memref<5000x16xf32, #tpu.memory_space<vmem>>, vector<5000x16xf32>
    %get3A_5 = arith.constant 0 : index
    %get3A_6 = arith.constant 0 : index
    %get3A_7 = vector.load %arg3[%get3A_5, %get3A_6] : memref<5000x16xf32, #tpu.memory_space<vmem>>, vector<5000x16xf32>
    %add3A = arith.addf %get3A_4, %get3A_7 : vector<5000x16xf32>
    %mul3A = vector.broadcast %get3A_1 : vector<5000x1xf32> to vector<5000x16xf32>
    %mul3A_8 = arith.mulf %mul3A, %add3A : vector<5000x16xf32>
    %get3A_9 = arith.constant 0 : index
    %get3A_10 = arith.constant 0 : index
    %get3A_11 = vector.load %arg2[%get3A_9, %get3A_10] : memref<5000x16xf32, #tpu.memory_space<vmem>>, vector<5000x16xf32>
    %get3A_12 = arith.constant 0 : index
    %get3A_13 = arith.constant 0 : index
    %get3A_14 = vector.load %arg4[%get3A_12, %get3A_13] : memref<5000x16xf32, #tpu.memory_space<vmem>>, vector<5000x16xf32>
    %add3A_15 = arith.addf %get3A_11, %get3A_14 : vector<5000x16xf32>
    %mul3A_16 = vector.broadcast %get3A_1 : vector<5000x1xf32> to vector<5000x16xf32>
    %mul3A_17 = arith.mulf %mul3A_16, %add3A_15 : vector<5000x16xf32>
    %concatenate3A = tpu.concatenate %mul3A_8, %mul3A_17 in 1 : vector<5000x16xf32>, vector<5000x16xf32> -> vector<5000x32xf32>
    %get3A_18 = arith.constant 0 : index
    %get3A_19 = arith.constant 0 : index
    %get3A_20 = vector.load %arg6[%get3A_18, %get3A_19] : memref<32x64xf32, #tpu.memory_space<vmem>>, vector<32x64xf32>
    %dot_general3A = arith.constant dense<0.000000e+00> : vector<5000x64xf32>
    %dot_general3A_21 = tpu.matmul %concatenate3A, %get3A_20, %dot_general3A {dimension_numbers = #tpu.dot_dimension_numbers<[1], [0], [0], [1], [0, 0, 1, 1], [], []>, transpose_lhs_hint = false} : vector<5000x32xf32>, vector<32x64xf32>, vector<5000x64xf32> -> vector<5000x64xf32>
    %get3A_22 = arith.constant 0 : index
    %get3A_23 = arith.constant 0 : index
    %get3A_24 = vector.load %arg7[%get3A_22, %get3A_23] : memref<1x64xf32, #tpu.memory_space<vmem>>, vector<1x64xf32>
    %add3A_25 = vector.broadcast %get3A_24 : vector<1x64xf32> to vector<5000x64xf32>
    %add3A_26 = arith.addf %dot_general3A_21, %add3A_25 : vector<5000x64xf32>
    %max3A = arith.constant 0.000000e+00 : f32
    %max3A_27 = vector.broadcast %max3A : f32 to vector<5000x64xf32>
    %max3A_28 = arith.maximumf %add3A_26, %max3A_27 : vector<5000x64xf32>
    %get3A_29 = arith.constant 0 : index
    %get3A_30 = arith.constant 0 : index
    %get3A_31 = vector.load %arg8[%get3A_29, %get3A_30] : memref<64x2xf32, #tpu.memory_space<vmem>>, vector<64x2xf32>
    %dot_general3A_32 = arith.constant dense<0.000000e+00> : vector<5000x2xf32>
    %dot_general3A_33 = tpu.matmul %max3A_28, %get3A_31, %dot_general3A_32 {dimension_numbers = #tpu.dot_dimension_numbers<[1], [0], [0], [1], [0, 0, 1, 1], [], []>, transpose_lhs_hint = false} : vector<5000x64xf32>, vector<64x2xf32>, vector<5000x2xf32> -> vector<5000x2xf32>
    %mul3A_34 = vector.broadcast %get3A_1 : vector<5000x1xf32> to vector<5000x2xf32>
    %mul3A_35 = arith.mulf %dot_general3A_33, %mul3A_34 : vector<5000x2xf32>
    %broadcast_in_dim3A = arith.constant 0.000000e+00 : f32
    %broadcast_in_dim3A_36 = vector.broadcast %broadcast_in_dim3A : f32 to vector<5000x6xf32>
    %concatenate3A_37 = tpu.concatenate %mul3A_35, %broadcast_in_dim3A_36 in 1 : vector<5000x2xf32>, vector<5000x6xf32> -> vector<5000x8xf32>
    %swap3A = arith.constant 0 : index
    %swap3A_38 = arith.constant 0 : index
    %swap3A_39 = vector.load %arg9[%swap3A, %swap3A_38] : memref<5000x8xf32, #tpu.memory_space<vmem>>, vector<5000x8xf32>
    tpu.vector_store %arg9[%swap3A, %swap3A_38], %concatenate3A_37 {strides = array<i32>} : memref<5000x8xf32, #tpu.memory_space<vmem>>, vector<5000x8xf32>,
    return
  }
  func.func @transform_0(%arg0: i32) -> (i32, i32) {
    %c0_i32 = arith.constant 0 : i32
    %c0_i32_0 = arith.constant 0 : i32
    return %arg0, %c0_i32 : i32, i32
  }
  func.func @transform_1(%arg0: i32) -> (i32, i32) {
    %c0_i32 = arith.constant 0 : i32
    %c0_i32_0 = arith.constant 0 : i32
    return %arg0, %c0_i32 : i32, i32
  }
  func.func @transform_2(%arg0: i32) -> (i32, i32) {
    %c0_i32 = arith.constant 0 : i32
    %c0_i32_0 = arith.constant 0 : i32
    return %arg0, %c0_i32 : i32, i32
  }
  func.func @transform_3(%arg0: i32) -> (i32, i32) {
    %add3A = arith.constant 20 : i32
    %add3A_0 = arith.addi %add3A, %arg0 : i32
    %c0_i32 = arith.constant 0 : i32
    %c0_i32_1 = arith.constant 0 : i32
    return %add3A_0, %c0_i32 : i32, i32
  }
  func.func @transform_4(%arg0: i32) -> (i32, i32) {
    %c0_i32 = arith.constant 0 : i32
    %c0_i32_0 = arith.constant 0 : i32
    return %arg0, %c0_i32 : i32, i32
  }
  func.func @transform_5(%arg0: i32) -> (i32, i32) {
    %c0_i32 = arith.constant 0 : i32
    %c0_i32_0 = arith.constant 0 : i32
    %c0_i32_1 = arith.constant 0 : i32
    return %c0_i32, %c0_i32_0 : i32, i32
  }
  func.func @transform_6(%arg0: i32) -> (i32, i32) {
    %c0_i32 = arith.constant 0 : i32
    %c0_i32_0 = arith.constant 0 : i32
    %c0_i32_1 = arith.constant 0 : i32
    return %c0_i32, %c0_i32_0 : i32, i32
  }
  func.func @transform_7(%arg0: i32) -> (i32, i32) {
    %c0_i32 = arith.constant 0 : i32
    %c0_i32_0 = arith.constant 0 : i32
    %c0_i32_1 = arith.constant 0 : i32
    return %c0_i32, %c0_i32_0 : i32, i32
  }
  func.func @transform_8(%arg0: i32) -> (i32, i32) {
    %c0_i32 = arith.constant 0 : i32
    %c0_i32_0 = arith.constant 0 : i32
    return %arg0, %c0_i32 : i32, i32
  }
}

module attributes {stable_mosaic.version = 14 : i64} {
  func.func @body(%arg0: i32, %arg1: memref<5000x8xf32, #tpu.memory_space<vmem>>, %arg2: memref<5000x8xf32, #tpu.memory_space<vmem>>, %arg3: memref<5000x8xf32, #tpu.memory_space<vmem>>, %arg4: memref<5000x1xf32, #tpu.memory_space<vmem>>, %arg5: memref<1x1x5000xi32, #tpu.memory_space<vmem>>, %arg6: memref<1x2xf32, #tpu.memory_space<vmem>>, %arg7: memref<64x2xf32, #tpu.memory_space<vmem>>, %arg8: memref<64x2xf32, #tpu.memory_space<vmem>>, %arg9: memref<64x2xf32, #tpu.memory_space<vmem>>) attributes {dimension_semantics = [#tpu.dimension_semantics<arbitrary>], iteration_bounds = array<i64: 20>, scalar_prefetch = 0 : i64, scratch_operands = 2 : i64, tpu.core_type = #tpu.core_type<tc>, window_params = [{transform_indices = @transform_0, window_bounds = array<i64: 5000, 8>}, {transform_indices = @transform_1, window_bounds = array<i64: 5000, 8>}, {transform_indices = @transform_2, window_bounds = array<i64: 5000, 8>}, {transform_indices = @transform_3, window_bounds = array<i64: 5000, 1>}, {transform_indices = @transform_4, window_bounds = array<i64: 1, 1, 5000>}, {pipeline_mode = #tpu.pipeline_mode<synchronous>, transform_indices = @transform_5, window_bounds = array<i64: 1, 2>}, {pipeline_mode = #tpu.pipeline_mode<synchronous>, transform_indices = @transform_6, window_bounds = array<i64: 64, 2>}]} {
    %get3A = arith.constant 0 : index
    %get3A_0 = arith.constant 0 : index
    %get3A_1 = vector.load %arg4[%get3A, %get3A_0] : memref<5000x1xf32, #tpu.memory_space<vmem>>, vector<5000x1xf32>
    %get3A_2 = arith.constant 0 : index
    %get3A_3 = arith.constant 0 : index
    %get3A_4 = vector.load %arg1[%get3A_2, %get3A_3] : memref<5000x8xf32, #tpu.memory_space<vmem>>, vector<5000x8xf32>
    %slice3A = vector.extract_strided_slice %get3A_4 {offsets = [0, 0], sizes = [5000, 2], strides = [1, 1]} : vector<5000x8xf32> to vector<5000x2xf32>
    %get3A_5 = arith.constant 0 : index
    %get3A_6 = arith.constant 0 : index
    %get3A_7 = vector.load %arg2[%get3A_5, %get3A_6] : memref<5000x8xf32, #tpu.memory_space<vmem>>, vector<5000x8xf32>
    %slice3A_8 = vector.extract_strided_slice %get3A_7 {offsets = [0, 0], sizes = [5000, 2], strides = [1, 1]} : vector<5000x8xf32> to vector<5000x2xf32>
    %add3A = arith.addf %slice3A, %slice3A_8 : vector<5000x2xf32>
    %get3A_9 = arith.constant 0 : index
    %get3A_10 = arith.constant 0 : index
    %get3A_11 = vector.load %arg3[%get3A_9, %get3A_10] : memref<5000x8xf32, #tpu.memory_space<vmem>>, vector<5000x8xf32>
    %slice3A_12 = vector.extract_strided_slice %get3A_11 {offsets = [0, 0], sizes = [5000, 2], strides = [1, 1]} : vector<5000x8xf32> to vector<5000x2xf32>
    %add3A_13 = arith.addf %add3A, %slice3A_12 : vector<5000x2xf32>
    %mul3A = vector.broadcast %get3A_1 : vector<5000x1xf32> to vector<5000x2xf32>
    %mul3A_14 = arith.mulf %mul3A, %add3A_13 : vector<5000x2xf32>
    %iota3A = tpu.iota {dimensions = array<i32: 0>} : vector<64x5000xi32>
    %get3A_15 = arith.constant 0 : index
    %get3A_16 = arith.constant 0 : index
    %get3A_17 = arith.constant 0 : index
    %get3A_18 = vector.load %arg5[%get3A_15, %get3A_16, %get3A_17] : memref<1x1x5000xi32, #tpu.memory_space<vmem>>, vector<1x1x5000xi32>
    %get3A_19 = vector.shape_cast %get3A_18 : vector<1x1x5000xi32> to vector<1x5000xi32>
    %eq3A = vector.broadcast %get3A_19 : vector<1x5000xi32> to vector<64x5000xi32>
    %eq3A_20 = arith.cmpi eq, %eq3A, %iota3A : vector<64x5000xi32>
    %convert_element_type3A = arith.extui %eq3A_20 : vector<64x5000xi1> to vector<64x5000xi32>
    %convert_element_type3A_21 = arith.sitofp %convert_element_type3A : vector<64x5000xi32> to vector<64x5000xf32>
    %eq3A_22 = arith.constant 0 : i32
    %eq3A_23 = arith.cmpi eq, %arg0, %eq3A_22 : i32
    %convert_element_type3A_24 = arith.extui %eq3A_23 : i1 to i32
    %cond3A = arith.constant 0 : i32
    %cond3A_25 = arith.cmpi ne, %convert_element_type3A_24, %cond3A : i32
    scf.if %cond3A_25 {
      %broadcast_in_dim3A_48 = arith.constant 0.000000e+00 : f32
      %broadcast_in_dim3A_49 = vector.broadcast %broadcast_in_dim3A_48 : f32 to vector<64x2xf32>
      %swap3A_50 = arith.constant 0 : index
      %swap3A_51 = arith.constant 0 : index
      %swap3A_52 = vector.load %arg8[%swap3A_50, %swap3A_51] : memref<64x2xf32, #tpu.memory_space<vmem>>, vector<64x2xf32>
      tpu.vector_store %arg8[%swap3A_50, %swap3A_51], %broadcast_in_dim3A_49 {strides = array<i32>} : memref<64x2xf32, #tpu.memory_space<vmem>>, vector<64x2xf32>,
      %broadcast_in_dim3A_53 = arith.constant 0.000000e+00 : f32
      %broadcast_in_dim3A_54 = vector.broadcast %broadcast_in_dim3A_53 : f32 to vector<64x2xf32>
      %swap3A_55 = arith.constant 0 : index
      %swap3A_56 = arith.constant 0 : index
      %swap3A_57 = vector.load %arg9[%swap3A_55, %swap3A_56] : memref<64x2xf32, #tpu.memory_space<vmem>>, vector<64x2xf32>
      tpu.vector_store %arg9[%swap3A_55, %swap3A_56], %broadcast_in_dim3A_54 {strides = array<i32>} : memref<64x2xf32, #tpu.memory_space<vmem>>, vector<64x2xf32>,
    } else {
    }
    %get3A_26 = arith.constant 0 : index
    %get3A_27 = arith.constant 0 : index
    %get3A_28 = vector.load %arg8[%get3A_26, %get3A_27] : memref<64x2xf32, #tpu.memory_space<vmem>>, vector<64x2xf32>
    %dot_general3A = arith.constant dense<0.000000e+00> : vector<64x2xf32>
    %dot_general3A_29 = tpu.matmul %convert_element_type3A_21, %mul3A_14, %dot_general3A {dimension_numbers = #tpu.dot_dimension_numbers<[1], [0], [0], [1], [0, 0, 1, 1], [], []>, transpose_lhs_hint = false} : vector<64x5000xf32>, vector<5000x2xf32>, vector<64x2xf32> -> vector<64x2xf32>
    %add3A_30 = arith.addf %get3A_28, %dot_general3A_29 : vector<64x2xf32>
    %swap3A = arith.constant 0 : index
    %swap3A_31 = arith.constant 0 : index
    %swap3A_32 = vector.load %arg8[%swap3A, %swap3A_31] : memref<64x2xf32, #tpu.memory_space<vmem>>, vector<64x2xf32>
    tpu.vector_store %arg8[%swap3A, %swap3A_31], %add3A_30 {strides = array<i32>} : memref<64x2xf32, #tpu.memory_space<vmem>>, vector<64x2xf32>,
    %get3A_33 = arith.constant 0 : index
    %get3A_34 = arith.constant 0 : index
    %get3A_35 = vector.load %arg9[%get3A_33, %get3A_34] : memref<64x2xf32, #tpu.memory_space<vmem>>, vector<64x2xf32>
    %broadcast_in_dim3A = arith.constant 1.000000e+00 : f32
    %broadcast_in_dim3A_36 = vector.broadcast %broadcast_in_dim3A : f32 to vector<5000x2xf32>
    %dot_general3A_37 = arith.constant dense<0.000000e+00> : vector<64x2xf32>
    %dot_general3A_38 = tpu.matmul %convert_element_type3A_21, %broadcast_in_dim3A_36, %dot_general3A_37 {dimension_numbers = #tpu.dot_dimension_numbers<[1], [0], [0], [1], [0, 0, 1, 1], [], []>, transpose_lhs_hint = false} : vector<64x5000xf32>, vector<5000x2xf32>, vector<64x2xf32> -> vector<64x2xf32>
    %add3A_39 = arith.addf %get3A_35, %dot_general3A_38 : vector<64x2xf32>
    %swap3A_40 = arith.constant 0 : index
    %swap3A_41 = arith.constant 0 : index
    %swap3A_42 = vector.load %arg9[%swap3A_40, %swap3A_41] : memref<64x2xf32, #tpu.memory_space<vmem>>, vector<64x2xf32>
    tpu.vector_store %arg9[%swap3A_40, %swap3A_41], %add3A_39 {strides = array<i32>} : memref<64x2xf32, #tpu.memory_space<vmem>>, vector<64x2xf32>,
    %eq3A_43 = arith.constant 19 : i32
    %eq3A_44 = arith.cmpi eq, %arg0, %eq3A_43 : i32
    %convert_element_type3A_45 = arith.extui %eq3A_44 : i1 to i32
    %cond3A_46 = arith.constant 0 : i32
    %cond3A_47 = arith.cmpi ne, %convert_element_type3A_45, %cond3A_46 : i32
    scf.if %cond3A_47 {
      %get3A_48 = arith.constant 0 : index
      %get3A_49 = arith.constant 0 : index
      %get3A_50 = vector.load %arg9[%get3A_48, %get3A_49] : memref<64x2xf32, #tpu.memory_space<vmem>>, vector<64x2xf32>
      %get3A_51 = arith.constant 0 : index
      %get3A_52 = arith.constant 0 : index
      %get3A_53 = vector.load %arg8[%get3A_51, %get3A_52] : memref<64x2xf32, #tpu.memory_space<vmem>>, vector<64x2xf32>
      %max3A = arith.constant 1.000000e+00 : f32
      %max3A_54 = vector.broadcast %max3A : f32 to vector<64x2xf32>
      %max3A_55 = arith.maximumf %get3A_50, %max3A_54 : vector<64x2xf32>
      %div3A = arith.divf %get3A_53, %max3A_55 : vector<64x2xf32>
      %gt3A = arith.constant 0.000000e+00 : f32
      %gt3A_56 = vector.broadcast %gt3A : f32 to vector<64x2xf32>
      %gt3A_57 = arith.cmpf ogt, %get3A_50, %gt3A_56 : vector<64x2xf32>
      %get3A_58 = arith.constant 0 : index
      %get3A_59 = arith.constant 0 : index
      %get3A_60 = vector.load %arg6[%get3A_58, %get3A_59] : memref<1x2xf32, #tpu.memory_space<vmem>>, vector<1x2xf32>
      %jit3A = arith.constant 0.000000e+00 : f32
      %broadcast_in_dim3A_61 = vector.shape_cast %get3A_60 : vector<1x2xf32> to vector<1x2xf32>
      %broadcast_in_dim3A_62 = vector.broadcast %broadcast_in_dim3A_61 : vector<1x2xf32> to vector<64x2xf32>
      %broadcast_in_dim3A_63 = vector.broadcast %jit3A : f32 to vector<64x2xf32>
      %select_n3A = arith.select %gt3A_57, %broadcast_in_dim3A_62, %broadcast_in_dim3A_63 : vector<64x2xi1>, vector<64x2xf32>
      %add3A_64 = arith.addf %div3A, %select_n3A : vector<64x2xf32>
      %swap3A_65 = arith.constant 0 : index
      %swap3A_66 = arith.constant 0 : index
      %swap3A_67 = vector.load %arg7[%swap3A_65, %swap3A_66] : memref<64x2xf32, #tpu.memory_space<vmem>>, vector<64x2xf32>
      tpu.vector_store %arg7[%swap3A_65, %swap3A_66], %add3A_64 {strides = array<i32>} : memref<64x2xf32, #tpu.memory_space<vmem>>, vector<64x2xf32>,
    } else {
    }
    return
  }
  func.func @transform_0(%arg0: i32) -> (i32, i32) {
    %c0_i32 = arith.constant 0 : i32
    %c0_i32_0 = arith.constant 0 : i32
    return %arg0, %c0_i32 : i32, i32
  }
  func.func @transform_1(%arg0: i32) -> (i32, i32) {
    %c0_i32 = arith.constant 0 : i32
    %c0_i32_0 = arith.constant 0 : i32
    return %arg0, %c0_i32 : i32, i32
  }
  func.func @transform_2(%arg0: i32) -> (i32, i32) {
    %c0_i32 = arith.constant 0 : i32
    %c0_i32_0 = arith.constant 0 : i32
    return %arg0, %c0_i32 : i32, i32
  }
  func.func @transform_3(%arg0: i32) -> (i32, i32) {
    %c0_i32 = arith.constant 0 : i32
    %c0_i32_0 = arith.constant 0 : i32
    return %arg0, %c0_i32 : i32, i32
  }
  func.func @transform_4(%arg0: i32) -> (i32, i32, i32) {
    %c0_i32 = arith.constant 0 : i32
    %c0_i32_0 = arith.constant 0 : i32
    %c0_i32_1 = arith.constant 0 : i32
    return %arg0, %c0_i32, %c0_i32_0 : i32, i32, i32
  }
  func.func @transform_5(%arg0: i32) -> (i32, i32) {
    %c0_i32 = arith.constant 0 : i32
    %c0_i32_0 = arith.constant 0 : i32
    %c0_i32_1 = arith.constant 0 : i32
    return %c0_i32, %c0_i32_0 : i32, i32
  }
  func.func @transform_6(%arg0: i32) -> (i32, i32) {
    %c0_i32 = arith.constant 0 : i32
    %c0_i32_0 = arith.constant 0 : i32
    %c0_i32_1 = arith.constant 0 : i32
    return %c0_i32, %c0_i32_0 : i32, i32
  }
}

</mosaic_0001>

<sc_bundles>
// kernel: kernel.10.cloned.1.call-start
scs
__scs_entry_jumppad:
0x0: {  	(pc) =	sbr.rel $0x88, $3  }
0x1: {  	(tag) =	ssettag $0x0;
	lr =	simm.s32 $0x1  }
0x2: {  	[smem:$0x3F98] =	sst lr;
	_ =	strace $0xD0000000  }
0x3: {  	_ = 	snop  }
0x4: {  	_ = 	snop  }
0x5: {  	_ = 	snop  }
0x6: {  	_ = 	snop  }
0x7: {  	_ = 	snop  }
__scs_overlays_trampoline_lowered:
0x8: {  	[smem:$0x3FA7] =	sst s0  }
0x9: {  	[smem:$0x3FA8] =	sst s1  }
0xa: {  	[smem:$0x3FA9] =	sst s2  }
0xb: {  	[smem:$0x3FAA] =	sst s3  }
0xc: {  	[smem:$0x3FAB] =	sst s4  }
0xd: {  	[smem:$0x3FAC] =	sst s5  }
0xe: {  	[smem:$0x3FAD] =	sst s6  }
0xf: {  	[smem:$0x3FAE] =	sst s7  }
0x10: {  	[smem:$0x3FAF] =	sst s8  }
0x11: {  	[smem:$0x3FB0] =	sst s9;
	s0 =	simm.s32 @!p0 $0x0  }
0x12: {  	s1 =	sld [smem:$0x3F96];
	s0 =	simm.s32 @p0 $0x1  }
0x13: {  	[smem:$0x3FB1] =	sst s0;
	s0 =	simm.s32 @!p1 $0x0  }
0x14: {  	s2 =	sld [smem:$0x3F95];
	s0 =	simm.s32 @p1 $0x1  }
0x15: {  	[smem:$0x3FB2] =	sst s0;
	s0 =	simm.s32 @!p2 $0x0  }
0x16: {  	s3 =	sld [smem:$0x3FDB];
	s0 =	simm.s32 @p2 $0x1  }
0x17: {  	s4 =	simm.s32 $0x1BF5;
	[smem:$0x3FB4] =	sst s0  }
0x18: {  	s0 =	sld [smem:$0x3F97];
	_ =	swait.ge [sflag:s4], $0x0  }
0x19: {  	s7 =	sld [smem:$0x3F98]  }
0x1a: {  	s8 =	sadd.s32 $0xFFFFE003, lr  }
0x1b: {  	s9 =	sadd.s32 $0xFFFFFEF7, lr;
	s5 =	simm.s32 $0xFFFFFFFF;
	p2 =	slt.u32 s8, $0xFFFFF086  }
0x1c: {  	p1 =	slt.u32 s9, $0xF7A;
	s5 =	simm.s32 @!p2 $0x0  }
0x1d: {  	s5 =	simm.s32 @p1 $0x1;
	p0 =	seq.s32 s7, s2  }
0x1e: {  	s7 =	smul.u32 @!p0 $0xF7A, s2;
	p2 =	seq.s32 @!p0 s5, $0x0  }
0x1f: {  	s9 =	smul.u32 $0xF7A, s1;
	s8 =	simm.s32 @!p0 $0x1BF5;
	p2 =	por !p2, p0  }
0x20: {  	[sflag:s8] =	ssyncset.s32 @!p0 $0xFFFFF086;
	s6 =	sadd.s32 @!p0 s3, s7;
	s7 =	simm.s32 @!p0 $0x108  }
0x21: {  	s3 =	sadd.s32 s3, s9;
	s6 =	sadd.s32 @!p0 $0x88, s6;
	s7 =	simm.s32 @p2 $0x1082  }
0x22: {  	[simem:s7], [sflag:s8] =	dma.local @!p0 [hbm:s6], $0xF7A  }
0x23: {  	s9 =	sor.u32 $0xD0000000, s2;
	s6 =	simm.s32 $0x108;
	_ =	swait.ge @!p0 [sflag:s8], $0x0  }
0x24: {  	s3 =	sadd.s32 $0x88, s3;
	s6 =	simm.s32 @!p1 $0x1082;
	[sflag:s4] =	ssyncset.s32 $0xFFFFF086  }
0x25: {  	[simem:s6], [sflag:s4] =	dma.local [hbm:s3], $0xF7A  }
0x26: {  	[smem:$0x3F98] =	sst s1;
	(tag) =	ssettag s2;
	_ =	strace s9  }
0x27: {  	s1 =	sld [smem:$0x3FA8]  }
0x28: {  	s2 =	sld [smem:$0x3FA9]  }
0x29: {  	s4 =	sld [smem:$0x3FAB]  }
0x2a: {  	p0 =	seq.s32 s5, $0x0;
	s5 =	sld [smem:$0x3FAC]  }
0x2b: {  	s6 =	sld [smem:$0x3FAD]  }
0x2c: {  	s7 =	sld [smem:$0x3FAE]  }
0x2d: {  	s3 =	simm.s32 $0x108;
	s8 =	sld [smem:$0x3FAF]  }
0x2e: {  	s3 =	simm.s32 @!p0 $0x1082;
	s9 =	sld [smem:$0x3FB0]  }
0x2f: {  	lr =	sadd.s32 s0, s3;
	s0 =	sld [smem:$0x3FA7]  }
0x30: {  	s3 =	sld [smem:$0x3FAA]  }
0x31: {  	[smem:$0x3FB3] =	sst s10  }
0x32: {  	s10 =	sld [smem:$0x3FB1];
	_ =	sdelay $0x3  }
0x33: {  	p0 =	seq.s32 s10, $0x1;
	s10 =	sld [smem:$0x3FB3];
	_ =	sdelay $0x3  }
0x34: {  	[smem:$0x3FB3] =	sst s10  }
0x35: {  	s10 =	sld [smem:$0x3FB2];
	_ =	sdelay $0x3  }
0x36: {  	p1 =	seq.s32 s10, $0x1;
	s10 =	sld [smem:$0x3FB3];
	_ =	sdelay $0x3  }
0x37: {  	[smem:$0x3FB3] =	sst s10  }
0x38: {  	s10 =	sld [smem:$0x3FB4]  }
0x39: {  	_ = 	snop;
	(pc) =	sbr.ind lr, $3  }
0x3a: {  	_ = 	snop  }
0x3b: {  	_ = 	snop  }
0x3c: {  	p2 =	seq.s32 s10, $0x1;
	s10 =	sld [smem:$0x3FB3]  }
0x3d: {  	_ =	shalt  }
0x3e: {  	_ =	shalt  }
0x3f: {  	_ =	shalt  }
0x40: {  	_ =	shalt  }
0x41: {  	_ =	shalt  }
0x42: {  	_ =	shalt  }
0x43: {  	_ =	shalt  }
0x44: {  	_ =	shalt  }
0x45: {  	_ =	shalt  }
0x46: {  	_ =	shalt  }
0x47: {  	_ =	shalt  }
0x48: {  	_ =	shalt  }
0x49: {  	_ =	shalt  }
0x4a: {  	_ =	shalt  }
0x4b: {  	_ =	shalt  }
0x4c: {  	_ =	shalt  }
0x4d: {  	_ =	shalt  }
0x4e: {  	_ =	shalt  }
0x4f: {  	_ =	shalt  }
0x50: {  	_ =	shalt  }
0x51: {  	_ =	shalt  }
0x52: {  	_ =	shalt  }
0x53: {  	_ =	shalt  }
0x54: {  	_ =	shalt  }
0x55: {  	_ =	shalt  }
0x56: {  	_ =	shalt  }
0x57: {  	_ =	shalt  }
0x58: {  	_ =	shalt  }
0x59: {  	_ =	shalt  }
0x5a: {  	_ =	shalt  }
0x5b: {  	_ =	shalt  }
0x5c: {  	_ =	shalt  }
0x5d: {  	_ =	shalt  }
0x5e: {  	_ =	shalt  }
0x5f: {  	_ =	shalt  }
0x60: {  	_ =	shalt  }
0x61: {  	_ =	shalt  }
0x62: {  	_ =	shalt  }
0x63: {  	_ =	shalt  }
0x64: {  	_ =	shalt  }
0x65: {  	_ =	shalt  }
0x66: {  	_ =	shalt  }
0x67: {  	_ =	shalt  }
0x68: {  	_ =	shalt  }
0x69: {  	_ =	shalt  }
0x6a: {  	_ =	shalt  }
0x6b: {  	_ =	shalt  }
0x6c: {  	_ =	shalt  }
0x6d: {  	_ =	shalt  }
0x6e: {  	_ =	shalt  }
0x6f: {  	_ =	shalt  }
0x70: {  	_ =	shalt  }
0x71: {  	_ =	shalt  }
0x72: {  	_ =	shalt  }
0x73: {  	_ =	shalt  }
0x74: {  	_ =	shalt  }
0x75: {  	_ =	shalt  }
0x76: {  	_ =	shalt  }
0x77: {  	_ =	shalt  }
0x78: {  	_ =	shalt  }
0x79: {  	_ =	shalt  }
0x7a: {  	_ =	shalt  }
0x7b: {  	_ =	shalt  }
0x7c: {  	_ =	shalt  }
0x7d: {  	_ =	shalt  }
0x7e: {  	_ =	shalt  }
0x7f: {  	_ =	shalt  }
0x80: {  	_ =	shalt  }
0x81: {  	_ =	shalt  }
0x82: {  	_ =	shalt  }
0x83: {  	_ =	shalt  }
0x84: {  	_ =	shalt  }
0x85: {  	_ =	shalt  }
0x86: {  	_ =	shalt  }
0x87: {  	_ =	shalt  }
.Lfunc_end0:
.L_simem_size_0:
called_computation_lowered:
.L_overlay_start_0:
0x88: {  	s2 =	sld [smem:$0x3FD9]  }
0x89: {  	s3 =	sld [smem:$0x3FFE];
	_ =	sdelay $0x1  }
0x8a: {  	s1 =	srdreg.scid  }
0x8b: {  	s0 =	sand.u32 $0x1, s1  }
0x8c: {  	s16 =	sshll.u32 s0, $0xA;
	s2 =	sadd.s32 s3, s2  }
0x8d: {  	s2 =	sadd.s32 s2, s16  }
0x8e: {  	[smem:$0x3FBF] =	sst s2  }
0x8f: {  	_ = 	snop  }
0x90: {  	(tm) =	ssettm $0x1  }
0x91: {  	s17 =	sld [smem:$0x3FFB];
	_ =	sdelay $0x3  }
0x92: {  	_ =	strace s17  }
0x93: {  	s2 =	sld [smem:$0x3FFC];
	_ =	sdelay $0x3  }
0x94: {  	_ =	strace s2  }
0x95: {  	s2 =	sld [smem:$0x3FFD];
	_ =	sdelay $0x3  }
0x96: {  	_ =	strace s2  }
0x97: {  	_ =	strace $0x8FFFFFFF  }
0x98: {  	s18 =	sld [smem:$0x3FDB];
	_ =	sdelay $0x1  }
0x99: {  	s19 =	simm.s32 $_scs_section_size  }
0x9a: {  	s4 =	simm.s32 $_size__tile_overlayer_lowered;
	s5 =	simm.s32 $_tile_overlayer_lowered  }
0x9b: {  	s22 =	simm.s32 $0x1BFF;
	s21 =	sshll.u32 s5, $0x1;
	s2 =	sadd.s32 s19, s18  }
0x9c: {  	s6 =	simm.s32 $0x0;
	s20 =	sshll.u32 s4, $0x1;
	s4 =	sadd.s32 s21, s2  }
0x9d: {  	[timem:s6], [sflag:s22] =	dma.local [hbm:s4], s20  }
0x9e: {  	_ =	swait.ge [sflag:s22], s20  }
0x9f: {  	s3 =	ssub.s32 $0x0, s20;
	[sflag:s22] =	ssyncset.done $0x0  }
0xa0: {  	[sflag:s22] =	ssyncadd.s32 s3;
	_ =	sdelay $0x1  }
0xa1: {  	s23 =	simm.s32 $0x1B8B  }
0xa2: {  	_ =	swait.ge [sflag:s23], $0x1  }
0xa3: {  	[sflag:s23] =	ssyncset.done $0x0  }
0xa4: {  	s25 =	simm.s32 $0x1B8E;
	s24 =	sld [smem:$0x3FFE];
	[sflag:s23] =	ssyncadd.s32 $0xFFFFFFFF  }
0xa5: {  	s26 =	simm.s32 $execute0_lowered;
	[smem:$0x3FD2] =	sst s25  }
0xa6: {  	s4 =	sshll.u32 s26, $0x1;
	_ =	strace $0x80000046;
	[dreg:$0x1] =	wrdreg $0xFFFFFFFF  }
0xa7: {  	s28 =	simm.s32 $_size_execute0_lowered;
	s2 =	sadd.s32 s2, s4;
	[dreg:$0x0] =	wrdreg $0x0  }
0xa8: {  	s4 =	sshll.u32 s28, $0x1;
	[dreg:$0x2] =	wrdreg s2  }
0xa9: {  	[dreg:$0x3] =	wrdreg s4  }
0xaa: {  	[dreg:$0x4] =	wrdreg $0xC0  }
0xab: {  	_ =	task [dreg:s6], $0x5FFFF  }
0xac: {  	[dreg:$0x1] =	wrdreg $0xFFFFFFFF  }
0xad: {  	[dreg:$0x0] =	wrdreg $0x60  }
0xae: {  	[dreg:$0x2] =	wrdreg s24  }
0xaf: {  	[dreg:$0x3] =	wrdreg $0x0  }
0xb0: {  	[dreg:$0x4] =	wrdreg $0x9  }
0xb1: {  	_ =	task.clear_ibuf [dreg:s6], $0x5FFFF;
	_ =	strace $0x90000046  }
0xb2: {  	s29 =	simm.s32 $0x9;
	_ =	strace $0x80000048  }
0xb3: {  	_ =	swait.ge [sflag:s29], $0x1  }
0xb4: {  	[sflag:s29] =	ssyncadd.s32 $0xFFFFFFFF  }
0xb5: {  	_ =	strace $0x90000048  }
0xb6: {  	_ =	sfence  }
0xb7: {  	s30 =	sld [smem:$0x0];
	_ =	sdelay $0x2  }
0xb8: {  	s31 =	sshll.u32 s1, $0xD;
	s1 =	sshrl.u32 s1, $0x2  }
0xb9: {  	s3 =	sand.u32 $0x4000, s31;
	s1 =	sadd.s32 s1, s30  }
0xba: {  	s0 =	sor.u32 s3, s0;
	s1 =	sshll.u32 s1, $0x11  }
0xbb: {  	s0 =	sor.u32 s1, s0  }
0xbc: {  	s0 =	sadd.s32 $0x8F2B, s0  }
0xbd: {  	[sflag:s0] =	ssyncadd.remote.s32 $0x1  }
0xbe: {  	_ =	sfence.sel $0xFFFF  }
0xbf: {  	[dreg:$0x0] =	wrdreg $0xFFFFFFFF;
	(pc) =	sbr.abs _section_cstart, $3  }
0xc0: {  	[dreg:$0x1] =	wrdreg $0xFFFFFFFF  }
0xc1: {  	_ =	task.clear_ibuf [dreg:s6], $0x2FFFF;
	_ =	strace $0x9FFFFFFF  }
0xc2: {  	(tm) =	ssettm $0x7FFFFFFF  }
0xc3: {  	_ =	shalt  }
tec
execute0_lowered:
.L_overlay_start_1:
0x0: {  	(tag) =	ssettag $0x1  }
0x1: {  	s13 =	rddreg [dreg:$0x0]  }
0x2: {  	s1 =	rddreg [dreg:$0x1]  }
0x3: {  	s0 =	rddreg [dreg:$0x2]  }
0x4: {  	s2 =	simm.s32 $0x0;
	s6 =	srdreg.scid;
	s3 =	stileid.u32  }
0x5: {  	s18 =	simm.s32 $0x1A5C00;
	s20 =	simm.s32 $0xD320;
	s21 =	simm.s32 $0x1  }
0x6: {  	s22 =	simm.s32 $0xFA0;
	s23 =	simm.s32 $0x2;
	s24 =	simm.s32 $0x0  }
0x7: {  	[smem:$0x7FF] =	sst s2;
	s4 =	sadd.s32 $0xC8E00, s13;
	s5 =	sadd.s32 $0x1A4C00, s13  }
0x8: {  	s11 =	sand.u32 $0x1, s6;
	s7 =	smul.u32 $0xC380, s3;
	s8 =	sadd.s32 $0x18C400, s13  }
0x9: {  	s12 =	smul.u32 $0x30D40, s3;
	_ =	strace $0x80000047;
	s6 =	ssub.s32 $0x2, s11  }
0xa: {  	s9 =	smul.u32 $0x30D400, s11;
	p0 =	seq.s32 s11, $0x1;
	s10 =	sshrl.u32 s6, $0x1  }
0xb: {  	s14 =	sshrl.u32 s7, $0x3;
	s28 =	sadd.s32 $0x7D00, s7;
	s7 =	sadd.s32 s7, s1  }
0xc: {  	s18 =	simm.s32 @!p0 $0x1BE400;
	s15 =	ssub.s32 s6, s10;
	s6 =	sadd.s32 s8, s14  }
0xd: {  	s16 =	sshrl.u32 s28, $0x3;
	s17 =	sadd.s32 s12, s9;
	s9 =	sadd.s32 s28, s1  }
0xe: {  	s30 =	sadd.s32 s18, s13;
	s18 =	simm.s32 $0x3;
	s8 =	sadd.s32 s8, s16  }
0xf: {  	s29 =	sshrl.u32 s17, $0x3;
	s19 =	sadd.s32 $0x2EE0, s17;
	s12 =	smax.u32 s15, $0x1  }
0x10: {  	s13 =	sadd.s32 s30, s14;
	s14 =	sadd.s32 s30, s16;
	s16 =	sadd.s32 $0x1F40, s17  }
0x11: {  	s17 =	simm.s32 $0xE2C0;
	s10 =	sadd.s32 s4, s29;
	s31 =	sshrl.u32 s19, $0x3  }
0x12: {  	s19 =	simm.s32 $0xC380;
	s11 =	sadd.s32 $0x1F4, s10;
	s15 =	sadd.s32 s31, s4  }
.LBB2_1:
0x13: {  	[tilespmem:s17], [sflag:$0x3] =	stream.linear.gather [hbm4b:s6+s2], $0x7D00, $0x38;
	[tilespmem:$0x15FC0] =	vst v63  }
0x14: {  	_ =	swait.ge [sflag:s18], $0x7D00  }
0x15: {  	[sflag:s18] =	ssyncset.done $0x0  }
0x16: {  	[sflag:s18] =	ssyncadd.s32 $0xFFFF8300  }
0x17: {  	[spmem:s7] =	stream.linear.scatter [tilespmem:s17], [sflag:$0x3], $0x7D00, $0x38;
	[tilespmem:$0x15FC0] =	vst v63  }
0x18: {  	_ =	swait.ge [sflag:s18], $0x7D00  }
0x19: {  	[sflag:s18] =	ssyncset.done $0x0  }
0x1a: {  	[sflag:s18] =	ssyncadd.s32 $0xFFFF8300  }
0x1b: {  	[tilespmem:s17], [sflag:$0x3] =	stream.linear.gather [hbm4b:s8+s2], $0x4680, $0x38;
	[tilespmem:$0x15FC0] =	vst v63  }
0x1c: {  	_ =	swait.ge [sflag:s18], $0x4680  }
0x1d: {  	[sflag:s18] =	ssyncset.done $0x0  }
0x1e: {  	[sflag:s18] =	ssyncadd.s32 $0xFFFFB980  }
0x1f: {  	[spmem:s9] =	stream.linear.scatter [tilespmem:s17], [sflag:$0x3], $0x4680, $0x38;
	[tilespmem:$0x15FC0] =	vst v63  }
0x20: {  	_ =	swait.ge [sflag:s18], $0x4680  }
0x21: {  	[sflag:s18] =	ssyncset.done $0x0  }
0x22: {  	[sflag:s18] =	ssyncadd.s32 $0xFFFFB980  }
0x23: {  	[tilespmem:s17], [sflag:$0x3] =	stream.linear.gather [hbm4b:s5+s2], $0x7D00, $0x38;
	[tilespmem:$0x15FC0] =	vst v63  }
0x24: {  	_ =	swait.ge [sflag:s18], $0x7D00  }
0x25: {  	[sflag:s18] =	ssyncset.done $0x0  }
0x26: {  	[sflag:s18] =	ssyncadd.s32 $0xFFFF8300  }
0x27: {  	[bflag:$0x0] =	sbarrier.arrive $0xFFFF  }
0x28: {  	[tilespmem:s19], [sflag:$0x1] =	stream.linear.gather [hbm4b:s10+s2], $0xFA0, $0x38;
	[tilespmem:$0x15FC0] =	vst v63  }
0x29: {  	_ = 	snop  }
0x2a: {  	[tilespmem:s20], [sflag:$0x2] =	stream.linear.gather [hbm4b:s11+s2], $0xFA0, $0x38;
	[tilespmem:$0x15FC0] =	vst v63  }
0x2b: {  	_ =	swait.ge [sflag:s21], $0xFA0  }
0x2c: {  	[sflag:s21] =	ssyncset.done $0x0  }
0x2d: {  	[sflag:s21] =	ssyncadd.s32 $0xFFFFF060  }
0x2e: {  	[spmem:s1] =	stream.indirect.scatter.add.f32 [tilespmem:s17], [sflag:$0x3], $0x8, s19, s22, $0xb8;
	[tilespmem:$0x15FC0] =	vst v63  }
0x2f: {  	_ =	swait.ge [sflag:s18], $0x7D00  }
0x30: {  	s25 =	sshrl.u32 s16, $0x3;
	[sflag:s18] =	ssyncset.done $0x0  }
0x31: {  	s25 =	sadd.s32 s4, s25;
	[sflag:s18] =	ssyncadd.s32 $0xFFFF8300  }
0x32: {  	[tilespmem:s19], [sflag:$0x1] =	stream.linear.gather [hbm4b:s25+s2], $0xFA0, $0x38;
	[tilespmem:$0x15FC0] =	vst v63  }
0x33: {  	_ =	swait.ge [sflag:s23], $0xFA0  }
0x34: {  	[sflag:s23] =	ssyncset.done $0x0  }
0x35: {  	[sflag:s23] =	ssyncadd.s32 $0xFFFFF060  }
0x36: {  	[spmem:s1] =	stream.indirect.scatter.add.f32 [tilespmem:s17], [sflag:$0x3], $0x8, s20, s22, $0xb8;
	[tilespmem:$0x15FC0] =	vst v63  }
0x37: {  	_ =	swait.ge [sflag:s18], $0x7D00  }
0x38: {  	s28 =	sadd.s32 $0x0, s15;
	[sflag:s18] =	ssyncset.done $0x0  }
0x39: {  	s26 =	sadd.s32 $0x1F40, s16;
	s25 =	simm.s32 $0x3E8;
	[sflag:s18] =	ssyncadd.s32 $0xFFFF8300  }
.LBB2_2:
0x3a: {  	[tilespmem:s20], [sflag:$0x2] =	stream.linear.gather [hbm4b:s28+s2], $0xFA0, $0x38;
	[tilespmem:$0x15FC0] =	vst v63  }
0x3b: {  	s28 =	smov.u32 s25  }
0x3c: {  	p0 =	sne.s32 s25, $0x59D8;
	s25 =	sadd.s32 $0x3E8, s25;
	_ =	swait.ge [sflag:s21], $0xFA0  }
0x3d: {  	[sflag:s21] =	ssyncset.done $0x0  }
0x3e: {  	[sflag:s21] =	ssyncadd.s32 $0xFFFFF060  }
0x3f: {  	[spmem:s1] =	stream.indirect.scatter.add.f32 [tilespmem:s17], [sflag:$0x3], $0x8, s19, s22, $0xb8;
	[tilespmem:$0x15FC0] =	vst v63  }
0x40: {  	_ =	swait.ge [sflag:s18], $0x7D00  }
0x41: {  	s29 =	sshrl.u32 s26, $0x3;
	[sflag:s18] =	ssyncset.done $0x0  }
0x42: {  	s29 =	sadd.s32 s4, s29;
	[sflag:s18] =	ssyncadd.s32 $0xFFFF8300  }
0x43: {  	[tilespmem:s19], [sflag:$0x1] =	stream.linear.gather [hbm4b:s29+s2], $0xFA0, $0x38;
	[tilespmem:$0x15FC0] =	vst v63  }
0x44: {  	_ =	swait.ge [sflag:s23], $0xFA0  }
0x45: {  	[sflag:s23] =	ssyncset.done $0x0  }
.Ltmp0:
0x46: {  	[sflag:s23] =	ssyncadd.s32 $0xFFFFF060;
	(pc) =	sbr.rel @p0 .LBB2_2-.Ltmp0, $4  }
0x47: {  	[spmem:s1] =	stream.indirect.scatter.add.f32 [tilespmem:s17], [sflag:$0x3], $0x8, s20, s22, $0xb8;
	[tilespmem:$0x15FC0] =	vst v63  }
0x48: {  	_ =	swait.ge [sflag:s18], $0x7D00  }
0x49: {  	[sflag:s18] =	ssyncset.done $0x0  }
0x4a: {  	s26 =	sadd.s32 $0x1F40, s26;
	s28 =	sadd.s32 s28, s15;
	[sflag:s18] =	ssyncadd.s32 $0xFFFF8300  }
0x4b: {  	[tilespmem:s20], [sflag:$0x2] =	stream.linear.gather [hbm4b:s28+s2], $0xFA0, $0x38;
	[tilespmem:$0x15FC0] =	vst v63  }
0x4c: {  	_ =	swait.ge [sflag:s21], $0xFA0  }
0x4d: {  	[sflag:s21] =	ssyncset.done $0x0  }
0x4e: {  	[sflag:s21] =	ssyncadd.s32 $0xFFFFF060  }
0x4f: {  	[spmem:s1] =	stream.indirect.scatter.add.f32 [tilespmem:s17], [sflag:$0x3], $0x8, s19, s22, $0xb8;
	[tilespmem:$0x15FC0] =	vst v63  }
0x50: {  	_ =	swait.ge [sflag:s18], $0x7D00  }
0x51: {  	[sflag:s18] =	ssyncset.done $0x0  }
0x52: {  	[sflag:s18] =	ssyncadd.s32 $0xFFFF8300  }
0x53: {  	_ =	swait.ge [sflag:s23], $0xFA0  }
0x54: {  	[sflag:s23] =	ssyncset.done $0x0  }
0x55: {  	[sflag:s23] =	ssyncadd.s32 $0xFFFFF060  }
0x56: {  	[spmem:s1] =	stream.indirect.scatter.add.f32 [tilespmem:s17], [sflag:$0x3], $0x8, s20, s22, $0xb8;
	[tilespmem:$0x15FC0] =	vst v63  }
0x57: {  	_ =	swait.ge [sflag:s18], $0x7D00  }
0x58: {  	[sflag:s18] =	ssyncset.done $0x0  }
0x59: {  	[sflag:s18] =	ssyncadd.s32 $0xFFFF8300  }
0x5a: {  	[bflag:$0x0] =	sbarrier.arrive $0xFFFF  }
0x5b: {  	[tilespmem:s17], [sflag:$0x3] =	stream.linear.gather [spmem:s7], $0x7D00, $0x38;
	[tilespmem:$0x15FC0] =	vst v63  }
0x5c: {  	_ =	swait.ge [sflag:s18], $0x7D00  }
0x5d: {  	[sflag:s18] =	ssyncset.done $0x0  }
0x5e: {  	[sflag:s18] =	ssyncadd.s32 $0xFFFF8300  }
0x5f: {  	[hbm4b:s13+s2] =	stream.linear.scatter [tilespmem:s17], [sflag:$0x3], $0x7D00, $0x38;
	[tilespmem:$0x15FC0] =	vst v63  }
0x60: {  	_ =	swait.ge [sflag:s18], $0x7D00  }
0x61: {  	[sflag:s18] =	ssyncset.done $0x0  }
0x62: {  	[sflag:s18] =	ssyncadd.s32 $0xFFFF8300  }
0x63: {  	[tilespmem:s17], [sflag:$0x3] =	stream.linear.gather [spmem:s9], $0x4680, $0x38;
	[tilespmem:$0x15FC0] =	vst v63  }
0x64: {  	s24 =	sadd.s32 $0x1, s24;
	_ =	swait.ge [sflag:s18], $0x4680  }
0x65: {  	p0 =	sne.s32 s24, s12;
	[sflag:s18] =	ssyncset.done $0x0  }
.Ltmp1:
0x66: {  	[sflag:s18] =	ssyncadd.s32 $0xFFFFB980;
	(pc) =	sbr.rel @p0 .LBB2_1-.Ltmp1, $4  }
0x67: {  	[hbm4b:s14+s2] =	stream.linear.scatter [tilespmem:s17], [sflag:$0x3], $0x4680, $0x38;
	[tilespmem:$0x15FC0] =	vst v63  }
0x68: {  	_ =	swait.ge [sflag:s18], $0x4680  }
0x69: {  	[sflag:s18] =	ssyncset.done $0x0  }
0x6a: {  	[sflag:s18] =	ssyncadd.s32 $0xFFFFB980  }
0x6b: {  	_ =	sfence.sel $0x180000  }
0x6c: {  	[bflag:$0x0] =	sbarrier.arrive $0xFFFF  }
0x6d: {  	p0 =	sne.s32 s3, $0x0;
	_ =	strace $0x90000047  }
0x6e: {  	s0 =	sadd.s32 @!p0 $0x100000, s0;
	[bflag:$0x2] =	sbarrier.arrive $0xFFFF  }
0x6f: {  	[sflag:s0] =	ssyncadd.tile.s32 @!p0 $0x1;
	_ =	shalt  }
.Lfunc_end2:
_tile_overlayer_lowered:
.L_overlay_start_2:
0x70: {  	(tag) =	ssettag $0x2  }
0x71: {  	s0 =	rddreg [dreg:$0x0];
	s2 =	stileid.u32  }
0x72: {  	s1 =	rddreg [dreg:$0x1];
	p0 =	sne.s32 s2, $0x0  }
0x73: {  	s3 =	rddreg [dreg:$0x2];
	[bflag:$0x3] =	sbarrier.arrive $0xFFFF;
	s2 =	simm.s32 @!p0 $0x1C03  }
0x74: {  	[timem:s3], [sflag:s2] =	dma.local @!p0 [hbm:s0], s1  }
0x75: {  	s0 =	simm.s32 @!p0 $0x3  }
0x76: {  	_ =	swait.ge @!p0 [sflag:s0], s1  }
0x77: {  	s1 =	ssub.s32 @!p0 $0x0, s1;
	[sflag:s0] =	ssyncset.done @!p0 $0x0  }
0x78: {  	[sflag:s0] =	ssyncadd.s32 @!p0 s1  }
0x79: {  	[bflag:$0x3] =	sbarrier.arrive $0xFFFF  }
0x7a: {  	_ =	shalt  }

// kernel: kernel.13.cloned.1.call-start
scs
__scs_entry_jumppad:
0x0: {  	(pc) =	sbr.rel $0x88, $3  }
0x1: {  	(tag) =	ssettag $0x0;
	lr =	simm.s32 $0x1  }
0x2: {  	[smem:$0x3F98] =	sst lr;
	_ =	strace $0xD0000000  }
0x3: {  	_ = 	snop  }
0x4: {  	_ = 	snop  }
0x5: {  	_ = 	snop  }
0x6: {  	_ = 	snop  }
0x7: {  	_ = 	snop  }
__scs_overlays_trampoline_lowered:
0x8: {  	[smem:$0x3FA7] =	sst s0  }
0x9: {  	[smem:$0x3FA8] =	sst s1  }
0xa: {  	[smem:$0x3FA9] =	sst s2  }
0xb: {  	[smem:$0x3FAA] =	sst s3  }
0xc: {  	[smem:$0x3FAB] =	sst s4  }
0xd: {  	[smem:$0x3FAC] =	sst s5  }
0xe: {  	[smem:$0x3FAD] =	sst s6  }
0xf: {  	[smem:$0x3FAE] =	sst s7  }
0x10: {  	[smem:$0x3FAF] =	sst s8  }
0x11: {  	[smem:$0x3FB0] =	sst s9;
	s0 =	simm.s32 @!p0 $0x0  }
0x12: {  	s1 =	sld [smem:$0x3F96];
	s0 =	simm.s32 @p0 $0x1  }
0x13: {  	[smem:$0x3FB1] =	sst s0;
	s0 =	simm.s32 @!p1 $0x0  }
0x14: {  	s2 =	sld [smem:$0x3F95];
	s0 =	simm.s32 @p1 $0x1  }
0x15: {  	[smem:$0x3FB2] =	sst s0;
	s0 =	simm.s32 @!p2 $0x0  }
0x16: {  	s3 =	sld [smem:$0x3FDB];
	s0 =	simm.s32 @p2 $0x1  }
0x17: {  	s4 =	simm.s32 $0x1BF5;
	[smem:$0x3FB4] =	sst s0  }
0x18: {  	s0 =	sld [smem:$0x3F97];
	_ =	swait.ge [sflag:s4], $0x0  }
0x19: {  	s7 =	sld [smem:$0x3F98]  }
0x1a: {  	s8 =	sadd.s32 $0xFFFFE003, lr  }
0x1b: {  	s9 =	sadd.s32 $0xFFFFFEF7, lr;
	s5 =	simm.s32 $0xFFFFFFFF;
	p2 =	slt.u32 s8, $0xFFFFF086  }
0x1c: {  	p1 =	slt.u32 s9, $0xF7A;
	s5 =	simm.s32 @!p2 $0x0  }
0x1d: {  	s5 =	simm.s32 @p1 $0x1;
	p0 =	seq.s32 s7, s2  }
0x1e: {  	s7 =	smul.u32 @!p0 $0xF7A, s2;
	p2 =	seq.s32 @!p0 s5, $0x0  }
0x1f: {  	s9 =	smul.u32 $0xF7A, s1;
	s8 =	simm.s32 @!p0 $0x1BF5;
	p2 =	por !p2, p0  }
0x20: {  	[sflag:s8] =	ssyncset.s32 @!p0 $0xFFFFF086;
	s6 =	sadd.s32 @!p0 s3, s7;
	s7 =	simm.s32 @!p0 $0x108  }
0x21: {  	s3 =	sadd.s32 s3, s9;
	s6 =	sadd.s32 @!p0 $0x88, s6;
	s7 =	simm.s32 @p2 $0x1082  }
0x22: {  	[simem:s7], [sflag:s8] =	dma.local @!p0 [hbm:s6], $0xF7A  }
0x23: {  	s9 =	sor.u32 $0xD0000000, s2;
	s6 =	simm.s32 $0x108;
	_ =	swait.ge @!p0 [sflag:s8], $0x0  }
0x24: {  	s3 =	sadd.s32 $0x88, s3;
	s6 =	simm.s32 @!p1 $0x1082;
	[sflag:s4] =	ssyncset.s32 $0xFFFFF086  }
0x25: {  	[simem:s6], [sflag:s4] =	dma.local [hbm:s3], $0xF7A  }
0x26: {  	[smem:$0x3F98] =	sst s1;
	(tag) =	ssettag s2;
	_ =	strace s9  }
0x27: {  	s1 =	sld [smem:$0x3FA8]  }
0x28: {  	s2 =	sld [smem:$0x3FA9]  }
0x29: {  	s4 =	sld [smem:$0x3FAB]  }
0x2a: {  	p0 =	seq.s32 s5, $0x0;
	s5 =	sld [smem:$0x3FAC]  }
0x2b: {  	s6 =	sld [smem:$0x3FAD]  }
0x2c: {  	s7 =	sld [smem:$0x3FAE]  }
0x2d: {  	s3 =	simm.s32 $0x108;
	s8 =	sld [smem:$0x3FAF]  }
0x2e: {  	s3 =	simm.s32 @!p0 $0x1082;
	s9 =	sld [smem:$0x3FB0]  }
0x2f: {  	lr =	sadd.s32 s0, s3;
	s0 =	sld [smem:$0x3FA7]  }
0x30: {  	s3 =	sld [smem:$0x3FAA]  }
0x31: {  	[smem:$0x3FB3] =	sst s10  }
0x32: {  	s10 =	sld [smem:$0x3FB1];
	_ =	sdelay $0x3  }
0x33: {  	p0 =	seq.s32 s10, $0x1;
	s10 =	sld [smem:$0x3FB3];
	_ =	sdelay $0x3  }
0x34: {  	[smem:$0x3FB3] =	sst s10  }
0x35: {  	s10 =	sld [smem:$0x3FB2];
	_ =	sdelay $0x3  }
0x36: {  	p1 =	seq.s32 s10, $0x1;
	s10 =	sld [smem:$0x3FB3];
	_ =	sdelay $0x3  }
0x37: {  	[smem:$0x3FB3] =	sst s10  }
0x38: {  	s10 =	sld [smem:$0x3FB4]  }
0x39: {  	_ = 	snop;
	(pc) =	sbr.ind lr, $3  }
0x3a: {  	_ = 	snop  }
0x3b: {  	_ = 	snop  }
0x3c: {  	p2 =	seq.s32 s10, $0x1;
	s10 =	sld [smem:$0x3FB3]  }
0x3d: {  	_ =	shalt  }
0x3e: {  	_ =	shalt  }
0x3f: {  	_ =	shalt  }
0x40: {  	_ =	shalt  }
0x41: {  	_ =	shalt  }
0x42: {  	_ =	shalt  }
0x43: {  	_ =	shalt  }
0x44: {  	_ =	shalt  }
0x45: {  	_ =	shalt  }
0x46: {  	_ =	shalt  }
0x47: {  	_ =	shalt  }
0x48: {  	_ =	shalt  }
0x49: {  	_ =	shalt  }
0x4a: {  	_ =	shalt  }
0x4b: {  	_ =	shalt  }
0x4c: {  	_ =	shalt  }
0x4d: {  	_ =	shalt  }
0x4e: {  	_ =	shalt  }
0x4f: {  	_ =	shalt  }
0x50: {  	_ =	shalt  }
0x51: {  	_ =	shalt  }
0x52: {  	_ =	shalt  }
0x53: {  	_ =	shalt  }
0x54: {  	_ =	shalt  }
0x55: {  	_ =	shalt  }
0x56: {  	_ =	shalt  }
0x57: {  	_ =	shalt  }
0x58: {  	_ =	shalt  }
0x59: {  	_ =	shalt  }
0x5a: {  	_ =	shalt  }
0x5b: {  	_ =	shalt  }
0x5c: {  	_ =	shalt  }
0x5d: {  	_ =	shalt  }
0x5e: {  	_ =	shalt  }
0x5f: {  	_ =	shalt  }
0x60: {  	_ =	shalt  }
0x61: {  	_ =	shalt  }
0x62: {  	_ =	shalt  }
0x63: {  	_ =	shalt  }
0x64: {  	_ =	shalt  }
0x65: {  	_ =	shalt  }
0x66: {  	_ =	shalt  }
0x67: {  	_ =	shalt  }
0x68: {  	_ =	shalt  }
0x69: {  	_ =	shalt  }
0x6a: {  	_ =	shalt  }
0x6b: {  	_ =	shalt  }
0x6c: {  	_ =	shalt  }
0x6d: {  	_ =	shalt  }
0x6e: {  	_ =	shalt  }
0x6f: {  	_ =	shalt  }
0x70: {  	_ =	shalt  }
0x71: {  	_ =	shalt  }
0x72: {  	_ =	shalt  }
0x73: {  	_ =	shalt  }
0x74: {  	_ =	shalt  }
0x75: {  	_ =	shalt  }
0x76: {  	_ =	shalt  }
0x77: {  	_ =	shalt  }
0x78: {  	_ =	shalt  }
0x79: {  	_ =	shalt  }
0x7a: {  	_ =	shalt  }
0x7b: {  	_ =	shalt  }
0x7c: {  	_ =	shalt  }
0x7d: {  	_ =	shalt  }
0x7e: {  	_ =	shalt  }
0x7f: {  	_ =	shalt  }
0x80: {  	_ =	shalt  }
0x81: {  	_ =	shalt  }
0x82: {  	_ =	shalt  }
0x83: {  	_ =	shalt  }
0x84: {  	_ =	shalt  }
0x85: {  	_ =	shalt  }
0x86: {  	_ =	shalt  }
0x87: {  	_ =	shalt  }
.Lfunc_end0:
.L_simem_size_0:
called_computation.1_lowered:
.L_overlay_start_0:
0x88: {  	s2 =	sld [smem:$0x3FD9]  }
0x89: {  	s3 =	sld [smem:$0x3FFE];
	_ =	sdelay $0x1  }
0x8a: {  	s1 =	srdreg.scid  }
0x8b: {  	s0 =	sand.u32 $0x1, s1  }
0x8c: {  	s16 =	sshll.u32 s0, $0xA;
	s2 =	sadd.s32 s3, s2  }
0x8d: {  	s2 =	sadd.s32 s2, s16  }
0x8e: {  	[smem:$0x3FBF] =	sst s2  }
0x8f: {  	_ = 	snop  }
0x90: {  	(tm) =	ssettm $0x1  }
0x91: {  	s17 =	sld [smem:$0x3FFB];
	_ =	sdelay $0x3  }
0x92: {  	_ =	strace s17  }
0x93: {  	s2 =	sld [smem:$0x3FFC];
	_ =	sdelay $0x3  }
0x94: {  	_ =	strace s2  }
0x95: {  	s2 =	sld [smem:$0x3FFD];
	_ =	sdelay $0x3  }
0x96: {  	_ =	strace s2  }
0x97: {  	_ =	strace $0x8FFFFFFF  }
0x98: {  	s18 =	sld [smem:$0x3FDB];
	_ =	sdelay $0x1  }
0x99: {  	s19 =	simm.s32 $_scs_section_size  }
0x9a: {  	s4 =	simm.s32 $_size__tile_overlayer_lowered;
	s5 =	simm.s32 $_tile_overlayer_lowered  }
0x9b: {  	s22 =	simm.s32 $0x1BFF;
	s21 =	sshll.u32 s5, $0x1;
	s2 =	sadd.s32 s19, s18  }
0x9c: {  	s6 =	simm.s32 $0x0;
	s20 =	sshll.u32 s4, $0x1;
	s4 =	sadd.s32 s21, s2  }
0x9d: {  	[timem:s6], [sflag:s22] =	dma.local [hbm:s4], s20  }
0x9e: {  	_ =	swait.ge [sflag:s22], s20  }
0x9f: {  	s3 =	ssub.s32 $0x0, s20;
	[sflag:s22] =	ssyncset.done $0x0  }
0xa0: {  	[sflag:s22] =	ssyncadd.s32 s3;
	_ =	sdelay $0x1  }
0xa1: {  	s23 =	simm.s32 $0x1B8B  }
0xa2: {  	_ =	swait.ge [sflag:s23], $0x1  }
0xa3: {  	[sflag:s23] =	ssyncset.done $0x0  }
0xa4: {  	s25 =	simm.s32 $0x1B8E;
	s24 =	sld [smem:$0x3FFE];
	[sflag:s23] =	ssyncadd.s32 $0xFFFFFFFF  }
0xa5: {  	s26 =	simm.s32 $execute0_lowered;
	[smem:$0x3FD2] =	sst s25  }
0xa6: {  	s4 =	sshll.u32 s26, $0x1;
	_ =	strace $0x80000049;
	[dreg:$0x1] =	wrdreg $0xFFFFFFFF  }
0xa7: {  	s28 =	simm.s32 $_size_execute0_lowered;
	s2 =	sadd.s32 s2, s4;
	[dreg:$0x0] =	wrdreg $0x0  }
0xa8: {  	s4 =	sshll.u32 s28, $0x1;
	[dreg:$0x2] =	wrdreg s2  }
0xa9: {  	[dreg:$0x3] =	wrdreg s4  }
0xaa: {  	[dreg:$0x4] =	wrdreg $0xC0  }
0xab: {  	_ =	task [dreg:s6], $0x5FFFF  }
0xac: {  	[dreg:$0x1] =	wrdreg $0xFFFFFFFF  }
0xad: {  	[dreg:$0x0] =	wrdreg $0x60  }
0xae: {  	[dreg:$0x2] =	wrdreg s24  }
0xaf: {  	[dreg:$0x3] =	wrdreg $0x0  }
0xb0: {  	[dreg:$0x4] =	wrdreg $0x9  }
0xb1: {  	_ =	task.clear_ibuf [dreg:s6], $0x5FFFF;
	_ =	strace $0x90000049  }
0xb2: {  	s29 =	simm.s32 $0x9;
	_ =	strace $0x8000004B  }
0xb3: {  	_ =	swait.ge [sflag:s29], $0x1  }
0xb4: {  	[sflag:s29] =	ssyncadd.s32 $0xFFFFFFFF  }
0xb5: {  	_ =	strace $0x9000004B  }
0xb6: {  	_ =	sfence  }
0xb7: {  	s30 =	sld [smem:$0x0];
	_ =	sdelay $0x2  }
0xb8: {  	s31 =	sshll.u32 s1, $0xD;
	s1 =	sshrl.u32 s1, $0x2  }
0xb9: {  	s3 =	sand.u32 $0x4000, s31;
	s1 =	sadd.s32 s1, s30  }
0xba: {  	s0 =	sor.u32 s3, s0;
	s1 =	sshll.u32 s1, $0x11  }
0xbb: {  	s0 =	sor.u32 s1, s0  }
0xbc: {  	s0 =	sadd.s32 $0x8F2B, s0  }
0xbd: {  	[sflag:s0] =	ssyncadd.remote.s32 $0x1  }
0xbe: {  	_ =	sfence.sel $0xFFFF  }
0xbf: {  	[dreg:$0x0] =	wrdreg $0xFFFFFFFF;
	(pc) =	sbr.abs _section_cstart, $3  }
0xc0: {  	[dreg:$0x1] =	wrdreg $0xFFFFFFFF  }
0xc1: {  	_ =	task.clear_ibuf [dreg:s6], $0x2FFFF;
	_ =	strace $0x9FFFFFFF  }
0xc2: {  	(tm) =	ssettm $0x7FFFFFFF  }
0xc3: {  	_ =	shalt  }
tec
execute0_lowered:
.L_overlay_start_1:
0x0: {  	(tag) =	ssettag $0x1  }
0x1: {  	s0 =	rddreg [dreg:$0x0]  }
0x2: {  	s1 =	rddreg [dreg:$0x1];
	s2 =	simm.s32 $0x0  }
0x3: {  	s3 =	srdreg.scid;
	s13 =	stileid.u32;
	s28 =	simm.s32 $0x15FC0  }
0x4: {  	s29 =	simm.s32 $0x16F60;
	s30 =	simm.s32 $0x2;
	s31 =	simm.s32 $0x3  }
0x5: {  	[smem:$0x7FF] =	sst s2;
	s4 =	sadd.s32 $0x1A4C00, s0;
	s5 =	sadd.s32 $0x5800, s0  }
0x6: {  	s6 =	sadd.s32 $0xC8E00, s0;
	s7 =	smul.u32 $0xC380, s13;
	s9 =	sadd.s32 $0x18C400, s0  }
0x7: {  	s3 =	sand.u32 $0x1, s3;
	s13 =	smul.u32 $0x30D40, s13;
	_ =	strace $0x8000004A  }
0x8: {  	s8 =	ssub.s32 $0x2, s3;
	s10 =	smul.u32 $0x30D400, s3;
	p0 =	seq.s32 s3, $0x1  }
0x9: {  	s3 =	simm.s32 $0x1BD400;
	s11 =	sshrl.u32 s8, $0x1;
	s12 =	sshrl.u32 s7, $0x3  }
0xa: {  	s14 =	sadd.s32 $0x7D00, s7;
	s3 =	simm.s32 @!p0 $0x1D5C00;
	s11 =	ssub.s32 s8, s11  }
0xb: {  	s18 =	sadd.s32 s9, s12;
	s8 =	sadd.s32 s7, s1;
	s19 =	sshrl.u32 s14, $0x3  }
0xc: {  	s20 =	sadd.s32 s13, s10;
	s10 =	sadd.s32 s14, s1;
	s0 =	sadd.s32 s3, s0  }
0xd: {  	s3 =	simm.s32 $0x4;
	s7 =	simm.s32 $0x0;
	[dreg:$0x3] =	wrdreg s18  }
0xe: {  	s9 =	sadd.s32 s9, s19;
	s21 =	sshrl.u32 s20, $0x3;
	s25 =	sadd.s32 $0x2EE0, s20  }
0xf: {  	s15 =	smax.u32 s11, $0x1;
	s16 =	sadd.s32 s0, s12;
	s17 =	sadd.s32 s0, s19  }
0x10: {  	s20 =	sadd.s32 $0x1F40, s20;
	s0 =	simm.s32 $0x17F00;
	[dreg:$0x4] =	wrdreg s9  }
0x11: {  	s22 =	sadd.s32 s5, s21;
	s23 =	sadd.s32 s6, s21;
	s9 =	sadd.s32 $0x1F4, s21  }
0x12: {  	s26 =	sshrl.u32 s25, $0x3;
	s21 =	simm.s32 $0xE2C0;
	[dreg:$0x5] =	wrdreg s22  }
0x13: {  	s25 =	simm.s32 $0x1;
	[dreg:$0x6] =	wrdreg s23;
	s24 =	sadd.s32 s5, s9  }
0x14: {  	s9 =	sadd.s32 s6, s9;
	s18 =	sadd.s32 s26, s6;
	s19 =	sadd.s32 s26, s5  }
0x15: {  	s22 =	simm.s32 $0x5;
	s23 =	simm.s32 $0xC380;
	[dreg:$0x7] =	wrdreg s24  }
0x16: {  	s26 =	simm.s32 $0xFA0;
	[dreg:$0x8] =	wrdreg s9;
	s24 =	simm.s32 $0xD320  }
.LBB2_1:
0x17: {  	s9 =	rddreg [dreg:$0x3]  }
0x18: {  	[tilespmem:s21], [sflag:$0x5] =	stream.linear.gather [hbm4b:s9+s2], $0x7D00, $0x38;
	[tilespmem:$0x1FC00] =	vst v63  }
0x19: {  	_ =	swait.ge [sflag:s22], $0x7D00  }
0x1a: {  	[sflag:s22] =	ssyncset.done $0x0  }
0x1b: {  	[sflag:s22] =	ssyncadd.s32 $0xFFFF8300  }
0x1c: {  	[spmem:s8] =	stream.linear.scatter [tilespmem:s21], [sflag:$0x5], $0x7D00, $0x38;
	[tilespmem:$0x1FC00] =	vst v63  }
0x1d: {  	_ =	swait.ge [sflag:s22], $0x7D00  }
0x1e: {  	[sflag:s22] =	ssyncset.done $0x0  }
0x1f: {  	s12 =	rddreg [dreg:$0x4];
	[sflag:s22] =	ssyncadd.s32 $0xFFFF8300  }
0x20: {  	[tilespmem:s21], [sflag:$0x5] =	stream.linear.gather [hbm4b:s12+s2], $0x4680, $0x38;
	[tilespmem:$0x1FC00] =	vst v63  }
0x21: {  	_ =	swait.ge [sflag:s22], $0x4680  }
0x22: {  	[sflag:s22] =	ssyncset.done $0x0  }
0x23: {  	[sflag:s22] =	ssyncadd.s32 $0xFFFFB980  }
0x24: {  	[spmem:s10] =	stream.linear.scatter [tilespmem:s21], [sflag:$0x5], $0x4680, $0x38;
	[tilespmem:$0x1FC00] =	vst v63  }
0x25: {  	_ =	swait.ge [sflag:s22], $0x4680  }
0x26: {  	[sflag:s22] =	ssyncset.done $0x0  }
0x27: {  	[sflag:s22] =	ssyncadd.s32 $0xFFFFB980  }
0x28: {  	[bflag:$0x0] =	sbarrier.arrive $0xFFFF  }
0x29: {  	s13 =	rddreg [dreg:$0x5]  }
0x2a: {  	[tilespmem:s23], [sflag:$0x1] =	stream.linear.gather [hbm4b:s13+s2], $0xFA0, $0x38;
	[tilespmem:$0x1FC00] =	vst v63  }
0x2b: {  	s14 =	rddreg [dreg:$0x6]  }
0x2c: {  	[tilespmem:s24], [sflag:$0x1] =	stream.linear.gather [hbm4b:s14+s2], $0xFA0, $0x38;
	[tilespmem:$0x1FC00] =	vst v63  }
0x2d: {  	_ =	swait.ge [sflag:s25], $0xFA0  }
0x2e: {  	[sflag:s25] =	ssyncset.done $0x0  }
0x2f: {  	[sflag:s25] =	ssyncadd.s32 $0xFFFFF060  }
0x30: {  	[tilespmem:s21], [sflag:$0x2] =	stream.indirect.gather [hbm4b:s4+s26], $0x8, s23, s26, $0xb8;
	[tilespmem:$0x1FC00] =	vst v63  }
0x31: {  	s11 =	rddreg [dreg:$0x7]  }
0x32: {  	[tilespmem:s28], [sflag:$0x3] =	stream.linear.gather [hbm4b:s11+s2], $0xFA0, $0x38;
	[tilespmem:$0x1FC00] =	vst v63  }
0x33: {  	s12 =	rddreg [dreg:$0x8]  }
0x34: {  	[tilespmem:s29], [sflag:$0x3] =	stream.linear.gather [hbm4b:s12+s2], $0xFA0, $0x38;
	[tilespmem:$0x1FC00] =	vst v63  }
0x35: {  	_ =	swait.ge [sflag:s30], $0x7D00  }
0x36: {  	[sflag:s30] =	ssyncset.done $0x0  }
0x37: {  	[sflag:s30] =	ssyncadd.s32 $0xFFFF8300  }
0x38: {  	_ =	swait.ge [sflag:s31], $0xFA0  }
0x39: {  	[sflag:s31] =	ssyncset.done $0x0  }
0x3a: {  	[sflag:s31] =	ssyncadd.s32 $0xFFFFF060  }
0x3b: {  	[tilespmem:s0], [sflag:$0x4] =	stream.indirect.gather [hbm4b:s4+s26], $0x8, s28, s26, $0xb8;
	[tilespmem:$0x1FC00] =	vst v63  }
0x3c: {  	_ =	swait.ge [sflag:s25], $0xFA0  }
0x3d: {  	[sflag:s25] =	ssyncset.done $0x0  }
0x3e: {  	[sflag:s25] =	ssyncadd.s32 $0xFFFFF060  }
0x3f: {  	[spmem:s1] =	stream.indirect.scatter.add.f32 [tilespmem:s21], [sflag:$0x5], $0x8, s24, s26, $0xb8;
	[tilespmem:$0x1FC00] =	vst v63  }
0x40: {  	_ =	swait.ge [sflag:s22], $0x7D00  }
0x41: {  	s13 =	sshrl.u32 s20, $0x3;
	[sflag:s22] =	ssyncset.done $0x0  }
0x42: {  	s11 =	sadd.s32 s5, s13;
	[sflag:s22] =	ssyncadd.s32 $0xFFFF8300  }
0x43: {  	[tilespmem:s23], [sflag:$0x1] =	stream.linear.gather [hbm4b:s11+s2], $0xFA0, $0x38;
	[tilespmem:$0x1FC00] =	vst v63  }
0x44: {  	s9 =	sadd.s32 s6, s13  }
0x45: {  	[tilespmem:s24], [sflag:$0x1] =	stream.linear.gather [hbm4b:s9+s2], $0xFA0, $0x38;
	[tilespmem:$0x1FC00] =	vst v63  }
0x46: {  	_ =	swait.ge [sflag:s3], $0x7D00  }
0x47: {  	[sflag:s3] =	ssyncset.done $0x0  }
0x48: {  	[sflag:s3] =	ssyncadd.s32 $0xFFFF8300  }
0x49: {  	_ =	swait.ge [sflag:s25], $0xFA0  }
0x4a: {  	[sflag:s25] =	ssyncset.done $0x0  }
0x4b: {  	[sflag:s25] =	ssyncadd.s32 $0xFFFFF060  }
0x4c: {  	[tilespmem:s21], [sflag:$0x2] =	stream.indirect.gather [hbm4b:s4+s26], $0x8, s23, s26, $0xb8;
	[tilespmem:$0x1FC00] =	vst v63  }
0x4d: {  	_ =	swait.ge [sflag:s31], $0xFA0  }
0x4e: {  	[sflag:s31] =	ssyncset.done $0x0  }
0x4f: {  	[sflag:s31] =	ssyncadd.s32 $0xFFFFF060  }
0x50: {  	[spmem:s1] =	stream.indirect.scatter.add.f32 [tilespmem:s0], [sflag:$0x5], $0x8, s29, s26, $0xb8;
	[tilespmem:$0x1FC00] =	vst v63  }
0x51: {  	_ =	swait.ge [sflag:s22], $0x7D00  }
0x52: {  	s14 =	sadd.s32 $0x0, s19;
	s12 =	sadd.s32 $0x0, s18;
	[sflag:s22] =	ssyncset.done $0x0  }
0x53: {  	s11 =	sadd.s32 $0x1F40, s20;
	s9 =	simm.s32 $0x3E8;
	[sflag:s22] =	ssyncadd.s32 $0xFFFF8300  }
0x54: {  	[tilespmem:s28], [sflag:$0x3] =	stream.linear.gather [hbm4b:s14+s2], $0xFA0, $0x38;
	[tilespmem:$0x1FC00] =	vst v63  }
.LBB2_2:
0x55: {  	[tilespmem:s29], [sflag:$0x3] =	stream.linear.gather [hbm4b:s12+s2], $0xFA0, $0x38;
	[tilespmem:$0x1FC00] =	vst v63  }
0x56: {  	s12 =	smov.u32 s9  }
0x57: {  	p0 =	sne.s32 s9, $0x59D8;
	s9 =	sadd.s32 $0x3E8, s9;
	_ =	swait.ge [sflag:s30], $0x7D00  }
0x58: {  	[sflag:s30] =	ssyncset.done $0x0  }
0x59: {  	[sflag:s30] =	ssyncadd.s32 $0xFFFF8300  }
0x5a: {  	_ =	swait.ge [sflag:s31], $0xFA0  }
0x5b: {  	[sflag:s31] =	ssyncset.done $0x0  }
0x5c: {  	[sflag:s31] =	ssyncadd.s32 $0xFFFFF060  }
0x5d: {  	[tilespmem:s0], [sflag:$0x4] =	stream.indirect.gather [hbm4b:s4+s26], $0x8, s28, s26, $0xb8;
	[tilespmem:$0x1FC00] =	vst v63  }
0x5e: {  	_ =	swait.ge [sflag:s25], $0xFA0  }
0x5f: {  	[sflag:s25] =	ssyncset.done $0x0  }
0x60: {  	[sflag:s25] =	ssyncadd.s32 $0xFFFFF060  }
0x61: {  	[spmem:s1] =	stream.indirect.scatter.add.f32 [tilespmem:s21], [sflag:$0x5], $0x8, s24, s26, $0xb8;
	[tilespmem:$0x1FC00] =	vst v63  }
0x62: {  	_ =	swait.ge [sflag:s22], $0x7D00  }
0x63: {  	s13 =	sshrl.u32 s11, $0x3;
	[sflag:s22] =	ssyncset.done $0x0  }
0x64: {  	s14 =	sadd.s32 s5, s13;
	[sflag:s22] =	ssyncadd.s32 $0xFFFF8300  }
0x65: {  	[tilespmem:s23], [sflag:$0x1] =	stream.linear.gather [hbm4b:s14+s2], $0xFA0, $0x38;
	[tilespmem:$0x1FC00] =	vst v63  }
0x66: {  	s13 =	sadd.s32 s6, s13  }
0x67: {  	[tilespmem:s24], [sflag:$0x1] =	stream.linear.gather [hbm4b:s13+s2], $0xFA0, $0x38;
	[tilespmem:$0x1FC00] =	vst v63  }
0x68: {  	_ =	swait.ge [sflag:s3], $0x7D00  }
0x69: {  	[sflag:s3] =	ssyncset.done $0x0  }
0x6a: {  	[sflag:s3] =	ssyncadd.s32 $0xFFFF8300  }
0x6b: {  	_ =	swait.ge [sflag:s25], $0xFA0  }
0x6c: {  	[sflag:s25] =	ssyncset.done $0x0  }
0x6d: {  	[sflag:s25] =	ssyncadd.s32 $0xFFFFF060  }
0x6e: {  	[tilespmem:s21], [sflag:$0x2] =	stream.indirect.gather [hbm4b:s4+s26], $0x8, s23, s26, $0xb8;
	[tilespmem:$0x1FC00] =	vst v63  }
0x6f: {  	_ =	swait.ge [sflag:s31], $0xFA0  }
0x70: {  	[sflag:s31] =	ssyncset.done $0x0  }
0x71: {  	[sflag:s31] =	ssyncadd.s32 $0xFFFFF060  }
0x72: {  	[spmem:s1] =	stream.indirect.scatter.add.f32 [tilespmem:s0], [sflag:$0x5], $0x8, s29, s26, $0xb8;
	[tilespmem:$0x1FC00] =	vst v63  }
.Ltmp0:
0x73: {  	_ =	swait.ge [sflag:s22], $0x7D00;
	(pc) =	sbr.rel @p0 .LBB2_2-.Ltmp0, $4  }
0x74: {  	[sflag:s22] =	ssyncset.done $0x0  }
0x75: {  	s13 =	sadd.s32 s12, s19;
	[sflag:s22] =	ssyncadd.s32 $0xFFFF8300  }
0x76: {  	[tilespmem:s28], [sflag:$0x3] =	stream.linear.gather [hbm4b:s13+s2], $0xFA0, $0x38;
	[tilespmem:$0x1FC00] =	vst v63  }
0x77: {  	s11 =	sadd.s32 $0x1F40, s11;
	s12 =	sadd.s32 s12, s18  }
0x78: {  	[tilespmem:s29], [sflag:$0x3] =	stream.linear.gather [hbm4b:s12+s2], $0xFA0, $0x38;
	[tilespmem:$0x1FC00] =	vst v63  }
0x79: {  	_ =	swait.ge [sflag:s30], $0x7D00  }
0x7a: {  	[sflag:s30] =	ssyncset.done $0x0  }
0x7b: {  	[sflag:s30] =	ssyncadd.s32 $0xFFFF8300  }
0x7c: {  	_ =	swait.ge [sflag:s31], $0xFA0  }
0x7d: {  	[sflag:s31] =	ssyncset.done $0x0  }
0x7e: {  	[sflag:s31] =	ssyncadd.s32 $0xFFFFF060  }
0x7f: {  	[tilespmem:s0], [sflag:$0x4] =	stream.indirect.gather [hbm4b:s4+s26], $0x8, s28, s26, $0xb8;
	[tilespmem:$0x1FC00] =	vst v63  }
0x80: {  	_ =	swait.ge [sflag:s25], $0xFA0  }
0x81: {  	[sflag:s25] =	ssyncset.done $0x0  }
0x82: {  	[sflag:s25] =	ssyncadd.s32 $0xFFFFF060  }
0x83: {  	[spmem:s1] =	stream.indirect.scatter.add.f32 [tilespmem:s21], [sflag:$0x5], $0x8, s24, s26, $0xb8;
	[tilespmem:$0x1FC00] =	vst v63  }
0x84: {  	_ =	swait.ge [sflag:s22], $0x7D00  }
0x85: {  	[sflag:s22] =	ssyncset.done $0x0  }
0x86: {  	[sflag:s22] =	ssyncadd.s32 $0xFFFF8300  }
0x87: {  	_ =	swait.ge [sflag:s3], $0x7D00  }
0x88: {  	[sflag:s3] =	ssyncset.done $0x0  }
0x89: {  	[sflag:s3] =	ssyncadd.s32 $0xFFFF8300  }
0x8a: {  	_ =	swait.ge [sflag:s31], $0xFA0  }
0x8b: {  	[sflag:s31] =	ssyncset.done $0x0  }
0x8c: {  	[sflag:s31] =	ssyncadd.s32 $0xFFFFF060  }
0x8d: {  	[spmem:s1] =	stream.indirect.scatter.add.f32 [tilespmem:s0], [sflag:$0x5], $0x8, s29, s26, $0xb8;
	[tilespmem:$0x1FC00] =	vst v63  }
0x8e: {  	_ =	swait.ge [sflag:s22], $0x7D00  }
0x8f: {  	[sflag:s22] =	ssyncset.done $0x0  }
0x90: {  	[sflag:s22] =	ssyncadd.s32 $0xFFFF8300  }
0x91: {  	[bflag:$0x0] =	sbarrier.arrive $0xFFFF  }
0x92: {  	[tilespmem:s21], [sflag:$0x5] =	stream.linear.gather [spmem:s8], $0x7D00, $0x38;
	[tilespmem:$0x1FC00] =	vst v63  }
0x93: {  	_ =	swait.ge [sflag:s22], $0x7D00  }
0x94: {  	[sflag:s22] =	ssyncset.done $0x0  }
0x95: {  	[sflag:s22] =	ssyncadd.s32 $0xFFFF8300  }
0x96: {  	[hbm4b:s16+s2] =	stream.linear.scatter [tilespmem:s21], [sflag:$0x5], $0x7D00, $0x38;
	[tilespmem:$0x1FC00] =	vst v63  }
0x97: {  	_ =	swait.ge [sflag:s22], $0x7D00  }
0x98: {  	[sflag:s22] =	ssyncset.done $0x0  }
0x99: {  	[sflag:s22] =	ssyncadd.s32 $0xFFFF8300  }
0x9a: {  	[tilespmem:s21], [sflag:$0x5] =	stream.linear.gather [spmem:s10], $0x4680, $0x38;
	[tilespmem:$0x1FC00] =	vst v63  }
0x9b: {  	s7 =	sadd.s32 $0x1, s7;
	_ =	swait.ge [sflag:s22], $0x4680  }
0x9c: {  	p0 =	sne.s32 s7, s15;
	[sflag:s22] =	ssyncset.done $0x0  }
.Ltmp1:
0x9d: {  	[sflag:s22] =	ssyncadd.s32 $0xFFFFB980;
	(pc) =	sbr.rel @p0 .LBB2_1-.Ltmp1, $4  }
0x9e: {  	[hbm4b:s17+s2] =	stream.linear.scatter [tilespmem:s21], [sflag:$0x5], $0x4680, $0x38;
	[tilespmem:$0x1FC00] =	vst v63  }
0x9f: {  	_ =	swait.ge [sflag:s22], $0x4680  }
0xa0: {  	[sflag:s22] =	ssyncset.done $0x0  }
0xa1: {  	[sflag:s22] =	ssyncadd.s32 $0xFFFFB980  }
0xa2: {  	_ =	sfence.sel $0x180000  }
0xa3: {  	[bflag:$0x0] =	sbarrier.arrive $0xFFFF  }
0xa4: {  	_ =	strace $0x9000004A  }
0xa5: {  	s0 =	stileid.u32;
	[bflag:$0x2] =	sbarrier.arrive $0xFFFF  }
0xa6: {  	p0 =	sne.s32 s0, $0x0;
	s0 =	rddreg [dreg:$0x2]  }
0xa7: {  	s0 =	sadd.s32 @!p0 $0x100000, s0  }
0xa8: {  	[sflag:s0] =	ssyncadd.tile.s32 @!p0 $0x1;
	_ =	shalt  }
.Lfunc_end2:
_tile_overlayer_lowered:
.L_overlay_start_2:
0xa9: {  	(tag) =	ssettag $0x2  }
0xaa: {  	s0 =	rddreg [dreg:$0x0];
	s2 =	stileid.u32  }
0xab: {  	s1 =	rddreg [dreg:$0x1];
	p0 =	sne.s32 s2, $0x0  }
0xac: {  	s3 =	rddreg [dreg:$0x2];
	[bflag:$0x3] =	sbarrier.arrive $0xFFFF;
	s2 =	simm.s32 @!p0 $0x1C05  }
0xad: {  	[timem:s3], [sflag:s2] =	dma.local @!p0 [hbm:s0], s1  }
0xae: {  	s0 =	simm.s32 @!p0 $0x5  }
0xaf: {  	_ =	swait.ge @!p0 [sflag:s0], s1  }
0xb0: {  	s1 =	ssub.s32 @!p0 $0x0, s1;
	[sflag:s0] =	ssyncset.done @!p0 $0x0  }
0xb1: {  	[sflag:s0] =	ssyncadd.s32 @!p0 s1  }
0xb2: {  	[bflag:$0x3] =	sbarrier.arrive $0xFFFF  }
0xb3: {  	_ =	shalt  }

// kernel: kernel.16.cloned.1.call-start
scs
__scs_entry_jumppad:
0x0: {  	(pc) =	sbr.rel $0x88, $3  }
0x1: {  	(tag) =	ssettag $0x0;
	lr =	simm.s32 $0x1  }
0x2: {  	[smem:$0x3F98] =	sst lr;
	_ =	strace $0xD0000000  }
0x3: {  	_ = 	snop  }
0x4: {  	_ = 	snop  }
0x5: {  	_ = 	snop  }
0x6: {  	_ = 	snop  }
0x7: {  	_ = 	snop  }
__scs_overlays_trampoline_lowered:
0x8: {  	[smem:$0x3FA7] =	sst s0  }
0x9: {  	[smem:$0x3FA8] =	sst s1  }
0xa: {  	[smem:$0x3FA9] =	sst s2  }
0xb: {  	[smem:$0x3FAA] =	sst s3  }
0xc: {  	[smem:$0x3FAB] =	sst s4  }
0xd: {  	[smem:$0x3FAC] =	sst s5  }
0xe: {  	[smem:$0x3FAD] =	sst s6  }
0xf: {  	[smem:$0x3FAE] =	sst s7  }
0x10: {  	[smem:$0x3FAF] =	sst s8  }
0x11: {  	[smem:$0x3FB0] =	sst s9;
	s0 =	simm.s32 @!p0 $0x0  }
0x12: {  	s1 =	sld [smem:$0x3F96];
	s0 =	simm.s32 @p0 $0x1  }
0x13: {  	[smem:$0x3FB1] =	sst s0;
	s0 =	simm.s32 @!p1 $0x0  }
0x14: {  	s2 =	sld [smem:$0x3F95];
	s0 =	simm.s32 @p1 $0x1  }
0x15: {  	[smem:$0x3FB2] =	sst s0;
	s0 =	simm.s32 @!p2 $0x0  }
0x16: {  	s3 =	sld [smem:$0x3FDB];
	s0 =	simm.s32 @p2 $0x1  }
0x17: {  	s4 =	simm.s32 $0x1BF5;
	[smem:$0x3FB4] =	sst s0  }
0x18: {  	s0 =	sld [smem:$0x3F97];
	_ =	swait.ge [sflag:s4], $0x0  }
0x19: {  	s7 =	sld [smem:$0x3F98]  }
0x1a: {  	s8 =	sadd.s32 $0xFFFFE003, lr  }
0x1b: {  	s9 =	sadd.s32 $0xFFFFFEF7, lr;
	s5 =	simm.s32 $0xFFFFFFFF;
	p2 =	slt.u32 s8, $0xFFFFF086  }
0x1c: {  	p1 =	slt.u32 s9, $0xF7A;
	s5 =	simm.s32 @!p2 $0x0  }
0x1d: {  	s5 =	simm.s32 @p1 $0x1;
	p0 =	seq.s32 s7, s2  }
0x1e: {  	s7 =	smul.u32 @!p0 $0xF7A, s2;
	p2 =	seq.s32 @!p0 s5, $0x0  }
0x1f: {  	s9 =	smul.u32 $0xF7A, s1;
	s8 =	simm.s32 @!p0 $0x1BF5;
	p2 =	por !p2, p0  }
0x20: {  	[sflag:s8] =	ssyncset.s32 @!p0 $0xFFFFF086;
	s6 =	sadd.s32 @!p0 s3, s7;
	s7 =	simm.s32 @!p0 $0x108  }
0x21: {  	s3 =	sadd.s32 s3, s9;
	s6 =	sadd.s32 @!p0 $0x88, s6;
	s7 =	simm.s32 @p2 $0x1082  }
0x22: {  	[simem:s7], [sflag:s8] =	dma.local @!p0 [hbm:s6], $0xF7A  }
0x23: {  	s9 =	sor.u32 $0xD0000000, s2;
	s6 =	simm.s32 $0x108;
	_ =	swait.ge @!p0 [sflag:s8], $0x0  }
0x24: {  	s3 =	sadd.s32 $0x88, s3;
	s6 =	simm.s32 @!p1 $0x1082;
	[sflag:s4] =	ssyncset.s32 $0xFFFFF086  }
0x25: {  	[simem:s6], [sflag:s4] =	dma.local [hbm:s3], $0xF7A  }
0x26: {  	[smem:$0x3F98] =	sst s1;
	(tag) =	ssettag s2;
	_ =	strace s9  }
0x27: {  	s1 =	sld [smem:$0x3FA8]  }
0x28: {  	s2 =	sld [smem:$0x3FA9]  }
0x29: {  	s4 =	sld [smem:$0x3FAB]  }
0x2a: {  	p0 =	seq.s32 s5, $0x0;
	s5 =	sld [smem:$0x3FAC]  }
0x2b: {  	s6 =	sld [smem:$0x3FAD]  }
0x2c: {  	s7 =	sld [smem:$0x3FAE]  }
0x2d: {  	s3 =	simm.s32 $0x108;
	s8 =	sld [smem:$0x3FAF]  }
0x2e: {  	s3 =	simm.s32 @!p0 $0x1082;
	s9 =	sld [smem:$0x3FB0]  }
0x2f: {  	lr =	sadd.s32 s0, s3;
	s0 =	sld [smem:$0x3FA7]  }
0x30: {  	s3 =	sld [smem:$0x3FAA]  }
0x31: {  	[smem:$0x3FB3] =	sst s10  }
0x32: {  	s10 =	sld [smem:$0x3FB1];
	_ =	sdelay $0x3  }
0x33: {  	p0 =	seq.s32 s10, $0x1;
	s10 =	sld [smem:$0x3FB3];
	_ =	sdelay $0x3  }
0x34: {  	[smem:$0x3FB3] =	sst s10  }
0x35: {  	s10 =	sld [smem:$0x3FB2];
	_ =	sdelay $0x3  }
0x36: {  	p1 =	seq.s32 s10, $0x1;
	s10 =	sld [smem:$0x3FB3];
	_ =	sdelay $0x3  }
0x37: {  	[smem:$0x3FB3] =	sst s10  }
0x38: {  	s10 =	sld [smem:$0x3FB4]  }
0x39: {  	_ = 	snop;
	(pc) =	sbr.ind lr, $3  }
0x3a: {  	_ = 	snop  }
0x3b: {  	_ = 	snop  }
0x3c: {  	p2 =	seq.s32 s10, $0x1;
	s10 =	sld [smem:$0x3FB3]  }
0x3d: {  	_ =	shalt  }
0x3e: {  	_ =	shalt  }
0x3f: {  	_ =	shalt  }
0x40: {  	_ =	shalt  }
0x41: {  	_ =	shalt  }
0x42: {  	_ =	shalt  }
0x43: {  	_ =	shalt  }
0x44: {  	_ =	shalt  }
0x45: {  	_ =	shalt  }
0x46: {  	_ =	shalt  }
0x47: {  	_ =	shalt  }
0x48: {  	_ =	shalt  }
0x49: {  	_ =	shalt  }
0x4a: {  	_ =	shalt  }
0x4b: {  	_ =	shalt  }
0x4c: {  	_ =	shalt  }
0x4d: {  	_ =	shalt  }
0x4e: {  	_ =	shalt  }
0x4f: {  	_ =	shalt  }
0x50: {  	_ =	shalt  }
0x51: {  	_ =	shalt  }
0x52: {  	_ =	shalt  }
0x53: {  	_ =	shalt  }
0x54: {  	_ =	shalt  }
0x55: {  	_ =	shalt  }
0x56: {  	_ =	shalt  }
0x57: {  	_ =	shalt  }
0x58: {  	_ =	shalt  }
0x59: {  	_ =	shalt  }
0x5a: {  	_ =	shalt  }
0x5b: {  	_ =	shalt  }
0x5c: {  	_ =	shalt  }
0x5d: {  	_ =	shalt  }
0x5e: {  	_ =	shalt  }
0x5f: {  	_ =	shalt  }
0x60: {  	_ =	shalt  }
0x61: {  	_ =	shalt  }
0x62: {  	_ =	shalt  }
0x63: {  	_ =	shalt  }
0x64: {  	_ =	shalt  }
0x65: {  	_ =	shalt  }
0x66: {  	_ =	shalt  }
0x67: {  	_ =	shalt  }
0x68: {  	_ =	shalt  }
0x69: {  	_ =	shalt  }
0x6a: {  	_ =	shalt  }
0x6b: {  	_ =	shalt  }
0x6c: {  	_ =	shalt  }
0x6d: {  	_ =	shalt  }
0x6e: {  	_ =	shalt  }
0x6f: {  	_ =	shalt  }
0x70: {  	_ =	shalt  }
0x71: {  	_ =	shalt  }
0x72: {  	_ =	shalt  }
0x73: {  	_ =	shalt  }
0x74: {  	_ =	shalt  }
0x75: {  	_ =	shalt  }
0x76: {  	_ =	shalt  }
0x77: {  	_ =	shalt  }
0x78: {  	_ =	shalt  }
0x79: {  	_ =	shalt  }
0x7a: {  	_ =	shalt  }
0x7b: {  	_ =	shalt  }
0x7c: {  	_ =	shalt  }
0x7d: {  	_ =	shalt  }
0x7e: {  	_ =	shalt  }
0x7f: {  	_ =	shalt  }
0x80: {  	_ =	shalt  }
0x81: {  	_ =	shalt  }
0x82: {  	_ =	shalt  }
0x83: {  	_ =	shalt  }
0x84: {  	_ =	shalt  }
0x85: {  	_ =	shalt  }
0x86: {  	_ =	shalt  }
0x87: {  	_ =	shalt  }
.Lfunc_end0:
.L_simem_size_0:
called_computation.2_lowered:
.L_overlay_start_0:
0x88: {  	s2 =	sld [smem:$0x3FD9]  }
0x89: {  	s3 =	sld [smem:$0x3FFE];
	_ =	sdelay $0x1  }
0x8a: {  	s1 =	srdreg.scid  }
0x8b: {  	s0 =	sand.u32 $0x1, s1  }
0x8c: {  	s16 =	sshll.u32 s0, $0xA;
	s2 =	sadd.s32 s3, s2  }
0x8d: {  	s2 =	sadd.s32 s2, s16  }
0x8e: {  	[smem:$0x3FBF] =	sst s2  }
0x8f: {  	_ = 	snop  }
0x90: {  	(tm) =	ssettm $0x1  }
0x91: {  	s17 =	sld [smem:$0x3FFB];
	_ =	sdelay $0x3  }
0x92: {  	_ =	strace s17  }
0x93: {  	s2 =	sld [smem:$0x3FFC];
	_ =	sdelay $0x3  }
0x94: {  	_ =	strace s2  }
0x95: {  	s2 =	sld [smem:$0x3FFD];
	_ =	sdelay $0x3  }
0x96: {  	_ =	strace s2  }
0x97: {  	_ =	strace $0x8FFFFFFF  }
0x98: {  	s18 =	sld [smem:$0x3FDB];
	_ =	sdelay $0x1  }
0x99: {  	s19 =	simm.s32 $_scs_section_size  }
0x9a: {  	s4 =	simm.s32 $_size__tile_overlayer_lowered;
	s5 =	simm.s32 $_tile_overlayer_lowered  }
0x9b: {  	s22 =	simm.s32 $0x1BFF;
	s21 =	sshll.u32 s5, $0x1;
	s2 =	sadd.s32 s19, s18  }
0x9c: {  	s6 =	simm.s32 $0x0;
	s20 =	sshll.u32 s4, $0x1;
	s4 =	sadd.s32 s21, s2  }
0x9d: {  	[timem:s6], [sflag:s22] =	dma.local [hbm:s4], s20  }
0x9e: {  	_ =	swait.ge [sflag:s22], s20  }
0x9f: {  	s3 =	ssub.s32 $0x0, s20;
	[sflag:s22] =	ssyncset.done $0x0  }
0xa0: {  	[sflag:s22] =	ssyncadd.s32 s3;
	_ =	sdelay $0x1  }
0xa1: {  	s23 =	simm.s32 $0x1B8B  }
0xa2: {  	_ =	swait.ge [sflag:s23], $0x1  }
0xa3: {  	[sflag:s23] =	ssyncset.done $0x0  }
0xa4: {  	s25 =	simm.s32 $0x1B8E;
	s24 =	sld [smem:$0x3FFE];
	[sflag:s23] =	ssyncadd.s32 $0xFFFFFFFF  }
0xa5: {  	s26 =	simm.s32 $execute0_lowered;
	[smem:$0x3FD2] =	sst s25  }
0xa6: {  	s4 =	sshll.u32 s26, $0x1;
	_ =	strace $0x8000004C;
	[dreg:$0x1] =	wrdreg $0xFFFFFFFF  }
0xa7: {  	s28 =	simm.s32 $_size_execute0_lowered;
	s2 =	sadd.s32 s2, s4;
	[dreg:$0x0] =	wrdreg $0x0  }
0xa8: {  	s4 =	sshll.u32 s28, $0x1;
	[dreg:$0x2] =	wrdreg s2  }
0xa9: {  	[dreg:$0x3] =	wrdreg s4  }
0xaa: {  	[dreg:$0x4] =	wrdreg $0xC0  }
0xab: {  	_ =	task [dreg:s6], $0x5FFFF  }
0xac: {  	[dreg:$0x1] =	wrdreg $0xFFFFFFFF  }
0xad: {  	[dreg:$0x0] =	wrdreg $0x60  }
0xae: {  	[dreg:$0x2] =	wrdreg s24  }
0xaf: {  	[dreg:$0x3] =	wrdreg $0x0  }
0xb0: {  	[dreg:$0x4] =	wrdreg $0x9  }
0xb1: {  	_ =	task.clear_ibuf [dreg:s6], $0x5FFFF;
	_ =	strace $0x9000004C  }
0xb2: {  	s29 =	simm.s32 $0x9;
	_ =	strace $0x8000004E  }
0xb3: {  	_ =	swait.ge [sflag:s29], $0x1  }
0xb4: {  	[sflag:s29] =	ssyncadd.s32 $0xFFFFFFFF  }
0xb5: {  	_ =	strace $0x9000004E  }
0xb6: {  	_ =	sfence  }
0xb7: {  	s30 =	sld [smem:$0x0];
	_ =	sdelay $0x2  }
0xb8: {  	s31 =	sshll.u32 s1, $0xD;
	s1 =	sshrl.u32 s1, $0x2  }
0xb9: {  	s3 =	sand.u32 $0x4000, s31;
	s1 =	sadd.s32 s1, s30  }
0xba: {  	s0 =	sor.u32 s3, s0;
	s1 =	sshll.u32 s1, $0x11  }
0xbb: {  	s0 =	sor.u32 s1, s0  }
0xbc: {  	s0 =	sadd.s32 $0x8F2B, s0  }
0xbd: {  	[sflag:s0] =	ssyncadd.remote.s32 $0x1  }
0xbe: {  	_ =	sfence.sel $0xFFFF  }
0xbf: {  	[dreg:$0x0] =	wrdreg $0xFFFFFFFF;
	(pc) =	sbr.abs _section_cstart, $3  }
0xc0: {  	[dreg:$0x1] =	wrdreg $0xFFFFFFFF  }
0xc1: {  	_ =	task.clear_ibuf [dreg:s6], $0x2FFFF;
	_ =	strace $0x9FFFFFFF  }
0xc2: {  	(tm) =	ssettm $0x7FFFFFFF  }
0xc3: {  	_ =	shalt  }
tec
execute0_lowered:
.L_overlay_start_1:
0x0: {  	(tag) =	ssettag $0x1  }
0x1: {  	s0 =	rddreg [dreg:$0x0]  }
0x2: {  	s2 =	srdreg.scid;
	s23 =	stileid.u32  }
0x3: {  	s1 =	simm.s32 $0x0;
	s2 =	sand.u32 $0x1, s2;
	s3 =	smul.u32 $0x18700, s23  }
0x4: {  	[smem:$0x7FF] =	sst s1;
	s5 =	sadd.s32 $0x206800, s0;
	s21 =	smul.u32 $0x61A80, s23  }
0x5: {  	s4 =	ssub.s32 $0x2, s2;
	s19 =	smul.u32 $0x61A800, s2;
	p0 =	seq.s32 s2, $0x1  }
0x6: {  	s2 =	simm.s32 $0x237600;
	s6 =	sshrl.u32 s4, $0x1;
	s7 =	sshrl.u32 s3, $0x3  }
0x7: {  	s9 =	sadd.s32 $0x6400, s3;
	s10 =	sadd.s32 $0x9600, s3;
	s15 =	sadd.s32 $0xFA00, s3  }
0x8: {  	s16 =	sadd.s32 $0x12C00, s3;
	s2 =	simm.s32 @!p0 $0x268400;
	s20 =	sadd.s32 $0x15E00, s3  }
0x9: {  	s30 =	sshrl.u32 s21, $0x3;
	s4 =	ssub.s32 s4, s6;
	s22 =	sadd.s32 s5, s7  }
0xa: {  	s6 =	sadd.s32 $0x3200, s3;
	s24 =	sshrl.u32 s9, $0x3;
	s12 =	sshrl.u32 s10, $0x3  }
0xb: {  	s26 =	sshrl.u32 s15, $0x3;
	[dreg:$0x3] =	wrdreg s22;
	s13 =	sadd.s32 s5, s24  }
0xc: {  	s18 =	sshrl.u32 s16, $0x3;
	s25 =	sadd.s32 s5, s12;
	[dreg:$0x5] =	wrdreg s13  }
0xd: {  	s2 =	sadd.s32 s2, s0;
	s22 =	sadd.s32 s5, s26;
	[dreg:$0x6] =	wrdreg s25  }
0xe: {  	s8 =	sshrl.u32 s6, $0x3;
	s29 =	sadd.s32 s5, s18;
	[dreg:$0x8] =	wrdreg s22  }
0xf: {  	s7 =	sadd.s32 s2, s7;
	s12 =	sadd.s32 s2, s12;
	[dreg:$0x9] =	wrdreg s29  }
0x10: {  	s11 =	sadd.s32 s5, s8;
	s13 =	sadd.s32 $0xC800, s3;
	[dreg:$0xb] =	wrdreg s7  }
0x11: {  	s22 =	sshrl.u32 s20, $0x3;
	s8 =	sadd.s32 s2, s8;
	[dreg:$0xe] =	wrdreg s12  }
0x12: {  	s25 =	sadd.s32 s2, s18;
	s18 =	rddreg [dreg:$0x1];
	s29 =	smul.u32 $0xC350, s23  }
0x13: {  	s23 =	sadd.s32 $0x2B1A00, s0;
	s7 =	simm.s32 $0x18D40;
	[dreg:$0x4] =	wrdreg s11  }
0x14: {  	s14 =	sshrl.u32 s13, $0x3;
	[dreg:$0xc] =	wrdreg s8;
	s11 =	sadd.s32 s2, s24  }
0x15: {  	s24 =	sadd.s32 s2, s26;
	[dreg:$0x11] =	wrdreg s25;
	s26 =	sadd.s32 $0xC8E00, s0  }
0x16: {  	s6 =	sadd.s32 s6, s18;
	s25 =	sadd.s32 s9, s18;
	s10 =	sadd.s32 s10, s18  }
0x17: {  	s31 =	sadd.s32 s13, s18;
	s12 =	sadd.s32 s15, s18;
	s28 =	sadd.s32 s20, s18  }
0x18: {  	s8 =	simm.s32 $0x5;
	s9 =	simm.s32 $0x18700;
	[dreg:$0xd] =	wrdreg s11  }
0x19: {  	s13 =	simm.s32 $0x320;
	s17 =	sadd.s32 s5, s14;
	[dreg:$0x10] =	wrdreg s24  }
0x1a: {  	s5 =	sadd.s32 s5, s22;
	s30 =	sadd.s32 s26, s30;
	[dreg:$0x7] =	wrdreg s17  }
0x1b: {  	s24 =	sadd.s32 s3, s18;
	s11 =	simm.s32 $0x1;
	[dreg:$0xa] =	wrdreg s5  }
0x1c: {  	s5 =	sadd.s32 s21, s19;
	s21 =	sadd.s32 s2, s14;
	s2 =	sadd.s32 s2, s22  }
0x1d: {  	s22 =	sadd.s32 $0x1A4C00, s0;
	s19 =	smax.u32 s4, $0x1;
	[dreg:$0xf] =	wrdreg s21  }
0x1e: {  	[dreg:$0x12] =	wrdreg s2;
	s21 =	sadd.s32 s29, s26;
	s26 =	sadd.s32 s16, s18  }
0x1f: {  	s20 =	sadd.s32 $0x640, s5;
	_ =	strace $0x8000004D;
	[dreg:$0x18] =	wrdreg s19  }
0x20: {  	s14 =	sshrl.u32 s5, $0x3;
	s15 =	sadd.s32 $0x960, s5;
	[dreg:$0x19] =	wrdreg s20  }
0x21: {  	s5 =	smov.u32 s10;
	s10 =	simm.s32 $0x18A20;
	[dreg:$0x13] =	wrdreg s30  }
0x22: {  	s2 =	simm.s32 $0x0;
	s16 =	sadd.s32 s23, s14;
	[dreg:$0x14] =	wrdreg s26  }
0x23: {  	s17 =	sshrl.u32 s15, $0x3;
	s30 =	sadd.s32 $0x64, s30;
	[dreg:$0x15] =	wrdreg s24  }
0x24: {  	s14 =	simm.s32 $0x1BF40;
	s15 =	simm.s32 $0x1C260;
	[dreg:$0x16] =	wrdreg s28  }
0x25: {  	s19 =	simm.s32 $0x1C580;
	s20 =	simm.s32 $0x4;
	[dreg:$0x17] =	wrdreg s16  }
0x26: {  	s3 =	sadd.s32 s17, s23;
	s29 =	sadd.s32 $0x64, s16;
	[dreg:$0x1b] =	wrdreg s30  }
0x27: {  	s16 =	simm.s32 $0x2;
	s17 =	simm.s32 $0x3;
	[dreg:$0x1a] =	wrdreg s29  }
.LBB2_1:
0x28: {  	s0 =	rddreg [dreg:$0x3]  }
0x29: {  	[tilespmem:s7], [sflag:$0x5] =	stream.linear.gather [hbm4b:s0+s1], $0x3200, $0x38;
	[tilespmem:$0x1F780] =	vst v63  }
0x2a: {  	_ =	swait.ge [sflag:s8], $0x3200  }
0x2b: {  	[sflag:s8] =	ssyncset.done $0x0  }
0x2c: {  	[sflag:s8] =	ssyncadd.s32 $0xFFFFCE00  }
0x2d: {  	[spmem:s24] =	stream.linear.scatter [tilespmem:s7], [sflag:$0x5], $0x3200, $0x38;
	[tilespmem:$0x1F780] =	vst v63  }
0x2e: {  	_ =	swait.ge [sflag:s8], $0x3200  }
0x2f: {  	[sflag:s8] =	ssyncset.done $0x0  }
0x30: {  	s4 =	rddreg [dreg:$0x4];
	[sflag:s8] =	ssyncadd.s32 $0xFFFFCE00  }
0x31: {  	[tilespmem:s7], [sflag:$0x5] =	stream.linear.gather [hbm4b:s4+s1], $0x3200, $0x38;
	[tilespmem:$0x1F780] =	vst v63  }
0x32: {  	_ =	swait.ge [sflag:s8], $0x3200  }
0x33: {  	[sflag:s8] =	ssyncset.done $0x0  }
0x34: {  	[sflag:s8] =	ssyncadd.s32 $0xFFFFCE00  }
0x35: {  	[spmem:s6] =	stream.linear.scatter [tilespmem:s7], [sflag:$0x5], $0x3200, $0x38;
	[tilespmem:$0x1F780] =	vst v63  }
0x36: {  	_ =	swait.ge [sflag:s8], $0x3200  }
0x37: {  	s24 =	smov.u32 s28;
	[sflag:s8] =	ssyncset.done $0x0  }
0x38: {  	s28 =	smov.u32 s6;
	s6 =	rddreg [dreg:$0x5];
	[sflag:s8] =	ssyncadd.s32 $0xFFFFCE00  }
0x39: {  	[tilespmem:s7], [sflag:$0x5] =	stream.linear.gather [hbm4b:s6+s1], $0x3200, $0x38;
	[tilespmem:$0x1F780] =	vst v63  }
0x3a: {  	_ =	swait.ge [sflag:s8], $0x3200  }
0x3b: {  	[sflag:s8] =	ssyncset.done $0x0  }
0x3c: {  	[sflag:s8] =	ssyncadd.s32 $0xFFFFCE00  }
0x3d: {  	[spmem:s25] =	stream.linear.scatter [tilespmem:s7], [sflag:$0x5], $0x3200, $0x38;
	[tilespmem:$0x1F780] =	vst v63  }
0x3e: {  	_ =	swait.ge [sflag:s8], $0x3200  }
0x3f: {  	[sflag:s8] =	ssyncset.done $0x0  }
0x40: {  	s4 =	rddreg [dreg:$0x6];
	[sflag:s8] =	ssyncadd.s32 $0xFFFFCE00  }
0x41: {  	[tilespmem:s7], [sflag:$0x5] =	stream.linear.gather [hbm4b:s4+s1], $0x3200, $0x38;
	[tilespmem:$0x1F780] =	vst v63  }
0x42: {  	_ =	swait.ge [sflag:s8], $0x3200  }
0x43: {  	[sflag:s8] =	ssyncset.done $0x0  }
0x44: {  	[sflag:s8] =	ssyncadd.s32 $0xFFFFCE00  }
0x45: {  	[spmem:s5] =	stream.linear.scatter [tilespmem:s7], [sflag:$0x5], $0x3200, $0x38;
	[tilespmem:$0x1F780] =	vst v63  }
0x46: {  	_ =	swait.ge [sflag:s8], $0x3200  }
0x47: {  	[sflag:s8] =	ssyncset.done $0x0  }
0x48: {  	s6 =	rddreg [dreg:$0x7];
	[sflag:s8] =	ssyncadd.s32 $0xFFFFCE00  }
0x49: {  	[tilespmem:s7], [sflag:$0x5] =	stream.linear.gather [hbm4b:s6+s1], $0x3200, $0x38;
	[tilespmem:$0x1F780] =	vst v63  }
0x4a: {  	_ =	swait.ge [sflag:s8], $0x3200  }
0x4b: {  	[sflag:s8] =	ssyncset.done $0x0  }
0x4c: {  	[sflag:s8] =	ssyncadd.s32 $0xFFFFCE00  }
0x4d: {  	[spmem:s31] =	stream.linear.scatter [tilespmem:s7], [sflag:$0x5], $0x3200, $0x38;
	[tilespmem:$0x1F780] =	vst v63  }
0x4e: {  	_ =	swait.ge [sflag:s8], $0x3200  }
0x4f: {  	[sflag:s8] =	ssyncset.done $0x0  }
0x50: {  	s4 =	rddreg [dreg:$0x8];
	[sflag:s8] =	ssyncadd.s32 $0xFFFFCE00  }
0x51: {  	[tilespmem:s7], [sflag:$0x5] =	stream.linear.gather [hbm4b:s4+s1], $0x3200, $0x38;
	[tilespmem:$0x1F780] =	vst v63  }
0x52: {  	_ =	swait.ge [sflag:s8], $0x3200  }
0x53: {  	[sflag:s8] =	ssyncset.done $0x0  }
0x54: {  	s29 =	smov.u32 s25;
	s25 =	smov.u32 s12;
	[sflag:s8] =	ssyncadd.s32 $0xFFFFCE00  }
0x55: {  	[spmem:s25] =	stream.linear.scatter [tilespmem:s7], [sflag:$0x5], $0x3200, $0x38;
	[tilespmem:$0x1F780] =	vst v63  }
0x56: {  	_ =	swait.ge [sflag:s8], $0x3200  }
0x57: {  	[sflag:s8] =	ssyncset.done $0x0  }
0x58: {  	s30 =	smov.u32 s5;
	s5 =	rddreg [dreg:$0x9];
	[sflag:s8] =	ssyncadd.s32 $0xFFFFCE00  }
0x59: {  	[tilespmem:s7], [sflag:$0x5] =	stream.linear.gather [hbm4b:s5+s1], $0x3200, $0x38;
	[tilespmem:$0x1F780] =	vst v63  }
0x5a: {  	_ =	swait.ge [sflag:s8], $0x3200  }
0x5b: {  	[sflag:s8] =	ssyncset.done $0x0  }
0x5c: {  	[sflag:s8] =	ssyncadd.s32 $0xFFFFCE00  }
0x5d: {  	[spmem:s26] =	stream.linear.scatter [tilespmem:s7], [sflag:$0x5], $0x3200, $0x38;
	[tilespmem:$0x1F780] =	vst v63  }
0x5e: {  	_ =	swait.ge [sflag:s8], $0x3200  }
0x5f: {  	[sflag:s8] =	ssyncset.done $0x0  }
0x60: {  	s6 =	rddreg [dreg:$0xa];
	[sflag:s8] =	ssyncadd.s32 $0xFFFFCE00  }
0x61: {  	[tilespmem:s7], [sflag:$0x5] =	stream.linear.gather [hbm4b:s6+s1], $0x2900, $0x38;
	[tilespmem:$0x1F780] =	vst v63  }
0x62: {  	_ =	swait.ge [sflag:s8], $0x2900  }
0x63: {  	[sflag:s8] =	ssyncset.done $0x0  }
0x64: {  	[sflag:s8] =	ssyncadd.s32 $0xFFFFD700  }
0x65: {  	[spmem:s24] =	stream.linear.scatter [tilespmem:s7], [sflag:$0x5], $0x2900, $0x38;
	[tilespmem:$0x1F780] =	vst v63  }
0x66: {  	_ =	swait.ge [sflag:s8], $0x2900  }
0x67: {  	[sflag:s8] =	ssyncset.done $0x0  }
0x68: {  	[sflag:s8] =	ssyncadd.s32 $0xFFFFD700  }
0x69: {  	[bflag:$0x0] =	sbarrier.arrive $0xFFFF  }
0x6a: {  	s4 =	smov.u32 s25;
	s25 =	rddreg [dreg:$0x17]  }
0x6b: {  	[tilespmem:s9], [sflag:$0x1] =	stream.linear.gather [hbm4b:s25+s1], $0x320, $0x38;
	[tilespmem:$0x1F780] =	vst v63  }
0x6c: {  	s26 =	rddreg [dreg:$0x13]  }
0x6d: {  	[tilespmem:s10], [sflag:$0x1] =	stream.linear.gather [hbm4b:s26+s1], $0x320, $0x38;
	[tilespmem:$0x1F780] =	vst v63  }
0x6e: {  	_ =	swait.ge [sflag:s11], $0x320  }
0x6f: {  	[sflag:s11] =	ssyncset.done $0x0  }
0x70: {  	[sflag:s11] =	ssyncadd.s32 $0xFFFFFCE0  }
0x71: {  	[tilespmem:s7], [sflag:$0x2] =	stream.indirect.gather [hbm4b:s22+s13], $0x10, s9, s13, $0xb8;
	[tilespmem:$0x1F780] =	vst v63  }
0x72: {  	s12 =	smov.u32 s31;
	s31 =	rddreg [dreg:$0x1a]  }
0x73: {  	[tilespmem:s14], [sflag:$0x3] =	stream.linear.gather [hbm4b:s31+s1], $0x320, $0x38;
	[tilespmem:$0x1F780] =	vst v63  }
0x74: {  	s5 =	rddreg [dreg:$0x1b]  }
0x75: {  	[tilespmem:s15], [sflag:$0x3] =	stream.linear.gather [hbm4b:s5+s1], $0x320, $0x38;
	[tilespmem:$0x1F780] =	vst v63  }
0x76: {  	_ =	swait.ge [sflag:s16], $0x3200  }
0x77: {  	[sflag:s16] =	ssyncset.done $0x0  }
0x78: {  	[sflag:s16] =	ssyncadd.s32 $0xFFFFCE00  }
0x79: {  	_ =	swait.ge [sflag:s17], $0x320  }
0x7a: {  	[sflag:s17] =	ssyncset.done $0x0  }
0x7b: {  	[sflag:s17] =	ssyncadd.s32 $0xFFFFFCE0  }
0x7c: {  	[tilespmem:s19], [sflag:$0x4] =	stream.indirect.gather [hbm4b:s22+s13], $0x10, s14, s13, $0xb8;
	[tilespmem:$0x1F780] =	vst v63  }
0x7d: {  	_ =	swait.ge [sflag:s11], $0x320  }
0x7e: {  	[sflag:s11] =	ssyncset.done $0x0  }
0x7f: {  	[sflag:s11] =	ssyncadd.s32 $0xFFFFFCE0  }
0x80: {  	[spmem:s18] =	stream.indirect.scatter.add.f32 [tilespmem:s7], [sflag:$0x5], $0x10, s10, s13, $0xb8;
	[tilespmem:$0x1F780] =	vst v63  }
0x81: {  	_ =	swait.ge [sflag:s8], $0x3200  }
0x82: {  	s24 =	rddreg [dreg:$0x19]  }
0x83: {  	[sflag:s8] =	ssyncset.done $0x0;
	s6 =	sshrl.u32 s24, $0x3  }
0x84: {  	s25 =	sadd.s32 $0x0, s21;
	[sflag:s8] =	ssyncadd.s32 $0xFFFFCE00;
	s0 =	sadd.s32 s23, s6  }
0x85: {  	[tilespmem:s9], [sflag:$0x1] =	stream.linear.gather [hbm4b:s0+s1], $0x320, $0x38;
	[tilespmem:$0x1F780] =	vst v63  }
0x86: {  	s26 =	sadd.s32 $0xC8, s25  }
0x87: {  	[tilespmem:s10], [sflag:$0x1] =	stream.linear.gather [hbm4b:s26+s1], $0x320, $0x38;
	[tilespmem:$0x1F780] =	vst v63  }
0x88: {  	_ =	swait.ge [sflag:s20], $0x3200  }
0x89: {  	[sflag:s20] =	ssyncset.done $0x0  }
0x8a: {  	[sflag:s20] =	ssyncadd.s32 $0xFFFFCE00  }
0x8b: {  	_ =	swait.ge [sflag:s11], $0x320  }
0x8c: {  	[sflag:s11] =	ssyncset.done $0x0  }
0x8d: {  	[sflag:s11] =	ssyncadd.s32 $0xFFFFFCE0  }
0x8e: {  	[tilespmem:s7], [sflag:$0x2] =	stream.indirect.gather [hbm4b:s22+s13], $0x10, s9, s13, $0xb8;
	[tilespmem:$0x1F780] =	vst v63  }
0x8f: {  	_ =	swait.ge [sflag:s17], $0x320  }
0x90: {  	[sflag:s17] =	ssyncset.done $0x0  }
0x91: {  	[sflag:s17] =	ssyncadd.s32 $0xFFFFFCE0  }
0x92: {  	[spmem:s18] =	stream.indirect.scatter.add.f32 [tilespmem:s19], [sflag:$0x5], $0x10, s15, s13, $0xb8;
	[tilespmem:$0x1F780] =	vst v63  }
0x93: {  	_ =	swait.ge [sflag:s8], $0x3200  }
0x94: {  	s31 =	sadd.s32 $0x0, s3;
	s5 =	simm.s32 $0xC8;
	[sflag:s8] =	ssyncset.done $0x0  }
0x95: {  	s6 =	sadd.s32 $0x640, s24;
	s0 =	sadd.s32 $0x12C, s25;
	[sflag:s8] =	ssyncadd.s32 $0xFFFFCE00  }
0x96: {  	[tilespmem:s14], [sflag:$0x3] =	stream.linear.gather [hbm4b:s31+s1], $0x320, $0x38;
	[tilespmem:$0x1F780] =	vst v63  }
.LBB2_2:
0x97: {  	[tilespmem:s15], [sflag:$0x3] =	stream.linear.gather [hbm4b:s0+s1], $0x320, $0x38;
	[tilespmem:$0x1F780] =	vst v63  }
0x98: {  	s0 =	smov.u32 s5  }
0x99: {  	p0 =	sne.s32 s5, $0xC1C0;
	s5 =	sadd.s32 $0xC8, s5;
	_ =	swait.ge [sflag:s16], $0x3200  }
0x9a: {  	[sflag:s16] =	ssyncset.done $0x0  }
0x9b: {  	[sflag:s16] =	ssyncadd.s32 $0xFFFFCE00  }
0x9c: {  	_ =	swait.ge [sflag:s17], $0x320  }
0x9d: {  	[sflag:s17] =	ssyncset.done $0x0  }
0x9e: {  	[sflag:s17] =	ssyncadd.s32 $0xFFFFFCE0  }
0x9f: {  	[tilespmem:s19], [sflag:$0x4] =	stream.indirect.gather [hbm4b:s22+s13], $0x10, s14, s13, $0xb8;
	[tilespmem:$0x1F780] =	vst v63  }
0xa0: {  	_ =	swait.ge [sflag:s11], $0x320  }
0xa1: {  	[sflag:s11] =	ssyncset.done $0x0  }
0xa2: {  	[sflag:s11] =	ssyncadd.s32 $0xFFFFFCE0  }
0xa3: {  	[spmem:s18] =	stream.indirect.scatter.add.f32 [tilespmem:s7], [sflag:$0x5], $0x10, s10, s13, $0xb8;
	[tilespmem:$0x1F780] =	vst v63  }
0xa4: {  	_ =	swait.ge [sflag:s8], $0x3200  }
0xa5: {  	s24 =	sshrl.u32 s6, $0x3;
	[sflag:s8] =	ssyncset.done $0x0  }
0xa6: {  	s24 =	sadd.s32 s23, s24;
	s25 =	sadd.s32 s0, s21;
	[sflag:s8] =	ssyncadd.s32 $0xFFFFCE00  }
0xa7: {  	[tilespmem:s9], [sflag:$0x1] =	stream.linear.gather [hbm4b:s24+s1], $0x320, $0x38;
	[tilespmem:$0x1F780] =	vst v63  }
0xa8: {  	s24 =	sadd.s32 $0xC8, s25  }
0xa9: {  	[tilespmem:s10], [sflag:$0x1] =	stream.linear.gather [hbm4b:s24+s1], $0x320, $0x38;
	[tilespmem:$0x1F780] =	vst v63  }
0xaa: {  	_ =	swait.ge [sflag:s20], $0x3200  }
0xab: {  	[sflag:s20] =	ssyncset.done $0x0  }
0xac: {  	[sflag:s20] =	ssyncadd.s32 $0xFFFFCE00  }
0xad: {  	_ =	swait.ge [sflag:s11], $0x320  }
0xae: {  	[sflag:s11] =	ssyncset.done $0x0  }
0xaf: {  	[sflag:s11] =	ssyncadd.s32 $0xFFFFFCE0  }
0xb0: {  	[tilespmem:s7], [sflag:$0x2] =	stream.indirect.gather [hbm4b:s22+s13], $0x10, s9, s13, $0xb8;
	[tilespmem:$0x1F780] =	vst v63  }
0xb1: {  	_ =	swait.ge [sflag:s17], $0x320  }
0xb2: {  	[sflag:s17] =	ssyncset.done $0x0  }
0xb3: {  	[sflag:s17] =	ssyncadd.s32 $0xFFFFFCE0  }
0xb4: {  	[spmem:s18] =	stream.indirect.scatter.add.f32 [tilespmem:s19], [sflag:$0x5], $0x10, s15, s13, $0xb8;
	[tilespmem:$0x1F780] =	vst v63  }
.Ltmp0:
0xb5: {  	_ =	swait.ge [sflag:s8], $0x3200;
	(pc) =	sbr.rel @p0 .LBB2_2-.Ltmp0, $4  }
0xb6: {  	[sflag:s8] =	ssyncset.done $0x0  }
0xb7: {  	s0 =	sadd.s32 s0, s3;
	[sflag:s8] =	ssyncadd.s32 $0xFFFFCE00  }
0xb8: {  	[tilespmem:s14], [sflag:$0x3] =	stream.linear.gather [hbm4b:s0+s1], $0x320, $0x38;
	[tilespmem:$0x1F780] =	vst v63  }
0xb9: {  	s6 =	sadd.s32 $0x640, s6;
	s0 =	sadd.s32 $0x12C, s25  }
0xba: {  	[tilespmem:s15], [sflag:$0x3] =	stream.linear.gather [hbm4b:s0+s1], $0x320, $0x38;
	[tilespmem:$0x1F780] =	vst v63  }
0xbb: {  	_ =	swait.ge [sflag:s16], $0x3200  }
0xbc: {  	[sflag:s16] =	ssyncset.done $0x0  }
0xbd: {  	[sflag:s16] =	ssyncadd.s32 $0xFFFFCE00  }
0xbe: {  	_ =	swait.ge [sflag:s17], $0x320  }
0xbf: {  	[sflag:s17] =	ssyncset.done $0x0  }
0xc0: {  	[sflag:s17] =	ssyncadd.s32 $0xFFFFFCE0  }
0xc1: {  	[tilespmem:s19], [sflag:$0x4] =	stream.indirect.gather [hbm4b:s22+s13], $0x10, s14, s13, $0xb8;
	[tilespmem:$0x1F780] =	vst v63  }
0xc2: {  	_ =	swait.ge [sflag:s11], $0x320  }
0xc3: {  	[sflag:s11] =	ssyncset.done $0x0  }
0xc4: {  	[sflag:s11] =	ssyncadd.s32 $0xFFFFFCE0  }
0xc5: {  	[spmem:s18] =	stream.indirect.scatter.add.f32 [tilespmem:s7], [sflag:$0x5], $0x10, s10, s13, $0xb8;
	[tilespmem:$0x1F780] =	vst v63  }
0xc6: {  	_ =	swait.ge [sflag:s8], $0x3200  }
0xc7: {  	[sflag:s8] =	ssyncset.done $0x0  }
0xc8: {  	[sflag:s8] =	ssyncadd.s32 $0xFFFFCE00  }
0xc9: {  	_ =	swait.ge [sflag:s20], $0x3200  }
0xca: {  	[sflag:s20] =	ssyncset.done $0x0  }
0xcb: {  	[sflag:s20] =	ssyncadd.s32 $0xFFFFCE00  }
0xcc: {  	_ =	swait.ge [sflag:s17], $0x320  }
0xcd: {  	[sflag:s17] =	ssyncset.done $0x0  }
0xce: {  	[sflag:s17] =	ssyncadd.s32 $0xFFFFFCE0  }
0xcf: {  	[spmem:s18] =	stream.indirect.scatter.add.f32 [tilespmem:s19], [sflag:$0x5], $0x10, s15, s13, $0xb8;
	[tilespmem:$0x1F780] =	vst v63  }
0xd0: {  	_ =	swait.ge [sflag:s8], $0x3200  }
0xd1: {  	[sflag:s8] =	ssyncset.done $0x0  }
0xd2: {  	[sflag:s8] =	ssyncadd.s32 $0xFFFFCE00  }
0xd3: {  	[bflag:$0x0] =	sbarrier.arrive $0xFFFF  }
0xd4: {  	s24 =	rddreg [dreg:$0x15]  }
0xd5: {  	[tilespmem:s7], [sflag:$0x5] =	stream.linear.gather [spmem:s24], $0x3200, $0x38;
	[tilespmem:$0x1F780] =	vst v63  }
0xd6: {  	_ =	swait.ge [sflag:s8], $0x3200  }
0xd7: {  	[sflag:s8] =	ssyncset.done $0x0  }
0xd8: {  	s25 =	rddreg [dreg:$0xb];
	[sflag:s8] =	ssyncadd.s32 $0xFFFFCE00  }
0xd9: {  	[hbm4b:s25+s1] =	stream.linear.scatter [tilespmem:s7], [sflag:$0x5], $0x3200, $0x38;
	[tilespmem:$0x1F780] =	vst v63  }
0xda: {  	_ =	swait.ge [sflag:s8], $0x3200  }
0xdb: {  	[sflag:s8] =	ssyncset.done $0x0  }
0xdc: {  	[sflag:s8] =	ssyncadd.s32 $0xFFFFCE00  }
0xdd: {  	[tilespmem:s7], [sflag:$0x5] =	stream.linear.gather [spmem:s28], $0x3200, $0x38;
	[tilespmem:$0x1F780] =	vst v63  }
0xde: {  	_ =	swait.ge [sflag:s8], $0x3200  }
0xdf: {  	[sflag:s8] =	ssyncset.done $0x0  }
0xe0: {  	s26 =	rddreg [dreg:$0xc];
	[sflag:s8] =	ssyncadd.s32 $0xFFFFCE00  }
0xe1: {  	[hbm4b:s26+s1] =	stream.linear.scatter [tilespmem:s7], [sflag:$0x5], $0x3200, $0x38;
	[tilespmem:$0x1F780] =	vst v63  }
0xe2: {  	_ =	swait.ge [sflag:s8], $0x3200  }
0xe3: {  	[sflag:s8] =	ssyncset.done $0x0  }
0xe4: {  	[sflag:s8] =	ssyncadd.s32 $0xFFFFCE00  }
0xe5: {  	[tilespmem:s7], [sflag:$0x5] =	stream.linear.gather [spmem:s29], $0x3200, $0x38;
	[tilespmem:$0x1F780] =	vst v63  }
0xe6: {  	_ =	swait.ge [sflag:s8], $0x3200  }
0xe7: {  	[sflag:s8] =	ssyncset.done $0x0  }
0xe8: {  	s5 =	rddreg [dreg:$0xd];
	[sflag:s8] =	ssyncadd.s32 $0xFFFFCE00  }
0xe9: {  	[hbm4b:s5+s1] =	stream.linear.scatter [tilespmem:s7], [sflag:$0x5], $0x3200, $0x38;
	[tilespmem:$0x1F780] =	vst v63  }
0xea: {  	_ =	swait.ge [sflag:s8], $0x3200  }
0xeb: {  	[sflag:s8] =	ssyncset.done $0x0  }
0xec: {  	[sflag:s8] =	ssyncadd.s32 $0xFFFFCE00  }
0xed: {  	[tilespmem:s7], [sflag:$0x5] =	stream.linear.gather [spmem:s30], $0x3200, $0x38;
	[tilespmem:$0x1F780] =	vst v63  }
0xee: {  	_ =	swait.ge [sflag:s8], $0x3200  }
0xef: {  	[sflag:s8] =	ssyncset.done $0x0  }
0xf0: {  	s26 =	rddreg [dreg:$0xe];
	[sflag:s8] =	ssyncadd.s32 $0xFFFFCE00  }
0xf1: {  	[hbm4b:s26+s1] =	stream.linear.scatter [tilespmem:s7], [sflag:$0x5], $0x3200, $0x38;
	[tilespmem:$0x1F780] =	vst v63  }
0xf2: {  	_ =	swait.ge [sflag:s8], $0x3200  }
0xf3: {  	[sflag:s8] =	ssyncset.done $0x0  }
0xf4: {  	[sflag:s8] =	ssyncadd.s32 $0xFFFFCE00  }
0xf5: {  	[tilespmem:s7], [sflag:$0x5] =	stream.linear.gather [spmem:s12], $0x3200, $0x38;
	[tilespmem:$0x1F780] =	vst v63  }
0xf6: {  	_ =	swait.ge [sflag:s8], $0x3200  }
0xf7: {  	[sflag:s8] =	ssyncset.done $0x0  }
0xf8: {  	s25 =	smov.u32 s29;
	s29 =	rddreg [dreg:$0xf];
	[sflag:s8] =	ssyncadd.s32 $0xFFFFCE00  }
0xf9: {  	[hbm4b:s29+s1] =	stream.linear.scatter [tilespmem:s7], [sflag:$0x5], $0x3200, $0x38;
	[tilespmem:$0x1F780] =	vst v63  }
0xfa: {  	_ =	swait.ge [sflag:s8], $0x3200  }
0xfb: {  	[sflag:s8] =	ssyncset.done $0x0  }
0xfc: {  	[sflag:s8] =	ssyncadd.s32 $0xFFFFCE00  }
0xfd: {  	[tilespmem:s7], [sflag:$0x5] =	stream.linear.gather [spmem:s4], $0x3200, $0x38;
	[tilespmem:$0x1F780] =	vst v63  }
0xfe: {  	_ =	swait.ge [sflag:s8], $0x3200  }
0xff: {  	[sflag:s8] =	ssyncset.done $0x0  }
0x100: {  	s5 =	smov.u32 s30;
	s30 =	rddreg [dreg:$0x10];
	[sflag:s8] =	ssyncadd.s32 $0xFFFFCE00  }
0x101: {  	[hbm4b:s30+s1] =	stream.linear.scatter [tilespmem:s7], [sflag:$0x5], $0x3200, $0x38;
	[tilespmem:$0x1F780] =	vst v63  }
0x102: {  	_ =	swait.ge [sflag:s8], $0x3200  }
0x103: {  	[sflag:s8] =	ssyncset.done $0x0  }
0x104: {  	s26 =	rddreg [dreg:$0x14];
	[sflag:s8] =	ssyncadd.s32 $0xFFFFCE00  }
0x105: {  	[tilespmem:s7], [sflag:$0x5] =	stream.linear.gather [spmem:s26], $0x3200, $0x38;
	[tilespmem:$0x1F780] =	vst v63  }
0x106: {  	_ =	swait.ge [sflag:s8], $0x3200  }
0x107: {  	s31 =	smov.u32 s12;
	[sflag:s8] =	ssyncset.done $0x0  }
0x108: {  	s12 =	smov.u32 s4;
	s4 =	rddreg [dreg:$0x11];
	[sflag:s8] =	ssyncadd.s32 $0xFFFFCE00  }
0x109: {  	[hbm4b:s4+s1] =	stream.linear.scatter [tilespmem:s7], [sflag:$0x5], $0x3200, $0x38;
	[tilespmem:$0x1F780] =	vst v63  }
0x10a: {  	_ =	swait.ge [sflag:s8], $0x3200  }
0x10b: {  	[sflag:s8] =	ssyncset.done $0x0  }
0x10c: {  	s6 =	smov.u32 s28;
	s28 =	rddreg [dreg:$0x16];
	[sflag:s8] =	ssyncadd.s32 $0xFFFFCE00  }
0x10d: {  	[tilespmem:s7], [sflag:$0x5] =	stream.linear.gather [spmem:s28], $0x2900, $0x38;
	[tilespmem:$0x1F780] =	vst v63  }
0x10e: {  	_ =	swait.ge [sflag:s8], $0x2900  }
0x10f: {  	[sflag:s8] =	ssyncset.done $0x0  }
0x110: {  	s29 =	rddreg [dreg:$0x12];
	[sflag:s8] =	ssyncadd.s32 $0xFFFFD700  }
0x111: {  	[hbm4b:s29+s1] =	stream.linear.scatter [tilespmem:s7], [sflag:$0x5], $0x2900, $0x38;
	[tilespmem:$0x1F780] =	vst v63  }
0x112: {  	_ =	swait.ge [sflag:s8], $0x2900  }
0x113: {  	s2 =	sadd.s32 $0x1, s2;
	s30 =	rddreg [dreg:$0x18]  }
0x114: {  	p0 =	sne.s32 s2, s30  }
.Ltmp1:
0x115: {  	_ = 	snop;
	(pc) =	sbr.rel @p0 .LBB2_1-.Ltmp1, $3  }
0x116: {  	_ =	sdelay $0x1  }
0x117: {  	[sflag:s8] =	ssyncset.done $0x0  }
0x118: {  	[sflag:s8] =	ssyncadd.s32 $0xFFFFD700  }
0x119: {  	_ =	sfence.sel $0x180000  }
0x11a: {  	[bflag:$0x0] =	sbarrier.arrive $0xFFFF  }
0x11b: {  	_ =	strace $0x9000004D  }
0x11c: {  	s0 =	stileid.u32;
	[bflag:$0x2] =	sbarrier.arrive $0xFFFF  }
0x11d: {  	p0 =	sne.s32 s0, $0x0;
	s0 =	rddreg [dreg:$0x2]  }
0x11e: {  	s0 =	sadd.s32 @!p0 $0x100000, s0  }
0x11f: {  	[sflag:s0] =	ssyncadd.tile.s32 @!p0 $0x1;
	_ =	shalt  }
.Lfunc_end2:
_tile_overlayer_lowered:
.L_overlay_start_2:
0x120: {  	(tag) =	ssettag $0x2  }
0x121: {  	s0 =	rddreg [dreg:$0x0];
	s2 =	stileid.u32  }
0x122: {  	s1 =	rddreg [dreg:$0x1];
	p0 =	sne.s32 s2, $0x0  }
0x123: {  	s3 =	rddreg [dreg:$0x2];
	[bflag:$0x3] =	sbarrier.arrive $0xFFFF;
	s2 =	simm.s32 @!p0 $0x1C05  }
0x124: {  	[timem:s3], [sflag:s2] =	dma.local @!p0 [hbm:s0], s1  }
0x125: {  	s0 =	simm.s32 @!p0 $0x5  }
0x126: {  	_ =	swait.ge @!p0 [sflag:s0], s1  }
0x127: {  	s1 =	ssub.s32 @!p0 $0x0, s1;
	[sflag:s0] =	ssyncset.done @!p0 $0x0  }
0x128: {  	[sflag:s0] =	ssyncadd.s32 @!p0 s1  }
0x129: {  	[bflag:$0x3] =	sbarrier.arrive $0xFFFF  }
0x12a: {  	_ =	shalt  }

// kernel: kernel.19.cloned.1.call-start
scs
__scs_entry_jumppad:
0x0: {  	(pc) =	sbr.rel $0x88, $3  }
0x1: {  	(tag) =	ssettag $0x0;
	lr =	simm.s32 $0x1  }
0x2: {  	[smem:$0x3F98] =	sst lr;
	_ =	strace $0xD0000000  }
0x3: {  	_ = 	snop  }
0x4: {  	_ = 	snop  }
0x5: {  	_ = 	snop  }
0x6: {  	_ = 	snop  }
0x7: {  	_ = 	snop  }
__scs_overlays_trampoline_lowered:
0x8: {  	[smem:$0x3FA7] =	sst s0  }
0x9: {  	[smem:$0x3FA8] =	sst s1  }
0xa: {  	[smem:$0x3FA9] =	sst s2  }
0xb: {  	[smem:$0x3FAA] =	sst s3  }
0xc: {  	[smem:$0x3FAB] =	sst s4  }
0xd: {  	[smem:$0x3FAC] =	sst s5  }
0xe: {  	[smem:$0x3FAD] =	sst s6  }
0xf: {  	[smem:$0x3FAE] =	sst s7  }
0x10: {  	[smem:$0x3FAF] =	sst s8  }
0x11: {  	[smem:$0x3FB0] =	sst s9;
	s0 =	simm.s32 @!p0 $0x0  }
0x12: {  	s1 =	sld [smem:$0x3F96];
	s0 =	simm.s32 @p0 $0x1  }
0x13: {  	[smem:$0x3FB1] =	sst s0;
	s0 =	simm.s32 @!p1 $0x0  }
0x14: {  	s2 =	sld [smem:$0x3F95];
	s0 =	simm.s32 @p1 $0x1  }
0x15: {  	[smem:$0x3FB2] =	sst s0;
	s0 =	simm.s32 @!p2 $0x0  }
0x16: {  	s3 =	sld [smem:$0x3FDB];
	s0 =	simm.s32 @p2 $0x1  }
0x17: {  	s4 =	simm.s32 $0x1BF5;
	[smem:$0x3FB4] =	sst s0  }
0x18: {  	s0 =	sld [smem:$0x3F97];
	_ =	swait.ge [sflag:s4], $0x0  }
0x19: {  	s7 =	sld [smem:$0x3F98]  }
0x1a: {  	s8 =	sadd.s32 $0xFFFFE003, lr  }
0x1b: {  	s9 =	sadd.s32 $0xFFFFFEF7, lr;
	s5 =	simm.s32 $0xFFFFFFFF;
	p2 =	slt.u32 s8, $0xFFFFF086  }
0x1c: {  	p1 =	slt.u32 s9, $0xF7A;
	s5 =	simm.s32 @!p2 $0x0  }
0x1d: {  	s5 =	simm.s32 @p1 $0x1;
	p0 =	seq.s32 s7, s2  }
0x1e: {  	s7 =	smul.u32 @!p0 $0xF7A, s2;
	p2 =	seq.s32 @!p0 s5, $0x0  }
0x1f: {  	s9 =	smul.u32 $0xF7A, s1;
	s8 =	simm.s32 @!p0 $0x1BF5;
	p2 =	por !p2, p0  }
0x20: {  	[sflag:s8] =	ssyncset.s32 @!p0 $0xFFFFF086;
	s6 =	sadd.s32 @!p0 s3, s7;
	s7 =	simm.s32 @!p0 $0x108  }
0x21: {  	s3 =	sadd.s32 s3, s9;
	s6 =	sadd.s32 @!p0 $0x88, s6;
	s7 =	simm.s32 @p2 $0x1082  }
0x22: {  	[simem:s7], [sflag:s8] =	dma.local @!p0 [hbm:s6], $0xF7A  }
0x23: {  	s9 =	sor.u32 $0xD0000000, s2;
	s6 =	simm.s32 $0x108;
	_ =	swait.ge @!p0 [sflag:s8], $0x0  }
0x24: {  	s3 =	sadd.s32 $0x88, s3;
	s6 =	simm.s32 @!p1 $0x1082;
	[sflag:s4] =	ssyncset.s32 $0xFFFFF086  }
0x25: {  	[simem:s6], [sflag:s4] =	dma.local [hbm:s3], $0xF7A  }
0x26: {  	[smem:$0x3F98] =	sst s1;
	(tag) =	ssettag s2;
	_ =	strace s9  }
0x27: {  	s1 =	sld [smem:$0x3FA8]  }
0x28: {  	s2 =	sld [smem:$0x3FA9]  }
0x29: {  	s4 =	sld [smem:$0x3FAB]  }
0x2a: {  	p0 =	seq.s32 s5, $0x0;
	s5 =	sld [smem:$0x3FAC]  }
0x2b: {  	s6 =	sld [smem:$0x3FAD]  }
0x2c: {  	s7 =	sld [smem:$0x3FAE]  }
0x2d: {  	s3 =	simm.s32 $0x108;
	s8 =	sld [smem:$0x3FAF]  }
0x2e: {  	s3 =	simm.s32 @!p0 $0x1082;
	s9 =	sld [smem:$0x3FB0]  }
0x2f: {  	lr =	sadd.s32 s0, s3;
	s0 =	sld [smem:$0x3FA7]  }
0x30: {  	s3 =	sld [smem:$0x3FAA]  }
0x31: {  	[smem:$0x3FB3] =	sst s10  }
0x32: {  	s10 =	sld [smem:$0x3FB1];
	_ =	sdelay $0x3  }
0x33: {  	p0 =	seq.s32 s10, $0x1;
	s10 =	sld [smem:$0x3FB3];
	_ =	sdelay $0x3  }
0x34: {  	[smem:$0x3FB3] =	sst s10  }
0x35: {  	s10 =	sld [smem:$0x3FB2];
	_ =	sdelay $0x3  }
0x36: {  	p1 =	seq.s32 s10, $0x1;
	s10 =	sld [smem:$0x3FB3];
	_ =	sdelay $0x3  }
0x37: {  	[smem:$0x3FB3] =	sst s10  }
0x38: {  	s10 =	sld [smem:$0x3FB4]  }
0x39: {  	_ = 	snop;
	(pc) =	sbr.ind lr, $3  }
0x3a: {  	_ = 	snop  }
0x3b: {  	_ = 	snop  }
0x3c: {  	p2 =	seq.s32 s10, $0x1;
	s10 =	sld [smem:$0x3FB3]  }
0x3d: {  	_ =	shalt  }
0x3e: {  	_ =	shalt  }
0x3f: {  	_ =	shalt  }
0x40: {  	_ =	shalt  }
0x41: {  	_ =	shalt  }
0x42: {  	_ =	shalt  }
0x43: {  	_ =	shalt  }
0x44: {  	_ =	shalt  }
0x45: {  	_ =	shalt  }
0x46: {  	_ =	shalt  }
0x47: {  	_ =	shalt  }
0x48: {  	_ =	shalt  }
0x49: {  	_ =	shalt  }
0x4a: {  	_ =	shalt  }
0x4b: {  	_ =	shalt  }
0x4c: {  	_ =	shalt  }
0x4d: {  	_ =	shalt  }
0x4e: {  	_ =	shalt  }
0x4f: {  	_ =	shalt  }
0x50: {  	_ =	shalt  }
0x51: {  	_ =	shalt  }
0x52: {  	_ =	shalt  }
0x53: {  	_ =	shalt  }
0x54: {  	_ =	shalt  }
0x55: {  	_ =	shalt  }
0x56: {  	_ =	shalt  }
0x57: {  	_ =	shalt  }
0x58: {  	_ =	shalt  }
0x59: {  	_ =	shalt  }
0x5a: {  	_ =	shalt  }
0x5b: {  	_ =	shalt  }
0x5c: {  	_ =	shalt  }
0x5d: {  	_ =	shalt  }
0x5e: {  	_ =	shalt  }
0x5f: {  	_ =	shalt  }
0x60: {  	_ =	shalt  }
0x61: {  	_ =	shalt  }
0x62: {  	_ =	shalt  }
0x63: {  	_ =	shalt  }
0x64: {  	_ =	shalt  }
0x65: {  	_ =	shalt  }
0x66: {  	_ =	shalt  }
0x67: {  	_ =	shalt  }
0x68: {  	_ =	shalt  }
0x69: {  	_ =	shalt  }
0x6a: {  	_ =	shalt  }
0x6b: {  	_ =	shalt  }
0x6c: {  	_ =	shalt  }
0x6d: {  	_ =	shalt  }
0x6e: {  	_ =	shalt  }
0x6f: {  	_ =	shalt  }
0x70: {  	_ =	shalt  }
0x71: {  	_ =	shalt  }
0x72: {  	_ =	shalt  }
0x73: {  	_ =	shalt  }
0x74: {  	_ =	shalt  }
0x75: {  	_ =	shalt  }
0x76: {  	_ =	shalt  }
0x77: {  	_ =	shalt  }
0x78: {  	_ =	shalt  }
0x79: {  	_ =	shalt  }
0x7a: {  	_ =	shalt  }
0x7b: {  	_ =	shalt  }
0x7c: {  	_ =	shalt  }
0x7d: {  	_ =	shalt  }
0x7e: {  	_ =	shalt  }
0x7f: {  	_ =	shalt  }
0x80: {  	_ =	shalt  }
0x81: {  	_ =	shalt  }
0x82: {  	_ =	shalt  }
0x83: {  	_ =	shalt  }
0x84: {  	_ =	shalt  }
0x85: {  	_ =	shalt  }
0x86: {  	_ =	shalt  }
0x87: {  	_ =	shalt  }
.Lfunc_end0:
.L_simem_size_0:
called_computation.3_lowered:
.L_overlay_start_0:
0x88: {  	s2 =	sld [smem:$0x3FD9]  }
0x89: {  	s3 =	sld [smem:$0x3FFE];
	_ =	sdelay $0x1  }
0x8a: {  	s1 =	srdreg.scid  }
0x8b: {  	s0 =	sand.u32 $0x1, s1  }
0x8c: {  	s16 =	sshll.u32 s0, $0xA;
	s2 =	sadd.s32 s3, s2  }
0x8d: {  	s2 =	sadd.s32 s2, s16  }
0x8e: {  	[smem:$0x3FBF] =	sst s2  }
0x8f: {  	_ = 	snop  }
0x90: {  	(tm) =	ssettm $0x1  }
0x91: {  	s17 =	sld [smem:$0x3FFB];
	_ =	sdelay $0x3  }
0x92: {  	_ =	strace s17  }
0x93: {  	s2 =	sld [smem:$0x3FFC];
	_ =	sdelay $0x3  }
0x94: {  	_ =	strace s2  }
0x95: {  	s2 =	sld [smem:$0x3FFD];
	_ =	sdelay $0x3  }
0x96: {  	_ =	strace s2  }
0x97: {  	_ =	strace $0x8FFFFFFF  }
0x98: {  	s18 =	sld [smem:$0x3FDB];
	_ =	sdelay $0x1  }
0x99: {  	s19 =	simm.s32 $_scs_section_size  }
0x9a: {  	s4 =	simm.s32 $_size__tile_overlayer_lowered;
	s5 =	simm.s32 $_tile_overlayer_lowered  }
0x9b: {  	s22 =	simm.s32 $0x1BFF;
	s21 =	sshll.u32 s5, $0x1;
	s2 =	sadd.s32 s19, s18  }
0x9c: {  	s6 =	simm.s32 $0x0;
	s20 =	sshll.u32 s4, $0x1;
	s4 =	sadd.s32 s21, s2  }
0x9d: {  	[timem:s6], [sflag:s22] =	dma.local [hbm:s4], s20  }
0x9e: {  	_ =	swait.ge [sflag:s22], s20  }
0x9f: {  	s3 =	ssub.s32 $0x0, s20;
	[sflag:s22] =	ssyncset.done $0x0  }
0xa0: {  	[sflag:s22] =	ssyncadd.s32 s3;
	_ =	sdelay $0x1  }
0xa1: {  	s23 =	simm.s32 $0x1B8B  }
0xa2: {  	_ =	swait.ge [sflag:s23], $0x1  }
0xa3: {  	[sflag:s23] =	ssyncset.done $0x0  }
0xa4: {  	s25 =	simm.s32 $0x1B8E;
	s24 =	sld [smem:$0x3FFE];
	[sflag:s23] =	ssyncadd.s32 $0xFFFFFFFF  }
0xa5: {  	s26 =	simm.s32 $execute0_lowered;
	[smem:$0x3FD2] =	sst s25  }
0xa6: {  	s4 =	sshll.u32 s26, $0x1;
	_ =	strace $0x8000004F;
	[dreg:$0x1] =	wrdreg $0xFFFFFFFF  }
0xa7: {  	s28 =	simm.s32 $_size_execute0_lowered;
	s2 =	sadd.s32 s2, s4;
	[dreg:$0x0] =	wrdreg $0x0  }
0xa8: {  	s4 =	sshll.u32 s28, $0x1;
	[dreg:$0x2] =	wrdreg s2  }
0xa9: {  	[dreg:$0x3] =	wrdreg s4  }
0xaa: {  	[dreg:$0x4] =	wrdreg $0xC0  }
0xab: {  	_ =	task [dreg:s6], $0x5FFFF  }
0xac: {  	[dreg:$0x1] =	wrdreg $0xFFFFFFFF  }
0xad: {  	[dreg:$0x0] =	wrdreg $0x60  }
0xae: {  	[dreg:$0x2] =	wrdreg s24  }
0xaf: {  	[dreg:$0x3] =	wrdreg $0x0  }
0xb0: {  	[dreg:$0x4] =	wrdreg $0x9  }
0xb1: {  	_ =	task.clear_ibuf [dreg:s6], $0x5FFFF;
	_ =	strace $0x9000004F  }
0xb2: {  	s29 =	simm.s32 $0x9;
	_ =	strace $0x80000051  }
0xb3: {  	_ =	swait.ge [sflag:s29], $0x1  }
0xb4: {  	[sflag:s29] =	ssyncadd.s32 $0xFFFFFFFF  }
0xb5: {  	_ =	strace $0x90000051  }
0xb6: {  	_ =	sfence  }
0xb7: {  	s30 =	sld [smem:$0x0];
	_ =	sdelay $0x2  }
0xb8: {  	s31 =	sshll.u32 s1, $0xD;
	s1 =	sshrl.u32 s1, $0x2  }
0xb9: {  	s3 =	sand.u32 $0x4000, s31;
	s1 =	sadd.s32 s1, s30  }
0xba: {  	s0 =	sor.u32 s3, s0;
	s1 =	sshll.u32 s1, $0x11  }
0xbb: {  	s0 =	sor.u32 s1, s0  }
0xbc: {  	s0 =	sadd.s32 $0x8F2B, s0  }
0xbd: {  	[sflag:s0] =	ssyncadd.remote.s32 $0x1  }
0xbe: {  	_ =	sfence.sel $0xFFFF  }
0xbf: {  	[dreg:$0x0] =	wrdreg $0xFFFFFFFF;
	(pc) =	sbr.abs _section_cstart, $3  }
0xc0: {  	[dreg:$0x1] =	wrdreg $0xFFFFFFFF  }
0xc1: {  	_ =	task.clear_ibuf [dreg:s6], $0x2FFFF;
	_ =	strace $0x9FFFFFFF  }
0xc2: {  	(tm) =	ssettm $0x7FFFFFFF  }
0xc3: {  	_ =	shalt  }
tec
execute0_lowered:
.L_overlay_start_1:
0x0: {  	(tag) =	ssettag $0x1  }
0x1: {  	s0 =	rddreg [dreg:$0x0]  }
0x2: {  	s1 =	rddreg [dreg:$0x1];
	s2 =	simm.s32 $0x0  }
0x3: {  	s3 =	srdreg.scid;
	s13 =	stileid.u32;
	s28 =	simm.s32 $0x15FC0  }
0x4: {  	s29 =	simm.s32 $0x16F60;
	s30 =	simm.s32 $0x2;
	s31 =	simm.s32 $0x3  }
0x5: {  	[smem:$0x7FF] =	sst s2;
	s4 =	sadd.s32 $0x1A4C00, s0;
	s5 =	sadd.s32 $0x5800, s0  }
0x6: {  	s6 =	sadd.s32 $0xC8E00, s0;
	s7 =	smul.u32 $0xC380, s13;
	s9 =	sadd.s32 $0x18C400, s0  }
0x7: {  	s3 =	sand.u32 $0x1, s3;
	s13 =	smul.u32 $0x30D40, s13;
	_ =	strace $0x80000050  }
0x8: {  	s8 =	ssub.s32 $0x2, s3;
	s10 =	smul.u32 $0x30D400, s3;
	p0 =	seq.s32 s3, $0x1  }
0x9: {  	s3 =	simm.s32 $0x1BD400;
	s11 =	sshrl.u32 s8, $0x1;
	s12 =	sshrl.u32 s7, $0x3  }
0xa: {  	s14 =	sadd.s32 $0x7D00, s7;
	s3 =	simm.s32 @!p0 $0x1D5C00;
	s11 =	ssub.s32 s8, s11  }
0xb: {  	s18 =	sadd.s32 s9, s12;
	s8 =	sadd.s32 s7, s1;
	s19 =	sshrl.u32 s14, $0x3  }
0xc: {  	s20 =	sadd.s32 s13, s10;
	s10 =	sadd.s32 s14, s1;
	s0 =	sadd.s32 s3, s0  }
0xd: {  	s3 =	simm.s32 $0x4;
	s7 =	simm.s32 $0x0;
	[dreg:$0x3] =	wrdreg s18  }
0xe: {  	s9 =	sadd.s32 s9, s19;
	s21 =	sshrl.u32 s20, $0x3;
	s25 =	sadd.s32 $0x2EE0, s20  }
0xf: {  	s15 =	smax.u32 s11, $0x1;
	s16 =	sadd.s32 s0, s12;
	s17 =	sadd.s32 s0, s19  }
0x10: {  	s20 =	sadd.s32 $0x1F40, s20;
	s0 =	simm.s32 $0x17F00;
	[dreg:$0x4] =	wrdreg s9  }
0x11: {  	s22 =	sadd.s32 s5, s21;
	s23 =	sadd.s32 s6, s21;
	s9 =	sadd.s32 $0x1F4, s21  }
0x12: {  	s26 =	sshrl.u32 s25, $0x3;
	s21 =	simm.s32 $0xE2C0;
	[dreg:$0x5] =	wrdreg s22  }
0x13: {  	s25 =	simm.s32 $0x1;
	[dreg:$0x6] =	wrdreg s23;
	s24 =	sadd.s32 s5, s9  }
0x14: {  	s9 =	sadd.s32 s6, s9;
	s18 =	sadd.s32 s26, s6;
	s19 =	sadd.s32 s26, s5  }
0x15: {  	s22 =	simm.s32 $0x5;
	s23 =	simm.s32 $0xC380;
	[dreg:$0x7] =	wrdreg s24  }
0x16: {  	s26 =	simm.s32 $0xFA0;
	[dreg:$0x8] =	wrdreg s9;
	s24 =	simm.s32 $0xD320  }
.LBB2_1:
0x17: {  	s9 =	rddreg [dreg:$0x3]  }
0x18: {  	[tilespmem:s21], [sflag:$0x5] =	stream.linear.gather [hbm4b:s9+s2], $0x7D00, $0x38;
	[tilespmem:$0x1FC00] =	vst v63  }
0x19: {  	_ =	swait.ge [sflag:s22], $0x7D00  }
0x1a: {  	[sflag:s22] =	ssyncset.done $0x0  }
0x1b: {  	[sflag:s22] =	ssyncadd.s32 $0xFFFF8300  }
0x1c: {  	[spmem:s8] =	stream.linear.scatter [tilespmem:s21], [sflag:$0x5], $0x7D00, $0x38;
	[tilespmem:$0x1FC00] =	vst v63  }
0x1d: {  	_ =	swait.ge [sflag:s22], $0x7D00  }
0x1e: {  	[sflag:s22] =	ssyncset.done $0x0  }
0x1f: {  	s12 =	rddreg [dreg:$0x4];
	[sflag:s22] =	ssyncadd.s32 $0xFFFF8300  }
0x20: {  	[tilespmem:s21], [sflag:$0x5] =	stream.linear.gather [hbm4b:s12+s2], $0x4680, $0x38;
	[tilespmem:$0x1FC00] =	vst v63  }
0x21: {  	_ =	swait.ge [sflag:s22], $0x4680  }
0x22: {  	[sflag:s22] =	ssyncset.done $0x0  }
0x23: {  	[sflag:s22] =	ssyncadd.s32 $0xFFFFB980  }
0x24: {  	[spmem:s10] =	stream.linear.scatter [tilespmem:s21], [sflag:$0x5], $0x4680, $0x38;
	[tilespmem:$0x1FC00] =	vst v63  }
0x25: {  	_ =	swait.ge [sflag:s22], $0x4680  }
0x26: {  	[sflag:s22] =	ssyncset.done $0x0  }
0x27: {  	[sflag:s22] =	ssyncadd.s32 $0xFFFFB980  }
0x28: {  	[bflag:$0x0] =	sbarrier.arrive $0xFFFF  }
0x29: {  	s13 =	rddreg [dreg:$0x5]  }
0x2a: {  	[tilespmem:s23], [sflag:$0x1] =	stream.linear.gather [hbm4b:s13+s2], $0xFA0, $0x38;
	[tilespmem:$0x1FC00] =	vst v63  }
0x2b: {  	s14 =	rddreg [dreg:$0x6]  }
0x2c: {  	[tilespmem:s24], [sflag:$0x1] =	stream.linear.gather [hbm4b:s14+s2], $0xFA0, $0x38;
	[tilespmem:$0x1FC00] =	vst v63  }
0x2d: {  	_ =	swait.ge [sflag:s25], $0xFA0  }
0x2e: {  	[sflag:s25] =	ssyncset.done $0x0  }
0x2f: {  	[sflag:s25] =	ssyncadd.s32 $0xFFFFF060  }
0x30: {  	[tilespmem:s21], [sflag:$0x2] =	stream.indirect.gather [hbm4b:s4+s26], $0x8, s23, s26, $0xb8;
	[tilespmem:$0x1FC00] =	vst v63  }
0x31: {  	s11 =	rddreg [dreg:$0x7]  }
0x32: {  	[tilespmem:s28], [sflag:$0x3] =	stream.linear.gather [hbm4b:s11+s2], $0xFA0, $0x38;
	[tilespmem:$0x1FC00] =	vst v63  }
0x33: {  	s12 =	rddreg [dreg:$0x8]  }
0x34: {  	[tilespmem:s29], [sflag:$0x3] =	stream.linear.gather [hbm4b:s12+s2], $0xFA0, $0x38;
	[tilespmem:$0x1FC00] =	vst v63  }
0x35: {  	_ =	swait.ge [sflag:s30], $0x7D00  }
0x36: {  	[sflag:s30] =	ssyncset.done $0x0  }
0x37: {  	[sflag:s30] =	ssyncadd.s32 $0xFFFF8300  }
0x38: {  	_ =	swait.ge [sflag:s31], $0xFA0  }
0x39: {  	[sflag:s31] =	ssyncset.done $0x0  }
0x3a: {  	[sflag:s31] =	ssyncadd.s32 $0xFFFFF060  }
0x3b: {  	[tilespmem:s0], [sflag:$0x4] =	stream.indirect.gather [hbm4b:s4+s26], $0x8, s28, s26, $0xb8;
	[tilespmem:$0x1FC00] =	vst v63  }
0x3c: {  	_ =	swait.ge [sflag:s25], $0xFA0  }
0x3d: {  	[sflag:s25] =	ssyncset.done $0x0  }
0x3e: {  	[sflag:s25] =	ssyncadd.s32 $0xFFFFF060  }
0x3f: {  	[spmem:s1] =	stream.indirect.scatter.add.f32 [tilespmem:s21], [sflag:$0x5], $0x8, s24, s26, $0xb8;
	[tilespmem:$0x1FC00] =	vst v63  }
0x40: {  	_ =	swait.ge [sflag:s22], $0x7D00  }
0x41: {  	s13 =	sshrl.u32 s20, $0x3;
	[sflag:s22] =	ssyncset.done $0x0  }
0x42: {  	s11 =	sadd.s32 s5, s13;
	[sflag:s22] =	ssyncadd.s32 $0xFFFF8300  }
0x43: {  	[tilespmem:s23], [sflag:$0x1] =	stream.linear.gather [hbm4b:s11+s2], $0xFA0, $0x38;
	[tilespmem:$0x1FC00] =	vst v63  }
0x44: {  	s9 =	sadd.s32 s6, s13  }
0x45: {  	[tilespmem:s24], [sflag:$0x1] =	stream.linear.gather [hbm4b:s9+s2], $0xFA0, $0x38;
	[tilespmem:$0x1FC00] =	vst v63  }
0x46: {  	_ =	swait.ge [sflag:s3], $0x7D00  }
0x47: {  	[sflag:s3] =	ssyncset.done $0x0  }
0x48: {  	[sflag:s3] =	ssyncadd.s32 $0xFFFF8300  }
0x49: {  	_ =	swait.ge [sflag:s25], $0xFA0  }
0x4a: {  	[sflag:s25] =	ssyncset.done $0x0  }
0x4b: {  	[sflag:s25] =	ssyncadd.s32 $0xFFFFF060  }
0x4c: {  	[tilespmem:s21], [sflag:$0x2] =	stream.indirect.gather [hbm4b:s4+s26], $0x8, s23, s26, $0xb8;
	[tilespmem:$0x1FC00] =	vst v63  }
0x4d: {  	_ =	swait.ge [sflag:s31], $0xFA0  }
0x4e: {  	[sflag:s31] =	ssyncset.done $0x0  }
0x4f: {  	[sflag:s31] =	ssyncadd.s32 $0xFFFFF060  }
0x50: {  	[spmem:s1] =	stream.indirect.scatter.add.f32 [tilespmem:s0], [sflag:$0x5], $0x8, s29, s26, $0xb8;
	[tilespmem:$0x1FC00] =	vst v63  }
0x51: {  	_ =	swait.ge [sflag:s22], $0x7D00  }
0x52: {  	s14 =	sadd.s32 $0x0, s19;
	s12 =	sadd.s32 $0x0, s18;
	[sflag:s22] =	ssyncset.done $0x0  }
0x53: {  	s11 =	sadd.s32 $0x1F40, s20;
	s9 =	simm.s32 $0x3E8;
	[sflag:s22] =	ssyncadd.s32 $0xFFFF8300  }
0x54: {  	[tilespmem:s28], [sflag:$0x3] =	stream.linear.gather [hbm4b:s14+s2], $0xFA0, $0x38;
	[tilespmem:$0x1FC00] =	vst v63  }
.LBB2_2:
0x55: {  	[tilespmem:s29], [sflag:$0x3] =	stream.linear.gather [hbm4b:s12+s2], $0xFA0, $0x38;
	[tilespmem:$0x1FC00] =	vst v63  }
0x56: {  	s12 =	smov.u32 s9  }
0x57: {  	p0 =	sne.s32 s9, $0x59D8;
	s9 =	sadd.s32 $0x3E8, s9;
	_ =	swait.ge [sflag:s30], $0x7D00  }
0x58: {  	[sflag:s30] =	ssyncset.done $0x0  }
0x59: {  	[sflag:s30] =	ssyncadd.s32 $0xFFFF8300  }
0x5a: {  	_ =	swait.ge [sflag:s31], $0xFA0  }
0x5b: {  	[sflag:s31] =	ssyncset.done $0x0  }
0x5c: {  	[sflag:s31] =	ssyncadd.s32 $0xFFFFF060  }
0x5d: {  	[tilespmem:s0], [sflag:$0x4] =	stream.indirect.gather [hbm4b:s4+s26], $0x8, s28, s26, $0xb8;
	[tilespmem:$0x1FC00] =	vst v63  }
0x5e: {  	_ =	swait.ge [sflag:s25], $0xFA0  }
0x5f: {  	[sflag:s25] =	ssyncset.done $0x0  }
0x60: {  	[sflag:s25] =	ssyncadd.s32 $0xFFFFF060  }
0x61: {  	[spmem:s1] =	stream.indirect.scatter.add.f32 [tilespmem:s21], [sflag:$0x5], $0x8, s24, s26, $0xb8;
	[tilespmem:$0x1FC00] =	vst v63  }
0x62: {  	_ =	swait.ge [sflag:s22], $0x7D00  }
0x63: {  	s13 =	sshrl.u32 s11, $0x3;
	[sflag:s22] =	ssyncset.done $0x0  }
0x64: {  	s14 =	sadd.s32 s5, s13;
	[sflag:s22] =	ssyncadd.s32 $0xFFFF8300  }
0x65: {  	[tilespmem:s23], [sflag:$0x1] =	stream.linear.gather [hbm4b:s14+s2], $0xFA0, $0x38;
	[tilespmem:$0x1FC00] =	vst v63  }
0x66: {  	s13 =	sadd.s32 s6, s13  }
0x67: {  	[tilespmem:s24], [sflag:$0x1] =	stream.linear.gather [hbm4b:s13+s2], $0xFA0, $0x38;
	[tilespmem:$0x1FC00] =	vst v63  }
0x68: {  	_ =	swait.ge [sflag:s3], $0x7D00  }
0x69: {  	[sflag:s3] =	ssyncset.done $0x0  }
0x6a: {  	[sflag:s3] =	ssyncadd.s32 $0xFFFF8300  }
0x6b: {  	_ =	swait.ge [sflag:s25], $0xFA0  }
0x6c: {  	[sflag:s25] =	ssyncset.done $0x0  }
0x6d: {  	[sflag:s25] =	ssyncadd.s32 $0xFFFFF060  }
0x6e: {  	[tilespmem:s21], [sflag:$0x2] =	stream.indirect.gather [hbm4b:s4+s26], $0x8, s23, s26, $0xb8;
	[tilespmem:$0x1FC00] =	vst v63  }
0x6f: {  	_ =	swait.ge [sflag:s31], $0xFA0  }
0x70: {  	[sflag:s31] =	ssyncset.done $0x0  }
0x71: {  	[sflag:s31] =	ssyncadd.s32 $0xFFFFF060  }
0x72: {  	[spmem:s1] =	stream.indirect.scatter.add.f32 [tilespmem:s0], [sflag:$0x5], $0x8, s29, s26, $0xb8;
	[tilespmem:$0x1FC00] =	vst v63  }
.Ltmp0:
0x73: {  	_ =	swait.ge [sflag:s22], $0x7D00;
	(pc) =	sbr.rel @p0 .LBB2_2-.Ltmp0, $4  }
0x74: {  	[sflag:s22] =	ssyncset.done $0x0  }
0x75: {  	s13 =	sadd.s32 s12, s19;
	[sflag:s22] =	ssyncadd.s32 $0xFFFF8300  }
0x76: {  	[tilespmem:s28], [sflag:$0x3] =	stream.linear.gather [hbm4b:s13+s2], $0xFA0, $0x38;
	[tilespmem:$0x1FC00] =	vst v63  }
0x77: {  	s11 =	sadd.s32 $0x1F40, s11;
	s12 =	sadd.s32 s12, s18  }
0x78: {  	[tilespmem:s29], [sflag:$0x3] =	stream.linear.gather [hbm4b:s12+s2], $0xFA0, $0x38;
	[tilespmem:$0x1FC00] =	vst v63  }
0x79: {  	_ =	swait.ge [sflag:s30], $0x7D00  }
0x7a: {  	[sflag:s30] =	ssyncset.done $0x0  }
0x7b: {  	[sflag:s30] =	ssyncadd.s32 $0xFFFF8300  }
0x7c: {  	_ =	swait.ge [sflag:s31], $0xFA0  }
0x7d: {  	[sflag:s31] =	ssyncset.done $0x0  }
0x7e: {  	[sflag:s31] =	ssyncadd.s32 $0xFFFFF060  }
0x7f: {  	[tilespmem:s0], [sflag:$0x4] =	stream.indirect.gather [hbm4b:s4+s26], $0x8, s28, s26, $0xb8;
	[tilespmem:$0x1FC00] =	vst v63  }
0x80: {  	_ =	swait.ge [sflag:s25], $0xFA0  }
0x81: {  	[sflag:s25] =	ssyncset.done $0x0  }
0x82: {  	[sflag:s25] =	ssyncadd.s32 $0xFFFFF060  }
0x83: {  	[spmem:s1] =	stream.indirect.scatter.add.f32 [tilespmem:s21], [sflag:$0x5], $0x8, s24, s26, $0xb8;
	[tilespmem:$0x1FC00] =	vst v63  }
0x84: {  	_ =	swait.ge [sflag:s22], $0x7D00  }
0x85: {  	[sflag:s22] =	ssyncset.done $0x0  }
0x86: {  	[sflag:s22] =	ssyncadd.s32 $0xFFFF8300  }
0x87: {  	_ =	swait.ge [sflag:s3], $0x7D00  }
0x88: {  	[sflag:s3] =	ssyncset.done $0x0  }
0x89: {  	[sflag:s3] =	ssyncadd.s32 $0xFFFF8300  }
0x8a: {  	_ =	swait.ge [sflag:s31], $0xFA0  }
0x8b: {  	[sflag:s31] =	ssyncset.done $0x0  }
0x8c: {  	[sflag:s31] =	ssyncadd.s32 $0xFFFFF060  }
0x8d: {  	[spmem:s1] =	stream.indirect.scatter.add.f32 [tilespmem:s0], [sflag:$0x5], $0x8, s29, s26, $0xb8;
	[tilespmem:$0x1FC00] =	vst v63  }
0x8e: {  	_ =	swait.ge [sflag:s22], $0x7D00  }
0x8f: {  	[sflag:s22] =	ssyncset.done $0x0  }
0x90: {  	[sflag:s22] =	ssyncadd.s32 $0xFFFF8300  }
0x91: {  	[bflag:$0x0] =	sbarrier.arrive $0xFFFF  }
0x92: {  	[tilespmem:s21], [sflag:$0x5] =	stream.linear.gather [spmem:s8], $0x7D00, $0x38;
	[tilespmem:$0x1FC00] =	vst v63  }
0x93: {  	_ =	swait.ge [sflag:s22], $0x7D00  }
0x94: {  	[sflag:s22] =	ssyncset.done $0x0  }
0x95: {  	[sflag:s22] =	ssyncadd.s32 $0xFFFF8300  }
0x96: {  	[hbm4b:s16+s2] =	stream.linear.scatter [tilespmem:s21], [sflag:$0x5], $0x7D00, $0x38;
	[tilespmem:$0x1FC00] =	vst v63  }
0x97: {  	_ =	swait.ge [sflag:s22], $0x7D00  }
0x98: {  	[sflag:s22] =	ssyncset.done $0x0  }
0x99: {  	[sflag:s22] =	ssyncadd.s32 $0xFFFF8300  }
0x9a: {  	[tilespmem:s21], [sflag:$0x5] =	stream.linear.gather [spmem:s10], $0x4680, $0x38;
	[tilespmem:$0x1FC00] =	vst v63  }
0x9b: {  	s7 =	sadd.s32 $0x1, s7;
	_ =	swait.ge [sflag:s22], $0x4680  }
0x9c: {  	p0 =	sne.s32 s7, s15;
	[sflag:s22] =	ssyncset.done $0x0  }
.Ltmp1:
0x9d: {  	[sflag:s22] =	ssyncadd.s32 $0xFFFFB980;
	(pc) =	sbr.rel @p0 .LBB2_1-.Ltmp1, $4  }
0x9e: {  	[hbm4b:s17+s2] =	stream.linear.scatter [tilespmem:s21], [sflag:$0x5], $0x4680, $0x38;
	[tilespmem:$0x1FC00] =	vst v63  }
0x9f: {  	_ =	swait.ge [sflag:s22], $0x4680  }
0xa0: {  	[sflag:s22] =	ssyncset.done $0x0  }
0xa1: {  	[sflag:s22] =	ssyncadd.s32 $0xFFFFB980  }
0xa2: {  	_ =	sfence.sel $0x180000  }
0xa3: {  	[bflag:$0x0] =	sbarrier.arrive $0xFFFF  }
0xa4: {  	_ =	strace $0x90000050  }
0xa5: {  	s0 =	stileid.u32;
	[bflag:$0x2] =	sbarrier.arrive $0xFFFF  }
0xa6: {  	p0 =	sne.s32 s0, $0x0;
	s0 =	rddreg [dreg:$0x2]  }
0xa7: {  	s0 =	sadd.s32 @!p0 $0x100000, s0  }
0xa8: {  	[sflag:s0] =	ssyncadd.tile.s32 @!p0 $0x1;
	_ =	shalt  }
.Lfunc_end2:
_tile_overlayer_lowered:
.L_overlay_start_2:
0xa9: {  	(tag) =	ssettag $0x2  }
0xaa: {  	s0 =	rddreg [dreg:$0x0];
	s2 =	stileid.u32  }
0xab: {  	s1 =	rddreg [dreg:$0x1];
	p0 =	sne.s32 s2, $0x0  }
0xac: {  	s3 =	rddreg [dreg:$0x2];
	[bflag:$0x3] =	sbarrier.arrive $0xFFFF;
	s2 =	simm.s32 @!p0 $0x1C05  }
0xad: {  	[timem:s3], [sflag:s2] =	dma.local @!p0 [hbm:s0], s1  }
0xae: {  	s0 =	simm.s32 @!p0 $0x5  }
0xaf: {  	_ =	swait.ge @!p0 [sflag:s0], s1  }
0xb0: {  	s1 =	ssub.s32 @!p0 $0x0, s1;
	[sflag:s0] =	ssyncset.done @!p0 $0x0  }
0xb1: {  	[sflag:s0] =	ssyncadd.s32 @!p0 s1  }
0xb2: {  	[bflag:$0x3] =	sbarrier.arrive $0xFFFF  }
0xb3: {  	_ =	shalt  }

</sc_bundles>
